<compile_context>
chip_gen: v7x
topology: tpu7x:2x2x1
jax: 0.10.2.dev20260603
libtpu: 0.0.44.dev20260713+nightly
codegen_flags: <defaults>
</compile_context>

<pallas_src>
import functools

import jax
import jax.numpy as jnp
from jax import lax
from jax.experimental import pallas as pl
from jax.experimental.pallas import tpu as pltpu
from jax.experimental.pallas import tpu_sc as plsc

_HID = 64
_B = 4096
_S = 200
_C0 = 104
_C1 = _S - _C0
_NC = 2
_NS = 16
_NW = _NC * _NS
_K = 4
_CHUNKS = (768, 1280, 1280, 768)
_STARTS = (0, 768, 2048, 3328)
_NBUF = 4


def _body(chunk_base, rows_per_w, ids_hbm, tok_hbm, pos_hbm, out_hbm, pos_sh, *scratch):
    idx = scratch[0:_NBUF]
    rows = scratch[_NBUF : 2 * _NBUF]
    sem_i = scratch[2 * _NBUF : 3 * _NBUF]
    sem_p = scratch[3 * _NBUF : 4 * _NBUF]
    sem_o = scratch[4 * _NBUF : 5 * _NBUF]
    sem_g = scratch[5 * _NBUF]

    sid = lax.axis_index("s")
    w = sid * _NC + lax.axis_index("c")
    base = w * rows_per_w

    @pl.when(sid == 0)
    def _():
        pltpu.sync_copy(pos_hbm, pos_sh)

    plsc.subcore_barrier()

    def start_idx(i, b):
        pltpu.async_copy(ids_hbm.at[chunk_base + base + i], idx[b], sem_i[b])

    def wait_idx(b):
        pltpu.make_async_copy(ids_hbm.at[0], idx[b], sem_i[b]).wait()

    def start_posinit(b):
        pltpu.async_copy(pos_sh, rows[b], sem_p[b])

    def wait_posinit(b):
        pltpu.make_async_copy(pos_sh, rows[b], sem_p[b]).wait()

    def start_out(i, b):
        pltpu.async_copy(rows[b], out_hbm.at[base + i], sem_o[b])

    def wait_out(b):
        pltpu.make_async_copy(rows[b], out_hbm.at[0], sem_o[b]).wait()

    for b in range(2):
        start_idx(b, b)
        start_posinit(b)

    @pl.loop(0, rows_per_w, step=_NBUF)
    def _(g):
        for b in range(_NBUF):
            i = g + b
            bn2 = (b + 2) % _NBUF
            wait_idx(b)
            wait_posinit(b)
            d0 = pltpu.async_copy(
                tok_hbm.at[idx[b].at[pl.ds(0, _C0)]],
                rows[b].at[pl.ds(0, _C0)], sem_g, add=True,
            )
            d1 = pltpu.async_copy(
                tok_hbm.at[idx[b].at[pl.ds(_C0, _C1)]],
                rows[b].at[pl.ds(_C0, _C1)], sem_g, add=True,
            )

            @pl.when(i < rows_per_w - 2)
            def _():
                start_idx(i + 2, bn2)

            @pl.when(jnp.logical_and(i >= 2, i < rows_per_w - 2))
            def _():
                wait_out(bn2)

            @pl.when(i < rows_per_w - 2)
            def _():
                start_posinit(bn2)

            d0.wait()
            d1.wait()
            start_out(i, b)

    for b in range(_NBUF):
        wait_out(b)


def _sc_gather(k, ids3, token_embedding, pos_s):
    mesh = plsc.VectorSubcoreMesh(
        core_axis_name="c", subcore_axis_name="s", num_cores=_NC, num_subcores=_NS
    )
    scratch = (
        [pltpu.VMEM_SHARED((_S, _HID), jnp.float32)]
        + [pltpu.VMEM((_S,), jnp.int32) for _ in range(_NBUF)]
        + [pltpu.VMEM((_S, _HID), jnp.float32) for _ in range(_NBUF)]
        + [pltpu.SemaphoreType.DMA for _ in range(3 * _NBUF + 1)]
    )
    bch = _CHUNKS[k]
    return pl.kernel(
        functools.partial(_body, _STARTS[k], bch // _NW),
        out_type=jax.ShapeDtypeStruct((bch, _S, _HID), jnp.float32),
        mesh=mesh,
        compiler_params=pltpu.CompilerParams(use_tc_tiling_on_sc=False),
        scratch_types=scratch,
        name=f"sc_gather_{k}",
    )(ids3, token_embedding, pos_s)


_BB = 128


def _tc_transpose_first_body(x_ref, o_ref):
    x = x_ref[...]
    o_ref[...] = x.reshape(_BB, _S * _HID).T.reshape(_S, _HID, _BB)


def _tc_transpose_update_body(acc_ref, x_ref, o_ref):
    del acc_ref
    x = x_ref[...]
    o_ref[...] = x.reshape(_BB, _S * _HID).T.reshape(_S, _HID, _BB)


def _tc_transpose_chunk(k, acc, t2):
    out_shape = jax.ShapeDtypeStruct((_S, _HID, _B), jnp.float32)
    grid = _CHUNKS[k] // _BB
    boff = _STARTS[k] // _BB
    x_spec = pl.BlockSpec((_BB * 100, 128), lambda g: (g, 0))
    o_spec = pl.BlockSpec((_S, _HID, _BB), lambda g, _o=boff: (0, 0, _o + g))
    if acc is None:
        return pl.pallas_call(
            _tc_transpose_first_body,
            out_shape=out_shape,
            grid=(grid,),
            in_specs=[x_spec],
            out_specs=o_spec,
            name="tc_transpose_0",
        )(t2)
    return pl.pallas_call(
        _tc_transpose_update_body,
        out_shape=out_shape,
        grid=(grid,),
        in_specs=[pl.BlockSpec(memory_space=pl.ANY), x_spec],
        out_specs=o_spec,
        input_output_aliases={0: 0},
        name=f"tc_transpose_{k}",
    )(acc, t2)



_VPAD = 102400
_VH = _VPAD // 2
_W = _VH // 8


def _tc_lin_table_body(xl_ref, xr_ref, o_ref):
    o_ref[:, 0:_HID] = xl_ref[...].T
    o_ref[:, _HID:128] = xr_ref[...].T


def _tc_lin_table(tok_t):
    return pl.pallas_call(
        _tc_lin_table_body,
        out_shape=jax.ShapeDtypeStruct((_VH, 128), jnp.float32),
        grid=(8,),
        in_specs=[
            pl.BlockSpec((_HID, _W), lambda g: (0, g)),
            pl.BlockSpec((_HID, _W), lambda g: (0, g + 8)),
        ],
        out_specs=pl.BlockSpec((_W, 128), lambda g: (g, 0)),
        name="tc_lin_table",
    )(tok_t, tok_t)


def _run_impl(input_ids, token_embedding, pos_s):
    tok_t = jnp.pad(jnp.transpose(token_embedding), ((0, 0), (0, _VPAD - 100000)))
    tok_lin = _tc_lin_table(tok_t).reshape(_VPAD, _HID)
    ids_m = jnp.where(
        input_ids < _VH, input_ids * 2, (input_ids - _VH) * 2 + 1
    ).astype(jnp.int32)
    acc = None
    for k in range(_K):
        lin = _sc_gather(k, ids_m, tok_lin, pos_s)
        t2 = lin.reshape(_CHUNKS[k] * _S * _HID // 128, 128)
        acc = _tc_transpose_chunk(k, acc, t2)
    return jnp.transpose(acc, (2, 0, 1))


def kernel(input_ids, token_embedding, position_embedding):
    pos_s = position_embedding[:_S]
    return _run_impl(input_ids, token_embedding, pos_s)

# --- scband reference (transcript-rebuilt; emitter-appended) ---
"""Pipeline reference for scband-owl-vi-ttext-embeddings-41162966565250 (READ-ONLY COPY).

The authoritative reference and input builder live on the scoring server;
editing this copy changes nothing except your own understanding.
"""

import jax, jax.numpy as jnp
import numpy as np

VOCAB = 100000
HID = 64
MAXPOS = 256
B = 4096
S = 200


def setup_inputs(seed: int = 0) -> dict:
    key = jax.random.key(seed)
    k1, k2, k3 = jax.random.split(key, 3)
    input_ids = jax.random.randint(k1, (B, S), 0, VOCAB, dtype=jnp.int32)
    token_embedding = jax.random.normal(k2, (VOCAB, HID), dtype=jnp.float32) * 0.02
    position_embedding = jax.random.normal(k3, (MAXPOS, HID), dtype=jnp.float32) * 0.02
    return {
        "input_ids": input_ids,
        "token_embedding": token_embedding,
        "position_embedding": position_embedding,
    }


def reference(input_ids, token_embedding, position_embedding):
    seq_length = input_ids.shape[1]
    position_ids = jnp.arange(MAXPOS)[None, :][:, :seq_length]
    inputs_embeds = jnp.take(token_embedding, input_ids, axis=0)
    position_embeddings = jnp.take(position_embedding, position_ids, axis=0)
    embeddings = inputs_embeds + position_embeddings
    return embeddings

if __name__ == "__main__":
    import jax
    _d = setup_inputs()
    print(jax.jit(kernel)(*tuple(_d.values())))

</pallas_src>

<mosaic_0001>
#map = affine_map<(d0, d1) -> (0, 0)>
#map1 = affine_map<(d0, d1) -> (0, 0, 0)>
module attributes {stable_mosaic.version = 14 : i64} {
  func.func @sc_gather_3(%arg0: i32, %arg1: i32, %arg2: memref<4096x200xi32, #tpu.memory_space<hbm>>, %arg3: memref<102400x64xf32, #tpu.memory_space<hbm>>, %arg4: memref<200x64xf32, #tpu.memory_space<hbm>>, %arg5: memref<768x200x64xf32, #tpu.memory_space<hbm>>, %arg6: memref<200x64xf32, #tpu.memory_space<vmem_shared>>, %arg7: memref<200xi32, #tpu.memory_space<vmem>>, %arg8: memref<200xi32, #tpu.memory_space<vmem>>, %arg9: memref<200xi32, #tpu.memory_space<vmem>>, %arg10: memref<200xi32, #tpu.memory_space<vmem>>, %arg11: memref<200x64xf32, #tpu.memory_space<vmem>>, %arg12: memref<200x64xf32, #tpu.memory_space<vmem>>, %arg13: memref<200x64xf32, #tpu.memory_space<vmem>>, %arg14: memref<200x64xf32, #tpu.memory_space<vmem>>, %arg15: memref<!tpu.dma_semaphore, #tpu.memory_space<semaphore_mem>>, %arg16: memref<!tpu.dma_semaphore, #tpu.memory_space<semaphore_mem>>, %arg17: memref<!tpu.dma_semaphore, #tpu.memory_space<semaphore_mem>>, %arg18: memref<!tpu.dma_semaphore, #tpu.memory_space<semaphore_mem>>, %arg19: memref<!tpu.dma_semaphore, #tpu.memory_space<semaphore_mem>>, %arg20: memref<!tpu.dma_semaphore, #tpu.memory_space<semaphore_mem>>, %arg21: memref<!tpu.dma_semaphore, #tpu.memory_space<semaphore_mem>>, %arg22: memref<!tpu.dma_semaphore, #tpu.memory_space<semaphore_mem>>, %arg23: memref<!tpu.dma_semaphore, #tpu.memory_space<semaphore_mem>>, %arg24: memref<!tpu.dma_semaphore, #tpu.memory_space<semaphore_mem>>, %arg25: memref<!tpu.dma_semaphore, #tpu.memory_space<semaphore_mem>>, %arg26: memref<!tpu.dma_semaphore, #tpu.memory_space<semaphore_mem>>, %arg27: memref<!tpu.dma_semaphore, #tpu.memory_space<semaphore_mem>>) attributes {dimension_semantics = [#tpu.dimension_semantics<core_parallel>, #tpu.dimension_semantics<subcore_parallel>], iteration_bounds = array<i64: 2, 16>, scalar_prefetch = 0 : i64, scratch_operands = 22 : i64, tpu.core_type = #tpu.core_type<sc_vector_subcore>, window_params = [{transform_indices = #map}, {transform_indices = #map}, {transform_indices = #map}, {transform_indices = #map1}]} {
    %mul3A = arith.constant 2 : i32
    %mul3A_0 = arith.muli %arg1, %mul3A : i32
    %add3A = arith.addi %mul3A_0, %arg0 : i32
    %mul3A_1 = arith.constant 24 : i32
    %mul3A_2 = arith.muli %add3A, %mul3A_1 : i32
    %eq3A = arith.constant 0 : i32
    %eq3A_3 = arith.cmpi eq, %arg1, %eq3A : i32
    %convert_element_type3A = arith.extui %eq3A_3 : i1 to i32
    %cond3A = arith.constant 0 : i32
    %cond3A_4 = arith.cmpi ne, %convert_element_type3A, %cond3A : i32
    scf.if %cond3A_4 {
      "tpu.region"() ({
        %run_scoped3A = tpu.sem_alloc : memref<!tpu.dma_semaphore, #tpu.memory_space<semaphore_mem>>
        tpu.enqueue_dma source(%arg4 : memref<200x64xf32, #tpu.memory_space<hbm>>) target(%arg6 : memref<200x64xf32, #tpu.memory_space<vmem_shared>>) target_semaphore(%run_scoped3A : memref<!tpu.dma_semaphore, #tpu.memory_space<semaphore_mem>>)
        tpu.wait_dma2 semaphore(%run_scoped3A : memref<!tpu.dma_semaphore, #tpu.memory_space<semaphore_mem>>) src(%arg4 : memref<200x64xf32, #tpu.memory_space<hbm>>) dst(%arg6 : memref<200x64xf32, #tpu.memory_space<vmem_shared>>)
        tpu.yield
      }) : () -> ()
    } else {
    }
    %barrier3A = arith.constant 0 : index
    tpu.barrier barrier_id(%barrier3A)
    %add3A_5 = arith.constant 3328 : i32
    %add3A_6 = arith.addi %add3A_5, %mul3A_2 : i32
    %add3A_7 = arith.constant 0 : i32
    %add3A_8 = arith.addi %add3A_6, %add3A_7 : i32
    %dma_start3A = arith.constant 0 : i32
    %dma_start3A_9 = tpu.memref_slice %arg2[%add3A_8, %dma_start3A] : memref<4096x200xi32, #tpu.memory_space<hbm>> -> memref<1x200xi32, #tpu.memory_space<hbm>>
    %dma_start3A_10 = tpu.memref_squeeze %dma_start3A_9 : memref<1x200xi32, #tpu.memory_space<hbm>> -> memref<200xi32, #tpu.memory_space<hbm>>
    %dma_start3A_11 = arith.constant 0 : i32
    %dma_start3A_12 = tpu.memref_slice %arg2[%add3A_8, %dma_start3A_11] : memref<4096x200xi32, #tpu.memory_space<hbm>> -> memref<1x200xi32, #tpu.memory_space<hbm>>
    %dma_start3A_13 = tpu.memref_squeeze %dma_start3A_12 : memref<1x200xi32, #tpu.memory_space<hbm>> -> memref<200xi32, #tpu.memory_space<hbm>>
    tpu.enqueue_dma source(%dma_start3A_13 : memref<200xi32, #tpu.memory_space<hbm>>) target(%arg7 : memref<200xi32, #tpu.memory_space<vmem>>) target_semaphore(%arg15 : memref<!tpu.dma_semaphore, #tpu.memory_space<semaphore_mem>>)
    tpu.enqueue_dma source(%arg6 : memref<200x64xf32, #tpu.memory_space<vmem_shared>>) target(%arg11 : memref<200x64xf32, #tpu.memory_space<vmem>>) target_semaphore(%arg19 : memref<!tpu.dma_semaphore, #tpu.memory_space<semaphore_mem>>)
    %add3A_14 = arith.constant 3328 : i32
    %add3A_15 = arith.addi %add3A_14, %mul3A_2 : i32
    %add3A_16 = arith.constant 1 : i32
    %add3A_17 = arith.addi %add3A_15, %add3A_16 : i32
    %dma_start3A_18 = arith.constant 0 : i32
    %dma_start3A_19 = tpu.memref_slice %arg2[%add3A_17, %dma_start3A_18] : memref<4096x200xi32, #tpu.memory_space<hbm>> -> memref<1x200xi32, #tpu.memory_space<hbm>>
    %dma_start3A_20 = tpu.memref_squeeze %dma_start3A_19 : memref<1x200xi32, #tpu.memory_space<hbm>> -> memref<200xi32, #tpu.memory_space<hbm>>
    %dma_start3A_21 = arith.constant 0 : i32
    %dma_start3A_22 = tpu.memref_slice %arg2[%add3A_17, %dma_start3A_21] : memref<4096x200xi32, #tpu.memory_space<hbm>> -> memref<1x200xi32, #tpu.memory_space<hbm>>
    %dma_start3A_23 = tpu.memref_squeeze %dma_start3A_22 : memref<1x200xi32, #tpu.memory_space<hbm>> -> memref<200xi32, #tpu.memory_space<hbm>>
    tpu.enqueue_dma source(%dma_start3A_23 : memref<200xi32, #tpu.memory_space<hbm>>) target(%arg8 : memref<200xi32, #tpu.memory_space<vmem>>) target_semaphore(%arg16 : memref<!tpu.dma_semaphore, #tpu.memory_space<semaphore_mem>>)
    tpu.enqueue_dma source(%arg6 : memref<200x64xf32, #tpu.memory_space<vmem_shared>>) target(%arg12 : memref<200x64xf32, #tpu.memory_space<vmem>>) target_semaphore(%arg20 : memref<!tpu.dma_semaphore, #tpu.memory_space<semaphore_mem>>)
    %scan3A = arith.constant 0 : i32
    %scan3A_24 = arith.constant 6 : i32
    %scan3A_25 = arith.addi %scan3A, %scan3A_24 : i32
    %scan3A_26 = arith.constant 1 : i32
    scf.for %scan3A_63 = %scan3A to %scan3A_25 step %scan3A_26  : i32 {
      %mul3A_64 = arith.constant 4 : i32
      %mul3A_65 = arith.muli %scan3A_63, %mul3A_64 : i32
      %add3A_66 = arith.constant 0 : i32
      %add3A_67 = arith.addi %add3A_66, %mul3A_65 : i32
      %add3A_68 = arith.constant 0 : i32
      %add3A_69 = arith.addi %add3A_67, %add3A_68 : i32
      %dma_wait3A_70 = arith.constant 0 : i32
      %dma_wait3A_71 = arith.constant 0 : i32
      %dma_wait3A_72 = tpu.memref_slice %arg2[%dma_wait3A_70, %dma_wait3A_71] : memref<4096x200xi32, #tpu.memory_space<hbm>> -> memref<1x200xi32, #tpu.memory_space<hbm>>
      %dma_wait3A_73 = tpu.memref_squeeze %dma_wait3A_72 : memref<1x200xi32, #tpu.memory_space<hbm>> -> memref<200xi32, #tpu.memory_space<hbm>>
      %dma_wait3A_74 = arith.constant 0 : i32
      %dma_wait3A_75 = tpu.memref_slice %arg2[%dma_wait3A_70, %dma_wait3A_74] : memref<4096x200xi32, #tpu.memory_space<hbm>> -> memref<1x200xi32, #tpu.memory_space<hbm>>
      %dma_wait3A_76 = tpu.memref_squeeze %dma_wait3A_75 : memref<1x200xi32, #tpu.memory_space<hbm>> -> memref<200xi32, #tpu.memory_space<hbm>>
      tpu.wait_dma2 semaphore(%arg15 : memref<!tpu.dma_semaphore, #tpu.memory_space<semaphore_mem>>) src(%dma_wait3A_76 : memref<200xi32, #tpu.memory_space<hbm>>) dst(%arg7 : memref<200xi32, #tpu.memory_space<vmem>>)
      tpu.wait_dma2 semaphore(%arg19 : memref<!tpu.dma_semaphore, #tpu.memory_space<semaphore_mem>>) src(%arg6 : memref<200x64xf32, #tpu.memory_space<vmem_shared>>) dst(%arg11 : memref<200x64xf32, #tpu.memory_space<vmem>>)
      %dma_start3A_77 = arith.constant 0 : i32
      %dma_start3A_78 = arith.constant 0 : i32
      %dma_start3A_79 = tpu.memref_slice %arg11[%dma_start3A_77, %dma_start3A_78] : memref<200x64xf32, #tpu.memory_space<vmem>> -> memref<104x64xf32, #tpu.memory_space<vmem>>
      %dma_start3A_80 = arith.constant 0 : i32
      %dma_start3A_81 = tpu.memref_slice %arg7[%dma_start3A_80] : memref<200xi32, #tpu.memory_space<vmem>> -> memref<104xi32, #tpu.memory_space<vmem>>
      %dma_start3A_82 = arith.constant 0 : i32
      %dma_start3A_83 = arith.constant 0 : i32
      %dma_start3A_84 = tpu.memref_slice %arg3[%dma_start3A_82, %dma_start3A_83] : memref<102400x64xf32, #tpu.memory_space<hbm>> -> memref<102400x64xf32, #tpu.memory_space<hbm>>
      tpu.enqueue_indirect_dma source(%dma_start3A_84 : memref<102400x64xf32, #tpu.memory_space<hbm>>) target(%dma_start3A_79 : memref<104x64xf32, #tpu.memory_space<vmem>>) offsets(%dma_start3A_81 : memref<104xi32, #tpu.memory_space<vmem>>) semaphore(%arg27 : memref<!tpu.dma_semaphore, #tpu.memory_space<semaphore_mem>>) {add = true}
      %dma_start3A_85 = arith.constant 104 : i32
      %dma_start3A_86 = arith.constant 0 : i32
      %dma_start3A_87 = tpu.memref_slice %arg11[%dma_start3A_85, %dma_start3A_86] : memref<200x64xf32, #tpu.memory_space<vmem>> -> memref<96x64xf32, #tpu.memory_space<vmem>>
      %dma_start3A_88 = arith.constant 104 : i32
      %dma_start3A_89 = tpu.memref_slice %arg7[%dma_start3A_88] : memref<200xi32, #tpu.memory_space<vmem>> -> memref<96xi32, #tpu.memory_space<vmem>>
      %dma_start3A_90 = arith.constant 0 : i32
      %dma_start3A_91 = arith.constant 0 : i32
      %dma_start3A_92 = tpu.memref_slice %arg3[%dma_start3A_90, %dma_start3A_91] : memref<102400x64xf32, #tpu.memory_space<hbm>> -> memref<102400x64xf32, #tpu.memory_space<hbm>>
      tpu.enqueue_indirect_dma source(%dma_start3A_92 : memref<102400x64xf32, #tpu.memory_space<hbm>>) target(%dma_start3A_87 : memref<96x64xf32, #tpu.memory_space<vmem>>) offsets(%dma_start3A_89 : memref<96xi32, #tpu.memory_space<vmem>>) semaphore(%arg27 : memref<!tpu.dma_semaphore, #tpu.memory_space<semaphore_mem>>) {add = true}
      %lt3A = arith.constant 22 : i32
      %lt3A_93 = arith.cmpi slt, %add3A_69, %lt3A : i32
      %convert_element_type3A_94 = arith.extui %lt3A_93 : i1 to i32
      %cond3A_95 = arith.constant 0 : i32
      %cond3A_96 = arith.cmpi ne, %convert_element_type3A_94, %cond3A_95 : i32
      scf.if %cond3A_96 {
        %add3A_337 = arith.constant 2 : i32
        %add3A_338 = arith.addi %add3A_69, %add3A_337 : i32
        %add3A_339 = arith.constant 3328 : i32
        %add3A_340 = arith.addi %add3A_339, %mul3A_2 : i32
        %add3A_341 = arith.addi %add3A_340, %add3A_338 : i32
        %dma_start3A_342 = arith.constant 0 : i32
        %dma_start3A_343 = tpu.memref_slice %arg2[%add3A_341, %dma_start3A_342] : memref<4096x200xi32, #tpu.memory_space<hbm>> -> memref<1x200xi32, #tpu.memory_space<hbm>>
        %dma_start3A_344 = tpu.memref_squeeze %dma_start3A_343 : memref<1x200xi32, #tpu.memory_space<hbm>> -> memref<200xi32, #tpu.memory_space<hbm>>
        %dma_start3A_345 = arith.constant 0 : i32
        %dma_start3A_346 = tpu.memref_slice %arg2[%add3A_341, %dma_start3A_345] : memref<4096x200xi32, #tpu.memory_space<hbm>> -> memref<1x200xi32, #tpu.memory_space<hbm>>
        %dma_start3A_347 = tpu.memref_squeeze %dma_start3A_346 : memref<1x200xi32, #tpu.memory_space<hbm>> -> memref<200xi32, #tpu.memory_space<hbm>>
        tpu.enqueue_dma source(%dma_start3A_347 : memref<200xi32, #tpu.memory_space<hbm>>) target(%arg9 : memref<200xi32, #tpu.memory_space<vmem>>) target_semaphore(%arg17 : memref<!tpu.dma_semaphore, #tpu.memory_space<semaphore_mem>>)
      } else {
      }
      %ge3A = arith.constant 2 : i32
      %ge3A_97 = arith.cmpi sge, %add3A_69, %ge3A : i32
      %lt3A_98 = arith.constant 22 : i32
      %lt3A_99 = arith.cmpi slt, %add3A_69, %lt3A_98 : i32
      %and3A = arith.andi %ge3A_97, %lt3A_99 : i1
      %convert_element_type3A_100 = arith.extui %and3A : i1 to i32
      %cond3A_101 = arith.constant 0 : i32
      %cond3A_102 = arith.cmpi ne, %convert_element_type3A_100, %cond3A_101 : i32
      scf.if %cond3A_102 {
        %dma_wait3A_337 = arith.constant 0 : i32
        %dma_wait3A_338 = arith.constant 0 : i32
        %dma_wait3A_339 = arith.constant 0 : i32
        %dma_wait3A_340 = tpu.memref_slice %arg5[%dma_wait3A_337, %dma_wait3A_338, %dma_wait3A_339] : memref<768x200x64xf32, #tpu.memory_space<hbm>> -> memref<1x200x64xf32, #tpu.memory_space<hbm>>
        %dma_wait3A_341 = tpu.memref_squeeze %dma_wait3A_340 : memref<1x200x64xf32, #tpu.memory_space<hbm>> -> memref<200x64xf32, #tpu.memory_space<hbm>>
        %dma_wait3A_342 = arith.constant 0 : i32
        %dma_wait3A_343 = arith.constant 0 : i32
        %dma_wait3A_344 = tpu.memref_slice %arg5[%dma_wait3A_337, %dma_wait3A_342, %dma_wait3A_343] : memref<768x200x64xf32, #tpu.memory_space<hbm>> -> memref<1x200x64xf32, #tpu.memory_space<hbm>>
        %dma_wait3A_345 = tpu.memref_squeeze %dma_wait3A_344 : memref<1x200x64xf32, #tpu.memory_space<hbm>> -> memref<200x64xf32, #tpu.memory_space<hbm>>
        tpu.wait_dma2 semaphore(%arg25 : memref<!tpu.dma_semaphore, #tpu.memory_space<semaphore_mem>>) src(%arg13 : memref<200x64xf32, #tpu.memory_space<vmem>>) dst(%dma_wait3A_345 : memref<200x64xf32, #tpu.memory_space<hbm>>)
      } else {
      }
      %lt3A_103 = arith.constant 22 : i32
      %lt3A_104 = arith.cmpi slt, %add3A_69, %lt3A_103 : i32
      %convert_element_type3A_105 = arith.extui %lt3A_104 : i1 to i32
      %cond3A_106 = arith.constant 0 : i32
      %cond3A_107 = arith.cmpi ne, %convert_element_type3A_105, %cond3A_106 : i32
      scf.if %cond3A_107 {
        tpu.enqueue_dma source(%arg6 : memref<200x64xf32, #tpu.memory_space<vmem_shared>>) target(%arg13 : memref<200x64xf32, #tpu.memory_space<vmem>>) target_semaphore(%arg21 : memref<!tpu.dma_semaphore, #tpu.memory_space<semaphore_mem>>)
      } else {
      }
      %dma_wait3A_108 = arith.constant 0 : i32
      %dma_wait3A_109 = arith.constant 0 : i32
      %dma_wait3A_110 = tpu.memref_slice %arg11[%dma_wait3A_108, %dma_wait3A_109] : memref<200x64xf32, #tpu.memory_space<vmem>> -> memref<104x64xf32, #tpu.memory_space<vmem>>
      %dma_wait3A_111 = arith.constant 0 : i32
      %dma_wait3A_112 = tpu.memref_slice %arg7[%dma_wait3A_111] : memref<200xi32, #tpu.memory_space<vmem>> -> memref<104xi32, #tpu.memory_space<vmem>>
      %dma_wait3A_113 = arith.constant 0 : i32
      %dma_wait3A_114 = arith.constant 0 : i32
      %dma_wait3A_115 = tpu.memref_slice %arg3[%dma_wait3A_113, %dma_wait3A_114] : memref<102400x64xf32, #tpu.memory_space<hbm>> -> memref<102400x64xf32, #tpu.memory_space<hbm>>
      tpu.wait_indirect_dma semaphore(%arg27 : memref<!tpu.dma_semaphore, #tpu.memory_space<semaphore_mem>>) src(%dma_wait3A_115 : memref<102400x64xf32, #tpu.memory_space<hbm>>) dst(%dma_wait3A_110 : memref<104x64xf32, #tpu.memory_space<vmem>>)
      %dma_wait3A_116 = arith.constant 104 : i32
      %dma_wait3A_117 = arith.constant 0 : i32
      %dma_wait3A_118 = tpu.memref_slice %arg11[%dma_wait3A_116, %dma_wait3A_117] : memref<200x64xf32, #tpu.memory_space<vmem>> -> memref<96x64xf32, #tpu.memory_space<vmem>>
      %dma_wait3A_119 = arith.constant 104 : i32
      %dma_wait3A_120 = tpu.memref_slice %arg7[%dma_wait3A_119] : memref<200xi32, #tpu.memory_space<vmem>> -> memref<96xi32, #tpu.memory_space<vmem>>
      %dma_wait3A_121 = arith.constant 0 : i32
      %dma_wait3A_122 = arith.constant 0 : i32
      %dma_wait3A_123 = tpu.memref_slice %arg3[%dma_wait3A_121, %dma_wait3A_122] : memref<102400x64xf32, #tpu.memory_space<hbm>> -> memref<102400x64xf32, #tpu.memory_space<hbm>>
      tpu.wait_indirect_dma semaphore(%arg27 : memref<!tpu.dma_semaphore, #tpu.memory_space<semaphore_mem>>) src(%dma_wait3A_123 : memref<102400x64xf32, #tpu.memory_space<hbm>>) dst(%dma_wait3A_118 : memref<96x64xf32, #tpu.memory_space<vmem>>)
      %add3A_124 = arith.addi %mul3A_2, %add3A_69 : i32
      %dma_start3A_125 = arith.constant 0 : i32
      %dma_start3A_126 = arith.constant 0 : i32
      %dma_start3A_127 = tpu.memref_slice %arg5[%add3A_124, %dma_start3A_125, %dma_start3A_126] : memref<768x200x64xf32, #tpu.memory_space<hbm>> -> memref<1x200x64xf32, #tpu.memory_space<hbm>>
      %dma_start3A_128 = tpu.memref_squeeze %dma_start3A_127 : memref<1x200x64xf32, #tpu.memory_space<hbm>> -> memref<200x64xf32, #tpu.memory_space<hbm>>
      %dma_start3A_129 = arith.constant 0 : i32
      %dma_start3A_130 = arith.constant 0 : i32
      %dma_start3A_131 = tpu.memref_slice %arg5[%add3A_124, %dma_start3A_129, %dma_start3A_130] : memref<768x200x64xf32, #tpu.memory_space<hbm>> -> memref<1x200x64xf32, #tpu.memory_space<hbm>>
      %dma_start3A_132 = tpu.memref_squeeze %dma_start3A_131 : memref<1x200x64xf32, #tpu.memory_space<hbm>> -> memref<200x64xf32, #tpu.memory_space<hbm>>
      tpu.enqueue_dma source(%arg11 : memref<200x64xf32, #tpu.memory_space<vmem>>) target(%dma_start3A_132 : memref<200x64xf32, #tpu.memory_space<hbm>>) target_semaphore(%arg23 : memref<!tpu.dma_semaphore, #tpu.memory_space<semaphore_mem>>)
      %add3A_133 = arith.constant 1 : i32
      %add3A_134 = arith.addi %add3A_67, %add3A_133 : i32
      %dma_wait3A_135 = arith.constant 0 : i32
      %dma_wait3A_136 = arith.constant 0 : i32
      %dma_wait3A_137 = tpu.memref_slice %arg2[%dma_wait3A_135, %dma_wait3A_136] : memref<4096x200xi32, #tpu.memory_space<hbm>> -> memref<1x200xi32, #tpu.memory_space<hbm>>
      %dma_wait3A_138 = tpu.memref_squeeze %dma_wait3A_137 : memref<1x200xi32, #tpu.memory_space<hbm>> -> memref<200xi32, #tpu.memory_space<hbm>>
      %dma_wait3A_139 = arith.constant 0 : i32
      %dma_wait3A_140 = tpu.memref_slice %arg2[%dma_wait3A_135, %dma_wait3A_139] : memref<4096x200xi32, #tpu.memory_space<hbm>> -> memref<1x200xi32, #tpu.memory_space<hbm>>
      %dma_wait3A_141 = tpu.memref_squeeze %dma_wait3A_140 : memref<1x200xi32, #tpu.memory_space<hbm>> -> memref<200xi32, #tpu.memory_space<hbm>>
      tpu.wait_dma2 semaphore(%arg16 : memref<!tpu.dma_semaphore, #tpu.memory_space<semaphore_mem>>) src(%dma_wait3A_141 : memref<200xi32, #tpu.memory_space<hbm>>) dst(%arg8 : memref<200xi32, #tpu.memory_space<vmem>>)
      tpu.wait_dma2 semaphore(%arg20 : memref<!tpu.dma_semaphore, #tpu.memory_space<semaphore_mem>>) src(%arg6 : memref<200x64xf32, #tpu.memory_space<vmem_shared>>) dst(%arg12 : memref<200x64xf32, #tpu.memory_space<vmem>>)
      %dma_start3A_142 = arith.constant 0 : i32
      %dma_start3A_143 = arith.constant 0 : i32
      %dma_start3A_144 = tpu.memref_slice %arg12[%dma_start3A_142, %dma_start3A_143] : memref<200x64xf32, #tpu.memory_space<vmem>> -> memref<104x64xf32, #tpu.memory_space<vmem>>
      %dma_start3A_145 = arith.constant 0 : i32
      %dma_start3A_146 = tpu.memref_slice %arg8[%dma_start3A_145] : memref<200xi32, #tpu.memory_space<vmem>> -> memref<104xi32, #tpu.memory_space<vmem>>
      %dma_start3A_147 = arith.constant 0 : i32
      %dma_start3A_148 = arith.constant 0 : i32
      %dma_start3A_149 = tpu.memref_slice %arg3[%dma_start3A_147, %dma_start3A_148] : memref<102400x64xf32, #tpu.memory_space<hbm>> -> memref<102400x64xf32, #tpu.memory_space<hbm>>
      tpu.enqueue_indirect_dma source(%dma_start3A_149 : memref<102400x64xf32, #tpu.memory_space<hbm>>) target(%dma_start3A_144 : memref<104x64xf32, #tpu.memory_space<vmem>>) offsets(%dma_start3A_146 : memref<104xi32, #tpu.memory_space<vmem>>) semaphore(%arg27 : memref<!tpu.dma_semaphore, #tpu.memory_space<semaphore_mem>>) {add = true}
      %dma_start3A_150 = arith.constant 104 : i32
      %dma_start3A_151 = arith.constant 0 : i32
      %dma_start3A_152 = tpu.memref_slice %arg12[%dma_start3A_150, %dma_start3A_151] : memref<200x64xf32, #tpu.memory_space<vmem>> -> memref<96x64xf32, #tpu.memory_space<vmem>>
      %dma_start3A_153 = arith.constant 104 : i32
      %dma_start3A_154 = tpu.memref_slice %arg8[%dma_start3A_153] : memref<200xi32, #tpu.memory_space<vmem>> -> memref<96xi32, #tpu.memory_space<vmem>>
      %dma_start3A_155 = arith.constant 0 : i32
      %dma_start3A_156 = arith.constant 0 : i32
      %dma_start3A_157 = tpu.memref_slice %arg3[%dma_start3A_155, %dma_start3A_156] : memref<102400x64xf32, #tpu.memory_space<hbm>> -> memref<102400x64xf32, #tpu.memory_space<hbm>>
      tpu.enqueue_indirect_dma source(%dma_start3A_157 : memref<102400x64xf32, #tpu.memory_space<hbm>>) target(%dma_start3A_152 : memref<96x64xf32, #tpu.memory_space<vmem>>) offsets(%dma_start3A_154 : memref<96xi32, #tpu.memory_space<vmem>>) semaphore(%arg27 : memref<!tpu.dma_semaphore, #tpu.memory_space<semaphore_mem>>) {add = true}
      %lt3A_158 = arith.constant 22 : i32
      %lt3A_159 = arith.cmpi slt, %add3A_134, %lt3A_158 : i32
      %convert_element_type3A_160 = arith.extui %lt3A_159 : i1 to i32
      %cond3A_161 = arith.constant 0 : i32
      %cond3A_162 = arith.cmpi ne, %convert_element_type3A_160, %cond3A_161 : i32
      scf.if %cond3A_162 {
        %add3A_337 = arith.constant 2 : i32
        %add3A_338 = arith.addi %add3A_134, %add3A_337 : i32
        %add3A_339 = arith.constant 3328 : i32
        %add3A_340 = arith.addi %add3A_339, %mul3A_2 : i32
        %add3A_341 = arith.addi %add3A_340, %add3A_338 : i32
        %dma_start3A_342 = arith.constant 0 : i32
        %dma_start3A_343 = tpu.memref_slice %arg2[%add3A_341, %dma_start3A_342] : memref<4096x200xi32, #tpu.memory_space<hbm>> -> memref<1x200xi32, #tpu.memory_space<hbm>>
        %dma_start3A_344 = tpu.memref_squeeze %dma_start3A_343 : memref<1x200xi32, #tpu.memory_space<hbm>> -> memref<200xi32, #tpu.memory_space<hbm>>
        %dma_start3A_345 = arith.constant 0 : i32
        %dma_start3A_346 = tpu.memref_slice %arg2[%add3A_341, %dma_start3A_345] : memref<4096x200xi32, #tpu.memory_space<hbm>> -> memref<1x200xi32, #tpu.memory_space<hbm>>
        %dma_start3A_347 = tpu.memref_squeeze %dma_start3A_346 : memref<1x200xi32, #tpu.memory_space<hbm>> -> memref<200xi32, #tpu.memory_space<hbm>>
        tpu.enqueue_dma source(%dma_start3A_347 : memref<200xi32, #tpu.memory_space<hbm>>) target(%arg10 : memref<200xi32, #tpu.memory_space<vmem>>) target_semaphore(%arg18 : memref<!tpu.dma_semaphore, #tpu.memory_space<semaphore_mem>>)
      } else {
      }
      %ge3A_163 = arith.constant 2 : i32
      %ge3A_164 = arith.cmpi sge, %add3A_134, %ge3A_163 : i32
      %lt3A_165 = arith.constant 22 : i32
      %lt3A_166 = arith.cmpi slt, %add3A_134, %lt3A_165 : i32
      %and3A_167 = arith.andi %ge3A_164, %lt3A_166 : i1
      %convert_element_type3A_168 = arith.extui %and3A_167 : i1 to i32
      %cond3A_169 = arith.constant 0 : i32
      %cond3A_170 = arith.cmpi ne, %convert_element_type3A_168, %cond3A_169 : i32
      scf.if %cond3A_170 {
        %dma_wait3A_337 = arith.constant 0 : i32
        %dma_wait3A_338 = arith.constant 0 : i32
        %dma_wait3A_339 = arith.constant 0 : i32
        %dma_wait3A_340 = tpu.memref_slice %arg5[%dma_wait3A_337, %dma_wait3A_338, %dma_wait3A_339] : memref<768x200x64xf32, #tpu.memory_space<hbm>> -> memref<1x200x64xf32, #tpu.memory_space<hbm>>
        %dma_wait3A_341 = tpu.memref_squeeze %dma_wait3A_340 : memref<1x200x64xf32, #tpu.memory_space<hbm>> -> memref<200x64xf32, #tpu.memory_space<hbm>>
        %dma_wait3A_342 = arith.constant 0 : i32
        %dma_wait3A_343 = arith.constant 0 : i32
        %dma_wait3A_344 = tpu.memref_slice %arg5[%dma_wait3A_337, %dma_wait3A_342, %dma_wait3A_343] : memref<768x200x64xf32, #tpu.memory_space<hbm>> -> memref<1x200x64xf32, #tpu.memory_space<hbm>>
        %dma_wait3A_345 = tpu.memref_squeeze %dma_wait3A_344 : memref<1x200x64xf32, #tpu.memory_space<hbm>> -> memref<200x64xf32, #tpu.memory_space<hbm>>
        tpu.wait_dma2 semaphore(%arg26 : memref<!tpu.dma_semaphore, #tpu.memory_space<semaphore_mem>>) src(%arg14 : memref<200x64xf32, #tpu.memory_space<vmem>>) dst(%dma_wait3A_345 : memref<200x64xf32, #tpu.memory_space<hbm>>)
      } else {
      }
      %lt3A_171 = arith.constant 22 : i32
      %lt3A_172 = arith.cmpi slt, %add3A_134, %lt3A_171 : i32
      %convert_element_type3A_173 = arith.extui %lt3A_172 : i1 to i32
      %cond3A_174 = arith.constant 0 : i32
      %cond3A_175 = arith.cmpi ne, %convert_element_type3A_173, %cond3A_174 : i32
      scf.if %cond3A_175 {
        tpu.enqueue_dma source(%arg6 : memref<200x64xf32, #tpu.memory_space<vmem_shared>>) target(%arg14 : memref<200x64xf32, #tpu.memory_space<vmem>>) target_semaphore(%arg22 : memref<!tpu.dma_semaphore, #tpu.memory_space<semaphore_mem>>)
      } else {
      }
      %dma_wait3A_176 = arith.constant 0 : i32
      %dma_wait3A_177 = arith.constant 0 : i32
      %dma_wait3A_178 = tpu.memref_slice %arg12[%dma_wait3A_176, %dma_wait3A_177] : memref<200x64xf32, #tpu.memory_space<vmem>> -> memref<104x64xf32, #tpu.memory_space<vmem>>
      %dma_wait3A_179 = arith.constant 0 : i32
      %dma_wait3A_180 = tpu.memref_slice %arg8[%dma_wait3A_179] : memref<200xi32, #tpu.memory_space<vmem>> -> memref<104xi32, #tpu.memory_space<vmem>>
      %dma_wait3A_181 = arith.constant 0 : i32
      %dma_wait3A_182 = arith.constant 0 : i32
      %dma_wait3A_183 = tpu.memref_slice %arg3[%dma_wait3A_181, %dma_wait3A_182] : memref<102400x64xf32, #tpu.memory_space<hbm>> -> memref<102400x64xf32, #tpu.memory_space<hbm>>
      tpu.wait_indirect_dma semaphore(%arg27 : memref<!tpu.dma_semaphore, #tpu.memory_space<semaphore_mem>>) src(%dma_wait3A_183 : memref<102400x64xf32, #tpu.memory_space<hbm>>) dst(%dma_wait3A_178 : memref<104x64xf32, #tpu.memory_space<vmem>>)
      %dma_wait3A_184 = arith.constant 104 : i32
      %dma_wait3A_185 = arith.constant 0 : i32
      %dma_wait3A_186 = tpu.memref_slice %arg12[%dma_wait3A_184, %dma_wait3A_185] : memref<200x64xf32, #tpu.memory_space<vmem>> -> memref<96x64xf32, #tpu.memory_space<vmem>>
      %dma_wait3A_187 = arith.constant 104 : i32
      %dma_wait3A_188 = tpu.memref_slice %arg8[%dma_wait3A_187] : memref<200xi32, #tpu.memory_space<vmem>> -> memref<96xi32, #tpu.memory_space<vmem>>
      %dma_wait3A_189 = arith.constant 0 : i32
      %dma_wait3A_190 = arith.constant 0 : i32
      %dma_wait3A_191 = tpu.memref_slice %arg3[%dma_wait3A_189, %dma_wait3A_190] : memref<102400x64xf32, #tpu.memory_space<hbm>> -> memref<102400x64xf32, #tpu.memory_space<hbm>>
      tpu.wait_indirect_dma semaphore(%arg27 : memref<!tpu.dma_semaphore, #tpu.memory_space<semaphore_mem>>) src(%dma_wait3A_191 : memref<102400x64xf32, #tpu.memory_space<hbm>>) dst(%dma_wait3A_186 : memref<96x64xf32, #tpu.memory_space<vmem>>)
      %add3A_192 = arith.addi %mul3A_2, %add3A_134 : i32
      %dma_start3A_193 = arith.constant 0 : i32
      %dma_start3A_194 = arith.constant 0 : i32
      %dma_start3A_195 = tpu.memref_slice %arg5[%add3A_192, %dma_start3A_193, %dma_start3A_194] : memref<768x200x64xf32, #tpu.memory_space<hbm>> -> memref<1x200x64xf32, #tpu.memory_space<hbm>>
      %dma_start3A_196 = tpu.memref_squeeze %dma_start3A_195 : memref<1x200x64xf32, #tpu.memory_space<hbm>> -> memref<200x64xf32, #tpu.memory_space<hbm>>
      %dma_start3A_197 = arith.constant 0 : i32
      %dma_start3A_198 = arith.constant 0 : i32
      %dma_start3A_199 = tpu.memref_slice %arg5[%add3A_192, %dma_start3A_197, %dma_start3A_198] : memref<768x200x64xf32, #tpu.memory_space<hbm>> -> memref<1x200x64xf32, #tpu.memory_space<hbm>>
      %dma_start3A_200 = tpu.memref_squeeze %dma_start3A_199 : memref<1x200x64xf32, #tpu.memory_space<hbm>> -> memref<200x64xf32, #tpu.memory_space<hbm>>
      tpu.enqueue_dma source(%arg12 : memref<200x64xf32, #tpu.memory_space<vmem>>) target(%dma_start3A_200 : memref<200x64xf32, #tpu.memory_space<hbm>>) target_semaphore(%arg24 : memref<!tpu.dma_semaphore, #tpu.memory_space<semaphore_mem>>)
      %add3A_201 = arith.constant 2 : i32
      %add3A_202 = arith.addi %add3A_67, %add3A_201 : i32
      %dma_wait3A_203 = arith.constant 0 : i32
      %dma_wait3A_204 = arith.constant 0 : i32
      %dma_wait3A_205 = tpu.memref_slice %arg2[%dma_wait3A_203, %dma_wait3A_204] : memref<4096x200xi32, #tpu.memory_space<hbm>> -> memref<1x200xi32, #tpu.memory_space<hbm>>
      %dma_wait3A_206 = tpu.memref_squeeze %dma_wait3A_205 : memref<1x200xi32, #tpu.memory_space<hbm>> -> memref<200xi32, #tpu.memory_space<hbm>>
      %dma_wait3A_207 = arith.constant 0 : i32
      %dma_wait3A_208 = tpu.memref_slice %arg2[%dma_wait3A_203, %dma_wait3A_207] : memref<4096x200xi32, #tpu.memory_space<hbm>> -> memref<1x200xi32, #tpu.memory_space<hbm>>
      %dma_wait3A_209 = tpu.memref_squeeze %dma_wait3A_208 : memref<1x200xi32, #tpu.memory_space<hbm>> -> memref<200xi32, #tpu.memory_space<hbm>>
      tpu.wait_dma2 semaphore(%arg17 : memref<!tpu.dma_semaphore, #tpu.memory_space<semaphore_mem>>) src(%dma_wait3A_209 : memref<200xi32, #tpu.memory_space<hbm>>) dst(%arg9 : memref<200xi32, #tpu.memory_space<vmem>>)
      tpu.wait_dma2 semaphore(%arg21 : memref<!tpu.dma_semaphore, #tpu.memory_space<semaphore_mem>>) src(%arg6 : memref<200x64xf32, #tpu.memory_space<vmem_shared>>) dst(%arg13 : memref<200x64xf32, #tpu.memory_space<vmem>>)
      %dma_start3A_210 = arith.constant 0 : i32
      %dma_start3A_211 = arith.constant 0 : i32
      %dma_start3A_212 = tpu.memref_slice %arg13[%dma_start3A_210, %dma_start3A_211] : memref<200x64xf32, #tpu.memory_space<vmem>> -> memref<104x64xf32, #tpu.memory_space<vmem>>
      %dma_start3A_213 = arith.constant 0 : i32
      %dma_start3A_214 = tpu.memref_slice %arg9[%dma_start3A_213] : memref<200xi32, #tpu.memory_space<vmem>> -> memref<104xi32, #tpu.memory_space<vmem>>
      %dma_start3A_215 = arith.constant 0 : i32
      %dma_start3A_216 = arith.constant 0 : i32
      %dma_start3A_217 = tpu.memref_slice %arg3[%dma_start3A_215, %dma_start3A_216] : memref<102400x64xf32, #tpu.memory_space<hbm>> -> memref<102400x64xf32, #tpu.memory_space<hbm>>
      tpu.enqueue_indirect_dma source(%dma_start3A_217 : memref<102400x64xf32, #tpu.memory_space<hbm>>) target(%dma_start3A_212 : memref<104x64xf32, #tpu.memory_space<vmem>>) offsets(%dma_start3A_214 : memref<104xi32, #tpu.memory_space<vmem>>) semaphore(%arg27 : memref<!tpu.dma_semaphore, #tpu.memory_space<semaphore_mem>>) {add = true}
      %dma_start3A_218 = arith.constant 104 : i32
      %dma_start3A_219 = arith.constant 0 : i32
      %dma_start3A_220 = tpu.memref_slice %arg13[%dma_start3A_218, %dma_start3A_219] : memref<200x64xf32, #tpu.memory_space<vmem>> -> memref<96x64xf32, #tpu.memory_space<vmem>>
      %dma_start3A_221 = arith.constant 104 : i32
      %dma_start3A_222 = tpu.memref_slice %arg9[%dma_start3A_221] : memref<200xi32, #tpu.memory_space<vmem>> -> memref<96xi32, #tpu.memory_space<vmem>>
      %dma_start3A_223 = arith.constant 0 : i32
      %dma_start3A_224 = arith.constant 0 : i32
      %dma_start3A_225 = tpu.memref_slice %arg3[%dma_start3A_223, %dma_start3A_224] : memref<102400x64xf32, #tpu.memory_space<hbm>> -> memref<102400x64xf32, #tpu.memory_space<hbm>>
      tpu.enqueue_indirect_dma source(%dma_start3A_225 : memref<102400x64xf32, #tpu.memory_space<hbm>>) target(%dma_start3A_220 : memref<96x64xf32, #tpu.memory_space<vmem>>) offsets(%dma_start3A_222 : memref<96xi32, #tpu.memory_space<vmem>>) semaphore(%arg27 : memref<!tpu.dma_semaphore, #tpu.memory_space<semaphore_mem>>) {add = true}
      %lt3A_226 = arith.constant 22 : i32
      %lt3A_227 = arith.cmpi slt, %add3A_202, %lt3A_226 : i32
      %convert_element_type3A_228 = arith.extui %lt3A_227 : i1 to i32
      %cond3A_229 = arith.constant 0 : i32
      %cond3A_230 = arith.cmpi ne, %convert_element_type3A_228, %cond3A_229 : i32
      scf.if %cond3A_230 {
        %add3A_337 = arith.constant 2 : i32
        %add3A_338 = arith.addi %add3A_202, %add3A_337 : i32
        %add3A_339 = arith.constant 3328 : i32
        %add3A_340 = arith.addi %add3A_339, %mul3A_2 : i32
        %add3A_341 = arith.addi %add3A_340, %add3A_338 : i32
        %dma_start3A_342 = arith.constant 0 : i32
        %dma_start3A_343 = tpu.memref_slice %arg2[%add3A_341, %dma_start3A_342] : memref<4096x200xi32, #tpu.memory_space<hbm>> -> memref<1x200xi32, #tpu.memory_space<hbm>>
        %dma_start3A_344 = tpu.memref_squeeze %dma_start3A_343 : memref<1x200xi32, #tpu.memory_space<hbm>> -> memref<200xi32, #tpu.memory_space<hbm>>
        %dma_start3A_345 = arith.constant 0 : i32
        %dma_start3A_346 = tpu.memref_slice %arg2[%add3A_341, %dma_start3A_345] : memref<4096x200xi32, #tpu.memory_space<hbm>> -> memref<1x200xi32, #tpu.memory_space<hbm>>
        %dma_start3A_347 = tpu.memref_squeeze %dma_start3A_346 : memref<1x200xi32, #tpu.memory_space<hbm>> -> memref<200xi32, #tpu.memory_space<hbm>>
        tpu.enqueue_dma source(%dma_start3A_347 : memref<200xi32, #tpu.memory_space<hbm>>) target(%arg7 : memref<200xi32, #tpu.memory_space<vmem>>) target_semaphore(%arg15 : memref<!tpu.dma_semaphore, #tpu.memory_space<semaphore_mem>>)
      } else {
      }
      %ge3A_231 = arith.constant 2 : i32
      %ge3A_232 = arith.cmpi sge, %add3A_202, %ge3A_231 : i32
      %lt3A_233 = arith.constant 22 : i32
      %lt3A_234 = arith.cmpi slt, %add3A_202, %lt3A_233 : i32
      %and3A_235 = arith.andi %ge3A_232, %lt3A_234 : i1
      %convert_element_type3A_236 = arith.extui %and3A_235 : i1 to i32
      %cond3A_237 = arith.constant 0 : i32
      %cond3A_238 = arith.cmpi ne, %convert_element_type3A_236, %cond3A_237 : i32
      scf.if %cond3A_238 {
        %dma_wait3A_337 = arith.constant 0 : i32
        %dma_wait3A_338 = arith.constant 0 : i32
        %dma_wait3A_339 = arith.constant 0 : i32
        %dma_wait3A_340 = tpu.memref_slice %arg5[%dma_wait3A_337, %dma_wait3A_338, %dma_wait3A_339] : memref<768x200x64xf32, #tpu.memory_space<hbm>> -> memref<1x200x64xf32, #tpu.memory_space<hbm>>
        %dma_wait3A_341 = tpu.memref_squeeze %dma_wait3A_340 : memref<1x200x64xf32, #tpu.memory_space<hbm>> -> memref<200x64xf32, #tpu.memory_space<hbm>>
        %dma_wait3A_342 = arith.constant 0 : i32
        %dma_wait3A_343 = arith.constant 0 : i32
        %dma_wait3A_344 = tpu.memref_slice %arg5[%dma_wait3A_337, %dma_wait3A_342, %dma_wait3A_343] : memref<768x200x64xf32, #tpu.memory_space<hbm>> -> memref<1x200x64xf32, #tpu.memory_space<hbm>>
        %dma_wait3A_345 = tpu.memref_squeeze %dma_wait3A_344 : memref<1x200x64xf32, #tpu.memory_space<hbm>> -> memref<200x64xf32, #tpu.memory_space<hbm>>
        tpu.wait_dma2 semaphore(%arg23 : memref<!tpu.dma_semaphore, #tpu.memory_space<semaphore_mem>>) src(%arg11 : memref<200x64xf32, #tpu.memory_space<vmem>>) dst(%dma_wait3A_345 : memref<200x64xf32, #tpu.memory_space<hbm>>)
      } else {
      }
      %lt3A_239 = arith.constant 22 : i32
      %lt3A_240 = arith.cmpi slt, %add3A_202, %lt3A_239 : i32
      %convert_element_type3A_241 = arith.extui %lt3A_240 : i1 to i32
      %cond3A_242 = arith.constant 0 : i32
      %cond3A_243 = arith.cmpi ne, %convert_element_type3A_241, %cond3A_242 : i32
      scf.if %cond3A_243 {
        tpu.enqueue_dma source(%arg6 : memref<200x64xf32, #tpu.memory_space<vmem_shared>>) target(%arg11 : memref<200x64xf32, #tpu.memory_space<vmem>>) target_semaphore(%arg19 : memref<!tpu.dma_semaphore, #tpu.memory_space<semaphore_mem>>)
      } else {
      }
      %dma_wait3A_244 = arith.constant 0 : i32
      %dma_wait3A_245 = arith.constant 0 : i32
      %dma_wait3A_246 = tpu.memref_slice %arg13[%dma_wait3A_244, %dma_wait3A_245] : memref<200x64xf32, #tpu.memory_space<vmem>> -> memref<104x64xf32, #tpu.memory_space<vmem>>
      %dma_wait3A_247 = arith.constant 0 : i32
      %dma_wait3A_248 = tpu.memref_slice %arg9[%dma_wait3A_247] : memref<200xi32, #tpu.memory_space<vmem>> -> memref<104xi32, #tpu.memory_space<vmem>>
      %dma_wait3A_249 = arith.constant 0 : i32
      %dma_wait3A_250 = arith.constant 0 : i32
      %dma_wait3A_251 = tpu.memref_slice %arg3[%dma_wait3A_249, %dma_wait3A_250] : memref<102400x64xf32, #tpu.memory_space<hbm>> -> memref<102400x64xf32, #tpu.memory_space<hbm>>
      tpu.wait_indirect_dma semaphore(%arg27 : memref<!tpu.dma_semaphore, #tpu.memory_space<semaphore_mem>>) src(%dma_wait3A_251 : memref<102400x64xf32, #tpu.memory_space<hbm>>) dst(%dma_wait3A_246 : memref<104x64xf32, #tpu.memory_space<vmem>>)
      %dma_wait3A_252 = arith.constant 104 : i32
      %dma_wait3A_253 = arith.constant 0 : i32
      %dma_wait3A_254 = tpu.memref_slice %arg13[%dma_wait3A_252, %dma_wait3A_253] : memref<200x64xf32, #tpu.memory_space<vmem>> -> memref<96x64xf32, #tpu.memory_space<vmem>>
      %dma_wait3A_255 = arith.constant 104 : i32
      %dma_wait3A_256 = tpu.memref_slice %arg9[%dma_wait3A_255] : memref<200xi32, #tpu.memory_space<vmem>> -> memref<96xi32, #tpu.memory_space<vmem>>
      %dma_wait3A_257 = arith.constant 0 : i32
      %dma_wait3A_258 = arith.constant 0 : i32
      %dma_wait3A_259 = tpu.memref_slice %arg3[%dma_wait3A_257, %dma_wait3A_258] : memref<102400x64xf32, #tpu.memory_space<hbm>> -> memref<102400x64xf32, #tpu.memory_space<hbm>>
      tpu.wait_indirect_dma semaphore(%arg27 : memref<!tpu.dma_semaphore, #tpu.memory_space<semaphore_mem>>) src(%dma_wait3A_259 : memref<102400x64xf32, #tpu.memory_space<hbm>>) dst(%dma_wait3A_254 : memref<96x64xf32, #tpu.memory_space<vmem>>)
      %add3A_260 = arith.addi %mul3A_2, %add3A_202 : i32
      %dma_start3A_261 = arith.constant 0 : i32
      %dma_start3A_262 = arith.constant 0 : i32
      %dma_start3A_263 = tpu.memref_slice %arg5[%add3A_260, %dma_start3A_261, %dma_start3A_262] : memref<768x200x64xf32, #tpu.memory_space<hbm>> -> memref<1x200x64xf32, #tpu.memory_space<hbm>>
      %dma_start3A_264 = tpu.memref_squeeze %dma_start3A_263 : memref<1x200x64xf32, #tpu.memory_space<hbm>> -> memref<200x64xf32, #tpu.memory_space<hbm>>
      %dma_start3A_265 = arith.constant 0 : i32
      %dma_start3A_266 = arith.constant 0 : i32
      %dma_start3A_267 = tpu.memref_slice %arg5[%add3A_260, %dma_start3A_265, %dma_start3A_266] : memref<768x200x64xf32, #tpu.memory_space<hbm>> -> memref<1x200x64xf32, #tpu.memory_space<hbm>>
      %dma_start3A_268 = tpu.memref_squeeze %dma_start3A_267 : memref<1x200x64xf32, #tpu.memory_space<hbm>> -> memref<200x64xf32, #tpu.memory_space<hbm>>
      tpu.enqueue_dma source(%arg13 : memref<200x64xf32, #tpu.memory_space<vmem>>) target(%dma_start3A_268 : memref<200x64xf32, #tpu.memory_space<hbm>>) target_semaphore(%arg25 : memref<!tpu.dma_semaphore, #tpu.memory_space<semaphore_mem>>)
      %add3A_269 = arith.constant 3 : i32
      %add3A_270 = arith.addi %add3A_67, %add3A_269 : i32
      %dma_wait3A_271 = arith.constant 0 : i32
      %dma_wait3A_272 = arith.constant 0 : i32
      %dma_wait3A_273 = tpu.memref_slice %arg2[%dma_wait3A_271, %dma_wait3A_272] : memref<4096x200xi32, #tpu.memory_space<hbm>> -> memref<1x200xi32, #tpu.memory_space<hbm>>
      %dma_wait3A_274 = tpu.memref_squeeze %dma_wait3A_273 : memref<1x200xi32, #tpu.memory_space<hbm>> -> memref<200xi32, #tpu.memory_space<hbm>>
      %dma_wait3A_275 = arith.constant 0 : i32
      %dma_wait3A_276 = tpu.memref_slice %arg2[%dma_wait3A_271, %dma_wait3A_275] : memref<4096x200xi32, #tpu.memory_space<hbm>> -> memref<1x200xi32, #tpu.memory_space<hbm>>
      %dma_wait3A_277 = tpu.memref_squeeze %dma_wait3A_276 : memref<1x200xi32, #tpu.memory_space<hbm>> -> memref<200xi32, #tpu.memory_space<hbm>>
      tpu.wait_dma2 semaphore(%arg18 : memref<!tpu.dma_semaphore, #tpu.memory_space<semaphore_mem>>) src(%dma_wait3A_277 : memref<200xi32, #tpu.memory_space<hbm>>) dst(%arg10 : memref<200xi32, #tpu.memory_space<vmem>>)
      tpu.wait_dma2 semaphore(%arg22 : memref<!tpu.dma_semaphore, #tpu.memory_space<semaphore_mem>>) src(%arg6 : memref<200x64xf32, #tpu.memory_space<vmem_shared>>) dst(%arg14 : memref<200x64xf32, #tpu.memory_space<vmem>>)
      %dma_start3A_278 = arith.constant 0 : i32
      %dma_start3A_279 = arith.constant 0 : i32
      %dma_start3A_280 = tpu.memref_slice %arg14[%dma_start3A_278, %dma_start3A_279] : memref<200x64xf32, #tpu.memory_space<vmem>> -> memref<104x64xf32, #tpu.memory_space<vmem>>
      %dma_start3A_281 = arith.constant 0 : i32
      %dma_start3A_282 = tpu.memref_slice %arg10[%dma_start3A_281] : memref<200xi32, #tpu.memory_space<vmem>> -> memref<104xi32, #tpu.memory_space<vmem>>
      %dma_start3A_283 = arith.constant 0 : i32
      %dma_start3A_284 = arith.constant 0 : i32
      %dma_start3A_285 = tpu.memref_slice %arg3[%dma_start3A_283, %dma_start3A_284] : memref<102400x64xf32, #tpu.memory_space<hbm>> -> memref<102400x64xf32, #tpu.memory_space<hbm>>
      tpu.enqueue_indirect_dma source(%dma_start3A_285 : memref<102400x64xf32, #tpu.memory_space<hbm>>) target(%dma_start3A_280 : memref<104x64xf32, #tpu.memory_space<vmem>>) offsets(%dma_start3A_282 : memref<104xi32, #tpu.memory_space<vmem>>) semaphore(%arg27 : memref<!tpu.dma_semaphore, #tpu.memory_space<semaphore_mem>>) {add = true}
      %dma_start3A_286 = arith.constant 104 : i32
      %dma_start3A_287 = arith.constant 0 : i32
      %dma_start3A_288 = tpu.memref_slice %arg14[%dma_start3A_286, %dma_start3A_287] : memref<200x64xf32, #tpu.memory_space<vmem>> -> memref<96x64xf32, #tpu.memory_space<vmem>>
      %dma_start3A_289 = arith.constant 104 : i32
      %dma_start3A_290 = tpu.memref_slice %arg10[%dma_start3A_289] : memref<200xi32, #tpu.memory_space<vmem>> -> memref<96xi32, #tpu.memory_space<vmem>>
      %dma_start3A_291 = arith.constant 0 : i32
      %dma_start3A_292 = arith.constant 0 : i32
      %dma_start3A_293 = tpu.memref_slice %arg3[%dma_start3A_291, %dma_start3A_292] : memref<102400x64xf32, #tpu.memory_space<hbm>> -> memref<102400x64xf32, #tpu.memory_space<hbm>>
      tpu.enqueue_indirect_dma source(%dma_start3A_293 : memref<102400x64xf32, #tpu.memory_space<hbm>>) target(%dma_start3A_288 : memref<96x64xf32, #tpu.memory_space<vmem>>) offsets(%dma_start3A_290 : memref<96xi32, #tpu.memory_space<vmem>>) semaphore(%arg27 : memref<!tpu.dma_semaphore, #tpu.memory_space<semaphore_mem>>) {add = true}
      %lt3A_294 = arith.constant 22 : i32
      %lt3A_295 = arith.cmpi slt, %add3A_270, %lt3A_294 : i32
      %convert_element_type3A_296 = arith.extui %lt3A_295 : i1 to i32
      %cond3A_297 = arith.constant 0 : i32
      %cond3A_298 = arith.cmpi ne, %convert_element_type3A_296, %cond3A_297 : i32
      scf.if %cond3A_298 {
        %add3A_337 = arith.constant 2 : i32
        %add3A_338 = arith.addi %add3A_270, %add3A_337 : i32
        %add3A_339 = arith.constant 3328 : i32
        %add3A_340 = arith.addi %add3A_339, %mul3A_2 : i32
        %add3A_341 = arith.addi %add3A_340, %add3A_338 : i32
        %dma_start3A_342 = arith.constant 0 : i32
        %dma_start3A_343 = tpu.memref_slice %arg2[%add3A_341, %dma_start3A_342] : memref<4096x200xi32, #tpu.memory_space<hbm>> -> memref<1x200xi32, #tpu.memory_space<hbm>>
        %dma_start3A_344 = tpu.memref_squeeze %dma_start3A_343 : memref<1x200xi32, #tpu.memory_space<hbm>> -> memref<200xi32, #tpu.memory_space<hbm>>
        %dma_start3A_345 = arith.constant 0 : i32
        %dma_start3A_346 = tpu.memref_slice %arg2[%add3A_341, %dma_start3A_345] : memref<4096x200xi32, #tpu.memory_space<hbm>> -> memref<1x200xi32, #tpu.memory_space<hbm>>
        %dma_start3A_347 = tpu.memref_squeeze %dma_start3A_346 : memref<1x200xi32, #tpu.memory_space<hbm>> -> memref<200xi32, #tpu.memory_space<hbm>>
        tpu.enqueue_dma source(%dma_start3A_347 : memref<200xi32, #tpu.memory_space<hbm>>) target(%arg8 : memref<200xi32, #tpu.memory_space<vmem>>) target_semaphore(%arg16 : memref<!tpu.dma_semaphore, #tpu.memory_space<semaphore_mem>>)
      } else {
      }
      %ge3A_299 = arith.constant 2 : i32
      %ge3A_300 = arith.cmpi sge, %add3A_270, %ge3A_299 : i32
      %lt3A_301 = arith.constant 22 : i32
      %lt3A_302 = arith.cmpi slt, %add3A_270, %lt3A_301 : i32
      %and3A_303 = arith.andi %ge3A_300, %lt3A_302 : i1
      %convert_element_type3A_304 = arith.extui %and3A_303 : i1 to i32
      %cond3A_305 = arith.constant 0 : i32
      %cond3A_306 = arith.cmpi ne, %convert_element_type3A_304, %cond3A_305 : i32
      scf.if %cond3A_306 {
        %dma_wait3A_337 = arith.constant 0 : i32
        %dma_wait3A_338 = arith.constant 0 : i32
        %dma_wait3A_339 = arith.constant 0 : i32
        %dma_wait3A_340 = tpu.memref_slice %arg5[%dma_wait3A_337, %dma_wait3A_338, %dma_wait3A_339] : memref<768x200x64xf32, #tpu.memory_space<hbm>> -> memref<1x200x64xf32, #tpu.memory_space<hbm>>
        %dma_wait3A_341 = tpu.memref_squeeze %dma_wait3A_340 : memref<1x200x64xf32, #tpu.memory_space<hbm>> -> memref<200x64xf32, #tpu.memory_space<hbm>>
        %dma_wait3A_342 = arith.constant 0 : i32
        %dma_wait3A_343 = arith.constant 0 : i32
        %dma_wait3A_344 = tpu.memref_slice %arg5[%dma_wait3A_337, %dma_wait3A_342, %dma_wait3A_343] : memref<768x200x64xf32, #tpu.memory_space<hbm>> -> memref<1x200x64xf32, #tpu.memory_space<hbm>>
        %dma_wait3A_345 = tpu.memref_squeeze %dma_wait3A_344 : memref<1x200x64xf32, #tpu.memory_space<hbm>> -> memref<200x64xf32, #tpu.memory_space<hbm>>
        tpu.wait_dma2 semaphore(%arg24 : memref<!tpu.dma_semaphore, #tpu.memory_space<semaphore_mem>>) src(%arg12 : memref<200x64xf32, #tpu.memory_space<vmem>>) dst(%dma_wait3A_345 : memref<200x64xf32, #tpu.memory_space<hbm>>)
      } else {
      }
      %lt3A_307 = arith.constant 22 : i32
      %lt3A_308 = arith.cmpi slt, %add3A_270, %lt3A_307 : i32
      %convert_element_type3A_309 = arith.extui %lt3A_308 : i1 to i32
      %cond3A_310 = arith.constant 0 : i32
      %cond3A_311 = arith.cmpi ne, %convert_element_type3A_309, %cond3A_310 : i32
      scf.if %cond3A_311 {
        tpu.enqueue_dma source(%arg6 : memref<200x64xf32, #tpu.memory_space<vmem_shared>>) target(%arg12 : memref<200x64xf32, #tpu.memory_space<vmem>>) target_semaphore(%arg20 : memref<!tpu.dma_semaphore, #tpu.memory_space<semaphore_mem>>)
      } else {
      }
      %dma_wait3A_312 = arith.constant 0 : i32
      %dma_wait3A_313 = arith.constant 0 : i32
      %dma_wait3A_314 = tpu.memref_slice %arg14[%dma_wait3A_312, %dma_wait3A_313] : memref<200x64xf32, #tpu.memory_space<vmem>> -> memref<104x64xf32, #tpu.memory_space<vmem>>
      %dma_wait3A_315 = arith.constant 0 : i32
      %dma_wait3A_316 = tpu.memref_slice %arg10[%dma_wait3A_315] : memref<200xi32, #tpu.memory_space<vmem>> -> memref<104xi32, #tpu.memory_space<vmem>>
      %dma_wait3A_317 = arith.constant 0 : i32
      %dma_wait3A_318 = arith.constant 0 : i32
      %dma_wait3A_319 = tpu.memref_slice %arg3[%dma_wait3A_317, %dma_wait3A_318] : memref<102400x64xf32, #tpu.memory_space<hbm>> -> memref<102400x64xf32, #tpu.memory_space<hbm>>
      tpu.wait_indirect_dma semaphore(%arg27 : memref<!tpu.dma_semaphore, #tpu.memory_space<semaphore_mem>>) src(%dma_wait3A_319 : memref<102400x64xf32, #tpu.memory_space<hbm>>) dst(%dma_wait3A_314 : memref<104x64xf32, #tpu.memory_space<vmem>>)
      %dma_wait3A_320 = arith.constant 104 : i32
      %dma_wait3A_321 = arith.constant 0 : i32
      %dma_wait3A_322 = tpu.memref_slice %arg14[%dma_wait3A_320, %dma_wait3A_321] : memref<200x64xf32, #tpu.memory_space<vmem>> -> memref<96x64xf32, #tpu.memory_space<vmem>>
      %dma_wait3A_323 = arith.constant 104 : i32
      %dma_wait3A_324 = tpu.memref_slice %arg10[%dma_wait3A_323] : memref<200xi32, #tpu.memory_space<vmem>> -> memref<96xi32, #tpu.memory_space<vmem>>
      %dma_wait3A_325 = arith.constant 0 : i32
      %dma_wait3A_326 = arith.constant 0 : i32
      %dma_wait3A_327 = tpu.memref_slice %arg3[%dma_wait3A_325, %dma_wait3A_326] : memref<102400x64xf32, #tpu.memory_space<hbm>> -> memref<102400x64xf32, #tpu.memory_space<hbm>>
      tpu.wait_indirect_dma semaphore(%arg27 : memref<!tpu.dma_semaphore, #tpu.memory_space<semaphore_mem>>) src(%dma_wait3A_327 : memref<102400x64xf32, #tpu.memory_space<hbm>>) dst(%dma_wait3A_322 : memref<96x64xf32, #tpu.memory_space<vmem>>)
      %add3A_328 = arith.addi %mul3A_2, %add3A_270 : i32
      %dma_start3A_329 = arith.constant 0 : i32
      %dma_start3A_330 = arith.constant 0 : i32
      %dma_start3A_331 = tpu.memref_slice %arg5[%add3A_328, %dma_start3A_329, %dma_start3A_330] : memref<768x200x64xf32, #tpu.memory_space<hbm>> -> memref<1x200x64xf32, #tpu.memory_space<hbm>>
      %dma_start3A_332 = tpu.memref_squeeze %dma_start3A_331 : memref<1x200x64xf32, #tpu.memory_space<hbm>> -> memref<200x64xf32, #tpu.memory_space<hbm>>
      %dma_start3A_333 = arith.constant 0 : i32
      %dma_start3A_334 = arith.constant 0 : i32
      %dma_start3A_335 = tpu.memref_slice %arg5[%add3A_328, %dma_start3A_333, %dma_start3A_334] : memref<768x200x64xf32, #tpu.memory_space<hbm>> -> memref<1x200x64xf32, #tpu.memory_space<hbm>>
      %dma_start3A_336 = tpu.memref_squeeze %dma_start3A_335 : memref<1x200x64xf32, #tpu.memory_space<hbm>> -> memref<200x64xf32, #tpu.memory_space<hbm>>
      tpu.enqueue_dma source(%arg14 : memref<200x64xf32, #tpu.memory_space<vmem>>) target(%dma_start3A_336 : memref<200x64xf32, #tpu.memory_space<hbm>>) target_semaphore(%arg26 : memref<!tpu.dma_semaphore, #tpu.memory_space<semaphore_mem>>)
    }
    %scan3A_27 = arith.constant 6 : i32
    %dma_wait3A = arith.constant 0 : i32
    %dma_wait3A_28 = arith.constant 0 : i32
    %dma_wait3A_29 = arith.constant 0 : i32
    %dma_wait3A_30 = tpu.memref_slice %arg5[%dma_wait3A, %dma_wait3A_28, %dma_wait3A_29] : memref<768x200x64xf32, #tpu.memory_space<hbm>> -> memref<1x200x64xf32, #tpu.memory_space<hbm>>
    %dma_wait3A_31 = tpu.memref_squeeze %dma_wait3A_30 : memref<1x200x64xf32, #tpu.memory_space<hbm>> -> memref<200x64xf32, #tpu.memory_space<hbm>>
    %dma_wait3A_32 = arith.constant 0 : i32
    %dma_wait3A_33 = arith.constant 0 : i32
    %dma_wait3A_34 = tpu.memref_slice %arg5[%dma_wait3A, %dma_wait3A_32, %dma_wait3A_33] : memref<768x200x64xf32, #tpu.memory_space<hbm>> -> memref<1x200x64xf32, #tpu.memory_space<hbm>>
    %dma_wait3A_35 = tpu.memref_squeeze %dma_wait3A_34 : memref<1x200x64xf32, #tpu.memory_space<hbm>> -> memref<200x64xf32, #tpu.memory_space<hbm>>
    tpu.wait_dma2 semaphore(%arg23 : memref<!tpu.dma_semaphore, #tpu.memory_space<semaphore_mem>>) src(%arg11 : memref<200x64xf32, #tpu.memory_space<vmem>>) dst(%dma_wait3A_35 : memref<200x64xf32, #tpu.memory_space<hbm>>)
    %dma_wait3A_36 = arith.constant 0 : i32
    %dma_wait3A_37 = arith.constant 0 : i32
    %dma_wait3A_38 = arith.constant 0 : i32
    %dma_wait3A_39 = tpu.memref_slice %arg5[%dma_wait3A_36, %dma_wait3A_37, %dma_wait3A_38] : memref<768x200x64xf32, #tpu.memory_space<hbm>> -> memref<1x200x64xf32, #tpu.memory_space<hbm>>
    %dma_wait3A_40 = tpu.memref_squeeze %dma_wait3A_39 : memref<1x200x64xf32, #tpu.memory_space<hbm>> -> memref<200x64xf32, #tpu.memory_space<hbm>>
    %dma_wait3A_41 = arith.constant 0 : i32
    %dma_wait3A_42 = arith.constant 0 : i32
    %dma_wait3A_43 = tpu.memref_slice %arg5[%dma_wait3A_36, %dma_wait3A_41, %dma_wait3A_42] : memref<768x200x64xf32, #tpu.memory_space<hbm>> -> memref<1x200x64xf32, #tpu.memory_space<hbm>>
    %dma_wait3A_44 = tpu.memref_squeeze %dma_wait3A_43 : memref<1x200x64xf32, #tpu.memory_space<hbm>> -> memref<200x64xf32, #tpu.memory_space<hbm>>
    tpu.wait_dma2 semaphore(%arg24 : memref<!tpu.dma_semaphore, #tpu.memory_space<semaphore_mem>>) src(%arg12 : memref<200x64xf32, #tpu.memory_space<vmem>>) dst(%dma_wait3A_44 : memref<200x64xf32, #tpu.memory_space<hbm>>)
    %dma_wait3A_45 = arith.constant 0 : i32
    %dma_wait3A_46 = arith.constant 0 : i32
    %dma_wait3A_47 = arith.constant 0 : i32
    %dma_wait3A_48 = tpu.memref_slice %arg5[%dma_wait3A_45, %dma_wait3A_46, %dma_wait3A_47] : memref<768x200x64xf32, #tpu.memory_space<hbm>> -> memref<1x200x64xf32, #tpu.memory_space<hbm>>
    %dma_wait3A_49 = tpu.memref_squeeze %dma_wait3A_48 : memref<1x200x64xf32, #tpu.memory_space<hbm>> -> memref<200x64xf32, #tpu.memory_space<hbm>>
    %dma_wait3A_50 = arith.constant 0 : i32
    %dma_wait3A_51 = arith.constant 0 : i32
    %dma_wait3A_52 = tpu.memref_slice %arg5[%dma_wait3A_45, %dma_wait3A_50, %dma_wait3A_51] : memref<768x200x64xf32, #tpu.memory_space<hbm>> -> memref<1x200x64xf32, #tpu.memory_space<hbm>>
    %dma_wait3A_53 = tpu.memref_squeeze %dma_wait3A_52 : memref<1x200x64xf32, #tpu.memory_space<hbm>> -> memref<200x64xf32, #tpu.memory_space<hbm>>
    tpu.wait_dma2 semaphore(%arg25 : memref<!tpu.dma_semaphore, #tpu.memory_space<semaphore_mem>>) src(%arg13 : memref<200x64xf32, #tpu.memory_space<vmem>>) dst(%dma_wait3A_53 : memref<200x64xf32, #tpu.memory_space<hbm>>)
    %dma_wait3A_54 = arith.constant 0 : i32
    %dma_wait3A_55 = arith.constant 0 : i32
    %dma_wait3A_56 = arith.constant 0 : i32
    %dma_wait3A_57 = tpu.memref_slice %arg5[%dma_wait3A_54, %dma_wait3A_55, %dma_wait3A_56] : memref<768x200x64xf32, #tpu.memory_space<hbm>> -> memref<1x200x64xf32, #tpu.memory_space<hbm>>
    %dma_wait3A_58 = tpu.memref_squeeze %dma_wait3A_57 : memref<1x200x64xf32, #tpu.memory_space<hbm>> -> memref<200x64xf32, #tpu.memory_space<hbm>>
    %dma_wait3A_59 = arith.constant 0 : i32
    %dma_wait3A_60 = arith.constant 0 : i32
    %dma_wait3A_61 = tpu.memref_slice %arg5[%dma_wait3A_54, %dma_wait3A_59, %dma_wait3A_60] : memref<768x200x64xf32, #tpu.memory_space<hbm>> -> memref<1x200x64xf32, #tpu.memory_space<hbm>>
    %dma_wait3A_62 = tpu.memref_squeeze %dma_wait3A_61 : memref<1x200x64xf32, #tpu.memory_space<hbm>> -> memref<200x64xf32, #tpu.memory_space<hbm>>
    tpu.wait_dma2 semaphore(%arg26 : memref<!tpu.dma_semaphore, #tpu.memory_space<semaphore_mem>>) src(%arg14 : memref<200x64xf32, #tpu.memory_space<vmem>>) dst(%dma_wait3A_62 : memref<200x64xf32, #tpu.memory_space<hbm>>)
    return
  }
}

#map = affine_map<(d0, d1) -> (0, 0)>
#map1 = affine_map<(d0, d1) -> (0, 0, 0)>
module attributes {stable_mosaic.version = 14 : i64} {
  func.func @sc_gather_1(%arg0: i32, %arg1: i32, %arg2: memref<4096x200xi32, #tpu.memory_space<hbm>>, %arg3: memref<102400x64xf32, #tpu.memory_space<hbm>>, %arg4: memref<200x64xf32, #tpu.memory_space<hbm>>, %arg5: memref<1280x200x64xf32, #tpu.memory_space<hbm>>, %arg6: memref<200x64xf32, #tpu.memory_space<vmem_shared>>, %arg7: memref<200xi32, #tpu.memory_space<vmem>>, %arg8: memref<200xi32, #tpu.memory_space<vmem>>, %arg9: memref<200xi32, #tpu.memory_space<vmem>>, %arg10: memref<200xi32, #tpu.memory_space<vmem>>, %arg11: memref<200x64xf32, #tpu.memory_space<vmem>>, %arg12: memref<200x64xf32, #tpu.memory_space<vmem>>, %arg13: memref<200x64xf32, #tpu.memory_space<vmem>>, %arg14: memref<200x64xf32, #tpu.memory_space<vmem>>, %arg15: memref<!tpu.dma_semaphore, #tpu.memory_space<semaphore_mem>>, %arg16: memref<!tpu.dma_semaphore, #tpu.memory_space<semaphore_mem>>, %arg17: memref<!tpu.dma_semaphore, #tpu.memory_space<semaphore_mem>>, %arg18: memref<!tpu.dma_semaphore, #tpu.memory_space<semaphore_mem>>, %arg19: memref<!tpu.dma_semaphore, #tpu.memory_space<semaphore_mem>>, %arg20: memref<!tpu.dma_semaphore, #tpu.memory_space<semaphore_mem>>, %arg21: memref<!tpu.dma_semaphore, #tpu.memory_space<semaphore_mem>>, %arg22: memref<!tpu.dma_semaphore, #tpu.memory_space<semaphore_mem>>, %arg23: memref<!tpu.dma_semaphore, #tpu.memory_space<semaphore_mem>>, %arg24: memref<!tpu.dma_semaphore, #tpu.memory_space<semaphore_mem>>, %arg25: memref<!tpu.dma_semaphore, #tpu.memory_space<semaphore_mem>>, %arg26: memref<!tpu.dma_semaphore, #tpu.memory_space<semaphore_mem>>, %arg27: memref<!tpu.dma_semaphore, #tpu.memory_space<semaphore_mem>>) attributes {dimension_semantics = [#tpu.dimension_semantics<core_parallel>, #tpu.dimension_semantics<subcore_parallel>], iteration_bounds = array<i64: 2, 16>, scalar_prefetch = 0 : i64, scratch_operands = 22 : i64, tpu.core_type = #tpu.core_type<sc_vector_subcore>, window_params = [{transform_indices = #map}, {transform_indices = #map}, {transform_indices = #map}, {transform_indices = #map1}]} {
    %mul3A = arith.constant 2 : i32
    %mul3A_0 = arith.muli %arg1, %mul3A : i32
    %add3A = arith.addi %mul3A_0, %arg0 : i32
    %mul3A_1 = arith.constant 40 : i32
    %mul3A_2 = arith.muli %add3A, %mul3A_1 : i32
    %eq3A = arith.constant 0 : i32
    %eq3A_3 = arith.cmpi eq, %arg1, %eq3A : i32
    %convert_element_type3A = arith.extui %eq3A_3 : i1 to i32
    %cond3A = arith.constant 0 : i32
    %cond3A_4 = arith.cmpi ne, %convert_element_type3A, %cond3A : i32
    scf.if %cond3A_4 {
      "tpu.region"() ({
        %run_scoped3A = tpu.sem_alloc : memref<!tpu.dma_semaphore, #tpu.memory_space<semaphore_mem>>
        tpu.enqueue_dma source(%arg4 : memref<200x64xf32, #tpu.memory_space<hbm>>) target(%arg6 : memref<200x64xf32, #tpu.memory_space<vmem_shared>>) target_semaphore(%run_scoped3A : memref<!tpu.dma_semaphore, #tpu.memory_space<semaphore_mem>>)
        tpu.wait_dma2 semaphore(%run_scoped3A : memref<!tpu.dma_semaphore, #tpu.memory_space<semaphore_mem>>) src(%arg4 : memref<200x64xf32, #tpu.memory_space<hbm>>) dst(%arg6 : memref<200x64xf32, #tpu.memory_space<vmem_shared>>)
        tpu.yield
      }) : () -> ()
    } else {
    }
    %barrier3A = arith.constant 0 : index
    tpu.barrier barrier_id(%barrier3A)
    %add3A_5 = arith.constant 768 : i32
    %add3A_6 = arith.addi %add3A_5, %mul3A_2 : i32
    %add3A_7 = arith.constant 0 : i32
    %add3A_8 = arith.addi %add3A_6, %add3A_7 : i32
    %dma_start3A = arith.constant 0 : i32
    %dma_start3A_9 = tpu.memref_slice %arg2[%add3A_8, %dma_start3A] : memref<4096x200xi32, #tpu.memory_space<hbm>> -> memref<1x200xi32, #tpu.memory_space<hbm>>
    %dma_start3A_10 = tpu.memref_squeeze %dma_start3A_9 : memref<1x200xi32, #tpu.memory_space<hbm>> -> memref<200xi32, #tpu.memory_space<hbm>>
    %dma_start3A_11 = arith.constant 0 : i32
    %dma_start3A_12 = tpu.memref_slice %arg2[%add3A_8, %dma_start3A_11] : memref<4096x200xi32, #tpu.memory_space<hbm>> -> memref<1x200xi32, #tpu.memory_space<hbm>>
    %dma_start3A_13 = tpu.memref_squeeze %dma_start3A_12 : memref<1x200xi32, #tpu.memory_space<hbm>> -> memref<200xi32, #tpu.memory_space<hbm>>
    tpu.enqueue_dma source(%dma_start3A_13 : memref<200xi32, #tpu.memory_space<hbm>>) target(%arg7 : memref<200xi32, #tpu.memory_space<vmem>>) target_semaphore(%arg15 : memref<!tpu.dma_semaphore, #tpu.memory_space<semaphore_mem>>)
    tpu.enqueue_dma source(%arg6 : memref<200x64xf32, #tpu.memory_space<vmem_shared>>) target(%arg11 : memref<200x64xf32, #tpu.memory_space<vmem>>) target_semaphore(%arg19 : memref<!tpu.dma_semaphore, #tpu.memory_space<semaphore_mem>>)
    %add3A_14 = arith.constant 768 : i32
    %add3A_15 = arith.addi %add3A_14, %mul3A_2 : i32
    %add3A_16 = arith.constant 1 : i32
    %add3A_17 = arith.addi %add3A_15, %add3A_16 : i32
    %dma_start3A_18 = arith.constant 0 : i32
    %dma_start3A_19 = tpu.memref_slice %arg2[%add3A_17, %dma_start3A_18] : memref<4096x200xi32, #tpu.memory_space<hbm>> -> memref<1x200xi32, #tpu.memory_space<hbm>>
    %dma_start3A_20 = tpu.memref_squeeze %dma_start3A_19 : memref<1x200xi32, #tpu.memory_space<hbm>> -> memref<200xi32, #tpu.memory_space<hbm>>
    %dma_start3A_21 = arith.constant 0 : i32
    %dma_start3A_22 = tpu.memref_slice %arg2[%add3A_17, %dma_start3A_21] : memref<4096x200xi32, #tpu.memory_space<hbm>> -> memref<1x200xi32, #tpu.memory_space<hbm>>
    %dma_start3A_23 = tpu.memref_squeeze %dma_start3A_22 : memref<1x200xi32, #tpu.memory_space<hbm>> -> memref<200xi32, #tpu.memory_space<hbm>>
    tpu.enqueue_dma source(%dma_start3A_23 : memref<200xi32, #tpu.memory_space<hbm>>) target(%arg8 : memref<200xi32, #tpu.memory_space<vmem>>) target_semaphore(%arg16 : memref<!tpu.dma_semaphore, #tpu.memory_space<semaphore_mem>>)
    tpu.enqueue_dma source(%arg6 : memref<200x64xf32, #tpu.memory_space<vmem_shared>>) target(%arg12 : memref<200x64xf32, #tpu.memory_space<vmem>>) target_semaphore(%arg20 : memref<!tpu.dma_semaphore, #tpu.memory_space<semaphore_mem>>)
    %scan3A = arith.constant 0 : i32
    %scan3A_24 = arith.constant 10 : i32
    %scan3A_25 = arith.addi %scan3A, %scan3A_24 : i32
    %scan3A_26 = arith.constant 1 : i32
    scf.for %scan3A_63 = %scan3A to %scan3A_25 step %scan3A_26  : i32 {
      %mul3A_64 = arith.constant 4 : i32
      %mul3A_65 = arith.muli %scan3A_63, %mul3A_64 : i32
      %add3A_66 = arith.constant 0 : i32
      %add3A_67 = arith.addi %add3A_66, %mul3A_65 : i32
      %add3A_68 = arith.constant 0 : i32
      %add3A_69 = arith.addi %add3A_67, %add3A_68 : i32
      %dma_wait3A_70 = arith.constant 0 : i32
      %dma_wait3A_71 = arith.constant 0 : i32
      %dma_wait3A_72 = tpu.memref_slice %arg2[%dma_wait3A_70, %dma_wait3A_71] : memref<4096x200xi32, #tpu.memory_space<hbm>> -> memref<1x200xi32, #tpu.memory_space<hbm>>
      %dma_wait3A_73 = tpu.memref_squeeze %dma_wait3A_72 : memref<1x200xi32, #tpu.memory_space<hbm>> -> memref<200xi32, #tpu.memory_space<hbm>>
      %dma_wait3A_74 = arith.constant 0 : i32
      %dma_wait3A_75 = tpu.memref_slice %arg2[%dma_wait3A_70, %dma_wait3A_74] : memref<4096x200xi32, #tpu.memory_space<hbm>> -> memref<1x200xi32, #tpu.memory_space<hbm>>
      %dma_wait3A_76 = tpu.memref_squeeze %dma_wait3A_75 : memref<1x200xi32, #tpu.memory_space<hbm>> -> memref<200xi32, #tpu.memory_space<hbm>>
      tpu.wait_dma2 semaphore(%arg15 : memref<!tpu.dma_semaphore, #tpu.memory_space<semaphore_mem>>) src(%dma_wait3A_76 : memref<200xi32, #tpu.memory_space<hbm>>) dst(%arg7 : memref<200xi32, #tpu.memory_space<vmem>>)
      tpu.wait_dma2 semaphore(%arg19 : memref<!tpu.dma_semaphore, #tpu.memory_space<semaphore_mem>>) src(%arg6 : memref<200x64xf32, #tpu.memory_space<vmem_shared>>) dst(%arg11 : memref<200x64xf32, #tpu.memory_space<vmem>>)
      %dma_start3A_77 = arith.constant 0 : i32
      %dma_start3A_78 = arith.constant 0 : i32
      %dma_start3A_79 = tpu.memref_slice %arg11[%dma_start3A_77, %dma_start3A_78] : memref<200x64xf32, #tpu.memory_space<vmem>> -> memref<104x64xf32, #tpu.memory_space<vmem>>
      %dma_start3A_80 = arith.constant 0 : i32
      %dma_start3A_81 = tpu.memref_slice %arg7[%dma_start3A_80] : memref<200xi32, #tpu.memory_space<vmem>> -> memref<104xi32, #tpu.memory_space<vmem>>
      %dma_start3A_82 = arith.constant 0 : i32
      %dma_start3A_83 = arith.constant 0 : i32
      %dma_start3A_84 = tpu.memref_slice %arg3[%dma_start3A_82, %dma_start3A_83] : memref<102400x64xf32, #tpu.memory_space<hbm>> -> memref<102400x64xf32, #tpu.memory_space<hbm>>
      tpu.enqueue_indirect_dma source(%dma_start3A_84 : memref<102400x64xf32, #tpu.memory_space<hbm>>) target(%dma_start3A_79 : memref<104x64xf32, #tpu.memory_space<vmem>>) offsets(%dma_start3A_81 : memref<104xi32, #tpu.memory_space<vmem>>) semaphore(%arg27 : memref<!tpu.dma_semaphore, #tpu.memory_space<semaphore_mem>>) {add = true}
      %dma_start3A_85 = arith.constant 104 : i32
      %dma_start3A_86 = arith.constant 0 : i32
      %dma_start3A_87 = tpu.memref_slice %arg11[%dma_start3A_85, %dma_start3A_86] : memref<200x64xf32, #tpu.memory_space<vmem>> -> memref<96x64xf32, #tpu.memory_space<vmem>>
      %dma_start3A_88 = arith.constant 104 : i32
      %dma_start3A_89 = tpu.memref_slice %arg7[%dma_start3A_88] : memref<200xi32, #tpu.memory_space<vmem>> -> memref<96xi32, #tpu.memory_space<vmem>>
      %dma_start3A_90 = arith.constant 0 : i32
      %dma_start3A_91 = arith.constant 0 : i32
      %dma_start3A_92 = tpu.memref_slice %arg3[%dma_start3A_90, %dma_start3A_91] : memref<102400x64xf32, #tpu.memory_space<hbm>> -> memref<102400x64xf32, #tpu.memory_space<hbm>>
      tpu.enqueue_indirect_dma source(%dma_start3A_92 : memref<102400x64xf32, #tpu.memory_space<hbm>>) target(%dma_start3A_87 : memref<96x64xf32, #tpu.memory_space<vmem>>) offsets(%dma_start3A_89 : memref<96xi32, #tpu.memory_space<vmem>>) semaphore(%arg27 : memref<!tpu.dma_semaphore, #tpu.memory_space<semaphore_mem>>) {add = true}
      %lt3A = arith.constant 38 : i32
      %lt3A_93 = arith.cmpi slt, %add3A_69, %lt3A : i32
      %convert_element_type3A_94 = arith.extui %lt3A_93 : i1 to i32
      %cond3A_95 = arith.constant 0 : i32
      %cond3A_96 = arith.cmpi ne, %convert_element_type3A_94, %cond3A_95 : i32
      scf.if %cond3A_96 {
        %add3A_337 = arith.constant 2 : i32
        %add3A_338 = arith.addi %add3A_69, %add3A_337 : i32
        %add3A_339 = arith.constant 768 : i32
        %add3A_340 = arith.addi %add3A_339, %mul3A_2 : i32
        %add3A_341 = arith.addi %add3A_340, %add3A_338 : i32
        %dma_start3A_342 = arith.constant 0 : i32
        %dma_start3A_343 = tpu.memref_slice %arg2[%add3A_341, %dma_start3A_342] : memref<4096x200xi32, #tpu.memory_space<hbm>> -> memref<1x200xi32, #tpu.memory_space<hbm>>
        %dma_start3A_344 = tpu.memref_squeeze %dma_start3A_343 : memref<1x200xi32, #tpu.memory_space<hbm>> -> memref<200xi32, #tpu.memory_space<hbm>>
        %dma_start3A_345 = arith.constant 0 : i32
        %dma_start3A_346 = tpu.memref_slice %arg2[%add3A_341, %dma_start3A_345] : memref<4096x200xi32, #tpu.memory_space<hbm>> -> memref<1x200xi32, #tpu.memory_space<hbm>>
        %dma_start3A_347 = tpu.memref_squeeze %dma_start3A_346 : memref<1x200xi32, #tpu.memory_space<hbm>> -> memref<200xi32, #tpu.memory_space<hbm>>
        tpu.enqueue_dma source(%dma_start3A_347 : memref<200xi32, #tpu.memory_space<hbm>>) target(%arg9 : memref<200xi32, #tpu.memory_space<vmem>>) target_semaphore(%arg17 : memref<!tpu.dma_semaphore, #tpu.memory_space<semaphore_mem>>)
      } else {
      }
      %ge3A = arith.constant 2 : i32
      %ge3A_97 = arith.cmpi sge, %add3A_69, %ge3A : i32
      %lt3A_98 = arith.constant 38 : i32
      %lt3A_99 = arith.cmpi slt, %add3A_69, %lt3A_98 : i32
      %and3A = arith.andi %ge3A_97, %lt3A_99 : i1
      %convert_element_type3A_100 = arith.extui %and3A : i1 to i32
      %cond3A_101 = arith.constant 0 : i32
      %cond3A_102 = arith.cmpi ne, %convert_element_type3A_100, %cond3A_101 : i32
      scf.if %cond3A_102 {
        %dma_wait3A_337 = arith.constant 0 : i32
        %dma_wait3A_338 = arith.constant 0 : i32
        %dma_wait3A_339 = arith.constant 0 : i32
        %dma_wait3A_340 = tpu.memref_slice %arg5[%dma_wait3A_337, %dma_wait3A_338, %dma_wait3A_339] : memref<1280x200x64xf32, #tpu.memory_space<hbm>> -> memref<1x200x64xf32, #tpu.memory_space<hbm>>
        %dma_wait3A_341 = tpu.memref_squeeze %dma_wait3A_340 : memref<1x200x64xf32, #tpu.memory_space<hbm>> -> memref<200x64xf32, #tpu.memory_space<hbm>>
        %dma_wait3A_342 = arith.constant 0 : i32
        %dma_wait3A_343 = arith.constant 0 : i32
        %dma_wait3A_344 = tpu.memref_slice %arg5[%dma_wait3A_337, %dma_wait3A_342, %dma_wait3A_343] : memref<1280x200x64xf32, #tpu.memory_space<hbm>> -> memref<1x200x64xf32, #tpu.memory_space<hbm>>
        %dma_wait3A_345 = tpu.memref_squeeze %dma_wait3A_344 : memref<1x200x64xf32, #tpu.memory_space<hbm>> -> memref<200x64xf32, #tpu.memory_space<hbm>>
        tpu.wait_dma2 semaphore(%arg25 : memref<!tpu.dma_semaphore, #tpu.memory_space<semaphore_mem>>) src(%arg13 : memref<200x64xf32, #tpu.memory_space<vmem>>) dst(%dma_wait3A_345 : memref<200x64xf32, #tpu.memory_space<hbm>>)
      } else {
      }
      %lt3A_103 = arith.constant 38 : i32
      %lt3A_104 = arith.cmpi slt, %add3A_69, %lt3A_103 : i32
      %convert_element_type3A_105 = arith.extui %lt3A_104 : i1 to i32
      %cond3A_106 = arith.constant 0 : i32
      %cond3A_107 = arith.cmpi ne, %convert_element_type3A_105, %cond3A_106 : i32
      scf.if %cond3A_107 {
        tpu.enqueue_dma source(%arg6 : memref<200x64xf32, #tpu.memory_space<vmem_shared>>) target(%arg13 : memref<200x64xf32, #tpu.memory_space<vmem>>) target_semaphore(%arg21 : memref<!tpu.dma_semaphore, #tpu.memory_space<semaphore_mem>>)
      } else {
      }
      %dma_wait3A_108 = arith.constant 0 : i32
      %dma_wait3A_109 = arith.constant 0 : i32
      %dma_wait3A_110 = tpu.memref_slice %arg11[%dma_wait3A_108, %dma_wait3A_109] : memref<200x64xf32, #tpu.memory_space<vmem>> -> memref<104x64xf32, #tpu.memory_space<vmem>>
      %dma_wait3A_111 = arith.constant 0 : i32
      %dma_wait3A_112 = tpu.memref_slice %arg7[%dma_wait3A_111] : memref<200xi32, #tpu.memory_space<vmem>> -> memref<104xi32, #tpu.memory_space<vmem>>
      %dma_wait3A_113 = arith.constant 0 : i32
      %dma_wait3A_114 = arith.constant 0 : i32
      %dma_wait3A_115 = tpu.memref_slice %arg3[%dma_wait3A_113, %dma_wait3A_114] : memref<102400x64xf32, #tpu.memory_space<hbm>> -> memref<102400x64xf32, #tpu.memory_space<hbm>>
      tpu.wait_indirect_dma semaphore(%arg27 : memref<!tpu.dma_semaphore, #tpu.memory_space<semaphore_mem>>) src(%dma_wait3A_115 : memref<102400x64xf32, #tpu.memory_space<hbm>>) dst(%dma_wait3A_110 : memref<104x64xf32, #tpu.memory_space<vmem>>)
      %dma_wait3A_116 = arith.constant 104 : i32
      %dma_wait3A_117 = arith.constant 0 : i32
      %dma_wait3A_118 = tpu.memref_slice %arg11[%dma_wait3A_116, %dma_wait3A_117] : memref<200x64xf32, #tpu.memory_space<vmem>> -> memref<96x64xf32, #tpu.memory_space<vmem>>
      %dma_wait3A_119 = arith.constant 104 : i32
      %dma_wait3A_120 = tpu.memref_slice %arg7[%dma_wait3A_119] : memref<200xi32, #tpu.memory_space<vmem>> -> memref<96xi32, #tpu.memory_space<vmem>>
      %dma_wait3A_121 = arith.constant 0 : i32
      %dma_wait3A_122 = arith.constant 0 : i32
      %dma_wait3A_123 = tpu.memref_slice %arg3[%dma_wait3A_121, %dma_wait3A_122] : memref<102400x64xf32, #tpu.memory_space<hbm>> -> memref<102400x64xf32, #tpu.memory_space<hbm>>
      tpu.wait_indirect_dma semaphore(%arg27 : memref<!tpu.dma_semaphore, #tpu.memory_space<semaphore_mem>>) src(%dma_wait3A_123 : memref<102400x64xf32, #tpu.memory_space<hbm>>) dst(%dma_wait3A_118 : memref<96x64xf32, #tpu.memory_space<vmem>>)
      %add3A_124 = arith.addi %mul3A_2, %add3A_69 : i32
      %dma_start3A_125 = arith.constant 0 : i32
      %dma_start3A_126 = arith.constant 0 : i32
      %dma_start3A_127 = tpu.memref_slice %arg5[%add3A_124, %dma_start3A_125, %dma_start3A_126] : memref<1280x200x64xf32, #tpu.memory_space<hbm>> -> memref<1x200x64xf32, #tpu.memory_space<hbm>>
      %dma_start3A_128 = tpu.memref_squeeze %dma_start3A_127 : memref<1x200x64xf32, #tpu.memory_space<hbm>> -> memref<200x64xf32, #tpu.memory_space<hbm>>
      %dma_start3A_129 = arith.constant 0 : i32
      %dma_start3A_130 = arith.constant 0 : i32
      %dma_start3A_131 = tpu.memref_slice %arg5[%add3A_124, %dma_start3A_129, %dma_start3A_130] : memref<1280x200x64xf32, #tpu.memory_space<hbm>> -> memref<1x200x64xf32, #tpu.memory_space<hbm>>
      %dma_start3A_132 = tpu.memref_squeeze %dma_start3A_131 : memref<1x200x64xf32, #tpu.memory_space<hbm>> -> memref<200x64xf32, #tpu.memory_space<hbm>>
      tpu.enqueue_dma source(%arg11 : memref<200x64xf32, #tpu.memory_space<vmem>>) target(%dma_start3A_132 : memref<200x64xf32, #tpu.memory_space<hbm>>) target_semaphore(%arg23 : memref<!tpu.dma_semaphore, #tpu.memory_space<semaphore_mem>>)
      %add3A_133 = arith.constant 1 : i32
      %add3A_134 = arith.addi %add3A_67, %add3A_133 : i32
      %dma_wait3A_135 = arith.constant 0 : i32
      %dma_wait3A_136 = arith.constant 0 : i32
      %dma_wait3A_137 = tpu.memref_slice %arg2[%dma_wait3A_135, %dma_wait3A_136] : memref<4096x200xi32, #tpu.memory_space<hbm>> -> memref<1x200xi32, #tpu.memory_space<hbm>>
      %dma_wait3A_138 = tpu.memref_squeeze %dma_wait3A_137 : memref<1x200xi32, #tpu.memory_space<hbm>> -> memref<200xi32, #tpu.memory_space<hbm>>
      %dma_wait3A_139 = arith.constant 0 : i32
      %dma_wait3A_140 = tpu.memref_slice %arg2[%dma_wait3A_135, %dma_wait3A_139] : memref<4096x200xi32, #tpu.memory_space<hbm>> -> memref<1x200xi32, #tpu.memory_space<hbm>>
      %dma_wait3A_141 = tpu.memref_squeeze %dma_wait3A_140 : memref<1x200xi32, #tpu.memory_space<hbm>> -> memref<200xi32, #tpu.memory_space<hbm>>
      tpu.wait_dma2 semaphore(%arg16 : memref<!tpu.dma_semaphore, #tpu.memory_space<semaphore_mem>>) src(%dma_wait3A_141 : memref<200xi32, #tpu.memory_space<hbm>>) dst(%arg8 : memref<200xi32, #tpu.memory_space<vmem>>)
      tpu.wait_dma2 semaphore(%arg20 : memref<!tpu.dma_semaphore, #tpu.memory_space<semaphore_mem>>) src(%arg6 : memref<200x64xf32, #tpu.memory_space<vmem_shared>>) dst(%arg12 : memref<200x64xf32, #tpu.memory_space<vmem>>)
      %dma_start3A_142 = arith.constant 0 : i32
      %dma_start3A_143 = arith.constant 0 : i32
      %dma_start3A_144 = tpu.memref_slice %arg12[%dma_start3A_142, %dma_start3A_143] : memref<200x64xf32, #tpu.memory_space<vmem>> -> memref<104x64xf32, #tpu.memory_space<vmem>>
      %dma_start3A_145 = arith.constant 0 : i32
      %dma_start3A_146 = tpu.memref_slice %arg8[%dma_start3A_145] : memref<200xi32, #tpu.memory_space<vmem>> -> memref<104xi32, #tpu.memory_space<vmem>>
      %dma_start3A_147 = arith.constant 0 : i32
      %dma_start3A_148 = arith.constant 0 : i32
      %dma_start3A_149 = tpu.memref_slice %arg3[%dma_start3A_147, %dma_start3A_148] : memref<102400x64xf32, #tpu.memory_space<hbm>> -> memref<102400x64xf32, #tpu.memory_space<hbm>>
      tpu.enqueue_indirect_dma source(%dma_start3A_149 : memref<102400x64xf32, #tpu.memory_space<hbm>>) target(%dma_start3A_144 : memref<104x64xf32, #tpu.memory_space<vmem>>) offsets(%dma_start3A_146 : memref<104xi32, #tpu.memory_space<vmem>>) semaphore(%arg27 : memref<!tpu.dma_semaphore, #tpu.memory_space<semaphore_mem>>) {add = true}
      %dma_start3A_150 = arith.constant 104 : i32
      %dma_start3A_151 = arith.constant 0 : i32
      %dma_start3A_152 = tpu.memref_slice %arg12[%dma_start3A_150, %dma_start3A_151] : memref<200x64xf32, #tpu.memory_space<vmem>> -> memref<96x64xf32, #tpu.memory_space<vmem>>
      %dma_start3A_153 = arith.constant 104 : i32
      %dma_start3A_154 = tpu.memref_slice %arg8[%dma_start3A_153] : memref<200xi32, #tpu.memory_space<vmem>> -> memref<96xi32, #tpu.memory_space<vmem>>
      %dma_start3A_155 = arith.constant 0 : i32
      %dma_start3A_156 = arith.constant 0 : i32
      %dma_start3A_157 = tpu.memref_slice %arg3[%dma_start3A_155, %dma_start3A_156] : memref<102400x64xf32, #tpu.memory_space<hbm>> -> memref<102400x64xf32, #tpu.memory_space<hbm>>
      tpu.enqueue_indirect_dma source(%dma_start3A_157 : memref<102400x64xf32, #tpu.memory_space<hbm>>) target(%dma_start3A_152 : memref<96x64xf32, #tpu.memory_space<vmem>>) offsets(%dma_start3A_154 : memref<96xi32, #tpu.memory_space<vmem>>) semaphore(%arg27 : memref<!tpu.dma_semaphore, #tpu.memory_space<semaphore_mem>>) {add = true}
      %lt3A_158 = arith.constant 38 : i32
      %lt3A_159 = arith.cmpi slt, %add3A_134, %lt3A_158 : i32
      %convert_element_type3A_160 = arith.extui %lt3A_159 : i1 to i32
      %cond3A_161 = arith.constant 0 : i32
      %cond3A_162 = arith.cmpi ne, %convert_element_type3A_160, %cond3A_161 : i32
      scf.if %cond3A_162 {
        %add3A_337 = arith.constant 2 : i32
        %add3A_338 = arith.addi %add3A_134, %add3A_337 : i32
        %add3A_339 = arith.constant 768 : i32
        %add3A_340 = arith.addi %add3A_339, %mul3A_2 : i32
        %add3A_341 = arith.addi %add3A_340, %add3A_338 : i32
        %dma_start3A_342 = arith.constant 0 : i32
        %dma_start3A_343 = tpu.memref_slice %arg2[%add3A_341, %dma_start3A_342] : memref<4096x200xi32, #tpu.memory_space<hbm>> -> memref<1x200xi32, #tpu.memory_space<hbm>>
        %dma_start3A_344 = tpu.memref_squeeze %dma_start3A_343 : memref<1x200xi32, #tpu.memory_space<hbm>> -> memref<200xi32, #tpu.memory_space<hbm>>
        %dma_start3A_345 = arith.constant 0 : i32
        %dma_start3A_346 = tpu.memref_slice %arg2[%add3A_341, %dma_start3A_345] : memref<4096x200xi32, #tpu.memory_space<hbm>> -> memref<1x200xi32, #tpu.memory_space<hbm>>
        %dma_start3A_347 = tpu.memref_squeeze %dma_start3A_346 : memref<1x200xi32, #tpu.memory_space<hbm>> -> memref<200xi32, #tpu.memory_space<hbm>>
        tpu.enqueue_dma source(%dma_start3A_347 : memref<200xi32, #tpu.memory_space<hbm>>) target(%arg10 : memref<200xi32, #tpu.memory_space<vmem>>) target_semaphore(%arg18 : memref<!tpu.dma_semaphore, #tpu.memory_space<semaphore_mem>>)
      } else {
      }
      %ge3A_163 = arith.constant 2 : i32
      %ge3A_164 = arith.cmpi sge, %add3A_134, %ge3A_163 : i32
      %lt3A_165 = arith.constant 38 : i32
      %lt3A_166 = arith.cmpi slt, %add3A_134, %lt3A_165 : i32
      %and3A_167 = arith.andi %ge3A_164, %lt3A_166 : i1
      %convert_element_type3A_168 = arith.extui %and3A_167 : i1 to i32
      %cond3A_169 = arith.constant 0 : i32
      %cond3A_170 = arith.cmpi ne, %convert_element_type3A_168, %cond3A_169 : i32
      scf.if %cond3A_170 {
        %dma_wait3A_337 = arith.constant 0 : i32
        %dma_wait3A_338 = arith.constant 0 : i32
        %dma_wait3A_339 = arith.constant 0 : i32
        %dma_wait3A_340 = tpu.memref_slice %arg5[%dma_wait3A_337, %dma_wait3A_338, %dma_wait3A_339] : memref<1280x200x64xf32, #tpu.memory_space<hbm>> -> memref<1x200x64xf32, #tpu.memory_space<hbm>>
        %dma_wait3A_341 = tpu.memref_squeeze %dma_wait3A_340 : memref<1x200x64xf32, #tpu.memory_space<hbm>> -> memref<200x64xf32, #tpu.memory_space<hbm>>
        %dma_wait3A_342 = arith.constant 0 : i32
        %dma_wait3A_343 = arith.constant 0 : i32
        %dma_wait3A_344 = tpu.memref_slice %arg5[%dma_wait3A_337, %dma_wait3A_342, %dma_wait3A_343] : memref<1280x200x64xf32, #tpu.memory_space<hbm>> -> memref<1x200x64xf32, #tpu.memory_space<hbm>>
        %dma_wait3A_345 = tpu.memref_squeeze %dma_wait3A_344 : memref<1x200x64xf32, #tpu.memory_space<hbm>> -> memref<200x64xf32, #tpu.memory_space<hbm>>
        tpu.wait_dma2 semaphore(%arg26 : memref<!tpu.dma_semaphore, #tpu.memory_space<semaphore_mem>>) src(%arg14 : memref<200x64xf32, #tpu.memory_space<vmem>>) dst(%dma_wait3A_345 : memref<200x64xf32, #tpu.memory_space<hbm>>)
      } else {
      }
      %lt3A_171 = arith.constant 38 : i32
      %lt3A_172 = arith.cmpi slt, %add3A_134, %lt3A_171 : i32
      %convert_element_type3A_173 = arith.extui %lt3A_172 : i1 to i32
      %cond3A_174 = arith.constant 0 : i32
      %cond3A_175 = arith.cmpi ne, %convert_element_type3A_173, %cond3A_174 : i32
      scf.if %cond3A_175 {
        tpu.enqueue_dma source(%arg6 : memref<200x64xf32, #tpu.memory_space<vmem_shared>>) target(%arg14 : memref<200x64xf32, #tpu.memory_space<vmem>>) target_semaphore(%arg22 : memref<!tpu.dma_semaphore, #tpu.memory_space<semaphore_mem>>)
      } else {
      }
      %dma_wait3A_176 = arith.constant 0 : i32
      %dma_wait3A_177 = arith.constant 0 : i32
      %dma_wait3A_178 = tpu.memref_slice %arg12[%dma_wait3A_176, %dma_wait3A_177] : memref<200x64xf32, #tpu.memory_space<vmem>> -> memref<104x64xf32, #tpu.memory_space<vmem>>
      %dma_wait3A_179 = arith.constant 0 : i32
      %dma_wait3A_180 = tpu.memref_slice %arg8[%dma_wait3A_179] : memref<200xi32, #tpu.memory_space<vmem>> -> memref<104xi32, #tpu.memory_space<vmem>>
      %dma_wait3A_181 = arith.constant 0 : i32
      %dma_wait3A_182 = arith.constant 0 : i32
      %dma_wait3A_183 = tpu.memref_slice %arg3[%dma_wait3A_181, %dma_wait3A_182] : memref<102400x64xf32, #tpu.memory_space<hbm>> -> memref<102400x64xf32, #tpu.memory_space<hbm>>
      tpu.wait_indirect_dma semaphore(%arg27 : memref<!tpu.dma_semaphore, #tpu.memory_space<semaphore_mem>>) src(%dma_wait3A_183 : memref<102400x64xf32, #tpu.memory_space<hbm>>) dst(%dma_wait3A_178 : memref<104x64xf32, #tpu.memory_space<vmem>>)
      %dma_wait3A_184 = arith.constant 104 : i32
      %dma_wait3A_185 = arith.constant 0 : i32
      %dma_wait3A_186 = tpu.memref_slice %arg12[%dma_wait3A_184, %dma_wait3A_185] : memref<200x64xf32, #tpu.memory_space<vmem>> -> memref<96x64xf32, #tpu.memory_space<vmem>>
      %dma_wait3A_187 = arith.constant 104 : i32
      %dma_wait3A_188 = tpu.memref_slice %arg8[%dma_wait3A_187] : memref<200xi32, #tpu.memory_space<vmem>> -> memref<96xi32, #tpu.memory_space<vmem>>
      %dma_wait3A_189 = arith.constant 0 : i32
      %dma_wait3A_190 = arith.constant 0 : i32
      %dma_wait3A_191 = tpu.memref_slice %arg3[%dma_wait3A_189, %dma_wait3A_190] : memref<102400x64xf32, #tpu.memory_space<hbm>> -> memref<102400x64xf32, #tpu.memory_space<hbm>>
      tpu.wait_indirect_dma semaphore(%arg27 : memref<!tpu.dma_semaphore, #tpu.memory_space<semaphore_mem>>) src(%dma_wait3A_191 : memref<102400x64xf32, #tpu.memory_space<hbm>>) dst(%dma_wait3A_186 : memref<96x64xf32, #tpu.memory_space<vmem>>)
      %add3A_192 = arith.addi %mul3A_2, %add3A_134 : i32
      %dma_start3A_193 = arith.constant 0 : i32
      %dma_start3A_194 = arith.constant 0 : i32
      %dma_start3A_195 = tpu.memref_slice %arg5[%add3A_192, %dma_start3A_193, %dma_start3A_194] : memref<1280x200x64xf32, #tpu.memory_space<hbm>> -> memref<1x200x64xf32, #tpu.memory_space<hbm>>
      %dma_start3A_196 = tpu.memref_squeeze %dma_start3A_195 : memref<1x200x64xf32, #tpu.memory_space<hbm>> -> memref<200x64xf32, #tpu.memory_space<hbm>>
      %dma_start3A_197 = arith.constant 0 : i32
      %dma_start3A_198 = arith.constant 0 : i32
      %dma_start3A_199 = tpu.memref_slice %arg5[%add3A_192, %dma_start3A_197, %dma_start3A_198] : memref<1280x200x64xf32, #tpu.memory_space<hbm>> -> memref<1x200x64xf32, #tpu.memory_space<hbm>>
      %dma_start3A_200 = tpu.memref_squeeze %dma_start3A_199 : memref<1x200x64xf32, #tpu.memory_space<hbm>> -> memref<200x64xf32, #tpu.memory_space<hbm>>
      tpu.enqueue_dma source(%arg12 : memref<200x64xf32, #tpu.memory_space<vmem>>) target(%dma_start3A_200 : memref<200x64xf32, #tpu.memory_space<hbm>>) target_semaphore(%arg24 : memref<!tpu.dma_semaphore, #tpu.memory_space<semaphore_mem>>)
      %add3A_201 = arith.constant 2 : i32
      %add3A_202 = arith.addi %add3A_67, %add3A_201 : i32
      %dma_wait3A_203 = arith.constant 0 : i32
      %dma_wait3A_204 = arith.constant 0 : i32
      %dma_wait3A_205 = tpu.memref_slice %arg2[%dma_wait3A_203, %dma_wait3A_204] : memref<4096x200xi32, #tpu.memory_space<hbm>> -> memref<1x200xi32, #tpu.memory_space<hbm>>
      %dma_wait3A_206 = tpu.memref_squeeze %dma_wait3A_205 : memref<1x200xi32, #tpu.memory_space<hbm>> -> memref<200xi32, #tpu.memory_space<hbm>>
      %dma_wait3A_207 = arith.constant 0 : i32
      %dma_wait3A_208 = tpu.memref_slice %arg2[%dma_wait3A_203, %dma_wait3A_207] : memref<4096x200xi32, #tpu.memory_space<hbm>> -> memref<1x200xi32, #tpu.memory_space<hbm>>
      %dma_wait3A_209 = tpu.memref_squeeze %dma_wait3A_208 : memref<1x200xi32, #tpu.memory_space<hbm>> -> memref<200xi32, #tpu.memory_space<hbm>>
      tpu.wait_dma2 semaphore(%arg17 : memref<!tpu.dma_semaphore, #tpu.memory_space<semaphore_mem>>) src(%dma_wait3A_209 : memref<200xi32, #tpu.memory_space<hbm>>) dst(%arg9 : memref<200xi32, #tpu.memory_space<vmem>>)
      tpu.wait_dma2 semaphore(%arg21 : memref<!tpu.dma_semaphore, #tpu.memory_space<semaphore_mem>>) src(%arg6 : memref<200x64xf32, #tpu.memory_space<vmem_shared>>) dst(%arg13 : memref<200x64xf32, #tpu.memory_space<vmem>>)
      %dma_start3A_210 = arith.constant 0 : i32
      %dma_start3A_211 = arith.constant 0 : i32
      %dma_start3A_212 = tpu.memref_slice %arg13[%dma_start3A_210, %dma_start3A_211] : memref<200x64xf32, #tpu.memory_space<vmem>> -> memref<104x64xf32, #tpu.memory_space<vmem>>
      %dma_start3A_213 = arith.constant 0 : i32
      %dma_start3A_214 = tpu.memref_slice %arg9[%dma_start3A_213] : memref<200xi32, #tpu.memory_space<vmem>> -> memref<104xi32, #tpu.memory_space<vmem>>
      %dma_start3A_215 = arith.constant 0 : i32
      %dma_start3A_216 = arith.constant 0 : i32
      %dma_start3A_217 = tpu.memref_slice %arg3[%dma_start3A_215, %dma_start3A_216] : memref<102400x64xf32, #tpu.memory_space<hbm>> -> memref<102400x64xf32, #tpu.memory_space<hbm>>
      tpu.enqueue_indirect_dma source(%dma_start3A_217 : memref<102400x64xf32, #tpu.memory_space<hbm>>) target(%dma_start3A_212 : memref<104x64xf32, #tpu.memory_space<vmem>>) offsets(%dma_start3A_214 : memref<104xi32, #tpu.memory_space<vmem>>) semaphore(%arg27 : memref<!tpu.dma_semaphore, #tpu.memory_space<semaphore_mem>>) {add = true}
      %dma_start3A_218 = arith.constant 104 : i32
      %dma_start3A_219 = arith.constant 0 : i32
      %dma_start3A_220 = tpu.memref_slice %arg13[%dma_start3A_218, %dma_start3A_219] : memref<200x64xf32, #tpu.memory_space<vmem>> -> memref<96x64xf32, #tpu.memory_space<vmem>>
      %dma_start3A_221 = arith.constant 104 : i32
      %dma_start3A_222 = tpu.memref_slice %arg9[%dma_start3A_221] : memref<200xi32, #tpu.memory_space<vmem>> -> memref<96xi32, #tpu.memory_space<vmem>>
      %dma_start3A_223 = arith.constant 0 : i32
      %dma_start3A_224 = arith.constant 0 : i32
      %dma_start3A_225 = tpu.memref_slice %arg3[%dma_start3A_223, %dma_start3A_224] : memref<102400x64xf32, #tpu.memory_space<hbm>> -> memref<102400x64xf32, #tpu.memory_space<hbm>>
      tpu.enqueue_indirect_dma source(%dma_start3A_225 : memref<102400x64xf32, #tpu.memory_space<hbm>>) target(%dma_start3A_220 : memref<96x64xf32, #tpu.memory_space<vmem>>) offsets(%dma_start3A_222 : memref<96xi32, #tpu.memory_space<vmem>>) semaphore(%arg27 : memref<!tpu.dma_semaphore, #tpu.memory_space<semaphore_mem>>) {add = true}
      %lt3A_226 = arith.constant 38 : i32
      %lt3A_227 = arith.cmpi slt, %add3A_202, %lt3A_226 : i32
      %convert_element_type3A_228 = arith.extui %lt3A_227 : i1 to i32
      %cond3A_229 = arith.constant 0 : i32
      %cond3A_230 = arith.cmpi ne, %convert_element_type3A_228, %cond3A_229 : i32
      scf.if %cond3A_230 {
        %add3A_337 = arith.constant 2 : i32
        %add3A_338 = arith.addi %add3A_202, %add3A_337 : i32
        %add3A_339 = arith.constant 768 : i32
        %add3A_340 = arith.addi %add3A_339, %mul3A_2 : i32
        %add3A_341 = arith.addi %add3A_340, %add3A_338 : i32
        %dma_start3A_342 = arith.constant 0 : i32
        %dma_start3A_343 = tpu.memref_slice %arg2[%add3A_341, %dma_start3A_342] : memref<4096x200xi32, #tpu.memory_space<hbm>> -> memref<1x200xi32, #tpu.memory_space<hbm>>
        %dma_start3A_344 = tpu.memref_squeeze %dma_start3A_343 : memref<1x200xi32, #tpu.memory_space<hbm>> -> memref<200xi32, #tpu.memory_space<hbm>>
        %dma_start3A_345 = arith.constant 0 : i32
        %dma_start3A_346 = tpu.memref_slice %arg2[%add3A_341, %dma_start3A_345] : memref<4096x200xi32, #tpu.memory_space<hbm>> -> memref<1x200xi32, #tpu.memory_space<hbm>>
        %dma_start3A_347 = tpu.memref_squeeze %dma_start3A_346 : memref<1x200xi32, #tpu.memory_space<hbm>> -> memref<200xi32, #tpu.memory_space<hbm>>
        tpu.enqueue_dma source(%dma_start3A_347 : memref<200xi32, #tpu.memory_space<hbm>>) target(%arg7 : memref<200xi32, #tpu.memory_space<vmem>>) target_semaphore(%arg15 : memref<!tpu.dma_semaphore, #tpu.memory_space<semaphore_mem>>)
      } else {
      }
      %ge3A_231 = arith.constant 2 : i32
      %ge3A_232 = arith.cmpi sge, %add3A_202, %ge3A_231 : i32
      %lt3A_233 = arith.constant 38 : i32
      %lt3A_234 = arith.cmpi slt, %add3A_202, %lt3A_233 : i32
      %and3A_235 = arith.andi %ge3A_232, %lt3A_234 : i1
      %convert_element_type3A_236 = arith.extui %and3A_235 : i1 to i32
      %cond3A_237 = arith.constant 0 : i32
      %cond3A_238 = arith.cmpi ne, %convert_element_type3A_236, %cond3A_237 : i32
      scf.if %cond3A_238 {
        %dma_wait3A_337 = arith.constant 0 : i32
        %dma_wait3A_338 = arith.constant 0 : i32
        %dma_wait3A_339 = arith.constant 0 : i32
        %dma_wait3A_340 = tpu.memref_slice %arg5[%dma_wait3A_337, %dma_wait3A_338, %dma_wait3A_339] : memref<1280x200x64xf32, #tpu.memory_space<hbm>> -> memref<1x200x64xf32, #tpu.memory_space<hbm>>
        %dma_wait3A_341 = tpu.memref_squeeze %dma_wait3A_340 : memref<1x200x64xf32, #tpu.memory_space<hbm>> -> memref<200x64xf32, #tpu.memory_space<hbm>>
        %dma_wait3A_342 = arith.constant 0 : i32
        %dma_wait3A_343 = arith.constant 0 : i32
        %dma_wait3A_344 = tpu.memref_slice %arg5[%dma_wait3A_337, %dma_wait3A_342, %dma_wait3A_343] : memref<1280x200x64xf32, #tpu.memory_space<hbm>> -> memref<1x200x64xf32, #tpu.memory_space<hbm>>
        %dma_wait3A_345 = tpu.memref_squeeze %dma_wait3A_344 : memref<1x200x64xf32, #tpu.memory_space<hbm>> -> memref<200x64xf32, #tpu.memory_space<hbm>>
        tpu.wait_dma2 semaphore(%arg23 : memref<!tpu.dma_semaphore, #tpu.memory_space<semaphore_mem>>) src(%arg11 : memref<200x64xf32, #tpu.memory_space<vmem>>) dst(%dma_wait3A_345 : memref<200x64xf32, #tpu.memory_space<hbm>>)
      } else {
      }
      %lt3A_239 = arith.constant 38 : i32
      %lt3A_240 = arith.cmpi slt, %add3A_202, %lt3A_239 : i32
      %convert_element_type3A_241 = arith.extui %lt3A_240 : i1 to i32
      %cond3A_242 = arith.constant 0 : i32
      %cond3A_243 = arith.cmpi ne, %convert_element_type3A_241, %cond3A_242 : i32
      scf.if %cond3A_243 {
        tpu.enqueue_dma source(%arg6 : memref<200x64xf32, #tpu.memory_space<vmem_shared>>) target(%arg11 : memref<200x64xf32, #tpu.memory_space<vmem>>) target_semaphore(%arg19 : memref<!tpu.dma_semaphore, #tpu.memory_space<semaphore_mem>>)
      } else {
      }
      %dma_wait3A_244 = arith.constant 0 : i32
      %dma_wait3A_245 = arith.constant 0 : i32
      %dma_wait3A_246 = tpu.memref_slice %arg13[%dma_wait3A_244, %dma_wait3A_245] : memref<200x64xf32, #tpu.memory_space<vmem>> -> memref<104x64xf32, #tpu.memory_space<vmem>>
      %dma_wait3A_247 = arith.constant 0 : i32
      %dma_wait3A_248 = tpu.memref_slice %arg9[%dma_wait3A_247] : memref<200xi32, #tpu.memory_space<vmem>> -> memref<104xi32, #tpu.memory_space<vmem>>
      %dma_wait3A_249 = arith.constant 0 : i32
      %dma_wait3A_250 = arith.constant 0 : i32
      %dma_wait3A_251 = tpu.memref_slice %arg3[%dma_wait3A_249, %dma_wait3A_250] : memref<102400x64xf32, #tpu.memory_space<hbm>> -> memref<102400x64xf32, #tpu.memory_space<hbm>>
      tpu.wait_indirect_dma semaphore(%arg27 : memref<!tpu.dma_semaphore, #tpu.memory_space<semaphore_mem>>) src(%dma_wait3A_251 : memref<102400x64xf32, #tpu.memory_space<hbm>>) dst(%dma_wait3A_246 : memref<104x64xf32, #tpu.memory_space<vmem>>)
      %dma_wait3A_252 = arith.constant 104 : i32
      %dma_wait3A_253 = arith.constant 0 : i32
      %dma_wait3A_254 = tpu.memref_slice %arg13[%dma_wait3A_252, %dma_wait3A_253] : memref<200x64xf32, #tpu.memory_space<vmem>> -> memref<96x64xf32, #tpu.memory_space<vmem>>
      %dma_wait3A_255 = arith.constant 104 : i32
      %dma_wait3A_256 = tpu.memref_slice %arg9[%dma_wait3A_255] : memref<200xi32, #tpu.memory_space<vmem>> -> memref<96xi32, #tpu.memory_space<vmem>>
      %dma_wait3A_257 = arith.constant 0 : i32
      %dma_wait3A_258 = arith.constant 0 : i32
      %dma_wait3A_259 = tpu.memref_slice %arg3[%dma_wait3A_257, %dma_wait3A_258] : memref<102400x64xf32, #tpu.memory_space<hbm>> -> memref<102400x64xf32, #tpu.memory_space<hbm>>
      tpu.wait_indirect_dma semaphore(%arg27 : memref<!tpu.dma_semaphore, #tpu.memory_space<semaphore_mem>>) src(%dma_wait3A_259 : memref<102400x64xf32, #tpu.memory_space<hbm>>) dst(%dma_wait3A_254 : memref<96x64xf32, #tpu.memory_space<vmem>>)
      %add3A_260 = arith.addi %mul3A_2, %add3A_202 : i32
      %dma_start3A_261 = arith.constant 0 : i32
      %dma_start3A_262 = arith.constant 0 : i32
      %dma_start3A_263 = tpu.memref_slice %arg5[%add3A_260, %dma_start3A_261, %dma_start3A_262] : memref<1280x200x64xf32, #tpu.memory_space<hbm>> -> memref<1x200x64xf32, #tpu.memory_space<hbm>>
      %dma_start3A_264 = tpu.memref_squeeze %dma_start3A_263 : memref<1x200x64xf32, #tpu.memory_space<hbm>> -> memref<200x64xf32, #tpu.memory_space<hbm>>
      %dma_start3A_265 = arith.constant 0 : i32
      %dma_start3A_266 = arith.constant 0 : i32
      %dma_start3A_267 = tpu.memref_slice %arg5[%add3A_260, %dma_start3A_265, %dma_start3A_266] : memref<1280x200x64xf32, #tpu.memory_space<hbm>> -> memref<1x200x64xf32, #tpu.memory_space<hbm>>
      %dma_start3A_268 = tpu.memref_squeeze %dma_start3A_267 : memref<1x200x64xf32, #tpu.memory_space<hbm>> -> memref<200x64xf32, #tpu.memory_space<hbm>>
      tpu.enqueue_dma source(%arg13 : memref<200x64xf32, #tpu.memory_space<vmem>>) target(%dma_start3A_268 : memref<200x64xf32, #tpu.memory_space<hbm>>) target_semaphore(%arg25 : memref<!tpu.dma_semaphore, #tpu.memory_space<semaphore_mem>>)
      %add3A_269 = arith.constant 3 : i32
      %add3A_270 = arith.addi %add3A_67, %add3A_269 : i32
      %dma_wait3A_271 = arith.constant 0 : i32
      %dma_wait3A_272 = arith.constant 0 : i32
      %dma_wait3A_273 = tpu.memref_slice %arg2[%dma_wait3A_271, %dma_wait3A_272] : memref<4096x200xi32, #tpu.memory_space<hbm>> -> memref<1x200xi32, #tpu.memory_space<hbm>>
      %dma_wait3A_274 = tpu.memref_squeeze %dma_wait3A_273 : memref<1x200xi32, #tpu.memory_space<hbm>> -> memref<200xi32, #tpu.memory_space<hbm>>
      %dma_wait3A_275 = arith.constant 0 : i32
      %dma_wait3A_276 = tpu.memref_slice %arg2[%dma_wait3A_271, %dma_wait3A_275] : memref<4096x200xi32, #tpu.memory_space<hbm>> -> memref<1x200xi32, #tpu.memory_space<hbm>>
      %dma_wait3A_277 = tpu.memref_squeeze %dma_wait3A_276 : memref<1x200xi32, #tpu.memory_space<hbm>> -> memref<200xi32, #tpu.memory_space<hbm>>
      tpu.wait_dma2 semaphore(%arg18 : memref<!tpu.dma_semaphore, #tpu.memory_space<semaphore_mem>>) src(%dma_wait3A_277 : memref<200xi32, #tpu.memory_space<hbm>>) dst(%arg10 : memref<200xi32, #tpu.memory_space<vmem>>)
      tpu.wait_dma2 semaphore(%arg22 : memref<!tpu.dma_semaphore, #tpu.memory_space<semaphore_mem>>) src(%arg6 : memref<200x64xf32, #tpu.memory_space<vmem_shared>>) dst(%arg14 : memref<200x64xf32, #tpu.memory_space<vmem>>)
      %dma_start3A_278 = arith.constant 0 : i32
      %dma_start3A_279 = arith.constant 0 : i32
      %dma_start3A_280 = tpu.memref_slice %arg14[%dma_start3A_278, %dma_start3A_279] : memref<200x64xf32, #tpu.memory_space<vmem>> -> memref<104x64xf32, #tpu.memory_space<vmem>>
      %dma_start3A_281 = arith.constant 0 : i32
      %dma_start3A_282 = tpu.memref_slice %arg10[%dma_start3A_281] : memref<200xi32, #tpu.memory_space<vmem>> -> memref<104xi32, #tpu.memory_space<vmem>>
      %dma_start3A_283 = arith.constant 0 : i32
      %dma_start3A_284 = arith.constant 0 : i32
      %dma_start3A_285 = tpu.memref_slice %arg3[%dma_start3A_283, %dma_start3A_284] : memref<102400x64xf32, #tpu.memory_space<hbm>> -> memref<102400x64xf32, #tpu.memory_space<hbm>>
      tpu.enqueue_indirect_dma source(%dma_start3A_285 : memref<102400x64xf32, #tpu.memory_space<hbm>>) target(%dma_start3A_280 : memref<104x64xf32, #tpu.memory_space<vmem>>) offsets(%dma_start3A_282 : memref<104xi32, #tpu.memory_space<vmem>>) semaphore(%arg27 : memref<!tpu.dma_semaphore, #tpu.memory_space<semaphore_mem>>) {add = true}
      %dma_start3A_286 = arith.constant 104 : i32
      %dma_start3A_287 = arith.constant 0 : i32
      %dma_start3A_288 = tpu.memref_slice %arg14[%dma_start3A_286, %dma_start3A_287] : memref<200x64xf32, #tpu.memory_space<vmem>> -> memref<96x64xf32, #tpu.memory_space<vmem>>
      %dma_start3A_289 = arith.constant 104 : i32
      %dma_start3A_290 = tpu.memref_slice %arg10[%dma_start3A_289] : memref<200xi32, #tpu.memory_space<vmem>> -> memref<96xi32, #tpu.memory_space<vmem>>
      %dma_start3A_291 = arith.constant 0 : i32
      %dma_start3A_292 = arith.constant 0 : i32
      %dma_start3A_293 = tpu.memref_slice %arg3[%dma_start3A_291, %dma_start3A_292] : memref<102400x64xf32, #tpu.memory_space<hbm>> -> memref<102400x64xf32, #tpu.memory_space<hbm>>
      tpu.enqueue_indirect_dma source(%dma_start3A_293 : memref<102400x64xf32, #tpu.memory_space<hbm>>) target(%dma_start3A_288 : memref<96x64xf32, #tpu.memory_space<vmem>>) offsets(%dma_start3A_290 : memref<96xi32, #tpu.memory_space<vmem>>) semaphore(%arg27 : memref<!tpu.dma_semaphore, #tpu.memory_space<semaphore_mem>>) {add = true}
      %lt3A_294 = arith.constant 38 : i32
      %lt3A_295 = arith.cmpi slt, %add3A_270, %lt3A_294 : i32
      %convert_element_type3A_296 = arith.extui %lt3A_295 : i1 to i32
      %cond3A_297 = arith.constant 0 : i32
      %cond3A_298 = arith.cmpi ne, %convert_element_type3A_296, %cond3A_297 : i32
      scf.if %cond3A_298 {
        %add3A_337 = arith.constant 2 : i32
        %add3A_338 = arith.addi %add3A_270, %add3A_337 : i32
        %add3A_339 = arith.constant 768 : i32
        %add3A_340 = arith.addi %add3A_339, %mul3A_2 : i32
        %add3A_341 = arith.addi %add3A_340, %add3A_338 : i32
        %dma_start3A_342 = arith.constant 0 : i32
        %dma_start3A_343 = tpu.memref_slice %arg2[%add3A_341, %dma_start3A_342] : memref<4096x200xi32, #tpu.memory_space<hbm>> -> memref<1x200xi32, #tpu.memory_space<hbm>>
        %dma_start3A_344 = tpu.memref_squeeze %dma_start3A_343 : memref<1x200xi32, #tpu.memory_space<hbm>> -> memref<200xi32, #tpu.memory_space<hbm>>
        %dma_start3A_345 = arith.constant 0 : i32
        %dma_start3A_346 = tpu.memref_slice %arg2[%add3A_341, %dma_start3A_345] : memref<4096x200xi32, #tpu.memory_space<hbm>> -> memref<1x200xi32, #tpu.memory_space<hbm>>
        %dma_start3A_347 = tpu.memref_squeeze %dma_start3A_346 : memref<1x200xi32, #tpu.memory_space<hbm>> -> memref<200xi32, #tpu.memory_space<hbm>>
        tpu.enqueue_dma source(%dma_start3A_347 : memref<200xi32, #tpu.memory_space<hbm>>) target(%arg8 : memref<200xi32, #tpu.memory_space<vmem>>) target_semaphore(%arg16 : memref<!tpu.dma_semaphore, #tpu.memory_space<semaphore_mem>>)
      } else {
      }
      %ge3A_299 = arith.constant 2 : i32
      %ge3A_300 = arith.cmpi sge, %add3A_270, %ge3A_299 : i32
      %lt3A_301 = arith.constant 38 : i32
      %lt3A_302 = arith.cmpi slt, %add3A_270, %lt3A_301 : i32
      %and3A_303 = arith.andi %ge3A_300, %lt3A_302 : i1
      %convert_element_type3A_304 = arith.extui %and3A_303 : i1 to i32
      %cond3A_305 = arith.constant 0 : i32
      %cond3A_306 = arith.cmpi ne, %convert_element_type3A_304, %cond3A_305 : i32
      scf.if %cond3A_306 {
        %dma_wait3A_337 = arith.constant 0 : i32
        %dma_wait3A_338 = arith.constant 0 : i32
        %dma_wait3A_339 = arith.constant 0 : i32
        %dma_wait3A_340 = tpu.memref_slice %arg5[%dma_wait3A_337, %dma_wait3A_338, %dma_wait3A_339] : memref<1280x200x64xf32, #tpu.memory_space<hbm>> -> memref<1x200x64xf32, #tpu.memory_space<hbm>>
        %dma_wait3A_341 = tpu.memref_squeeze %dma_wait3A_340 : memref<1x200x64xf32, #tpu.memory_space<hbm>> -> memref<200x64xf32, #tpu.memory_space<hbm>>
        %dma_wait3A_342 = arith.constant 0 : i32
        %dma_wait3A_343 = arith.constant 0 : i32
        %dma_wait3A_344 = tpu.memref_slice %arg5[%dma_wait3A_337, %dma_wait3A_342, %dma_wait3A_343] : memref<1280x200x64xf32, #tpu.memory_space<hbm>> -> memref<1x200x64xf32, #tpu.memory_space<hbm>>
        %dma_wait3A_345 = tpu.memref_squeeze %dma_wait3A_344 : memref<1x200x64xf32, #tpu.memory_space<hbm>> -> memref<200x64xf32, #tpu.memory_space<hbm>>
        tpu.wait_dma2 semaphore(%arg24 : memref<!tpu.dma_semaphore, #tpu.memory_space<semaphore_mem>>) src(%arg12 : memref<200x64xf32, #tpu.memory_space<vmem>>) dst(%dma_wait3A_345 : memref<200x64xf32, #tpu.memory_space<hbm>>)
      } else {
      }
      %lt3A_307 = arith.constant 38 : i32
      %lt3A_308 = arith.cmpi slt, %add3A_270, %lt3A_307 : i32
      %convert_element_type3A_309 = arith.extui %lt3A_308 : i1 to i32
      %cond3A_310 = arith.constant 0 : i32
      %cond3A_311 = arith.cmpi ne, %convert_element_type3A_309, %cond3A_310 : i32
      scf.if %cond3A_311 {
        tpu.enqueue_dma source(%arg6 : memref<200x64xf32, #tpu.memory_space<vmem_shared>>) target(%arg12 : memref<200x64xf32, #tpu.memory_space<vmem>>) target_semaphore(%arg20 : memref<!tpu.dma_semaphore, #tpu.memory_space<semaphore_mem>>)
      } else {
      }
      %dma_wait3A_312 = arith.constant 0 : i32
      %dma_wait3A_313 = arith.constant 0 : i32
      %dma_wait3A_314 = tpu.memref_slice %arg14[%dma_wait3A_312, %dma_wait3A_313] : memref<200x64xf32, #tpu.memory_space<vmem>> -> memref<104x64xf32, #tpu.memory_space<vmem>>
      %dma_wait3A_315 = arith.constant 0 : i32
      %dma_wait3A_316 = tpu.memref_slice %arg10[%dma_wait3A_315] : memref<200xi32, #tpu.memory_space<vmem>> -> memref<104xi32, #tpu.memory_space<vmem>>
      %dma_wait3A_317 = arith.constant 0 : i32
      %dma_wait3A_318 = arith.constant 0 : i32
      %dma_wait3A_319 = tpu.memref_slice %arg3[%dma_wait3A_317, %dma_wait3A_318] : memref<102400x64xf32, #tpu.memory_space<hbm>> -> memref<102400x64xf32, #tpu.memory_space<hbm>>
      tpu.wait_indirect_dma semaphore(%arg27 : memref<!tpu.dma_semaphore, #tpu.memory_space<semaphore_mem>>) src(%dma_wait3A_319 : memref<102400x64xf32, #tpu.memory_space<hbm>>) dst(%dma_wait3A_314 : memref<104x64xf32, #tpu.memory_space<vmem>>)
      %dma_wait3A_320 = arith.constant 104 : i32
      %dma_wait3A_321 = arith.constant 0 : i32
      %dma_wait3A_322 = tpu.memref_slice %arg14[%dma_wait3A_320, %dma_wait3A_321] : memref<200x64xf32, #tpu.memory_space<vmem>> -> memref<96x64xf32, #tpu.memory_space<vmem>>
      %dma_wait3A_323 = arith.constant 104 : i32
      %dma_wait3A_324 = tpu.memref_slice %arg10[%dma_wait3A_323] : memref<200xi32, #tpu.memory_space<vmem>> -> memref<96xi32, #tpu.memory_space<vmem>>
      %dma_wait3A_325 = arith.constant 0 : i32
      %dma_wait3A_326 = arith.constant 0 : i32
      %dma_wait3A_327 = tpu.memref_slice %arg3[%dma_wait3A_325, %dma_wait3A_326] : memref<102400x64xf32, #tpu.memory_space<hbm>> -> memref<102400x64xf32, #tpu.memory_space<hbm>>
      tpu.wait_indirect_dma semaphore(%arg27 : memref<!tpu.dma_semaphore, #tpu.memory_space<semaphore_mem>>) src(%dma_wait3A_327 : memref<102400x64xf32, #tpu.memory_space<hbm>>) dst(%dma_wait3A_322 : memref<96x64xf32, #tpu.memory_space<vmem>>)
      %add3A_328 = arith.addi %mul3A_2, %add3A_270 : i32
      %dma_start3A_329 = arith.constant 0 : i32
      %dma_start3A_330 = arith.constant 0 : i32
      %dma_start3A_331 = tpu.memref_slice %arg5[%add3A_328, %dma_start3A_329, %dma_start3A_330] : memref<1280x200x64xf32, #tpu.memory_space<hbm>> -> memref<1x200x64xf32, #tpu.memory_space<hbm>>
      %dma_start3A_332 = tpu.memref_squeeze %dma_start3A_331 : memref<1x200x64xf32, #tpu.memory_space<hbm>> -> memref<200x64xf32, #tpu.memory_space<hbm>>
      %dma_start3A_333 = arith.constant 0 : i32
      %dma_start3A_334 = arith.constant 0 : i32
      %dma_start3A_335 = tpu.memref_slice %arg5[%add3A_328, %dma_start3A_333, %dma_start3A_334] : memref<1280x200x64xf32, #tpu.memory_space<hbm>> -> memref<1x200x64xf32, #tpu.memory_space<hbm>>
      %dma_start3A_336 = tpu.memref_squeeze %dma_start3A_335 : memref<1x200x64xf32, #tpu.memory_space<hbm>> -> memref<200x64xf32, #tpu.memory_space<hbm>>
      tpu.enqueue_dma source(%arg14 : memref<200x64xf32, #tpu.memory_space<vmem>>) target(%dma_start3A_336 : memref<200x64xf32, #tpu.memory_space<hbm>>) target_semaphore(%arg26 : memref<!tpu.dma_semaphore, #tpu.memory_space<semaphore_mem>>)
    }
    %scan3A_27 = arith.constant 10 : i32
    %dma_wait3A = arith.constant 0 : i32
    %dma_wait3A_28 = arith.constant 0 : i32
    %dma_wait3A_29 = arith.constant 0 : i32
    %dma_wait3A_30 = tpu.memref_slice %arg5[%dma_wait3A, %dma_wait3A_28, %dma_wait3A_29] : memref<1280x200x64xf32, #tpu.memory_space<hbm>> -> memref<1x200x64xf32, #tpu.memory_space<hbm>>
    %dma_wait3A_31 = tpu.memref_squeeze %dma_wait3A_30 : memref<1x200x64xf32, #tpu.memory_space<hbm>> -> memref<200x64xf32, #tpu.memory_space<hbm>>
    %dma_wait3A_32 = arith.constant 0 : i32
    %dma_wait3A_33 = arith.constant 0 : i32
    %dma_wait3A_34 = tpu.memref_slice %arg5[%dma_wait3A, %dma_wait3A_32, %dma_wait3A_33] : memref<1280x200x64xf32, #tpu.memory_space<hbm>> -> memref<1x200x64xf32, #tpu.memory_space<hbm>>
    %dma_wait3A_35 = tpu.memref_squeeze %dma_wait3A_34 : memref<1x200x64xf32, #tpu.memory_space<hbm>> -> memref<200x64xf32, #tpu.memory_space<hbm>>
    tpu.wait_dma2 semaphore(%arg23 : memref<!tpu.dma_semaphore, #tpu.memory_space<semaphore_mem>>) src(%arg11 : memref<200x64xf32, #tpu.memory_space<vmem>>) dst(%dma_wait3A_35 : memref<200x64xf32, #tpu.memory_space<hbm>>)
    %dma_wait3A_36 = arith.constant 0 : i32
    %dma_wait3A_37 = arith.constant 0 : i32
    %dma_wait3A_38 = arith.constant 0 : i32
    %dma_wait3A_39 = tpu.memref_slice %arg5[%dma_wait3A_36, %dma_wait3A_37, %dma_wait3A_38] : memref<1280x200x64xf32, #tpu.memory_space<hbm>> -> memref<1x200x64xf32, #tpu.memory_space<hbm>>
    %dma_wait3A_40 = tpu.memref_squeeze %dma_wait3A_39 : memref<1x200x64xf32, #tpu.memory_space<hbm>> -> memref<200x64xf32, #tpu.memory_space<hbm>>
    %dma_wait3A_41 = arith.constant 0 : i32
    %dma_wait3A_42 = arith.constant 0 : i32
    %dma_wait3A_43 = tpu.memref_slice %arg5[%dma_wait3A_36, %dma_wait3A_41, %dma_wait3A_42] : memref<1280x200x64xf32, #tpu.memory_space<hbm>> -> memref<1x200x64xf32, #tpu.memory_space<hbm>>
    %dma_wait3A_44 = tpu.memref_squeeze %dma_wait3A_43 : memref<1x200x64xf32, #tpu.memory_space<hbm>> -> memref<200x64xf32, #tpu.memory_space<hbm>>
    tpu.wait_dma2 semaphore(%arg24 : memref<!tpu.dma_semaphore, #tpu.memory_space<semaphore_mem>>) src(%arg12 : memref<200x64xf32, #tpu.memory_space<vmem>>) dst(%dma_wait3A_44 : memref<200x64xf32, #tpu.memory_space<hbm>>)
    %dma_wait3A_45 = arith.constant 0 : i32
    %dma_wait3A_46 = arith.constant 0 : i32
    %dma_wait3A_47 = arith.constant 0 : i32
    %dma_wait3A_48 = tpu.memref_slice %arg5[%dma_wait3A_45, %dma_wait3A_46, %dma_wait3A_47] : memref<1280x200x64xf32, #tpu.memory_space<hbm>> -> memref<1x200x64xf32, #tpu.memory_space<hbm>>
    %dma_wait3A_49 = tpu.memref_squeeze %dma_wait3A_48 : memref<1x200x64xf32, #tpu.memory_space<hbm>> -> memref<200x64xf32, #tpu.memory_space<hbm>>
    %dma_wait3A_50 = arith.constant 0 : i32
    %dma_wait3A_51 = arith.constant 0 : i32
    %dma_wait3A_52 = tpu.memref_slice %arg5[%dma_wait3A_45, %dma_wait3A_50, %dma_wait3A_51] : memref<1280x200x64xf32, #tpu.memory_space<hbm>> -> memref<1x200x64xf32, #tpu.memory_space<hbm>>
    %dma_wait3A_53 = tpu.memref_squeeze %dma_wait3A_52 : memref<1x200x64xf32, #tpu.memory_space<hbm>> -> memref<200x64xf32, #tpu.memory_space<hbm>>
    tpu.wait_dma2 semaphore(%arg25 : memref<!tpu.dma_semaphore, #tpu.memory_space<semaphore_mem>>) src(%arg13 : memref<200x64xf32, #tpu.memory_space<vmem>>) dst(%dma_wait3A_53 : memref<200x64xf32, #tpu.memory_space<hbm>>)
    %dma_wait3A_54 = arith.constant 0 : i32
    %dma_wait3A_55 = arith.constant 0 : i32
    %dma_wait3A_56 = arith.constant 0 : i32
    %dma_wait3A_57 = tpu.memref_slice %arg5[%dma_wait3A_54, %dma_wait3A_55, %dma_wait3A_56] : memref<1280x200x64xf32, #tpu.memory_space<hbm>> -> memref<1x200x64xf32, #tpu.memory_space<hbm>>
    %dma_wait3A_58 = tpu.memref_squeeze %dma_wait3A_57 : memref<1x200x64xf32, #tpu.memory_space<hbm>> -> memref<200x64xf32, #tpu.memory_space<hbm>>
    %dma_wait3A_59 = arith.constant 0 : i32
    %dma_wait3A_60 = arith.constant 0 : i32
    %dma_wait3A_61 = tpu.memref_slice %arg5[%dma_wait3A_54, %dma_wait3A_59, %dma_wait3A_60] : memref<1280x200x64xf32, #tpu.memory_space<hbm>> -> memref<1x200x64xf32, #tpu.memory_space<hbm>>
    %dma_wait3A_62 = tpu.memref_squeeze %dma_wait3A_61 : memref<1x200x64xf32, #tpu.memory_space<hbm>> -> memref<200x64xf32, #tpu.memory_space<hbm>>
    tpu.wait_dma2 semaphore(%arg26 : memref<!tpu.dma_semaphore, #tpu.memory_space<semaphore_mem>>) src(%arg14 : memref<200x64xf32, #tpu.memory_space<vmem>>) dst(%dma_wait3A_62 : memref<200x64xf32, #tpu.memory_space<hbm>>)
    return
  }
}

#map = affine_map<(d0, d1) -> (0, 0)>
#map1 = affine_map<(d0, d1) -> (0, 0, 0)>
module attributes {stable_mosaic.version = 14 : i64} {
  func.func @sc_gather_2(%arg0: i32, %arg1: i32, %arg2: memref<4096x200xi32, #tpu.memory_space<hbm>>, %arg3: memref<102400x64xf32, #tpu.memory_space<hbm>>, %arg4: memref<200x64xf32, #tpu.memory_space<hbm>>, %arg5: memref<1280x200x64xf32, #tpu.memory_space<hbm>>, %arg6: memref<200x64xf32, #tpu.memory_space<vmem_shared>>, %arg7: memref<200xi32, #tpu.memory_space<vmem>>, %arg8: memref<200xi32, #tpu.memory_space<vmem>>, %arg9: memref<200xi32, #tpu.memory_space<vmem>>, %arg10: memref<200xi32, #tpu.memory_space<vmem>>, %arg11: memref<200x64xf32, #tpu.memory_space<vmem>>, %arg12: memref<200x64xf32, #tpu.memory_space<vmem>>, %arg13: memref<200x64xf32, #tpu.memory_space<vmem>>, %arg14: memref<200x64xf32, #tpu.memory_space<vmem>>, %arg15: memref<!tpu.dma_semaphore, #tpu.memory_space<semaphore_mem>>, %arg16: memref<!tpu.dma_semaphore, #tpu.memory_space<semaphore_mem>>, %arg17: memref<!tpu.dma_semaphore, #tpu.memory_space<semaphore_mem>>, %arg18: memref<!tpu.dma_semaphore, #tpu.memory_space<semaphore_mem>>, %arg19: memref<!tpu.dma_semaphore, #tpu.memory_space<semaphore_mem>>, %arg20: memref<!tpu.dma_semaphore, #tpu.memory_space<semaphore_mem>>, %arg21: memref<!tpu.dma_semaphore, #tpu.memory_space<semaphore_mem>>, %arg22: memref<!tpu.dma_semaphore, #tpu.memory_space<semaphore_mem>>, %arg23: memref<!tpu.dma_semaphore, #tpu.memory_space<semaphore_mem>>, %arg24: memref<!tpu.dma_semaphore, #tpu.memory_space<semaphore_mem>>, %arg25: memref<!tpu.dma_semaphore, #tpu.memory_space<semaphore_mem>>, %arg26: memref<!tpu.dma_semaphore, #tpu.memory_space<semaphore_mem>>, %arg27: memref<!tpu.dma_semaphore, #tpu.memory_space<semaphore_mem>>) attributes {dimension_semantics = [#tpu.dimension_semantics<core_parallel>, #tpu.dimension_semantics<subcore_parallel>], iteration_bounds = array<i64: 2, 16>, scalar_prefetch = 0 : i64, scratch_operands = 22 : i64, tpu.core_type = #tpu.core_type<sc_vector_subcore>, window_params = [{transform_indices = #map}, {transform_indices = #map}, {transform_indices = #map}, {transform_indices = #map1}]} {
    %mul3A = arith.constant 2 : i32
    %mul3A_0 = arith.muli %arg1, %mul3A : i32
    %add3A = arith.addi %mul3A_0, %arg0 : i32
    %mul3A_1 = arith.constant 40 : i32
    %mul3A_2 = arith.muli %add3A, %mul3A_1 : i32
    %eq3A = arith.constant 0 : i32
    %eq3A_3 = arith.cmpi eq, %arg1, %eq3A : i32
    %convert_element_type3A = arith.extui %eq3A_3 : i1 to i32
    %cond3A = arith.constant 0 : i32
    %cond3A_4 = arith.cmpi ne, %convert_element_type3A, %cond3A : i32
    scf.if %cond3A_4 {
      "tpu.region"() ({
        %run_scoped3A = tpu.sem_alloc : memref<!tpu.dma_semaphore, #tpu.memory_space<semaphore_mem>>
        tpu.enqueue_dma source(%arg4 : memref<200x64xf32, #tpu.memory_space<hbm>>) target(%arg6 : memref<200x64xf32, #tpu.memory_space<vmem_shared>>) target_semaphore(%run_scoped3A : memref<!tpu.dma_semaphore, #tpu.memory_space<semaphore_mem>>)
        tpu.wait_dma2 semaphore(%run_scoped3A : memref<!tpu.dma_semaphore, #tpu.memory_space<semaphore_mem>>) src(%arg4 : memref<200x64xf32, #tpu.memory_space<hbm>>) dst(%arg6 : memref<200x64xf32, #tpu.memory_space<vmem_shared>>)
        tpu.yield
      }) : () -> ()
    } else {
    }
    %barrier3A = arith.constant 0 : index
    tpu.barrier barrier_id(%barrier3A)
    %add3A_5 = arith.constant 2048 : i32
    %add3A_6 = arith.addi %add3A_5, %mul3A_2 : i32
    %add3A_7 = arith.constant 0 : i32
    %add3A_8 = arith.addi %add3A_6, %add3A_7 : i32
    %dma_start3A = arith.constant 0 : i32
    %dma_start3A_9 = tpu.memref_slice %arg2[%add3A_8, %dma_start3A] : memref<4096x200xi32, #tpu.memory_space<hbm>> -> memref<1x200xi32, #tpu.memory_space<hbm>>
    %dma_start3A_10 = tpu.memref_squeeze %dma_start3A_9 : memref<1x200xi32, #tpu.memory_space<hbm>> -> memref<200xi32, #tpu.memory_space<hbm>>
    %dma_start3A_11 = arith.constant 0 : i32
    %dma_start3A_12 = tpu.memref_slice %arg2[%add3A_8, %dma_start3A_11] : memref<4096x200xi32, #tpu.memory_space<hbm>> -> memref<1x200xi32, #tpu.memory_space<hbm>>
    %dma_start3A_13 = tpu.memref_squeeze %dma_start3A_12 : memref<1x200xi32, #tpu.memory_space<hbm>> -> memref<200xi32, #tpu.memory_space<hbm>>
    tpu.enqueue_dma source(%dma_start3A_13 : memref<200xi32, #tpu.memory_space<hbm>>) target(%arg7 : memref<200xi32, #tpu.memory_space<vmem>>) target_semaphore(%arg15 : memref<!tpu.dma_semaphore, #tpu.memory_space<semaphore_mem>>)
    tpu.enqueue_dma source(%arg6 : memref<200x64xf32, #tpu.memory_space<vmem_shared>>) target(%arg11 : memref<200x64xf32, #tpu.memory_space<vmem>>) target_semaphore(%arg19 : memref<!tpu.dma_semaphore, #tpu.memory_space<semaphore_mem>>)
    %add3A_14 = arith.constant 2048 : i32
    %add3A_15 = arith.addi %add3A_14, %mul3A_2 : i32
    %add3A_16 = arith.constant 1 : i32
    %add3A_17 = arith.addi %add3A_15, %add3A_16 : i32
    %dma_start3A_18 = arith.constant 0 : i32
    %dma_start3A_19 = tpu.memref_slice %arg2[%add3A_17, %dma_start3A_18] : memref<4096x200xi32, #tpu.memory_space<hbm>> -> memref<1x200xi32, #tpu.memory_space<hbm>>
    %dma_start3A_20 = tpu.memref_squeeze %dma_start3A_19 : memref<1x200xi32, #tpu.memory_space<hbm>> -> memref<200xi32, #tpu.memory_space<hbm>>
    %dma_start3A_21 = arith.constant 0 : i32
    %dma_start3A_22 = tpu.memref_slice %arg2[%add3A_17, %dma_start3A_21] : memref<4096x200xi32, #tpu.memory_space<hbm>> -> memref<1x200xi32, #tpu.memory_space<hbm>>
    %dma_start3A_23 = tpu.memref_squeeze %dma_start3A_22 : memref<1x200xi32, #tpu.memory_space<hbm>> -> memref<200xi32, #tpu.memory_space<hbm>>
    tpu.enqueue_dma source(%dma_start3A_23 : memref<200xi32, #tpu.memory_space<hbm>>) target(%arg8 : memref<200xi32, #tpu.memory_space<vmem>>) target_semaphore(%arg16 : memref<!tpu.dma_semaphore, #tpu.memory_space<semaphore_mem>>)
    tpu.enqueue_dma source(%arg6 : memref<200x64xf32, #tpu.memory_space<vmem_shared>>) target(%arg12 : memref<200x64xf32, #tpu.memory_space<vmem>>) target_semaphore(%arg20 : memref<!tpu.dma_semaphore, #tpu.memory_space<semaphore_mem>>)
    %scan3A = arith.constant 0 : i32
    %scan3A_24 = arith.constant 10 : i32
    %scan3A_25 = arith.addi %scan3A, %scan3A_24 : i32
    %scan3A_26 = arith.constant 1 : i32
    scf.for %scan3A_63 = %scan3A to %scan3A_25 step %scan3A_26  : i32 {
      %mul3A_64 = arith.constant 4 : i32
      %mul3A_65 = arith.muli %scan3A_63, %mul3A_64 : i32
      %add3A_66 = arith.constant 0 : i32
      %add3A_67 = arith.addi %add3A_66, %mul3A_65 : i32
      %add3A_68 = arith.constant 0 : i32
      %add3A_69 = arith.addi %add3A_67, %add3A_68 : i32
      %dma_wait3A_70 = arith.constant 0 : i32
      %dma_wait3A_71 = arith.constant 0 : i32
      %dma_wait3A_72 = tpu.memref_slice %arg2[%dma_wait3A_70, %dma_wait3A_71] : memref<4096x200xi32, #tpu.memory_space<hbm>> -> memref<1x200xi32, #tpu.memory_space<hbm>>
      %dma_wait3A_73 = tpu.memref_squeeze %dma_wait3A_72 : memref<1x200xi32, #tpu.memory_space<hbm>> -> memref<200xi32, #tpu.memory_space<hbm>>
      %dma_wait3A_74 = arith.constant 0 : i32
      %dma_wait3A_75 = tpu.memref_slice %arg2[%dma_wait3A_70, %dma_wait3A_74] : memref<4096x200xi32, #tpu.memory_space<hbm>> -> memref<1x200xi32, #tpu.memory_space<hbm>>
      %dma_wait3A_76 = tpu.memref_squeeze %dma_wait3A_75 : memref<1x200xi32, #tpu.memory_space<hbm>> -> memref<200xi32, #tpu.memory_space<hbm>>
      tpu.wait_dma2 semaphore(%arg15 : memref<!tpu.dma_semaphore, #tpu.memory_space<semaphore_mem>>) src(%dma_wait3A_76 : memref<200xi32, #tpu.memory_space<hbm>>) dst(%arg7 : memref<200xi32, #tpu.memory_space<vmem>>)
      tpu.wait_dma2 semaphore(%arg19 : memref<!tpu.dma_semaphore, #tpu.memory_space<semaphore_mem>>) src(%arg6 : memref<200x64xf32, #tpu.memory_space<vmem_shared>>) dst(%arg11 : memref<200x64xf32, #tpu.memory_space<vmem>>)
      %dma_start3A_77 = arith.constant 0 : i32
      %dma_start3A_78 = arith.constant 0 : i32
      %dma_start3A_79 = tpu.memref_slice %arg11[%dma_start3A_77, %dma_start3A_78] : memref<200x64xf32, #tpu.memory_space<vmem>> -> memref<104x64xf32, #tpu.memory_space<vmem>>
      %dma_start3A_80 = arith.constant 0 : i32
      %dma_start3A_81 = tpu.memref_slice %arg7[%dma_start3A_80] : memref<200xi32, #tpu.memory_space<vmem>> -> memref<104xi32, #tpu.memory_space<vmem>>
      %dma_start3A_82 = arith.constant 0 : i32
      %dma_start3A_83 = arith.constant 0 : i32
      %dma_start3A_84 = tpu.memref_slice %arg3[%dma_start3A_82, %dma_start3A_83] : memref<102400x64xf32, #tpu.memory_space<hbm>> -> memref<102400x64xf32, #tpu.memory_space<hbm>>
      tpu.enqueue_indirect_dma source(%dma_start3A_84 : memref<102400x64xf32, #tpu.memory_space<hbm>>) target(%dma_start3A_79 : memref<104x64xf32, #tpu.memory_space<vmem>>) offsets(%dma_start3A_81 : memref<104xi32, #tpu.memory_space<vmem>>) semaphore(%arg27 : memref<!tpu.dma_semaphore, #tpu.memory_space<semaphore_mem>>) {add = true}
      %dma_start3A_85 = arith.constant 104 : i32
      %dma_start3A_86 = arith.constant 0 : i32
      %dma_start3A_87 = tpu.memref_slice %arg11[%dma_start3A_85, %dma_start3A_86] : memref<200x64xf32, #tpu.memory_space<vmem>> -> memref<96x64xf32, #tpu.memory_space<vmem>>
      %dma_start3A_88 = arith.constant 104 : i32
      %dma_start3A_89 = tpu.memref_slice %arg7[%dma_start3A_88] : memref<200xi32, #tpu.memory_space<vmem>> -> memref<96xi32, #tpu.memory_space<vmem>>
      %dma_start3A_90 = arith.constant 0 : i32
      %dma_start3A_91 = arith.constant 0 : i32
      %dma_start3A_92 = tpu.memref_slice %arg3[%dma_start3A_90, %dma_start3A_91] : memref<102400x64xf32, #tpu.memory_space<hbm>> -> memref<102400x64xf32, #tpu.memory_space<hbm>>
      tpu.enqueue_indirect_dma source(%dma_start3A_92 : memref<102400x64xf32, #tpu.memory_space<hbm>>) target(%dma_start3A_87 : memref<96x64xf32, #tpu.memory_space<vmem>>) offsets(%dma_start3A_89 : memref<96xi32, #tpu.memory_space<vmem>>) semaphore(%arg27 : memref<!tpu.dma_semaphore, #tpu.memory_space<semaphore_mem>>) {add = true}
      %lt3A = arith.constant 38 : i32
      %lt3A_93 = arith.cmpi slt, %add3A_69, %lt3A : i32
      %convert_element_type3A_94 = arith.extui %lt3A_93 : i1 to i32
      %cond3A_95 = arith.constant 0 : i32
      %cond3A_96 = arith.cmpi ne, %convert_element_type3A_94, %cond3A_95 : i32
      scf.if %cond3A_96 {
        %add3A_337 = arith.constant 2 : i32
        %add3A_338 = arith.addi %add3A_69, %add3A_337 : i32
        %add3A_339 = arith.constant 2048 : i32
        %add3A_340 = arith.addi %add3A_339, %mul3A_2 : i32
        %add3A_341 = arith.addi %add3A_340, %add3A_338 : i32
        %dma_start3A_342 = arith.constant 0 : i32
        %dma_start3A_343 = tpu.memref_slice %arg2[%add3A_341, %dma_start3A_342] : memref<4096x200xi32, #tpu.memory_space<hbm>> -> memref<1x200xi32, #tpu.memory_space<hbm>>
        %dma_start3A_344 = tpu.memref_squeeze %dma_start3A_343 : memref<1x200xi32, #tpu.memory_space<hbm>> -> memref<200xi32, #tpu.memory_space<hbm>>
        %dma_start3A_345 = arith.constant 0 : i32
        %dma_start3A_346 = tpu.memref_slice %arg2[%add3A_341, %dma_start3A_345] : memref<4096x200xi32, #tpu.memory_space<hbm>> -> memref<1x200xi32, #tpu.memory_space<hbm>>
        %dma_start3A_347 = tpu.memref_squeeze %dma_start3A_346 : memref<1x200xi32, #tpu.memory_space<hbm>> -> memref<200xi32, #tpu.memory_space<hbm>>
        tpu.enqueue_dma source(%dma_start3A_347 : memref<200xi32, #tpu.memory_space<hbm>>) target(%arg9 : memref<200xi32, #tpu.memory_space<vmem>>) target_semaphore(%arg17 : memref<!tpu.dma_semaphore, #tpu.memory_space<semaphore_mem>>)
      } else {
      }
      %ge3A = arith.constant 2 : i32
      %ge3A_97 = arith.cmpi sge, %add3A_69, %ge3A : i32
      %lt3A_98 = arith.constant 38 : i32
      %lt3A_99 = arith.cmpi slt, %add3A_69, %lt3A_98 : i32
      %and3A = arith.andi %ge3A_97, %lt3A_99 : i1
      %convert_element_type3A_100 = arith.extui %and3A : i1 to i32
      %cond3A_101 = arith.constant 0 : i32
      %cond3A_102 = arith.cmpi ne, %convert_element_type3A_100, %cond3A_101 : i32
      scf.if %cond3A_102 {
        %dma_wait3A_337 = arith.constant 0 : i32
        %dma_wait3A_338 = arith.constant 0 : i32
        %dma_wait3A_339 = arith.constant 0 : i32
        %dma_wait3A_340 = tpu.memref_slice %arg5[%dma_wait3A_337, %dma_wait3A_338, %dma_wait3A_339] : memref<1280x200x64xf32, #tpu.memory_space<hbm>> -> memref<1x200x64xf32, #tpu.memory_space<hbm>>
        %dma_wait3A_341 = tpu.memref_squeeze %dma_wait3A_340 : memref<1x200x64xf32, #tpu.memory_space<hbm>> -> memref<200x64xf32, #tpu.memory_space<hbm>>
        %dma_wait3A_342 = arith.constant 0 : i32
        %dma_wait3A_343 = arith.constant 0 : i32
        %dma_wait3A_344 = tpu.memref_slice %arg5[%dma_wait3A_337, %dma_wait3A_342, %dma_wait3A_343] : memref<1280x200x64xf32, #tpu.memory_space<hbm>> -> memref<1x200x64xf32, #tpu.memory_space<hbm>>
        %dma_wait3A_345 = tpu.memref_squeeze %dma_wait3A_344 : memref<1x200x64xf32, #tpu.memory_space<hbm>> -> memref<200x64xf32, #tpu.memory_space<hbm>>
        tpu.wait_dma2 semaphore(%arg25 : memref<!tpu.dma_semaphore, #tpu.memory_space<semaphore_mem>>) src(%arg13 : memref<200x64xf32, #tpu.memory_space<vmem>>) dst(%dma_wait3A_345 : memref<200x64xf32, #tpu.memory_space<hbm>>)
      } else {
      }
      %lt3A_103 = arith.constant 38 : i32
      %lt3A_104 = arith.cmpi slt, %add3A_69, %lt3A_103 : i32
      %convert_element_type3A_105 = arith.extui %lt3A_104 : i1 to i32
      %cond3A_106 = arith.constant 0 : i32
      %cond3A_107 = arith.cmpi ne, %convert_element_type3A_105, %cond3A_106 : i32
      scf.if %cond3A_107 {
        tpu.enqueue_dma source(%arg6 : memref<200x64xf32, #tpu.memory_space<vmem_shared>>) target(%arg13 : memref<200x64xf32, #tpu.memory_space<vmem>>) target_semaphore(%arg21 : memref<!tpu.dma_semaphore, #tpu.memory_space<semaphore_mem>>)
      } else {
      }
      %dma_wait3A_108 = arith.constant 0 : i32
      %dma_wait3A_109 = arith.constant 0 : i32
      %dma_wait3A_110 = tpu.memref_slice %arg11[%dma_wait3A_108, %dma_wait3A_109] : memref<200x64xf32, #tpu.memory_space<vmem>> -> memref<104x64xf32, #tpu.memory_space<vmem>>
      %dma_wait3A_111 = arith.constant 0 : i32
      %dma_wait3A_112 = tpu.memref_slice %arg7[%dma_wait3A_111] : memref<200xi32, #tpu.memory_space<vmem>> -> memref<104xi32, #tpu.memory_space<vmem>>
      %dma_wait3A_113 = arith.constant 0 : i32
      %dma_wait3A_114 = arith.constant 0 : i32
      %dma_wait3A_115 = tpu.memref_slice %arg3[%dma_wait3A_113, %dma_wait3A_114] : memref<102400x64xf32, #tpu.memory_space<hbm>> -> memref<102400x64xf32, #tpu.memory_space<hbm>>
      tpu.wait_indirect_dma semaphore(%arg27 : memref<!tpu.dma_semaphore, #tpu.memory_space<semaphore_mem>>) src(%dma_wait3A_115 : memref<102400x64xf32, #tpu.memory_space<hbm>>) dst(%dma_wait3A_110 : memref<104x64xf32, #tpu.memory_space<vmem>>)
      %dma_wait3A_116 = arith.constant 104 : i32
      %dma_wait3A_117 = arith.constant 0 : i32
      %dma_wait3A_118 = tpu.memref_slice %arg11[%dma_wait3A_116, %dma_wait3A_117] : memref<200x64xf32, #tpu.memory_space<vmem>> -> memref<96x64xf32, #tpu.memory_space<vmem>>
      %dma_wait3A_119 = arith.constant 104 : i32
      %dma_wait3A_120 = tpu.memref_slice %arg7[%dma_wait3A_119] : memref<200xi32, #tpu.memory_space<vmem>> -> memref<96xi32, #tpu.memory_space<vmem>>
      %dma_wait3A_121 = arith.constant 0 : i32
      %dma_wait3A_122 = arith.constant 0 : i32
      %dma_wait3A_123 = tpu.memref_slice %arg3[%dma_wait3A_121, %dma_wait3A_122] : memref<102400x64xf32, #tpu.memory_space<hbm>> -> memref<102400x64xf32, #tpu.memory_space<hbm>>
      tpu.wait_indirect_dma semaphore(%arg27 : memref<!tpu.dma_semaphore, #tpu.memory_space<semaphore_mem>>) src(%dma_wait3A_123 : memref<102400x64xf32, #tpu.memory_space<hbm>>) dst(%dma_wait3A_118 : memref<96x64xf32, #tpu.memory_space<vmem>>)
      %add3A_124 = arith.addi %mul3A_2, %add3A_69 : i32
      %dma_start3A_125 = arith.constant 0 : i32
      %dma_start3A_126 = arith.constant 0 : i32
      %dma_start3A_127 = tpu.memref_slice %arg5[%add3A_124, %dma_start3A_125, %dma_start3A_126] : memref<1280x200x64xf32, #tpu.memory_space<hbm>> -> memref<1x200x64xf32, #tpu.memory_space<hbm>>
      %dma_start3A_128 = tpu.memref_squeeze %dma_start3A_127 : memref<1x200x64xf32, #tpu.memory_space<hbm>> -> memref<200x64xf32, #tpu.memory_space<hbm>>
      %dma_start3A_129 = arith.constant 0 : i32
      %dma_start3A_130 = arith.constant 0 : i32
      %dma_start3A_131 = tpu.memref_slice %arg5[%add3A_124, %dma_start3A_129, %dma_start3A_130] : memref<1280x200x64xf32, #tpu.memory_space<hbm>> -> memref<1x200x64xf32, #tpu.memory_space<hbm>>
      %dma_start3A_132 = tpu.memref_squeeze %dma_start3A_131 : memref<1x200x64xf32, #tpu.memory_space<hbm>> -> memref<200x64xf32, #tpu.memory_space<hbm>>
      tpu.enqueue_dma source(%arg11 : memref<200x64xf32, #tpu.memory_space<vmem>>) target(%dma_start3A_132 : memref<200x64xf32, #tpu.memory_space<hbm>>) target_semaphore(%arg23 : memref<!tpu.dma_semaphore, #tpu.memory_space<semaphore_mem>>)
      %add3A_133 = arith.constant 1 : i32
      %add3A_134 = arith.addi %add3A_67, %add3A_133 : i32
      %dma_wait3A_135 = arith.constant 0 : i32
      %dma_wait3A_136 = arith.constant 0 : i32
      %dma_wait3A_137 = tpu.memref_slice %arg2[%dma_wait3A_135, %dma_wait3A_136] : memref<4096x200xi32, #tpu.memory_space<hbm>> -> memref<1x200xi32, #tpu.memory_space<hbm>>
      %dma_wait3A_138 = tpu.memref_squeeze %dma_wait3A_137 : memref<1x200xi32, #tpu.memory_space<hbm>> -> memref<200xi32, #tpu.memory_space<hbm>>
      %dma_wait3A_139 = arith.constant 0 : i32
      %dma_wait3A_140 = tpu.memref_slice %arg2[%dma_wait3A_135, %dma_wait3A_139] : memref<4096x200xi32, #tpu.memory_space<hbm>> -> memref<1x200xi32, #tpu.memory_space<hbm>>
      %dma_wait3A_141 = tpu.memref_squeeze %dma_wait3A_140 : memref<1x200xi32, #tpu.memory_space<hbm>> -> memref<200xi32, #tpu.memory_space<hbm>>
      tpu.wait_dma2 semaphore(%arg16 : memref<!tpu.dma_semaphore, #tpu.memory_space<semaphore_mem>>) src(%dma_wait3A_141 : memref<200xi32, #tpu.memory_space<hbm>>) dst(%arg8 : memref<200xi32, #tpu.memory_space<vmem>>)
      tpu.wait_dma2 semaphore(%arg20 : memref<!tpu.dma_semaphore, #tpu.memory_space<semaphore_mem>>) src(%arg6 : memref<200x64xf32, #tpu.memory_space<vmem_shared>>) dst(%arg12 : memref<200x64xf32, #tpu.memory_space<vmem>>)
      %dma_start3A_142 = arith.constant 0 : i32
      %dma_start3A_143 = arith.constant 0 : i32
      %dma_start3A_144 = tpu.memref_slice %arg12[%dma_start3A_142, %dma_start3A_143] : memref<200x64xf32, #tpu.memory_space<vmem>> -> memref<104x64xf32, #tpu.memory_space<vmem>>
      %dma_start3A_145 = arith.constant 0 : i32
      %dma_start3A_146 = tpu.memref_slice %arg8[%dma_start3A_145] : memref<200xi32, #tpu.memory_space<vmem>> -> memref<104xi32, #tpu.memory_space<vmem>>
      %dma_start3A_147 = arith.constant 0 : i32
      %dma_start3A_148 = arith.constant 0 : i32
      %dma_start3A_149 = tpu.memref_slice %arg3[%dma_start3A_147, %dma_start3A_148] : memref<102400x64xf32, #tpu.memory_space<hbm>> -> memref<102400x64xf32, #tpu.memory_space<hbm>>
      tpu.enqueue_indirect_dma source(%dma_start3A_149 : memref<102400x64xf32, #tpu.memory_space<hbm>>) target(%dma_start3A_144 : memref<104x64xf32, #tpu.memory_space<vmem>>) offsets(%dma_start3A_146 : memref<104xi32, #tpu.memory_space<vmem>>) semaphore(%arg27 : memref<!tpu.dma_semaphore, #tpu.memory_space<semaphore_mem>>) {add = true}
      %dma_start3A_150 = arith.constant 104 : i32
      %dma_start3A_151 = arith.constant 0 : i32
      %dma_start3A_152 = tpu.memref_slice %arg12[%dma_start3A_150, %dma_start3A_151] : memref<200x64xf32, #tpu.memory_space<vmem>> -> memref<96x64xf32, #tpu.memory_space<vmem>>
      %dma_start3A_153 = arith.constant 104 : i32
      %dma_start3A_154 = tpu.memref_slice %arg8[%dma_start3A_153] : memref<200xi32, #tpu.memory_space<vmem>> -> memref<96xi32, #tpu.memory_space<vmem>>
      %dma_start3A_155 = arith.constant 0 : i32
      %dma_start3A_156 = arith.constant 0 : i32
      %dma_start3A_157 = tpu.memref_slice %arg3[%dma_start3A_155, %dma_start3A_156] : memref<102400x64xf32, #tpu.memory_space<hbm>> -> memref<102400x64xf32, #tpu.memory_space<hbm>>
      tpu.enqueue_indirect_dma source(%dma_start3A_157 : memref<102400x64xf32, #tpu.memory_space<hbm>>) target(%dma_start3A_152 : memref<96x64xf32, #tpu.memory_space<vmem>>) offsets(%dma_start3A_154 : memref<96xi32, #tpu.memory_space<vmem>>) semaphore(%arg27 : memref<!tpu.dma_semaphore, #tpu.memory_space<semaphore_mem>>) {add = true}
      %lt3A_158 = arith.constant 38 : i32
      %lt3A_159 = arith.cmpi slt, %add3A_134, %lt3A_158 : i32
      %convert_element_type3A_160 = arith.extui %lt3A_159 : i1 to i32
      %cond3A_161 = arith.constant 0 : i32
      %cond3A_162 = arith.cmpi ne, %convert_element_type3A_160, %cond3A_161 : i32
      scf.if %cond3A_162 {
        %add3A_337 = arith.constant 2 : i32
        %add3A_338 = arith.addi %add3A_134, %add3A_337 : i32
        %add3A_339 = arith.constant 2048 : i32
        %add3A_340 = arith.addi %add3A_339, %mul3A_2 : i32
        %add3A_341 = arith.addi %add3A_340, %add3A_338 : i32
        %dma_start3A_342 = arith.constant 0 : i32
        %dma_start3A_343 = tpu.memref_slice %arg2[%add3A_341, %dma_start3A_342] : memref<4096x200xi32, #tpu.memory_space<hbm>> -> memref<1x200xi32, #tpu.memory_space<hbm>>
        %dma_start3A_344 = tpu.memref_squeeze %dma_start3A_343 : memref<1x200xi32, #tpu.memory_space<hbm>> -> memref<200xi32, #tpu.memory_space<hbm>>
        %dma_start3A_345 = arith.constant 0 : i32
        %dma_start3A_346 = tpu.memref_slice %arg2[%add3A_341, %dma_start3A_345] : memref<4096x200xi32, #tpu.memory_space<hbm>> -> memref<1x200xi32, #tpu.memory_space<hbm>>
        %dma_start3A_347 = tpu.memref_squeeze %dma_start3A_346 : memref<1x200xi32, #tpu.memory_space<hbm>> -> memref<200xi32, #tpu.memory_space<hbm>>
        tpu.enqueue_dma source(%dma_start3A_347 : memref<200xi32, #tpu.memory_space<hbm>>) target(%arg10 : memref<200xi32, #tpu.memory_space<vmem>>) target_semaphore(%arg18 : memref<!tpu.dma_semaphore, #tpu.memory_space<semaphore_mem>>)
      } else {
      }
      %ge3A_163 = arith.constant 2 : i32
      %ge3A_164 = arith.cmpi sge, %add3A_134, %ge3A_163 : i32
      %lt3A_165 = arith.constant 38 : i32
      %lt3A_166 = arith.cmpi slt, %add3A_134, %lt3A_165 : i32
      %and3A_167 = arith.andi %ge3A_164, %lt3A_166 : i1
      %convert_element_type3A_168 = arith.extui %and3A_167 : i1 to i32
      %cond3A_169 = arith.constant 0 : i32
      %cond3A_170 = arith.cmpi ne, %convert_element_type3A_168, %cond3A_169 : i32
      scf.if %cond3A_170 {
        %dma_wait3A_337 = arith.constant 0 : i32
        %dma_wait3A_338 = arith.constant 0 : i32
        %dma_wait3A_339 = arith.constant 0 : i32
        %dma_wait3A_340 = tpu.memref_slice %arg5[%dma_wait3A_337, %dma_wait3A_338, %dma_wait3A_339] : memref<1280x200x64xf32, #tpu.memory_space<hbm>> -> memref<1x200x64xf32, #tpu.memory_space<hbm>>
        %dma_wait3A_341 = tpu.memref_squeeze %dma_wait3A_340 : memref<1x200x64xf32, #tpu.memory_space<hbm>> -> memref<200x64xf32, #tpu.memory_space<hbm>>
        %dma_wait3A_342 = arith.constant 0 : i32
        %dma_wait3A_343 = arith.constant 0 : i32
        %dma_wait3A_344 = tpu.memref_slice %arg5[%dma_wait3A_337, %dma_wait3A_342, %dma_wait3A_343] : memref<1280x200x64xf32, #tpu.memory_space<hbm>> -> memref<1x200x64xf32, #tpu.memory_space<hbm>>
        %dma_wait3A_345 = tpu.memref_squeeze %dma_wait3A_344 : memref<1x200x64xf32, #tpu.memory_space<hbm>> -> memref<200x64xf32, #tpu.memory_space<hbm>>
        tpu.wait_dma2 semaphore(%arg26 : memref<!tpu.dma_semaphore, #tpu.memory_space<semaphore_mem>>) src(%arg14 : memref<200x64xf32, #tpu.memory_space<vmem>>) dst(%dma_wait3A_345 : memref<200x64xf32, #tpu.memory_space<hbm>>)
      } else {
      }
      %lt3A_171 = arith.constant 38 : i32
      %lt3A_172 = arith.cmpi slt, %add3A_134, %lt3A_171 : i32
      %convert_element_type3A_173 = arith.extui %lt3A_172 : i1 to i32
      %cond3A_174 = arith.constant 0 : i32
      %cond3A_175 = arith.cmpi ne, %convert_element_type3A_173, %cond3A_174 : i32
      scf.if %cond3A_175 {
        tpu.enqueue_dma source(%arg6 : memref<200x64xf32, #tpu.memory_space<vmem_shared>>) target(%arg14 : memref<200x64xf32, #tpu.memory_space<vmem>>) target_semaphore(%arg22 : memref<!tpu.dma_semaphore, #tpu.memory_space<semaphore_mem>>)
      } else {
      }
      %dma_wait3A_176 = arith.constant 0 : i32
      %dma_wait3A_177 = arith.constant 0 : i32
      %dma_wait3A_178 = tpu.memref_slice %arg12[%dma_wait3A_176, %dma_wait3A_177] : memref<200x64xf32, #tpu.memory_space<vmem>> -> memref<104x64xf32, #tpu.memory_space<vmem>>
      %dma_wait3A_179 = arith.constant 0 : i32
      %dma_wait3A_180 = tpu.memref_slice %arg8[%dma_wait3A_179] : memref<200xi32, #tpu.memory_space<vmem>> -> memref<104xi32, #tpu.memory_space<vmem>>
      %dma_wait3A_181 = arith.constant 0 : i32
      %dma_wait3A_182 = arith.constant 0 : i32
      %dma_wait3A_183 = tpu.memref_slice %arg3[%dma_wait3A_181, %dma_wait3A_182] : memref<102400x64xf32, #tpu.memory_space<hbm>> -> memref<102400x64xf32, #tpu.memory_space<hbm>>
      tpu.wait_indirect_dma semaphore(%arg27 : memref<!tpu.dma_semaphore, #tpu.memory_space<semaphore_mem>>) src(%dma_wait3A_183 : memref<102400x64xf32, #tpu.memory_space<hbm>>) dst(%dma_wait3A_178 : memref<104x64xf32, #tpu.memory_space<vmem>>)
      %dma_wait3A_184 = arith.constant 104 : i32
      %dma_wait3A_185 = arith.constant 0 : i32
      %dma_wait3A_186 = tpu.memref_slice %arg12[%dma_wait3A_184, %dma_wait3A_185] : memref<200x64xf32, #tpu.memory_space<vmem>> -> memref<96x64xf32, #tpu.memory_space<vmem>>
      %dma_wait3A_187 = arith.constant 104 : i32
      %dma_wait3A_188 = tpu.memref_slice %arg8[%dma_wait3A_187] : memref<200xi32, #tpu.memory_space<vmem>> -> memref<96xi32, #tpu.memory_space<vmem>>
      %dma_wait3A_189 = arith.constant 0 : i32
      %dma_wait3A_190 = arith.constant 0 : i32
      %dma_wait3A_191 = tpu.memref_slice %arg3[%dma_wait3A_189, %dma_wait3A_190] : memref<102400x64xf32, #tpu.memory_space<hbm>> -> memref<102400x64xf32, #tpu.memory_space<hbm>>
      tpu.wait_indirect_dma semaphore(%arg27 : memref<!tpu.dma_semaphore, #tpu.memory_space<semaphore_mem>>) src(%dma_wait3A_191 : memref<102400x64xf32, #tpu.memory_space<hbm>>) dst(%dma_wait3A_186 : memref<96x64xf32, #tpu.memory_space<vmem>>)
      %add3A_192 = arith.addi %mul3A_2, %add3A_134 : i32
      %dma_start3A_193 = arith.constant 0 : i32
      %dma_start3A_194 = arith.constant 0 : i32
      %dma_start3A_195 = tpu.memref_slice %arg5[%add3A_192, %dma_start3A_193, %dma_start3A_194] : memref<1280x200x64xf32, #tpu.memory_space<hbm>> -> memref<1x200x64xf32, #tpu.memory_space<hbm>>
      %dma_start3A_196 = tpu.memref_squeeze %dma_start3A_195 : memref<1x200x64xf32, #tpu.memory_space<hbm>> -> memref<200x64xf32, #tpu.memory_space<hbm>>
      %dma_start3A_197 = arith.constant 0 : i32
      %dma_start3A_198 = arith.constant 0 : i32
      %dma_start3A_199 = tpu.memref_slice %arg5[%add3A_192, %dma_start3A_197, %dma_start3A_198] : memref<1280x200x64xf32, #tpu.memory_space<hbm>> -> memref<1x200x64xf32, #tpu.memory_space<hbm>>
      %dma_start3A_200 = tpu.memref_squeeze %dma_start3A_199 : memref<1x200x64xf32, #tpu.memory_space<hbm>> -> memref<200x64xf32, #tpu.memory_space<hbm>>
      tpu.enqueue_dma source(%arg12 : memref<200x64xf32, #tpu.memory_space<vmem>>) target(%dma_start3A_200 : memref<200x64xf32, #tpu.memory_space<hbm>>) target_semaphore(%arg24 : memref<!tpu.dma_semaphore, #tpu.memory_space<semaphore_mem>>)
      %add3A_201 = arith.constant 2 : i32
      %add3A_202 = arith.addi %add3A_67, %add3A_201 : i32
      %dma_wait3A_203 = arith.constant 0 : i32
      %dma_wait3A_204 = arith.constant 0 : i32
      %dma_wait3A_205 = tpu.memref_slice %arg2[%dma_wait3A_203, %dma_wait3A_204] : memref<4096x200xi32, #tpu.memory_space<hbm>> -> memref<1x200xi32, #tpu.memory_space<hbm>>
      %dma_wait3A_206 = tpu.memref_squeeze %dma_wait3A_205 : memref<1x200xi32, #tpu.memory_space<hbm>> -> memref<200xi32, #tpu.memory_space<hbm>>
      %dma_wait3A_207 = arith.constant 0 : i32
      %dma_wait3A_208 = tpu.memref_slice %arg2[%dma_wait3A_203, %dma_wait3A_207] : memref<4096x200xi32, #tpu.memory_space<hbm>> -> memref<1x200xi32, #tpu.memory_space<hbm>>
      %dma_wait3A_209 = tpu.memref_squeeze %dma_wait3A_208 : memref<1x200xi32, #tpu.memory_space<hbm>> -> memref<200xi32, #tpu.memory_space<hbm>>
      tpu.wait_dma2 semaphore(%arg17 : memref<!tpu.dma_semaphore, #tpu.memory_space<semaphore_mem>>) src(%dma_wait3A_209 : memref<200xi32, #tpu.memory_space<hbm>>) dst(%arg9 : memref<200xi32, #tpu.memory_space<vmem>>)
      tpu.wait_dma2 semaphore(%arg21 : memref<!tpu.dma_semaphore, #tpu.memory_space<semaphore_mem>>) src(%arg6 : memref<200x64xf32, #tpu.memory_space<vmem_shared>>) dst(%arg13 : memref<200x64xf32, #tpu.memory_space<vmem>>)
      %dma_start3A_210 = arith.constant 0 : i32
      %dma_start3A_211 = arith.constant 0 : i32
      %dma_start3A_212 = tpu.memref_slice %arg13[%dma_start3A_210, %dma_start3A_211] : memref<200x64xf32, #tpu.memory_space<vmem>> -> memref<104x64xf32, #tpu.memory_space<vmem>>
      %dma_start3A_213 = arith.constant 0 : i32
      %dma_start3A_214 = tpu.memref_slice %arg9[%dma_start3A_213] : memref<200xi32, #tpu.memory_space<vmem>> -> memref<104xi32, #tpu.memory_space<vmem>>
      %dma_start3A_215 = arith.constant 0 : i32
      %dma_start3A_216 = arith.constant 0 : i32
      %dma_start3A_217 = tpu.memref_slice %arg3[%dma_start3A_215, %dma_start3A_216] : memref<102400x64xf32, #tpu.memory_space<hbm>> -> memref<102400x64xf32, #tpu.memory_space<hbm>>
      tpu.enqueue_indirect_dma source(%dma_start3A_217 : memref<102400x64xf32, #tpu.memory_space<hbm>>) target(%dma_start3A_212 : memref<104x64xf32, #tpu.memory_space<vmem>>) offsets(%dma_start3A_214 : memref<104xi32, #tpu.memory_space<vmem>>) semaphore(%arg27 : memref<!tpu.dma_semaphore, #tpu.memory_space<semaphore_mem>>) {add = true}
      %dma_start3A_218 = arith.constant 104 : i32
      %dma_start3A_219 = arith.constant 0 : i32
      %dma_start3A_220 = tpu.memref_slice %arg13[%dma_start3A_218, %dma_start3A_219] : memref<200x64xf32, #tpu.memory_space<vmem>> -> memref<96x64xf32, #tpu.memory_space<vmem>>
      %dma_start3A_221 = arith.constant 104 : i32
      %dma_start3A_222 = tpu.memref_slice %arg9[%dma_start3A_221] : memref<200xi32, #tpu.memory_space<vmem>> -> memref<96xi32, #tpu.memory_space<vmem>>
      %dma_start3A_223 = arith.constant 0 : i32
      %dma_start3A_224 = arith.constant 0 : i32
      %dma_start3A_225 = tpu.memref_slice %arg3[%dma_start3A_223, %dma_start3A_224] : memref<102400x64xf32, #tpu.memory_space<hbm>> -> memref<102400x64xf32, #tpu.memory_space<hbm>>
      tpu.enqueue_indirect_dma source(%dma_start3A_225 : memref<102400x64xf32, #tpu.memory_space<hbm>>) target(%dma_start3A_220 : memref<96x64xf32, #tpu.memory_space<vmem>>) offsets(%dma_start3A_222 : memref<96xi32, #tpu.memory_space<vmem>>) semaphore(%arg27 : memref<!tpu.dma_semaphore, #tpu.memory_space<semaphore_mem>>) {add = true}
      %lt3A_226 = arith.constant 38 : i32
      %lt3A_227 = arith.cmpi slt, %add3A_202, %lt3A_226 : i32
      %convert_element_type3A_228 = arith.extui %lt3A_227 : i1 to i32
      %cond3A_229 = arith.constant 0 : i32
      %cond3A_230 = arith.cmpi ne, %convert_element_type3A_228, %cond3A_229 : i32
      scf.if %cond3A_230 {
        %add3A_337 = arith.constant 2 : i32
        %add3A_338 = arith.addi %add3A_202, %add3A_337 : i32
        %add3A_339 = arith.constant 2048 : i32
        %add3A_340 = arith.addi %add3A_339, %mul3A_2 : i32
        %add3A_341 = arith.addi %add3A_340, %add3A_338 : i32
        %dma_start3A_342 = arith.constant 0 : i32
        %dma_start3A_343 = tpu.memref_slice %arg2[%add3A_341, %dma_start3A_342] : memref<4096x200xi32, #tpu.memory_space<hbm>> -> memref<1x200xi32, #tpu.memory_space<hbm>>
        %dma_start3A_344 = tpu.memref_squeeze %dma_start3A_343 : memref<1x200xi32, #tpu.memory_space<hbm>> -> memref<200xi32, #tpu.memory_space<hbm>>
        %dma_start3A_345 = arith.constant 0 : i32
        %dma_start3A_346 = tpu.memref_slice %arg2[%add3A_341, %dma_start3A_345] : memref<4096x200xi32, #tpu.memory_space<hbm>> -> memref<1x200xi32, #tpu.memory_space<hbm>>
        %dma_start3A_347 = tpu.memref_squeeze %dma_start3A_346 : memref<1x200xi32, #tpu.memory_space<hbm>> -> memref<200xi32, #tpu.memory_space<hbm>>
        tpu.enqueue_dma source(%dma_start3A_347 : memref<200xi32, #tpu.memory_space<hbm>>) target(%arg7 : memref<200xi32, #tpu.memory_space<vmem>>) target_semaphore(%arg15 : memref<!tpu.dma_semaphore, #tpu.memory_space<semaphore_mem>>)
      } else {
      }
      %ge3A_231 = arith.constant 2 : i32
      %ge3A_232 = arith.cmpi sge, %add3A_202, %ge3A_231 : i32
      %lt3A_233 = arith.constant 38 : i32
      %lt3A_234 = arith.cmpi slt, %add3A_202, %lt3A_233 : i32
      %and3A_235 = arith.andi %ge3A_232, %lt3A_234 : i1
      %convert_element_type3A_236 = arith.extui %and3A_235 : i1 to i32
      %cond3A_237 = arith.constant 0 : i32
      %cond3A_238 = arith.cmpi ne, %convert_element_type3A_236, %cond3A_237 : i32
      scf.if %cond3A_238 {
        %dma_wait3A_337 = arith.constant 0 : i32
        %dma_wait3A_338 = arith.constant 0 : i32
        %dma_wait3A_339 = arith.constant 0 : i32
        %dma_wait3A_340 = tpu.memref_slice %arg5[%dma_wait3A_337, %dma_wait3A_338, %dma_wait3A_339] : memref<1280x200x64xf32, #tpu.memory_space<hbm>> -> memref<1x200x64xf32, #tpu.memory_space<hbm>>
        %dma_wait3A_341 = tpu.memref_squeeze %dma_wait3A_340 : memref<1x200x64xf32, #tpu.memory_space<hbm>> -> memref<200x64xf32, #tpu.memory_space<hbm>>
        %dma_wait3A_342 = arith.constant 0 : i32
        %dma_wait3A_343 = arith.constant 0 : i32
        %dma_wait3A_344 = tpu.memref_slice %arg5[%dma_wait3A_337, %dma_wait3A_342, %dma_wait3A_343] : memref<1280x200x64xf32, #tpu.memory_space<hbm>> -> memref<1x200x64xf32, #tpu.memory_space<hbm>>
        %dma_wait3A_345 = tpu.memref_squeeze %dma_wait3A_344 : memref<1x200x64xf32, #tpu.memory_space<hbm>> -> memref<200x64xf32, #tpu.memory_space<hbm>>
        tpu.wait_dma2 semaphore(%arg23 : memref<!tpu.dma_semaphore, #tpu.memory_space<semaphore_mem>>) src(%arg11 : memref<200x64xf32, #tpu.memory_space<vmem>>) dst(%dma_wait3A_345 : memref<200x64xf32, #tpu.memory_space<hbm>>)
      } else {
      }
      %lt3A_239 = arith.constant 38 : i32
      %lt3A_240 = arith.cmpi slt, %add3A_202, %lt3A_239 : i32
      %convert_element_type3A_241 = arith.extui %lt3A_240 : i1 to i32
      %cond3A_242 = arith.constant 0 : i32
      %cond3A_243 = arith.cmpi ne, %convert_element_type3A_241, %cond3A_242 : i32
      scf.if %cond3A_243 {
        tpu.enqueue_dma source(%arg6 : memref<200x64xf32, #tpu.memory_space<vmem_shared>>) target(%arg11 : memref<200x64xf32, #tpu.memory_space<vmem>>) target_semaphore(%arg19 : memref<!tpu.dma_semaphore, #tpu.memory_space<semaphore_mem>>)
      } else {
      }
      %dma_wait3A_244 = arith.constant 0 : i32
      %dma_wait3A_245 = arith.constant 0 : i32
      %dma_wait3A_246 = tpu.memref_slice %arg13[%dma_wait3A_244, %dma_wait3A_245] : memref<200x64xf32, #tpu.memory_space<vmem>> -> memref<104x64xf32, #tpu.memory_space<vmem>>
      %dma_wait3A_247 = arith.constant 0 : i32
      %dma_wait3A_248 = tpu.memref_slice %arg9[%dma_wait3A_247] : memref<200xi32, #tpu.memory_space<vmem>> -> memref<104xi32, #tpu.memory_space<vmem>>
      %dma_wait3A_249 = arith.constant 0 : i32
      %dma_wait3A_250 = arith.constant 0 : i32
      %dma_wait3A_251 = tpu.memref_slice %arg3[%dma_wait3A_249, %dma_wait3A_250] : memref<102400x64xf32, #tpu.memory_space<hbm>> -> memref<102400x64xf32, #tpu.memory_space<hbm>>
      tpu.wait_indirect_dma semaphore(%arg27 : memref<!tpu.dma_semaphore, #tpu.memory_space<semaphore_mem>>) src(%dma_wait3A_251 : memref<102400x64xf32, #tpu.memory_space<hbm>>) dst(%dma_wait3A_246 : memref<104x64xf32, #tpu.memory_space<vmem>>)
      %dma_wait3A_252 = arith.constant 104 : i32
      %dma_wait3A_253 = arith.constant 0 : i32
      %dma_wait3A_254 = tpu.memref_slice %arg13[%dma_wait3A_252, %dma_wait3A_253] : memref<200x64xf32, #tpu.memory_space<vmem>> -> memref<96x64xf32, #tpu.memory_space<vmem>>
      %dma_wait3A_255 = arith.constant 104 : i32
      %dma_wait3A_256 = tpu.memref_slice %arg9[%dma_wait3A_255] : memref<200xi32, #tpu.memory_space<vmem>> -> memref<96xi32, #tpu.memory_space<vmem>>
      %dma_wait3A_257 = arith.constant 0 : i32
      %dma_wait3A_258 = arith.constant 0 : i32
      %dma_wait3A_259 = tpu.memref_slice %arg3[%dma_wait3A_257, %dma_wait3A_258] : memref<102400x64xf32, #tpu.memory_space<hbm>> -> memref<102400x64xf32, #tpu.memory_space<hbm>>
      tpu.wait_indirect_dma semaphore(%arg27 : memref<!tpu.dma_semaphore, #tpu.memory_space<semaphore_mem>>) src(%dma_wait3A_259 : memref<102400x64xf32, #tpu.memory_space<hbm>>) dst(%dma_wait3A_254 : memref<96x64xf32, #tpu.memory_space<vmem>>)
      %add3A_260 = arith.addi %mul3A_2, %add3A_202 : i32
      %dma_start3A_261 = arith.constant 0 : i32
      %dma_start3A_262 = arith.constant 0 : i32
      %dma_start3A_263 = tpu.memref_slice %arg5[%add3A_260, %dma_start3A_261, %dma_start3A_262] : memref<1280x200x64xf32, #tpu.memory_space<hbm>> -> memref<1x200x64xf32, #tpu.memory_space<hbm>>
      %dma_start3A_264 = tpu.memref_squeeze %dma_start3A_263 : memref<1x200x64xf32, #tpu.memory_space<hbm>> -> memref<200x64xf32, #tpu.memory_space<hbm>>
      %dma_start3A_265 = arith.constant 0 : i32
      %dma_start3A_266 = arith.constant 0 : i32
      %dma_start3A_267 = tpu.memref_slice %arg5[%add3A_260, %dma_start3A_265, %dma_start3A_266] : memref<1280x200x64xf32, #tpu.memory_space<hbm>> -> memref<1x200x64xf32, #tpu.memory_space<hbm>>
      %dma_start3A_268 = tpu.memref_squeeze %dma_start3A_267 : memref<1x200x64xf32, #tpu.memory_space<hbm>> -> memref<200x64xf32, #tpu.memory_space<hbm>>
      tpu.enqueue_dma source(%arg13 : memref<200x64xf32, #tpu.memory_space<vmem>>) target(%dma_start3A_268 : memref<200x64xf32, #tpu.memory_space<hbm>>) target_semaphore(%arg25 : memref<!tpu.dma_semaphore, #tpu.memory_space<semaphore_mem>>)
      %add3A_269 = arith.constant 3 : i32
      %add3A_270 = arith.addi %add3A_67, %add3A_269 : i32
      %dma_wait3A_271 = arith.constant 0 : i32
      %dma_wait3A_272 = arith.constant 0 : i32
      %dma_wait3A_273 = tpu.memref_slice %arg2[%dma_wait3A_271, %dma_wait3A_272] : memref<4096x200xi32, #tpu.memory_space<hbm>> -> memref<1x200xi32, #tpu.memory_space<hbm>>
      %dma_wait3A_274 = tpu.memref_squeeze %dma_wait3A_273 : memref<1x200xi32, #tpu.memory_space<hbm>> -> memref<200xi32, #tpu.memory_space<hbm>>
      %dma_wait3A_275 = arith.constant 0 : i32
      %dma_wait3A_276 = tpu.memref_slice %arg2[%dma_wait3A_271, %dma_wait3A_275] : memref<4096x200xi32, #tpu.memory_space<hbm>> -> memref<1x200xi32, #tpu.memory_space<hbm>>
      %dma_wait3A_277 = tpu.memref_squeeze %dma_wait3A_276 : memref<1x200xi32, #tpu.memory_space<hbm>> -> memref<200xi32, #tpu.memory_space<hbm>>
      tpu.wait_dma2 semaphore(%arg18 : memref<!tpu.dma_semaphore, #tpu.memory_space<semaphore_mem>>) src(%dma_wait3A_277 : memref<200xi32, #tpu.memory_space<hbm>>) dst(%arg10 : memref<200xi32, #tpu.memory_space<vmem>>)
      tpu.wait_dma2 semaphore(%arg22 : memref<!tpu.dma_semaphore, #tpu.memory_space<semaphore_mem>>) src(%arg6 : memref<200x64xf32, #tpu.memory_space<vmem_shared>>) dst(%arg14 : memref<200x64xf32, #tpu.memory_space<vmem>>)
      %dma_start3A_278 = arith.constant 0 : i32
      %dma_start3A_279 = arith.constant 0 : i32
      %dma_start3A_280 = tpu.memref_slice %arg14[%dma_start3A_278, %dma_start3A_279] : memref<200x64xf32, #tpu.memory_space<vmem>> -> memref<104x64xf32, #tpu.memory_space<vmem>>
      %dma_start3A_281 = arith.constant 0 : i32
      %dma_start3A_282 = tpu.memref_slice %arg10[%dma_start3A_281] : memref<200xi32, #tpu.memory_space<vmem>> -> memref<104xi32, #tpu.memory_space<vmem>>
      %dma_start3A_283 = arith.constant 0 : i32
      %dma_start3A_284 = arith.constant 0 : i32
      %dma_start3A_285 = tpu.memref_slice %arg3[%dma_start3A_283, %dma_start3A_284] : memref<102400x64xf32, #tpu.memory_space<hbm>> -> memref<102400x64xf32, #tpu.memory_space<hbm>>
      tpu.enqueue_indirect_dma source(%dma_start3A_285 : memref<102400x64xf32, #tpu.memory_space<hbm>>) target(%dma_start3A_280 : memref<104x64xf32, #tpu.memory_space<vmem>>) offsets(%dma_start3A_282 : memref<104xi32, #tpu.memory_space<vmem>>) semaphore(%arg27 : memref<!tpu.dma_semaphore, #tpu.memory_space<semaphore_mem>>) {add = true}
      %dma_start3A_286 = arith.constant 104 : i32
      %dma_start3A_287 = arith.constant 0 : i32
      %dma_start3A_288 = tpu.memref_slice %arg14[%dma_start3A_286, %dma_start3A_287] : memref<200x64xf32, #tpu.memory_space<vmem>> -> memref<96x64xf32, #tpu.memory_space<vmem>>
      %dma_start3A_289 = arith.constant 104 : i32
      %dma_start3A_290 = tpu.memref_slice %arg10[%dma_start3A_289] : memref<200xi32, #tpu.memory_space<vmem>> -> memref<96xi32, #tpu.memory_space<vmem>>
      %dma_start3A_291 = arith.constant 0 : i32
      %dma_start3A_292 = arith.constant 0 : i32
      %dma_start3A_293 = tpu.memref_slice %arg3[%dma_start3A_291, %dma_start3A_292] : memref<102400x64xf32, #tpu.memory_space<hbm>> -> memref<102400x64xf32, #tpu.memory_space<hbm>>
      tpu.enqueue_indirect_dma source(%dma_start3A_293 : memref<102400x64xf32, #tpu.memory_space<hbm>>) target(%dma_start3A_288 : memref<96x64xf32, #tpu.memory_space<vmem>>) offsets(%dma_start3A_290 : memref<96xi32, #tpu.memory_space<vmem>>) semaphore(%arg27 : memref<!tpu.dma_semaphore, #tpu.memory_space<semaphore_mem>>) {add = true}
      %lt3A_294 = arith.constant 38 : i32
      %lt3A_295 = arith.cmpi slt, %add3A_270, %lt3A_294 : i32
      %convert_element_type3A_296 = arith.extui %lt3A_295 : i1 to i32
      %cond3A_297 = arith.constant 0 : i32
      %cond3A_298 = arith.cmpi ne, %convert_element_type3A_296, %cond3A_297 : i32
      scf.if %cond3A_298 {
        %add3A_337 = arith.constant 2 : i32
        %add3A_338 = arith.addi %add3A_270, %add3A_337 : i32
        %add3A_339 = arith.constant 2048 : i32
        %add3A_340 = arith.addi %add3A_339, %mul3A_2 : i32
        %add3A_341 = arith.addi %add3A_340, %add3A_338 : i32
        %dma_start3A_342 = arith.constant 0 : i32
        %dma_start3A_343 = tpu.memref_slice %arg2[%add3A_341, %dma_start3A_342] : memref<4096x200xi32, #tpu.memory_space<hbm>> -> memref<1x200xi32, #tpu.memory_space<hbm>>
        %dma_start3A_344 = tpu.memref_squeeze %dma_start3A_343 : memref<1x200xi32, #tpu.memory_space<hbm>> -> memref<200xi32, #tpu.memory_space<hbm>>
        %dma_start3A_345 = arith.constant 0 : i32
        %dma_start3A_346 = tpu.memref_slice %arg2[%add3A_341, %dma_start3A_345] : memref<4096x200xi32, #tpu.memory_space<hbm>> -> memref<1x200xi32, #tpu.memory_space<hbm>>
        %dma_start3A_347 = tpu.memref_squeeze %dma_start3A_346 : memref<1x200xi32, #tpu.memory_space<hbm>> -> memref<200xi32, #tpu.memory_space<hbm>>
        tpu.enqueue_dma source(%dma_start3A_347 : memref<200xi32, #tpu.memory_space<hbm>>) target(%arg8 : memref<200xi32, #tpu.memory_space<vmem>>) target_semaphore(%arg16 : memref<!tpu.dma_semaphore, #tpu.memory_space<semaphore_mem>>)
      } else {
      }
      %ge3A_299 = arith.constant 2 : i32
      %ge3A_300 = arith.cmpi sge, %add3A_270, %ge3A_299 : i32
      %lt3A_301 = arith.constant 38 : i32
      %lt3A_302 = arith.cmpi slt, %add3A_270, %lt3A_301 : i32
      %and3A_303 = arith.andi %ge3A_300, %lt3A_302 : i1
      %convert_element_type3A_304 = arith.extui %and3A_303 : i1 to i32
      %cond3A_305 = arith.constant 0 : i32
      %cond3A_306 = arith.cmpi ne, %convert_element_type3A_304, %cond3A_305 : i32
      scf.if %cond3A_306 {
        %dma_wait3A_337 = arith.constant 0 : i32
        %dma_wait3A_338 = arith.constant 0 : i32
        %dma_wait3A_339 = arith.constant 0 : i32
        %dma_wait3A_340 = tpu.memref_slice %arg5[%dma_wait3A_337, %dma_wait3A_338, %dma_wait3A_339] : memref<1280x200x64xf32, #tpu.memory_space<hbm>> -> memref<1x200x64xf32, #tpu.memory_space<hbm>>
        %dma_wait3A_341 = tpu.memref_squeeze %dma_wait3A_340 : memref<1x200x64xf32, #tpu.memory_space<hbm>> -> memref<200x64xf32, #tpu.memory_space<hbm>>
        %dma_wait3A_342 = arith.constant 0 : i32
        %dma_wait3A_343 = arith.constant 0 : i32
        %dma_wait3A_344 = tpu.memref_slice %arg5[%dma_wait3A_337, %dma_wait3A_342, %dma_wait3A_343] : memref<1280x200x64xf32, #tpu.memory_space<hbm>> -> memref<1x200x64xf32, #tpu.memory_space<hbm>>
        %dma_wait3A_345 = tpu.memref_squeeze %dma_wait3A_344 : memref<1x200x64xf32, #tpu.memory_space<hbm>> -> memref<200x64xf32, #tpu.memory_space<hbm>>
        tpu.wait_dma2 semaphore(%arg24 : memref<!tpu.dma_semaphore, #tpu.memory_space<semaphore_mem>>) src(%arg12 : memref<200x64xf32, #tpu.memory_space<vmem>>) dst(%dma_wait3A_345 : memref<200x64xf32, #tpu.memory_space<hbm>>)
      } else {
      }
      %lt3A_307 = arith.constant 38 : i32
      %lt3A_308 = arith.cmpi slt, %add3A_270, %lt3A_307 : i32
      %convert_element_type3A_309 = arith.extui %lt3A_308 : i1 to i32
      %cond3A_310 = arith.constant 0 : i32
      %cond3A_311 = arith.cmpi ne, %convert_element_type3A_309, %cond3A_310 : i32
      scf.if %cond3A_311 {
        tpu.enqueue_dma source(%arg6 : memref<200x64xf32, #tpu.memory_space<vmem_shared>>) target(%arg12 : memref<200x64xf32, #tpu.memory_space<vmem>>) target_semaphore(%arg20 : memref<!tpu.dma_semaphore, #tpu.memory_space<semaphore_mem>>)
      } else {
      }
      %dma_wait3A_312 = arith.constant 0 : i32
      %dma_wait3A_313 = arith.constant 0 : i32
      %dma_wait3A_314 = tpu.memref_slice %arg14[%dma_wait3A_312, %dma_wait3A_313] : memref<200x64xf32, #tpu.memory_space<vmem>> -> memref<104x64xf32, #tpu.memory_space<vmem>>
      %dma_wait3A_315 = arith.constant 0 : i32
      %dma_wait3A_316 = tpu.memref_slice %arg10[%dma_wait3A_315] : memref<200xi32, #tpu.memory_space<vmem>> -> memref<104xi32, #tpu.memory_space<vmem>>
      %dma_wait3A_317 = arith.constant 0 : i32
      %dma_wait3A_318 = arith.constant 0 : i32
      %dma_wait3A_319 = tpu.memref_slice %arg3[%dma_wait3A_317, %dma_wait3A_318] : memref<102400x64xf32, #tpu.memory_space<hbm>> -> memref<102400x64xf32, #tpu.memory_space<hbm>>
      tpu.wait_indirect_dma semaphore(%arg27 : memref<!tpu.dma_semaphore, #tpu.memory_space<semaphore_mem>>) src(%dma_wait3A_319 : memref<102400x64xf32, #tpu.memory_space<hbm>>) dst(%dma_wait3A_314 : memref<104x64xf32, #tpu.memory_space<vmem>>)
      %dma_wait3A_320 = arith.constant 104 : i32
      %dma_wait3A_321 = arith.constant 0 : i32
      %dma_wait3A_322 = tpu.memref_slice %arg14[%dma_wait3A_320, %dma_wait3A_321] : memref<200x64xf32, #tpu.memory_space<vmem>> -> memref<96x64xf32, #tpu.memory_space<vmem>>
      %dma_wait3A_323 = arith.constant 104 : i32
      %dma_wait3A_324 = tpu.memref_slice %arg10[%dma_wait3A_323] : memref<200xi32, #tpu.memory_space<vmem>> -> memref<96xi32, #tpu.memory_space<vmem>>
      %dma_wait3A_325 = arith.constant 0 : i32
      %dma_wait3A_326 = arith.constant 0 : i32
      %dma_wait3A_327 = tpu.memref_slice %arg3[%dma_wait3A_325, %dma_wait3A_326] : memref<102400x64xf32, #tpu.memory_space<hbm>> -> memref<102400x64xf32, #tpu.memory_space<hbm>>
      tpu.wait_indirect_dma semaphore(%arg27 : memref<!tpu.dma_semaphore, #tpu.memory_space<semaphore_mem>>) src(%dma_wait3A_327 : memref<102400x64xf32, #tpu.memory_space<hbm>>) dst(%dma_wait3A_322 : memref<96x64xf32, #tpu.memory_space<vmem>>)
      %add3A_328 = arith.addi %mul3A_2, %add3A_270 : i32
      %dma_start3A_329 = arith.constant 0 : i32
      %dma_start3A_330 = arith.constant 0 : i32
      %dma_start3A_331 = tpu.memref_slice %arg5[%add3A_328, %dma_start3A_329, %dma_start3A_330] : memref<1280x200x64xf32, #tpu.memory_space<hbm>> -> memref<1x200x64xf32, #tpu.memory_space<hbm>>
      %dma_start3A_332 = tpu.memref_squeeze %dma_start3A_331 : memref<1x200x64xf32, #tpu.memory_space<hbm>> -> memref<200x64xf32, #tpu.memory_space<hbm>>
      %dma_start3A_333 = arith.constant 0 : i32
      %dma_start3A_334 = arith.constant 0 : i32
      %dma_start3A_335 = tpu.memref_slice %arg5[%add3A_328, %dma_start3A_333, %dma_start3A_334] : memref<1280x200x64xf32, #tpu.memory_space<hbm>> -> memref<1x200x64xf32, #tpu.memory_space<hbm>>
      %dma_start3A_336 = tpu.memref_squeeze %dma_start3A_335 : memref<1x200x64xf32, #tpu.memory_space<hbm>> -> memref<200x64xf32, #tpu.memory_space<hbm>>
      tpu.enqueue_dma source(%arg14 : memref<200x64xf32, #tpu.memory_space<vmem>>) target(%dma_start3A_336 : memref<200x64xf32, #tpu.memory_space<hbm>>) target_semaphore(%arg26 : memref<!tpu.dma_semaphore, #tpu.memory_space<semaphore_mem>>)
    }
    %scan3A_27 = arith.constant 10 : i32
    %dma_wait3A = arith.constant 0 : i32
    %dma_wait3A_28 = arith.constant 0 : i32
    %dma_wait3A_29 = arith.constant 0 : i32
    %dma_wait3A_30 = tpu.memref_slice %arg5[%dma_wait3A, %dma_wait3A_28, %dma_wait3A_29] : memref<1280x200x64xf32, #tpu.memory_space<hbm>> -> memref<1x200x64xf32, #tpu.memory_space<hbm>>
    %dma_wait3A_31 = tpu.memref_squeeze %dma_wait3A_30 : memref<1x200x64xf32, #tpu.memory_space<hbm>> -> memref<200x64xf32, #tpu.memory_space<hbm>>
    %dma_wait3A_32 = arith.constant 0 : i32
    %dma_wait3A_33 = arith.constant 0 : i32
    %dma_wait3A_34 = tpu.memref_slice %arg5[%dma_wait3A, %dma_wait3A_32, %dma_wait3A_33] : memref<1280x200x64xf32, #tpu.memory_space<hbm>> -> memref<1x200x64xf32, #tpu.memory_space<hbm>>
    %dma_wait3A_35 = tpu.memref_squeeze %dma_wait3A_34 : memref<1x200x64xf32, #tpu.memory_space<hbm>> -> memref<200x64xf32, #tpu.memory_space<hbm>>
    tpu.wait_dma2 semaphore(%arg23 : memref<!tpu.dma_semaphore, #tpu.memory_space<semaphore_mem>>) src(%arg11 : memref<200x64xf32, #tpu.memory_space<vmem>>) dst(%dma_wait3A_35 : memref<200x64xf32, #tpu.memory_space<hbm>>)
    %dma_wait3A_36 = arith.constant 0 : i32
    %dma_wait3A_37 = arith.constant 0 : i32
    %dma_wait3A_38 = arith.constant 0 : i32
    %dma_wait3A_39 = tpu.memref_slice %arg5[%dma_wait3A_36, %dma_wait3A_37, %dma_wait3A_38] : memref<1280x200x64xf32, #tpu.memory_space<hbm>> -> memref<1x200x64xf32, #tpu.memory_space<hbm>>
    %dma_wait3A_40 = tpu.memref_squeeze %dma_wait3A_39 : memref<1x200x64xf32, #tpu.memory_space<hbm>> -> memref<200x64xf32, #tpu.memory_space<hbm>>
    %dma_wait3A_41 = arith.constant 0 : i32
    %dma_wait3A_42 = arith.constant 0 : i32
    %dma_wait3A_43 = tpu.memref_slice %arg5[%dma_wait3A_36, %dma_wait3A_41, %dma_wait3A_42] : memref<1280x200x64xf32, #tpu.memory_space<hbm>> -> memref<1x200x64xf32, #tpu.memory_space<hbm>>
    %dma_wait3A_44 = tpu.memref_squeeze %dma_wait3A_43 : memref<1x200x64xf32, #tpu.memory_space<hbm>> -> memref<200x64xf32, #tpu.memory_space<hbm>>
    tpu.wait_dma2 semaphore(%arg24 : memref<!tpu.dma_semaphore, #tpu.memory_space<semaphore_mem>>) src(%arg12 : memref<200x64xf32, #tpu.memory_space<vmem>>) dst(%dma_wait3A_44 : memref<200x64xf32, #tpu.memory_space<hbm>>)
    %dma_wait3A_45 = arith.constant 0 : i32
    %dma_wait3A_46 = arith.constant 0 : i32
    %dma_wait3A_47 = arith.constant 0 : i32
    %dma_wait3A_48 = tpu.memref_slice %arg5[%dma_wait3A_45, %dma_wait3A_46, %dma_wait3A_47] : memref<1280x200x64xf32, #tpu.memory_space<hbm>> -> memref<1x200x64xf32, #tpu.memory_space<hbm>>
    %dma_wait3A_49 = tpu.memref_squeeze %dma_wait3A_48 : memref<1x200x64xf32, #tpu.memory_space<hbm>> -> memref<200x64xf32, #tpu.memory_space<hbm>>
    %dma_wait3A_50 = arith.constant 0 : i32
    %dma_wait3A_51 = arith.constant 0 : i32
    %dma_wait3A_52 = tpu.memref_slice %arg5[%dma_wait3A_45, %dma_wait3A_50, %dma_wait3A_51] : memref<1280x200x64xf32, #tpu.memory_space<hbm>> -> memref<1x200x64xf32, #tpu.memory_space<hbm>>
    %dma_wait3A_53 = tpu.memref_squeeze %dma_wait3A_52 : memref<1x200x64xf32, #tpu.memory_space<hbm>> -> memref<200x64xf32, #tpu.memory_space<hbm>>
    tpu.wait_dma2 semaphore(%arg25 : memref<!tpu.dma_semaphore, #tpu.memory_space<semaphore_mem>>) src(%arg13 : memref<200x64xf32, #tpu.memory_space<vmem>>) dst(%dma_wait3A_53 : memref<200x64xf32, #tpu.memory_space<hbm>>)
    %dma_wait3A_54 = arith.constant 0 : i32
    %dma_wait3A_55 = arith.constant 0 : i32
    %dma_wait3A_56 = arith.constant 0 : i32
    %dma_wait3A_57 = tpu.memref_slice %arg5[%dma_wait3A_54, %dma_wait3A_55, %dma_wait3A_56] : memref<1280x200x64xf32, #tpu.memory_space<hbm>> -> memref<1x200x64xf32, #tpu.memory_space<hbm>>
    %dma_wait3A_58 = tpu.memref_squeeze %dma_wait3A_57 : memref<1x200x64xf32, #tpu.memory_space<hbm>> -> memref<200x64xf32, #tpu.memory_space<hbm>>
    %dma_wait3A_59 = arith.constant 0 : i32
    %dma_wait3A_60 = arith.constant 0 : i32
    %dma_wait3A_61 = tpu.memref_slice %arg5[%dma_wait3A_54, %dma_wait3A_59, %dma_wait3A_60] : memref<1280x200x64xf32, #tpu.memory_space<hbm>> -> memref<1x200x64xf32, #tpu.memory_space<hbm>>
    %dma_wait3A_62 = tpu.memref_squeeze %dma_wait3A_61 : memref<1x200x64xf32, #tpu.memory_space<hbm>> -> memref<200x64xf32, #tpu.memory_space<hbm>>
    tpu.wait_dma2 semaphore(%arg26 : memref<!tpu.dma_semaphore, #tpu.memory_space<semaphore_mem>>) src(%arg14 : memref<200x64xf32, #tpu.memory_space<vmem>>) dst(%dma_wait3A_62 : memref<200x64xf32, #tpu.memory_space<hbm>>)
    return
  }
}

#map = affine_map<(d0, d1) -> (0, 0)>
#map1 = affine_map<(d0, d1) -> (0, 0, 0)>
module attributes {stable_mosaic.version = 14 : i64} {
  func.func @sc_gather_0(%arg0: i32, %arg1: i32, %arg2: memref<4096x200xi32, #tpu.memory_space<hbm>>, %arg3: memref<102400x64xf32, #tpu.memory_space<hbm>>, %arg4: memref<200x64xf32, #tpu.memory_space<hbm>>, %arg5: memref<768x200x64xf32, #tpu.memory_space<hbm>>, %arg6: memref<200x64xf32, #tpu.memory_space<vmem_shared>>, %arg7: memref<200xi32, #tpu.memory_space<vmem>>, %arg8: memref<200xi32, #tpu.memory_space<vmem>>, %arg9: memref<200xi32, #tpu.memory_space<vmem>>, %arg10: memref<200xi32, #tpu.memory_space<vmem>>, %arg11: memref<200x64xf32, #tpu.memory_space<vmem>>, %arg12: memref<200x64xf32, #tpu.memory_space<vmem>>, %arg13: memref<200x64xf32, #tpu.memory_space<vmem>>, %arg14: memref<200x64xf32, #tpu.memory_space<vmem>>, %arg15: memref<!tpu.dma_semaphore, #tpu.memory_space<semaphore_mem>>, %arg16: memref<!tpu.dma_semaphore, #tpu.memory_space<semaphore_mem>>, %arg17: memref<!tpu.dma_semaphore, #tpu.memory_space<semaphore_mem>>, %arg18: memref<!tpu.dma_semaphore, #tpu.memory_space<semaphore_mem>>, %arg19: memref<!tpu.dma_semaphore, #tpu.memory_space<semaphore_mem>>, %arg20: memref<!tpu.dma_semaphore, #tpu.memory_space<semaphore_mem>>, %arg21: memref<!tpu.dma_semaphore, #tpu.memory_space<semaphore_mem>>, %arg22: memref<!tpu.dma_semaphore, #tpu.memory_space<semaphore_mem>>, %arg23: memref<!tpu.dma_semaphore, #tpu.memory_space<semaphore_mem>>, %arg24: memref<!tpu.dma_semaphore, #tpu.memory_space<semaphore_mem>>, %arg25: memref<!tpu.dma_semaphore, #tpu.memory_space<semaphore_mem>>, %arg26: memref<!tpu.dma_semaphore, #tpu.memory_space<semaphore_mem>>, %arg27: memref<!tpu.dma_semaphore, #tpu.memory_space<semaphore_mem>>) attributes {dimension_semantics = [#tpu.dimension_semantics<core_parallel>, #tpu.dimension_semantics<subcore_parallel>], iteration_bounds = array<i64: 2, 16>, scalar_prefetch = 0 : i64, scratch_operands = 22 : i64, tpu.core_type = #tpu.core_type<sc_vector_subcore>, window_params = [{transform_indices = #map}, {transform_indices = #map}, {transform_indices = #map}, {transform_indices = #map1}]} {
    %mul3A = arith.constant 2 : i32
    %mul3A_0 = arith.muli %arg1, %mul3A : i32
    %add3A = arith.addi %mul3A_0, %arg0 : i32
    %mul3A_1 = arith.constant 24 : i32
    %mul3A_2 = arith.muli %add3A, %mul3A_1 : i32
    %eq3A = arith.constant 0 : i32
    %eq3A_3 = arith.cmpi eq, %arg1, %eq3A : i32
    %convert_element_type3A = arith.extui %eq3A_3 : i1 to i32
    %cond3A = arith.constant 0 : i32
    %cond3A_4 = arith.cmpi ne, %convert_element_type3A, %cond3A : i32
    scf.if %cond3A_4 {
      "tpu.region"() ({
        %run_scoped3A = tpu.sem_alloc : memref<!tpu.dma_semaphore, #tpu.memory_space<semaphore_mem>>
        tpu.enqueue_dma source(%arg4 : memref<200x64xf32, #tpu.memory_space<hbm>>) target(%arg6 : memref<200x64xf32, #tpu.memory_space<vmem_shared>>) target_semaphore(%run_scoped3A : memref<!tpu.dma_semaphore, #tpu.memory_space<semaphore_mem>>)
        tpu.wait_dma2 semaphore(%run_scoped3A : memref<!tpu.dma_semaphore, #tpu.memory_space<semaphore_mem>>) src(%arg4 : memref<200x64xf32, #tpu.memory_space<hbm>>) dst(%arg6 : memref<200x64xf32, #tpu.memory_space<vmem_shared>>)
        tpu.yield
      }) : () -> ()
    } else {
    }
    %barrier3A = arith.constant 0 : index
    tpu.barrier barrier_id(%barrier3A)
    %add3A_5 = arith.constant 0 : i32
    %add3A_6 = arith.addi %add3A_5, %mul3A_2 : i32
    %add3A_7 = arith.constant 0 : i32
    %add3A_8 = arith.addi %add3A_6, %add3A_7 : i32
    %dma_start3A = arith.constant 0 : i32
    %dma_start3A_9 = tpu.memref_slice %arg2[%add3A_8, %dma_start3A] : memref<4096x200xi32, #tpu.memory_space<hbm>> -> memref<1x200xi32, #tpu.memory_space<hbm>>
    %dma_start3A_10 = tpu.memref_squeeze %dma_start3A_9 : memref<1x200xi32, #tpu.memory_space<hbm>> -> memref<200xi32, #tpu.memory_space<hbm>>
    %dma_start3A_11 = arith.constant 0 : i32
    %dma_start3A_12 = tpu.memref_slice %arg2[%add3A_8, %dma_start3A_11] : memref<4096x200xi32, #tpu.memory_space<hbm>> -> memref<1x200xi32, #tpu.memory_space<hbm>>
    %dma_start3A_13 = tpu.memref_squeeze %dma_start3A_12 : memref<1x200xi32, #tpu.memory_space<hbm>> -> memref<200xi32, #tpu.memory_space<hbm>>
    tpu.enqueue_dma source(%dma_start3A_13 : memref<200xi32, #tpu.memory_space<hbm>>) target(%arg7 : memref<200xi32, #tpu.memory_space<vmem>>) target_semaphore(%arg15 : memref<!tpu.dma_semaphore, #tpu.memory_space<semaphore_mem>>)
    tpu.enqueue_dma source(%arg6 : memref<200x64xf32, #tpu.memory_space<vmem_shared>>) target(%arg11 : memref<200x64xf32, #tpu.memory_space<vmem>>) target_semaphore(%arg19 : memref<!tpu.dma_semaphore, #tpu.memory_space<semaphore_mem>>)
    %add3A_14 = arith.constant 0 : i32
    %add3A_15 = arith.addi %add3A_14, %mul3A_2 : i32
    %add3A_16 = arith.constant 1 : i32
    %add3A_17 = arith.addi %add3A_15, %add3A_16 : i32
    %dma_start3A_18 = arith.constant 0 : i32
    %dma_start3A_19 = tpu.memref_slice %arg2[%add3A_17, %dma_start3A_18] : memref<4096x200xi32, #tpu.memory_space<hbm>> -> memref<1x200xi32, #tpu.memory_space<hbm>>
    %dma_start3A_20 = tpu.memref_squeeze %dma_start3A_19 : memref<1x200xi32, #tpu.memory_space<hbm>> -> memref<200xi32, #tpu.memory_space<hbm>>
    %dma_start3A_21 = arith.constant 0 : i32
    %dma_start3A_22 = tpu.memref_slice %arg2[%add3A_17, %dma_start3A_21] : memref<4096x200xi32, #tpu.memory_space<hbm>> -> memref<1x200xi32, #tpu.memory_space<hbm>>
    %dma_start3A_23 = tpu.memref_squeeze %dma_start3A_22 : memref<1x200xi32, #tpu.memory_space<hbm>> -> memref<200xi32, #tpu.memory_space<hbm>>
    tpu.enqueue_dma source(%dma_start3A_23 : memref<200xi32, #tpu.memory_space<hbm>>) target(%arg8 : memref<200xi32, #tpu.memory_space<vmem>>) target_semaphore(%arg16 : memref<!tpu.dma_semaphore, #tpu.memory_space<semaphore_mem>>)
    tpu.enqueue_dma source(%arg6 : memref<200x64xf32, #tpu.memory_space<vmem_shared>>) target(%arg12 : memref<200x64xf32, #tpu.memory_space<vmem>>) target_semaphore(%arg20 : memref<!tpu.dma_semaphore, #tpu.memory_space<semaphore_mem>>)
    %scan3A = arith.constant 0 : i32
    %scan3A_24 = arith.constant 6 : i32
    %scan3A_25 = arith.addi %scan3A, %scan3A_24 : i32
    %scan3A_26 = arith.constant 1 : i32
    scf.for %scan3A_63 = %scan3A to %scan3A_25 step %scan3A_26  : i32 {
      %mul3A_64 = arith.constant 4 : i32
      %mul3A_65 = arith.muli %scan3A_63, %mul3A_64 : i32
      %add3A_66 = arith.constant 0 : i32
      %add3A_67 = arith.addi %add3A_66, %mul3A_65 : i32
      %add3A_68 = arith.constant 0 : i32
      %add3A_69 = arith.addi %add3A_67, %add3A_68 : i32
      %dma_wait3A_70 = arith.constant 0 : i32
      %dma_wait3A_71 = arith.constant 0 : i32
      %dma_wait3A_72 = tpu.memref_slice %arg2[%dma_wait3A_70, %dma_wait3A_71] : memref<4096x200xi32, #tpu.memory_space<hbm>> -> memref<1x200xi32, #tpu.memory_space<hbm>>
      %dma_wait3A_73 = tpu.memref_squeeze %dma_wait3A_72 : memref<1x200xi32, #tpu.memory_space<hbm>> -> memref<200xi32, #tpu.memory_space<hbm>>
      %dma_wait3A_74 = arith.constant 0 : i32
      %dma_wait3A_75 = tpu.memref_slice %arg2[%dma_wait3A_70, %dma_wait3A_74] : memref<4096x200xi32, #tpu.memory_space<hbm>> -> memref<1x200xi32, #tpu.memory_space<hbm>>
      %dma_wait3A_76 = tpu.memref_squeeze %dma_wait3A_75 : memref<1x200xi32, #tpu.memory_space<hbm>> -> memref<200xi32, #tpu.memory_space<hbm>>
      tpu.wait_dma2 semaphore(%arg15 : memref<!tpu.dma_semaphore, #tpu.memory_space<semaphore_mem>>) src(%dma_wait3A_76 : memref<200xi32, #tpu.memory_space<hbm>>) dst(%arg7 : memref<200xi32, #tpu.memory_space<vmem>>)
      tpu.wait_dma2 semaphore(%arg19 : memref<!tpu.dma_semaphore, #tpu.memory_space<semaphore_mem>>) src(%arg6 : memref<200x64xf32, #tpu.memory_space<vmem_shared>>) dst(%arg11 : memref<200x64xf32, #tpu.memory_space<vmem>>)
      %dma_start3A_77 = arith.constant 0 : i32
      %dma_start3A_78 = arith.constant 0 : i32
      %dma_start3A_79 = tpu.memref_slice %arg11[%dma_start3A_77, %dma_start3A_78] : memref<200x64xf32, #tpu.memory_space<vmem>> -> memref<104x64xf32, #tpu.memory_space<vmem>>
      %dma_start3A_80 = arith.constant 0 : i32
      %dma_start3A_81 = tpu.memref_slice %arg7[%dma_start3A_80] : memref<200xi32, #tpu.memory_space<vmem>> -> memref<104xi32, #tpu.memory_space<vmem>>
      %dma_start3A_82 = arith.constant 0 : i32
      %dma_start3A_83 = arith.constant 0 : i32
      %dma_start3A_84 = tpu.memref_slice %arg3[%dma_start3A_82, %dma_start3A_83] : memref<102400x64xf32, #tpu.memory_space<hbm>> -> memref<102400x64xf32, #tpu.memory_space<hbm>>
      tpu.enqueue_indirect_dma source(%dma_start3A_84 : memref<102400x64xf32, #tpu.memory_space<hbm>>) target(%dma_start3A_79 : memref<104x64xf32, #tpu.memory_space<vmem>>) offsets(%dma_start3A_81 : memref<104xi32, #tpu.memory_space<vmem>>) semaphore(%arg27 : memref<!tpu.dma_semaphore, #tpu.memory_space<semaphore_mem>>) {add = true}
      %dma_start3A_85 = arith.constant 104 : i32
      %dma_start3A_86 = arith.constant 0 : i32
      %dma_start3A_87 = tpu.memref_slice %arg11[%dma_start3A_85, %dma_start3A_86] : memref<200x64xf32, #tpu.memory_space<vmem>> -> memref<96x64xf32, #tpu.memory_space<vmem>>
      %dma_start3A_88 = arith.constant 104 : i32
      %dma_start3A_89 = tpu.memref_slice %arg7[%dma_start3A_88] : memref<200xi32, #tpu.memory_space<vmem>> -> memref<96xi32, #tpu.memory_space<vmem>>
      %dma_start3A_90 = arith.constant 0 : i32
      %dma_start3A_91 = arith.constant 0 : i32
      %dma_start3A_92 = tpu.memref_slice %arg3[%dma_start3A_90, %dma_start3A_91] : memref<102400x64xf32, #tpu.memory_space<hbm>> -> memref<102400x64xf32, #tpu.memory_space<hbm>>
      tpu.enqueue_indirect_dma source(%dma_start3A_92 : memref<102400x64xf32, #tpu.memory_space<hbm>>) target(%dma_start3A_87 : memref<96x64xf32, #tpu.memory_space<vmem>>) offsets(%dma_start3A_89 : memref<96xi32, #tpu.memory_space<vmem>>) semaphore(%arg27 : memref<!tpu.dma_semaphore, #tpu.memory_space<semaphore_mem>>) {add = true}
      %lt3A = arith.constant 22 : i32
      %lt3A_93 = arith.cmpi slt, %add3A_69, %lt3A : i32
      %convert_element_type3A_94 = arith.extui %lt3A_93 : i1 to i32
      %cond3A_95 = arith.constant 0 : i32
      %cond3A_96 = arith.cmpi ne, %convert_element_type3A_94, %cond3A_95 : i32
      scf.if %cond3A_96 {
        %add3A_337 = arith.constant 2 : i32
        %add3A_338 = arith.addi %add3A_69, %add3A_337 : i32
        %add3A_339 = arith.constant 0 : i32
        %add3A_340 = arith.addi %add3A_339, %mul3A_2 : i32
        %add3A_341 = arith.addi %add3A_340, %add3A_338 : i32
        %dma_start3A_342 = arith.constant 0 : i32
        %dma_start3A_343 = tpu.memref_slice %arg2[%add3A_341, %dma_start3A_342] : memref<4096x200xi32, #tpu.memory_space<hbm>> -> memref<1x200xi32, #tpu.memory_space<hbm>>
        %dma_start3A_344 = tpu.memref_squeeze %dma_start3A_343 : memref<1x200xi32, #tpu.memory_space<hbm>> -> memref<200xi32, #tpu.memory_space<hbm>>
        %dma_start3A_345 = arith.constant 0 : i32
        %dma_start3A_346 = tpu.memref_slice %arg2[%add3A_341, %dma_start3A_345] : memref<4096x200xi32, #tpu.memory_space<hbm>> -> memref<1x200xi32, #tpu.memory_space<hbm>>
        %dma_start3A_347 = tpu.memref_squeeze %dma_start3A_346 : memref<1x200xi32, #tpu.memory_space<hbm>> -> memref<200xi32, #tpu.memory_space<hbm>>
        tpu.enqueue_dma source(%dma_start3A_347 : memref<200xi32, #tpu.memory_space<hbm>>) target(%arg9 : memref<200xi32, #tpu.memory_space<vmem>>) target_semaphore(%arg17 : memref<!tpu.dma_semaphore, #tpu.memory_space<semaphore_mem>>)
      } else {
      }
      %ge3A = arith.constant 2 : i32
      %ge3A_97 = arith.cmpi sge, %add3A_69, %ge3A : i32
      %lt3A_98 = arith.constant 22 : i32
      %lt3A_99 = arith.cmpi slt, %add3A_69, %lt3A_98 : i32
      %and3A = arith.andi %ge3A_97, %lt3A_99 : i1
      %convert_element_type3A_100 = arith.extui %and3A : i1 to i32
      %cond3A_101 = arith.constant 0 : i32
      %cond3A_102 = arith.cmpi ne, %convert_element_type3A_100, %cond3A_101 : i32
      scf.if %cond3A_102 {
        %dma_wait3A_337 = arith.constant 0 : i32
        %dma_wait3A_338 = arith.constant 0 : i32
        %dma_wait3A_339 = arith.constant 0 : i32
        %dma_wait3A_340 = tpu.memref_slice %arg5[%dma_wait3A_337, %dma_wait3A_338, %dma_wait3A_339] : memref<768x200x64xf32, #tpu.memory_space<hbm>> -> memref<1x200x64xf32, #tpu.memory_space<hbm>>
        %dma_wait3A_341 = tpu.memref_squeeze %dma_wait3A_340 : memref<1x200x64xf32, #tpu.memory_space<hbm>> -> memref<200x64xf32, #tpu.memory_space<hbm>>
        %dma_wait3A_342 = arith.constant 0 : i32
        %dma_wait3A_343 = arith.constant 0 : i32
        %dma_wait3A_344 = tpu.memref_slice %arg5[%dma_wait3A_337, %dma_wait3A_342, %dma_wait3A_343] : memref<768x200x64xf32, #tpu.memory_space<hbm>> -> memref<1x200x64xf32, #tpu.memory_space<hbm>>
        %dma_wait3A_345 = tpu.memref_squeeze %dma_wait3A_344 : memref<1x200x64xf32, #tpu.memory_space<hbm>> -> memref<200x64xf32, #tpu.memory_space<hbm>>
        tpu.wait_dma2 semaphore(%arg25 : memref<!tpu.dma_semaphore, #tpu.memory_space<semaphore_mem>>) src(%arg13 : memref<200x64xf32, #tpu.memory_space<vmem>>) dst(%dma_wait3A_345 : memref<200x64xf32, #tpu.memory_space<hbm>>)
      } else {
      }
      %lt3A_103 = arith.constant 22 : i32
      %lt3A_104 = arith.cmpi slt, %add3A_69, %lt3A_103 : i32
      %convert_element_type3A_105 = arith.extui %lt3A_104 : i1 to i32
      %cond3A_106 = arith.constant 0 : i32
      %cond3A_107 = arith.cmpi ne, %convert_element_type3A_105, %cond3A_106 : i32
      scf.if %cond3A_107 {
        tpu.enqueue_dma source(%arg6 : memref<200x64xf32, #tpu.memory_space<vmem_shared>>) target(%arg13 : memref<200x64xf32, #tpu.memory_space<vmem>>) target_semaphore(%arg21 : memref<!tpu.dma_semaphore, #tpu.memory_space<semaphore_mem>>)
      } else {
      }
      %dma_wait3A_108 = arith.constant 0 : i32
      %dma_wait3A_109 = arith.constant 0 : i32
      %dma_wait3A_110 = tpu.memref_slice %arg11[%dma_wait3A_108, %dma_wait3A_109] : memref<200x64xf32, #tpu.memory_space<vmem>> -> memref<104x64xf32, #tpu.memory_space<vmem>>
      %dma_wait3A_111 = arith.constant 0 : i32
      %dma_wait3A_112 = tpu.memref_slice %arg7[%dma_wait3A_111] : memref<200xi32, #tpu.memory_space<vmem>> -> memref<104xi32, #tpu.memory_space<vmem>>
      %dma_wait3A_113 = arith.constant 0 : i32
      %dma_wait3A_114 = arith.constant 0 : i32
      %dma_wait3A_115 = tpu.memref_slice %arg3[%dma_wait3A_113, %dma_wait3A_114] : memref<102400x64xf32, #tpu.memory_space<hbm>> -> memref<102400x64xf32, #tpu.memory_space<hbm>>
      tpu.wait_indirect_dma semaphore(%arg27 : memref<!tpu.dma_semaphore, #tpu.memory_space<semaphore_mem>>) src(%dma_wait3A_115 : memref<102400x64xf32, #tpu.memory_space<hbm>>) dst(%dma_wait3A_110 : memref<104x64xf32, #tpu.memory_space<vmem>>)
      %dma_wait3A_116 = arith.constant 104 : i32
      %dma_wait3A_117 = arith.constant 0 : i32
      %dma_wait3A_118 = tpu.memref_slice %arg11[%dma_wait3A_116, %dma_wait3A_117] : memref<200x64xf32, #tpu.memory_space<vmem>> -> memref<96x64xf32, #tpu.memory_space<vmem>>
      %dma_wait3A_119 = arith.constant 104 : i32
      %dma_wait3A_120 = tpu.memref_slice %arg7[%dma_wait3A_119] : memref<200xi32, #tpu.memory_space<vmem>> -> memref<96xi32, #tpu.memory_space<vmem>>
      %dma_wait3A_121 = arith.constant 0 : i32
      %dma_wait3A_122 = arith.constant 0 : i32
      %dma_wait3A_123 = tpu.memref_slice %arg3[%dma_wait3A_121, %dma_wait3A_122] : memref<102400x64xf32, #tpu.memory_space<hbm>> -> memref<102400x64xf32, #tpu.memory_space<hbm>>
      tpu.wait_indirect_dma semaphore(%arg27 : memref<!tpu.dma_semaphore, #tpu.memory_space<semaphore_mem>>) src(%dma_wait3A_123 : memref<102400x64xf32, #tpu.memory_space<hbm>>) dst(%dma_wait3A_118 : memref<96x64xf32, #tpu.memory_space<vmem>>)
      %add3A_124 = arith.addi %mul3A_2, %add3A_69 : i32
      %dma_start3A_125 = arith.constant 0 : i32
      %dma_start3A_126 = arith.constant 0 : i32
      %dma_start3A_127 = tpu.memref_slice %arg5[%add3A_124, %dma_start3A_125, %dma_start3A_126] : memref<768x200x64xf32, #tpu.memory_space<hbm>> -> memref<1x200x64xf32, #tpu.memory_space<hbm>>
      %dma_start3A_128 = tpu.memref_squeeze %dma_start3A_127 : memref<1x200x64xf32, #tpu.memory_space<hbm>> -> memref<200x64xf32, #tpu.memory_space<hbm>>
      %dma_start3A_129 = arith.constant 0 : i32
      %dma_start3A_130 = arith.constant 0 : i32
      %dma_start3A_131 = tpu.memref_slice %arg5[%add3A_124, %dma_start3A_129, %dma_start3A_130] : memref<768x200x64xf32, #tpu.memory_space<hbm>> -> memref<1x200x64xf32, #tpu.memory_space<hbm>>
      %dma_start3A_132 = tpu.memref_squeeze %dma_start3A_131 : memref<1x200x64xf32, #tpu.memory_space<hbm>> -> memref<200x64xf32, #tpu.memory_space<hbm>>
      tpu.enqueue_dma source(%arg11 : memref<200x64xf32, #tpu.memory_space<vmem>>) target(%dma_start3A_132 : memref<200x64xf32, #tpu.memory_space<hbm>>) target_semaphore(%arg23 : memref<!tpu.dma_semaphore, #tpu.memory_space<semaphore_mem>>)
      %add3A_133 = arith.constant 1 : i32
      %add3A_134 = arith.addi %add3A_67, %add3A_133 : i32
      %dma_wait3A_135 = arith.constant 0 : i32
      %dma_wait3A_136 = arith.constant 0 : i32
      %dma_wait3A_137 = tpu.memref_slice %arg2[%dma_wait3A_135, %dma_wait3A_136] : memref<4096x200xi32, #tpu.memory_space<hbm>> -> memref<1x200xi32, #tpu.memory_space<hbm>>
      %dma_wait3A_138 = tpu.memref_squeeze %dma_wait3A_137 : memref<1x200xi32, #tpu.memory_space<hbm>> -> memref<200xi32, #tpu.memory_space<hbm>>
      %dma_wait3A_139 = arith.constant 0 : i32
      %dma_wait3A_140 = tpu.memref_slice %arg2[%dma_wait3A_135, %dma_wait3A_139] : memref<4096x200xi32, #tpu.memory_space<hbm>> -> memref<1x200xi32, #tpu.memory_space<hbm>>
      %dma_wait3A_141 = tpu.memref_squeeze %dma_wait3A_140 : memref<1x200xi32, #tpu.memory_space<hbm>> -> memref<200xi32, #tpu.memory_space<hbm>>
      tpu.wait_dma2 semaphore(%arg16 : memref<!tpu.dma_semaphore, #tpu.memory_space<semaphore_mem>>) src(%dma_wait3A_141 : memref<200xi32, #tpu.memory_space<hbm>>) dst(%arg8 : memref<200xi32, #tpu.memory_space<vmem>>)
      tpu.wait_dma2 semaphore(%arg20 : memref<!tpu.dma_semaphore, #tpu.memory_space<semaphore_mem>>) src(%arg6 : memref<200x64xf32, #tpu.memory_space<vmem_shared>>) dst(%arg12 : memref<200x64xf32, #tpu.memory_space<vmem>>)
      %dma_start3A_142 = arith.constant 0 : i32
      %dma_start3A_143 = arith.constant 0 : i32
      %dma_start3A_144 = tpu.memref_slice %arg12[%dma_start3A_142, %dma_start3A_143] : memref<200x64xf32, #tpu.memory_space<vmem>> -> memref<104x64xf32, #tpu.memory_space<vmem>>
      %dma_start3A_145 = arith.constant 0 : i32
      %dma_start3A_146 = tpu.memref_slice %arg8[%dma_start3A_145] : memref<200xi32, #tpu.memory_space<vmem>> -> memref<104xi32, #tpu.memory_space<vmem>>
      %dma_start3A_147 = arith.constant 0 : i32
      %dma_start3A_148 = arith.constant 0 : i32
      %dma_start3A_149 = tpu.memref_slice %arg3[%dma_start3A_147, %dma_start3A_148] : memref<102400x64xf32, #tpu.memory_space<hbm>> -> memref<102400x64xf32, #tpu.memory_space<hbm>>
      tpu.enqueue_indirect_dma source(%dma_start3A_149 : memref<102400x64xf32, #tpu.memory_space<hbm>>) target(%dma_start3A_144 : memref<104x64xf32, #tpu.memory_space<vmem>>) offsets(%dma_start3A_146 : memref<104xi32, #tpu.memory_space<vmem>>) semaphore(%arg27 : memref<!tpu.dma_semaphore, #tpu.memory_space<semaphore_mem>>) {add = true}
      %dma_start3A_150 = arith.constant 104 : i32
      %dma_start3A_151 = arith.constant 0 : i32
      %dma_start3A_152 = tpu.memref_slice %arg12[%dma_start3A_150, %dma_start3A_151] : memref<200x64xf32, #tpu.memory_space<vmem>> -> memref<96x64xf32, #tpu.memory_space<vmem>>
      %dma_start3A_153 = arith.constant 104 : i32
      %dma_start3A_154 = tpu.memref_slice %arg8[%dma_start3A_153] : memref<200xi32, #tpu.memory_space<vmem>> -> memref<96xi32, #tpu.memory_space<vmem>>
      %dma_start3A_155 = arith.constant 0 : i32
      %dma_start3A_156 = arith.constant 0 : i32
      %dma_start3A_157 = tpu.memref_slice %arg3[%dma_start3A_155, %dma_start3A_156] : memref<102400x64xf32, #tpu.memory_space<hbm>> -> memref<102400x64xf32, #tpu.memory_space<hbm>>
      tpu.enqueue_indirect_dma source(%dma_start3A_157 : memref<102400x64xf32, #tpu.memory_space<hbm>>) target(%dma_start3A_152 : memref<96x64xf32, #tpu.memory_space<vmem>>) offsets(%dma_start3A_154 : memref<96xi32, #tpu.memory_space<vmem>>) semaphore(%arg27 : memref<!tpu.dma_semaphore, #tpu.memory_space<semaphore_mem>>) {add = true}
      %lt3A_158 = arith.constant 22 : i32
      %lt3A_159 = arith.cmpi slt, %add3A_134, %lt3A_158 : i32
      %convert_element_type3A_160 = arith.extui %lt3A_159 : i1 to i32
      %cond3A_161 = arith.constant 0 : i32
      %cond3A_162 = arith.cmpi ne, %convert_element_type3A_160, %cond3A_161 : i32
      scf.if %cond3A_162 {
        %add3A_337 = arith.constant 2 : i32
        %add3A_338 = arith.addi %add3A_134, %add3A_337 : i32
        %add3A_339 = arith.constant 0 : i32
        %add3A_340 = arith.addi %add3A_339, %mul3A_2 : i32
        %add3A_341 = arith.addi %add3A_340, %add3A_338 : i32
        %dma_start3A_342 = arith.constant 0 : i32
        %dma_start3A_343 = tpu.memref_slice %arg2[%add3A_341, %dma_start3A_342] : memref<4096x200xi32, #tpu.memory_space<hbm>> -> memref<1x200xi32, #tpu.memory_space<hbm>>
        %dma_start3A_344 = tpu.memref_squeeze %dma_start3A_343 : memref<1x200xi32, #tpu.memory_space<hbm>> -> memref<200xi32, #tpu.memory_space<hbm>>
        %dma_start3A_345 = arith.constant 0 : i32
        %dma_start3A_346 = tpu.memref_slice %arg2[%add3A_341, %dma_start3A_345] : memref<4096x200xi32, #tpu.memory_space<hbm>> -> memref<1x200xi32, #tpu.memory_space<hbm>>
        %dma_start3A_347 = tpu.memref_squeeze %dma_start3A_346 : memref<1x200xi32, #tpu.memory_space<hbm>> -> memref<200xi32, #tpu.memory_space<hbm>>
        tpu.enqueue_dma source(%dma_start3A_347 : memref<200xi32, #tpu.memory_space<hbm>>) target(%arg10 : memref<200xi32, #tpu.memory_space<vmem>>) target_semaphore(%arg18 : memref<!tpu.dma_semaphore, #tpu.memory_space<semaphore_mem>>)
      } else {
      }
      %ge3A_163 = arith.constant 2 : i32
      %ge3A_164 = arith.cmpi sge, %add3A_134, %ge3A_163 : i32
      %lt3A_165 = arith.constant 22 : i32
      %lt3A_166 = arith.cmpi slt, %add3A_134, %lt3A_165 : i32
      %and3A_167 = arith.andi %ge3A_164, %lt3A_166 : i1
      %convert_element_type3A_168 = arith.extui %and3A_167 : i1 to i32
      %cond3A_169 = arith.constant 0 : i32
      %cond3A_170 = arith.cmpi ne, %convert_element_type3A_168, %cond3A_169 : i32
      scf.if %cond3A_170 {
        %dma_wait3A_337 = arith.constant 0 : i32
        %dma_wait3A_338 = arith.constant 0 : i32
        %dma_wait3A_339 = arith.constant 0 : i32
        %dma_wait3A_340 = tpu.memref_slice %arg5[%dma_wait3A_337, %dma_wait3A_338, %dma_wait3A_339] : memref<768x200x64xf32, #tpu.memory_space<hbm>> -> memref<1x200x64xf32, #tpu.memory_space<hbm>>
        %dma_wait3A_341 = tpu.memref_squeeze %dma_wait3A_340 : memref<1x200x64xf32, #tpu.memory_space<hbm>> -> memref<200x64xf32, #tpu.memory_space<hbm>>
        %dma_wait3A_342 = arith.constant 0 : i32
        %dma_wait3A_343 = arith.constant 0 : i32
        %dma_wait3A_344 = tpu.memref_slice %arg5[%dma_wait3A_337, %dma_wait3A_342, %dma_wait3A_343] : memref<768x200x64xf32, #tpu.memory_space<hbm>> -> memref<1x200x64xf32, #tpu.memory_space<hbm>>
        %dma_wait3A_345 = tpu.memref_squeeze %dma_wait3A_344 : memref<1x200x64xf32, #tpu.memory_space<hbm>> -> memref<200x64xf32, #tpu.memory_space<hbm>>
        tpu.wait_dma2 semaphore(%arg26 : memref<!tpu.dma_semaphore, #tpu.memory_space<semaphore_mem>>) src(%arg14 : memref<200x64xf32, #tpu.memory_space<vmem>>) dst(%dma_wait3A_345 : memref<200x64xf32, #tpu.memory_space<hbm>>)
      } else {
      }
      %lt3A_171 = arith.constant 22 : i32
      %lt3A_172 = arith.cmpi slt, %add3A_134, %lt3A_171 : i32
      %convert_element_type3A_173 = arith.extui %lt3A_172 : i1 to i32
      %cond3A_174 = arith.constant 0 : i32
      %cond3A_175 = arith.cmpi ne, %convert_element_type3A_173, %cond3A_174 : i32
      scf.if %cond3A_175 {
        tpu.enqueue_dma source(%arg6 : memref<200x64xf32, #tpu.memory_space<vmem_shared>>) target(%arg14 : memref<200x64xf32, #tpu.memory_space<vmem>>) target_semaphore(%arg22 : memref<!tpu.dma_semaphore, #tpu.memory_space<semaphore_mem>>)
      } else {
      }
      %dma_wait3A_176 = arith.constant 0 : i32
      %dma_wait3A_177 = arith.constant 0 : i32
      %dma_wait3A_178 = tpu.memref_slice %arg12[%dma_wait3A_176, %dma_wait3A_177] : memref<200x64xf32, #tpu.memory_space<vmem>> -> memref<104x64xf32, #tpu.memory_space<vmem>>
      %dma_wait3A_179 = arith.constant 0 : i32
      %dma_wait3A_180 = tpu.memref_slice %arg8[%dma_wait3A_179] : memref<200xi32, #tpu.memory_space<vmem>> -> memref<104xi32, #tpu.memory_space<vmem>>
      %dma_wait3A_181 = arith.constant 0 : i32
      %dma_wait3A_182 = arith.constant 0 : i32
      %dma_wait3A_183 = tpu.memref_slice %arg3[%dma_wait3A_181, %dma_wait3A_182] : memref<102400x64xf32, #tpu.memory_space<hbm>> -> memref<102400x64xf32, #tpu.memory_space<hbm>>
      tpu.wait_indirect_dma semaphore(%arg27 : memref<!tpu.dma_semaphore, #tpu.memory_space<semaphore_mem>>) src(%dma_wait3A_183 : memref<102400x64xf32, #tpu.memory_space<hbm>>) dst(%dma_wait3A_178 : memref<104x64xf32, #tpu.memory_space<vmem>>)
      %dma_wait3A_184 = arith.constant 104 : i32
      %dma_wait3A_185 = arith.constant 0 : i32
      %dma_wait3A_186 = tpu.memref_slice %arg12[%dma_wait3A_184, %dma_wait3A_185] : memref<200x64xf32, #tpu.memory_space<vmem>> -> memref<96x64xf32, #tpu.memory_space<vmem>>
      %dma_wait3A_187 = arith.constant 104 : i32
      %dma_wait3A_188 = tpu.memref_slice %arg8[%dma_wait3A_187] : memref<200xi32, #tpu.memory_space<vmem>> -> memref<96xi32, #tpu.memory_space<vmem>>
      %dma_wait3A_189 = arith.constant 0 : i32
      %dma_wait3A_190 = arith.constant 0 : i32
      %dma_wait3A_191 = tpu.memref_slice %arg3[%dma_wait3A_189, %dma_wait3A_190] : memref<102400x64xf32, #tpu.memory_space<hbm>> -> memref<102400x64xf32, #tpu.memory_space<hbm>>
      tpu.wait_indirect_dma semaphore(%arg27 : memref<!tpu.dma_semaphore, #tpu.memory_space<semaphore_mem>>) src(%dma_wait3A_191 : memref<102400x64xf32, #tpu.memory_space<hbm>>) dst(%dma_wait3A_186 : memref<96x64xf32, #tpu.memory_space<vmem>>)
      %add3A_192 = arith.addi %mul3A_2, %add3A_134 : i32
      %dma_start3A_193 = arith.constant 0 : i32
      %dma_start3A_194 = arith.constant 0 : i32
      %dma_start3A_195 = tpu.memref_slice %arg5[%add3A_192, %dma_start3A_193, %dma_start3A_194] : memref<768x200x64xf32, #tpu.memory_space<hbm>> -> memref<1x200x64xf32, #tpu.memory_space<hbm>>
      %dma_start3A_196 = tpu.memref_squeeze %dma_start3A_195 : memref<1x200x64xf32, #tpu.memory_space<hbm>> -> memref<200x64xf32, #tpu.memory_space<hbm>>
      %dma_start3A_197 = arith.constant 0 : i32
      %dma_start3A_198 = arith.constant 0 : i32
      %dma_start3A_199 = tpu.memref_slice %arg5[%add3A_192, %dma_start3A_197, %dma_start3A_198] : memref<768x200x64xf32, #tpu.memory_space<hbm>> -> memref<1x200x64xf32, #tpu.memory_space<hbm>>
      %dma_start3A_200 = tpu.memref_squeeze %dma_start3A_199 : memref<1x200x64xf32, #tpu.memory_space<hbm>> -> memref<200x64xf32, #tpu.memory_space<hbm>>
      tpu.enqueue_dma source(%arg12 : memref<200x64xf32, #tpu.memory_space<vmem>>) target(%dma_start3A_200 : memref<200x64xf32, #tpu.memory_space<hbm>>) target_semaphore(%arg24 : memref<!tpu.dma_semaphore, #tpu.memory_space<semaphore_mem>>)
      %add3A_201 = arith.constant 2 : i32
      %add3A_202 = arith.addi %add3A_67, %add3A_201 : i32
      %dma_wait3A_203 = arith.constant 0 : i32
      %dma_wait3A_204 = arith.constant 0 : i32
      %dma_wait3A_205 = tpu.memref_slice %arg2[%dma_wait3A_203, %dma_wait3A_204] : memref<4096x200xi32, #tpu.memory_space<hbm>> -> memref<1x200xi32, #tpu.memory_space<hbm>>
      %dma_wait3A_206 = tpu.memref_squeeze %dma_wait3A_205 : memref<1x200xi32, #tpu.memory_space<hbm>> -> memref<200xi32, #tpu.memory_space<hbm>>
      %dma_wait3A_207 = arith.constant 0 : i32
      %dma_wait3A_208 = tpu.memref_slice %arg2[%dma_wait3A_203, %dma_wait3A_207] : memref<4096x200xi32, #tpu.memory_space<hbm>> -> memref<1x200xi32, #tpu.memory_space<hbm>>
      %dma_wait3A_209 = tpu.memref_squeeze %dma_wait3A_208 : memref<1x200xi32, #tpu.memory_space<hbm>> -> memref<200xi32, #tpu.memory_space<hbm>>
      tpu.wait_dma2 semaphore(%arg17 : memref<!tpu.dma_semaphore, #tpu.memory_space<semaphore_mem>>) src(%dma_wait3A_209 : memref<200xi32, #tpu.memory_space<hbm>>) dst(%arg9 : memref<200xi32, #tpu.memory_space<vmem>>)
      tpu.wait_dma2 semaphore(%arg21 : memref<!tpu.dma_semaphore, #tpu.memory_space<semaphore_mem>>) src(%arg6 : memref<200x64xf32, #tpu.memory_space<vmem_shared>>) dst(%arg13 : memref<200x64xf32, #tpu.memory_space<vmem>>)
      %dma_start3A_210 = arith.constant 0 : i32
      %dma_start3A_211 = arith.constant 0 : i32
      %dma_start3A_212 = tpu.memref_slice %arg13[%dma_start3A_210, %dma_start3A_211] : memref<200x64xf32, #tpu.memory_space<vmem>> -> memref<104x64xf32, #tpu.memory_space<vmem>>
      %dma_start3A_213 = arith.constant 0 : i32
      %dma_start3A_214 = tpu.memref_slice %arg9[%dma_start3A_213] : memref<200xi32, #tpu.memory_space<vmem>> -> memref<104xi32, #tpu.memory_space<vmem>>
      %dma_start3A_215 = arith.constant 0 : i32
      %dma_start3A_216 = arith.constant 0 : i32
      %dma_start3A_217 = tpu.memref_slice %arg3[%dma_start3A_215, %dma_start3A_216] : memref<102400x64xf32, #tpu.memory_space<hbm>> -> memref<102400x64xf32, #tpu.memory_space<hbm>>
      tpu.enqueue_indirect_dma source(%dma_start3A_217 : memref<102400x64xf32, #tpu.memory_space<hbm>>) target(%dma_start3A_212 : memref<104x64xf32, #tpu.memory_space<vmem>>) offsets(%dma_start3A_214 : memref<104xi32, #tpu.memory_space<vmem>>) semaphore(%arg27 : memref<!tpu.dma_semaphore, #tpu.memory_space<semaphore_mem>>) {add = true}
      %dma_start3A_218 = arith.constant 104 : i32
      %dma_start3A_219 = arith.constant 0 : i32
      %dma_start3A_220 = tpu.memref_slice %arg13[%dma_start3A_218, %dma_start3A_219] : memref<200x64xf32, #tpu.memory_space<vmem>> -> memref<96x64xf32, #tpu.memory_space<vmem>>
      %dma_start3A_221 = arith.constant 104 : i32
      %dma_start3A_222 = tpu.memref_slice %arg9[%dma_start3A_221] : memref<200xi32, #tpu.memory_space<vmem>> -> memref<96xi32, #tpu.memory_space<vmem>>
      %dma_start3A_223 = arith.constant 0 : i32
      %dma_start3A_224 = arith.constant 0 : i32
      %dma_start3A_225 = tpu.memref_slice %arg3[%dma_start3A_223, %dma_start3A_224] : memref<102400x64xf32, #tpu.memory_space<hbm>> -> memref<102400x64xf32, #tpu.memory_space<hbm>>
      tpu.enqueue_indirect_dma source(%dma_start3A_225 : memref<102400x64xf32, #tpu.memory_space<hbm>>) target(%dma_start3A_220 : memref<96x64xf32, #tpu.memory_space<vmem>>) offsets(%dma_start3A_222 : memref<96xi32, #tpu.memory_space<vmem>>) semaphore(%arg27 : memref<!tpu.dma_semaphore, #tpu.memory_space<semaphore_mem>>) {add = true}
      %lt3A_226 = arith.constant 22 : i32
      %lt3A_227 = arith.cmpi slt, %add3A_202, %lt3A_226 : i32
      %convert_element_type3A_228 = arith.extui %lt3A_227 : i1 to i32
      %cond3A_229 = arith.constant 0 : i32
      %cond3A_230 = arith.cmpi ne, %convert_element_type3A_228, %cond3A_229 : i32
      scf.if %cond3A_230 {
        %add3A_337 = arith.constant 2 : i32
        %add3A_338 = arith.addi %add3A_202, %add3A_337 : i32
        %add3A_339 = arith.constant 0 : i32
        %add3A_340 = arith.addi %add3A_339, %mul3A_2 : i32
        %add3A_341 = arith.addi %add3A_340, %add3A_338 : i32
        %dma_start3A_342 = arith.constant 0 : i32
        %dma_start3A_343 = tpu.memref_slice %arg2[%add3A_341, %dma_start3A_342] : memref<4096x200xi32, #tpu.memory_space<hbm>> -> memref<1x200xi32, #tpu.memory_space<hbm>>
        %dma_start3A_344 = tpu.memref_squeeze %dma_start3A_343 : memref<1x200xi32, #tpu.memory_space<hbm>> -> memref<200xi32, #tpu.memory_space<hbm>>
        %dma_start3A_345 = arith.constant 0 : i32
        %dma_start3A_346 = tpu.memref_slice %arg2[%add3A_341, %dma_start3A_345] : memref<4096x200xi32, #tpu.memory_space<hbm>> -> memref<1x200xi32, #tpu.memory_space<hbm>>
        %dma_start3A_347 = tpu.memref_squeeze %dma_start3A_346 : memref<1x200xi32, #tpu.memory_space<hbm>> -> memref<200xi32, #tpu.memory_space<hbm>>
        tpu.enqueue_dma source(%dma_start3A_347 : memref<200xi32, #tpu.memory_space<hbm>>) target(%arg7 : memref<200xi32, #tpu.memory_space<vmem>>) target_semaphore(%arg15 : memref<!tpu.dma_semaphore, #tpu.memory_space<semaphore_mem>>)
      } else {
      }
      %ge3A_231 = arith.constant 2 : i32
      %ge3A_232 = arith.cmpi sge, %add3A_202, %ge3A_231 : i32
      %lt3A_233 = arith.constant 22 : i32
      %lt3A_234 = arith.cmpi slt, %add3A_202, %lt3A_233 : i32
      %and3A_235 = arith.andi %ge3A_232, %lt3A_234 : i1
      %convert_element_type3A_236 = arith.extui %and3A_235 : i1 to i32
      %cond3A_237 = arith.constant 0 : i32
      %cond3A_238 = arith.cmpi ne, %convert_element_type3A_236, %cond3A_237 : i32
      scf.if %cond3A_238 {
        %dma_wait3A_337 = arith.constant 0 : i32
        %dma_wait3A_338 = arith.constant 0 : i32
        %dma_wait3A_339 = arith.constant 0 : i32
        %dma_wait3A_340 = tpu.memref_slice %arg5[%dma_wait3A_337, %dma_wait3A_338, %dma_wait3A_339] : memref<768x200x64xf32, #tpu.memory_space<hbm>> -> memref<1x200x64xf32, #tpu.memory_space<hbm>>
        %dma_wait3A_341 = tpu.memref_squeeze %dma_wait3A_340 : memref<1x200x64xf32, #tpu.memory_space<hbm>> -> memref<200x64xf32, #tpu.memory_space<hbm>>
        %dma_wait3A_342 = arith.constant 0 : i32
        %dma_wait3A_343 = arith.constant 0 : i32
        %dma_wait3A_344 = tpu.memref_slice %arg5[%dma_wait3A_337, %dma_wait3A_342, %dma_wait3A_343] : memref<768x200x64xf32, #tpu.memory_space<hbm>> -> memref<1x200x64xf32, #tpu.memory_space<hbm>>
        %dma_wait3A_345 = tpu.memref_squeeze %dma_wait3A_344 : memref<1x200x64xf32, #tpu.memory_space<hbm>> -> memref<200x64xf32, #tpu.memory_space<hbm>>
        tpu.wait_dma2 semaphore(%arg23 : memref<!tpu.dma_semaphore, #tpu.memory_space<semaphore_mem>>) src(%arg11 : memref<200x64xf32, #tpu.memory_space<vmem>>) dst(%dma_wait3A_345 : memref<200x64xf32, #tpu.memory_space<hbm>>)
      } else {
      }
      %lt3A_239 = arith.constant 22 : i32
      %lt3A_240 = arith.cmpi slt, %add3A_202, %lt3A_239 : i32
      %convert_element_type3A_241 = arith.extui %lt3A_240 : i1 to i32
      %cond3A_242 = arith.constant 0 : i32
      %cond3A_243 = arith.cmpi ne, %convert_element_type3A_241, %cond3A_242 : i32
      scf.if %cond3A_243 {
        tpu.enqueue_dma source(%arg6 : memref<200x64xf32, #tpu.memory_space<vmem_shared>>) target(%arg11 : memref<200x64xf32, #tpu.memory_space<vmem>>) target_semaphore(%arg19 : memref<!tpu.dma_semaphore, #tpu.memory_space<semaphore_mem>>)
      } else {
      }
      %dma_wait3A_244 = arith.constant 0 : i32
      %dma_wait3A_245 = arith.constant 0 : i32
      %dma_wait3A_246 = tpu.memref_slice %arg13[%dma_wait3A_244, %dma_wait3A_245] : memref<200x64xf32, #tpu.memory_space<vmem>> -> memref<104x64xf32, #tpu.memory_space<vmem>>
      %dma_wait3A_247 = arith.constant 0 : i32
      %dma_wait3A_248 = tpu.memref_slice %arg9[%dma_wait3A_247] : memref<200xi32, #tpu.memory_space<vmem>> -> memref<104xi32, #tpu.memory_space<vmem>>
      %dma_wait3A_249 = arith.constant 0 : i32
      %dma_wait3A_250 = arith.constant 0 : i32
      %dma_wait3A_251 = tpu.memref_slice %arg3[%dma_wait3A_249, %dma_wait3A_250] : memref<102400x64xf32, #tpu.memory_space<hbm>> -> memref<102400x64xf32, #tpu.memory_space<hbm>>
      tpu.wait_indirect_dma semaphore(%arg27 : memref<!tpu.dma_semaphore, #tpu.memory_space<semaphore_mem>>) src(%dma_wait3A_251 : memref<102400x64xf32, #tpu.memory_space<hbm>>) dst(%dma_wait3A_246 : memref<104x64xf32, #tpu.memory_space<vmem>>)
      %dma_wait3A_252 = arith.constant 104 : i32
      %dma_wait3A_253 = arith.constant 0 : i32
      %dma_wait3A_254 = tpu.memref_slice %arg13[%dma_wait3A_252, %dma_wait3A_253] : memref<200x64xf32, #tpu.memory_space<vmem>> -> memref<96x64xf32, #tpu.memory_space<vmem>>
      %dma_wait3A_255 = arith.constant 104 : i32
      %dma_wait3A_256 = tpu.memref_slice %arg9[%dma_wait3A_255] : memref<200xi32, #tpu.memory_space<vmem>> -> memref<96xi32, #tpu.memory_space<vmem>>
      %dma_wait3A_257 = arith.constant 0 : i32
      %dma_wait3A_258 = arith.constant 0 : i32
      %dma_wait3A_259 = tpu.memref_slice %arg3[%dma_wait3A_257, %dma_wait3A_258] : memref<102400x64xf32, #tpu.memory_space<hbm>> -> memref<102400x64xf32, #tpu.memory_space<hbm>>
      tpu.wait_indirect_dma semaphore(%arg27 : memref<!tpu.dma_semaphore, #tpu.memory_space<semaphore_mem>>) src(%dma_wait3A_259 : memref<102400x64xf32, #tpu.memory_space<hbm>>) dst(%dma_wait3A_254 : memref<96x64xf32, #tpu.memory_space<vmem>>)
      %add3A_260 = arith.addi %mul3A_2, %add3A_202 : i32
      %dma_start3A_261 = arith.constant 0 : i32
      %dma_start3A_262 = arith.constant 0 : i32
      %dma_start3A_263 = tpu.memref_slice %arg5[%add3A_260, %dma_start3A_261, %dma_start3A_262] : memref<768x200x64xf32, #tpu.memory_space<hbm>> -> memref<1x200x64xf32, #tpu.memory_space<hbm>>
      %dma_start3A_264 = tpu.memref_squeeze %dma_start3A_263 : memref<1x200x64xf32, #tpu.memory_space<hbm>> -> memref<200x64xf32, #tpu.memory_space<hbm>>
      %dma_start3A_265 = arith.constant 0 : i32
      %dma_start3A_266 = arith.constant 0 : i32
      %dma_start3A_267 = tpu.memref_slice %arg5[%add3A_260, %dma_start3A_265, %dma_start3A_266] : memref<768x200x64xf32, #tpu.memory_space<hbm>> -> memref<1x200x64xf32, #tpu.memory_space<hbm>>
      %dma_start3A_268 = tpu.memref_squeeze %dma_start3A_267 : memref<1x200x64xf32, #tpu.memory_space<hbm>> -> memref<200x64xf32, #tpu.memory_space<hbm>>
      tpu.enqueue_dma source(%arg13 : memref<200x64xf32, #tpu.memory_space<vmem>>) target(%dma_start3A_268 : memref<200x64xf32, #tpu.memory_space<hbm>>) target_semaphore(%arg25 : memref<!tpu.dma_semaphore, #tpu.memory_space<semaphore_mem>>)
      %add3A_269 = arith.constant 3 : i32
      %add3A_270 = arith.addi %add3A_67, %add3A_269 : i32
      %dma_wait3A_271 = arith.constant 0 : i32
      %dma_wait3A_272 = arith.constant 0 : i32
      %dma_wait3A_273 = tpu.memref_slice %arg2[%dma_wait3A_271, %dma_wait3A_272] : memref<4096x200xi32, #tpu.memory_space<hbm>> -> memref<1x200xi32, #tpu.memory_space<hbm>>
      %dma_wait3A_274 = tpu.memref_squeeze %dma_wait3A_273 : memref<1x200xi32, #tpu.memory_space<hbm>> -> memref<200xi32, #tpu.memory_space<hbm>>
      %dma_wait3A_275 = arith.constant 0 : i32
      %dma_wait3A_276 = tpu.memref_slice %arg2[%dma_wait3A_271, %dma_wait3A_275] : memref<4096x200xi32, #tpu.memory_space<hbm>> -> memref<1x200xi32, #tpu.memory_space<hbm>>
      %dma_wait3A_277 = tpu.memref_squeeze %dma_wait3A_276 : memref<1x200xi32, #tpu.memory_space<hbm>> -> memref<200xi32, #tpu.memory_space<hbm>>
      tpu.wait_dma2 semaphore(%arg18 : memref<!tpu.dma_semaphore, #tpu.memory_space<semaphore_mem>>) src(%dma_wait3A_277 : memref<200xi32, #tpu.memory_space<hbm>>) dst(%arg10 : memref<200xi32, #tpu.memory_space<vmem>>)
      tpu.wait_dma2 semaphore(%arg22 : memref<!tpu.dma_semaphore, #tpu.memory_space<semaphore_mem>>) src(%arg6 : memref<200x64xf32, #tpu.memory_space<vmem_shared>>) dst(%arg14 : memref<200x64xf32, #tpu.memory_space<vmem>>)
      %dma_start3A_278 = arith.constant 0 : i32
      %dma_start3A_279 = arith.constant 0 : i32
      %dma_start3A_280 = tpu.memref_slice %arg14[%dma_start3A_278, %dma_start3A_279] : memref<200x64xf32, #tpu.memory_space<vmem>> -> memref<104x64xf32, #tpu.memory_space<vmem>>
      %dma_start3A_281 = arith.constant 0 : i32
      %dma_start3A_282 = tpu.memref_slice %arg10[%dma_start3A_281] : memref<200xi32, #tpu.memory_space<vmem>> -> memref<104xi32, #tpu.memory_space<vmem>>
      %dma_start3A_283 = arith.constant 0 : i32
      %dma_start3A_284 = arith.constant 0 : i32
      %dma_start3A_285 = tpu.memref_slice %arg3[%dma_start3A_283, %dma_start3A_284] : memref<102400x64xf32, #tpu.memory_space<hbm>> -> memref<102400x64xf32, #tpu.memory_space<hbm>>
      tpu.enqueue_indirect_dma source(%dma_start3A_285 : memref<102400x64xf32, #tpu.memory_space<hbm>>) target(%dma_start3A_280 : memref<104x64xf32, #tpu.memory_space<vmem>>) offsets(%dma_start3A_282 : memref<104xi32, #tpu.memory_space<vmem>>) semaphore(%arg27 : memref<!tpu.dma_semaphore, #tpu.memory_space<semaphore_mem>>) {add = true}
      %dma_start3A_286 = arith.constant 104 : i32
      %dma_start3A_287 = arith.constant 0 : i32
      %dma_start3A_288 = tpu.memref_slice %arg14[%dma_start3A_286, %dma_start3A_287] : memref<200x64xf32, #tpu.memory_space<vmem>> -> memref<96x64xf32, #tpu.memory_space<vmem>>
      %dma_start3A_289 = arith.constant 104 : i32
      %dma_start3A_290 = tpu.memref_slice %arg10[%dma_start3A_289] : memref<200xi32, #tpu.memory_space<vmem>> -> memref<96xi32, #tpu.memory_space<vmem>>
      %dma_start3A_291 = arith.constant 0 : i32
      %dma_start3A_292 = arith.constant 0 : i32
      %dma_start3A_293 = tpu.memref_slice %arg3[%dma_start3A_291, %dma_start3A_292] : memref<102400x64xf32, #tpu.memory_space<hbm>> -> memref<102400x64xf32, #tpu.memory_space<hbm>>
      tpu.enqueue_indirect_dma source(%dma_start3A_293 : memref<102400x64xf32, #tpu.memory_space<hbm>>) target(%dma_start3A_288 : memref<96x64xf32, #tpu.memory_space<vmem>>) offsets(%dma_start3A_290 : memref<96xi32, #tpu.memory_space<vmem>>) semaphore(%arg27 : memref<!tpu.dma_semaphore, #tpu.memory_space<semaphore_mem>>) {add = true}
      %lt3A_294 = arith.constant 22 : i32
      %lt3A_295 = arith.cmpi slt, %add3A_270, %lt3A_294 : i32
      %convert_element_type3A_296 = arith.extui %lt3A_295 : i1 to i32
      %cond3A_297 = arith.constant 0 : i32
      %cond3A_298 = arith.cmpi ne, %convert_element_type3A_296, %cond3A_297 : i32
      scf.if %cond3A_298 {
        %add3A_337 = arith.constant 2 : i32
        %add3A_338 = arith.addi %add3A_270, %add3A_337 : i32
        %add3A_339 = arith.constant 0 : i32
        %add3A_340 = arith.addi %add3A_339, %mul3A_2 : i32
        %add3A_341 = arith.addi %add3A_340, %add3A_338 : i32
        %dma_start3A_342 = arith.constant 0 : i32
        %dma_start3A_343 = tpu.memref_slice %arg2[%add3A_341, %dma_start3A_342] : memref<4096x200xi32, #tpu.memory_space<hbm>> -> memref<1x200xi32, #tpu.memory_space<hbm>>
        %dma_start3A_344 = tpu.memref_squeeze %dma_start3A_343 : memref<1x200xi32, #tpu.memory_space<hbm>> -> memref<200xi32, #tpu.memory_space<hbm>>
        %dma_start3A_345 = arith.constant 0 : i32
        %dma_start3A_346 = tpu.memref_slice %arg2[%add3A_341, %dma_start3A_345] : memref<4096x200xi32, #tpu.memory_space<hbm>> -> memref<1x200xi32, #tpu.memory_space<hbm>>
        %dma_start3A_347 = tpu.memref_squeeze %dma_start3A_346 : memref<1x200xi32, #tpu.memory_space<hbm>> -> memref<200xi32, #tpu.memory_space<hbm>>
        tpu.enqueue_dma source(%dma_start3A_347 : memref<200xi32, #tpu.memory_space<hbm>>) target(%arg8 : memref<200xi32, #tpu.memory_space<vmem>>) target_semaphore(%arg16 : memref<!tpu.dma_semaphore, #tpu.memory_space<semaphore_mem>>)
      } else {
      }
      %ge3A_299 = arith.constant 2 : i32
      %ge3A_300 = arith.cmpi sge, %add3A_270, %ge3A_299 : i32
      %lt3A_301 = arith.constant 22 : i32
      %lt3A_302 = arith.cmpi slt, %add3A_270, %lt3A_301 : i32
      %and3A_303 = arith.andi %ge3A_300, %lt3A_302 : i1
      %convert_element_type3A_304 = arith.extui %and3A_303 : i1 to i32
      %cond3A_305 = arith.constant 0 : i32
      %cond3A_306 = arith.cmpi ne, %convert_element_type3A_304, %cond3A_305 : i32
      scf.if %cond3A_306 {
        %dma_wait3A_337 = arith.constant 0 : i32
        %dma_wait3A_338 = arith.constant 0 : i32
        %dma_wait3A_339 = arith.constant 0 : i32
        %dma_wait3A_340 = tpu.memref_slice %arg5[%dma_wait3A_337, %dma_wait3A_338, %dma_wait3A_339] : memref<768x200x64xf32, #tpu.memory_space<hbm>> -> memref<1x200x64xf32, #tpu.memory_space<hbm>>
        %dma_wait3A_341 = tpu.memref_squeeze %dma_wait3A_340 : memref<1x200x64xf32, #tpu.memory_space<hbm>> -> memref<200x64xf32, #tpu.memory_space<hbm>>
        %dma_wait3A_342 = arith.constant 0 : i32
        %dma_wait3A_343 = arith.constant 0 : i32
        %dma_wait3A_344 = tpu.memref_slice %arg5[%dma_wait3A_337, %dma_wait3A_342, %dma_wait3A_343] : memref<768x200x64xf32, #tpu.memory_space<hbm>> -> memref<1x200x64xf32, #tpu.memory_space<hbm>>
        %dma_wait3A_345 = tpu.memref_squeeze %dma_wait3A_344 : memref<1x200x64xf32, #tpu.memory_space<hbm>> -> memref<200x64xf32, #tpu.memory_space<hbm>>
        tpu.wait_dma2 semaphore(%arg24 : memref<!tpu.dma_semaphore, #tpu.memory_space<semaphore_mem>>) src(%arg12 : memref<200x64xf32, #tpu.memory_space<vmem>>) dst(%dma_wait3A_345 : memref<200x64xf32, #tpu.memory_space<hbm>>)
      } else {
      }
      %lt3A_307 = arith.constant 22 : i32
      %lt3A_308 = arith.cmpi slt, %add3A_270, %lt3A_307 : i32
      %convert_element_type3A_309 = arith.extui %lt3A_308 : i1 to i32
      %cond3A_310 = arith.constant 0 : i32
      %cond3A_311 = arith.cmpi ne, %convert_element_type3A_309, %cond3A_310 : i32
      scf.if %cond3A_311 {
        tpu.enqueue_dma source(%arg6 : memref<200x64xf32, #tpu.memory_space<vmem_shared>>) target(%arg12 : memref<200x64xf32, #tpu.memory_space<vmem>>) target_semaphore(%arg20 : memref<!tpu.dma_semaphore, #tpu.memory_space<semaphore_mem>>)
      } else {
      }
      %dma_wait3A_312 = arith.constant 0 : i32
      %dma_wait3A_313 = arith.constant 0 : i32
      %dma_wait3A_314 = tpu.memref_slice %arg14[%dma_wait3A_312, %dma_wait3A_313] : memref<200x64xf32, #tpu.memory_space<vmem>> -> memref<104x64xf32, #tpu.memory_space<vmem>>
      %dma_wait3A_315 = arith.constant 0 : i32
      %dma_wait3A_316 = tpu.memref_slice %arg10[%dma_wait3A_315] : memref<200xi32, #tpu.memory_space<vmem>> -> memref<104xi32, #tpu.memory_space<vmem>>
      %dma_wait3A_317 = arith.constant 0 : i32
      %dma_wait3A_318 = arith.constant 0 : i32
      %dma_wait3A_319 = tpu.memref_slice %arg3[%dma_wait3A_317, %dma_wait3A_318] : memref<102400x64xf32, #tpu.memory_space<hbm>> -> memref<102400x64xf32, #tpu.memory_space<hbm>>
      tpu.wait_indirect_dma semaphore(%arg27 : memref<!tpu.dma_semaphore, #tpu.memory_space<semaphore_mem>>) src(%dma_wait3A_319 : memref<102400x64xf32, #tpu.memory_space<hbm>>) dst(%dma_wait3A_314 : memref<104x64xf32, #tpu.memory_space<vmem>>)
      %dma_wait3A_320 = arith.constant 104 : i32
      %dma_wait3A_321 = arith.constant 0 : i32
      %dma_wait3A_322 = tpu.memref_slice %arg14[%dma_wait3A_320, %dma_wait3A_321] : memref<200x64xf32, #tpu.memory_space<vmem>> -> memref<96x64xf32, #tpu.memory_space<vmem>>
      %dma_wait3A_323 = arith.constant 104 : i32
      %dma_wait3A_324 = tpu.memref_slice %arg10[%dma_wait3A_323] : memref<200xi32, #tpu.memory_space<vmem>> -> memref<96xi32, #tpu.memory_space<vmem>>
      %dma_wait3A_325 = arith.constant 0 : i32
      %dma_wait3A_326 = arith.constant 0 : i32
      %dma_wait3A_327 = tpu.memref_slice %arg3[%dma_wait3A_325, %dma_wait3A_326] : memref<102400x64xf32, #tpu.memory_space<hbm>> -> memref<102400x64xf32, #tpu.memory_space<hbm>>
      tpu.wait_indirect_dma semaphore(%arg27 : memref<!tpu.dma_semaphore, #tpu.memory_space<semaphore_mem>>) src(%dma_wait3A_327 : memref<102400x64xf32, #tpu.memory_space<hbm>>) dst(%dma_wait3A_322 : memref<96x64xf32, #tpu.memory_space<vmem>>)
      %add3A_328 = arith.addi %mul3A_2, %add3A_270 : i32
      %dma_start3A_329 = arith.constant 0 : i32
      %dma_start3A_330 = arith.constant 0 : i32
      %dma_start3A_331 = tpu.memref_slice %arg5[%add3A_328, %dma_start3A_329, %dma_start3A_330] : memref<768x200x64xf32, #tpu.memory_space<hbm>> -> memref<1x200x64xf32, #tpu.memory_space<hbm>>
      %dma_start3A_332 = tpu.memref_squeeze %dma_start3A_331 : memref<1x200x64xf32, #tpu.memory_space<hbm>> -> memref<200x64xf32, #tpu.memory_space<hbm>>
      %dma_start3A_333 = arith.constant 0 : i32
      %dma_start3A_334 = arith.constant 0 : i32
      %dma_start3A_335 = tpu.memref_slice %arg5[%add3A_328, %dma_start3A_333, %dma_start3A_334] : memref<768x200x64xf32, #tpu.memory_space<hbm>> -> memref<1x200x64xf32, #tpu.memory_space<hbm>>
      %dma_start3A_336 = tpu.memref_squeeze %dma_start3A_335 : memref<1x200x64xf32, #tpu.memory_space<hbm>> -> memref<200x64xf32, #tpu.memory_space<hbm>>
      tpu.enqueue_dma source(%arg14 : memref<200x64xf32, #tpu.memory_space<vmem>>) target(%dma_start3A_336 : memref<200x64xf32, #tpu.memory_space<hbm>>) target_semaphore(%arg26 : memref<!tpu.dma_semaphore, #tpu.memory_space<semaphore_mem>>)
    }
    %scan3A_27 = arith.constant 6 : i32
    %dma_wait3A = arith.constant 0 : i32
    %dma_wait3A_28 = arith.constant 0 : i32
    %dma_wait3A_29 = arith.constant 0 : i32
    %dma_wait3A_30 = tpu.memref_slice %arg5[%dma_wait3A, %dma_wait3A_28, %dma_wait3A_29] : memref<768x200x64xf32, #tpu.memory_space<hbm>> -> memref<1x200x64xf32, #tpu.memory_space<hbm>>
    %dma_wait3A_31 = tpu.memref_squeeze %dma_wait3A_30 : memref<1x200x64xf32, #tpu.memory_space<hbm>> -> memref<200x64xf32, #tpu.memory_space<hbm>>
    %dma_wait3A_32 = arith.constant 0 : i32
    %dma_wait3A_33 = arith.constant 0 : i32
    %dma_wait3A_34 = tpu.memref_slice %arg5[%dma_wait3A, %dma_wait3A_32, %dma_wait3A_33] : memref<768x200x64xf32, #tpu.memory_space<hbm>> -> memref<1x200x64xf32, #tpu.memory_space<hbm>>
    %dma_wait3A_35 = tpu.memref_squeeze %dma_wait3A_34 : memref<1x200x64xf32, #tpu.memory_space<hbm>> -> memref<200x64xf32, #tpu.memory_space<hbm>>
    tpu.wait_dma2 semaphore(%arg23 : memref<!tpu.dma_semaphore, #tpu.memory_space<semaphore_mem>>) src(%arg11 : memref<200x64xf32, #tpu.memory_space<vmem>>) dst(%dma_wait3A_35 : memref<200x64xf32, #tpu.memory_space<hbm>>)
    %dma_wait3A_36 = arith.constant 0 : i32
    %dma_wait3A_37 = arith.constant 0 : i32
    %dma_wait3A_38 = arith.constant 0 : i32
    %dma_wait3A_39 = tpu.memref_slice %arg5[%dma_wait3A_36, %dma_wait3A_37, %dma_wait3A_38] : memref<768x200x64xf32, #tpu.memory_space<hbm>> -> memref<1x200x64xf32, #tpu.memory_space<hbm>>
    %dma_wait3A_40 = tpu.memref_squeeze %dma_wait3A_39 : memref<1x200x64xf32, #tpu.memory_space<hbm>> -> memref<200x64xf32, #tpu.memory_space<hbm>>
    %dma_wait3A_41 = arith.constant 0 : i32
    %dma_wait3A_42 = arith.constant 0 : i32
    %dma_wait3A_43 = tpu.memref_slice %arg5[%dma_wait3A_36, %dma_wait3A_41, %dma_wait3A_42] : memref<768x200x64xf32, #tpu.memory_space<hbm>> -> memref<1x200x64xf32, #tpu.memory_space<hbm>>
    %dma_wait3A_44 = tpu.memref_squeeze %dma_wait3A_43 : memref<1x200x64xf32, #tpu.memory_space<hbm>> -> memref<200x64xf32, #tpu.memory_space<hbm>>
    tpu.wait_dma2 semaphore(%arg24 : memref<!tpu.dma_semaphore, #tpu.memory_space<semaphore_mem>>) src(%arg12 : memref<200x64xf32, #tpu.memory_space<vmem>>) dst(%dma_wait3A_44 : memref<200x64xf32, #tpu.memory_space<hbm>>)
    %dma_wait3A_45 = arith.constant 0 : i32
    %dma_wait3A_46 = arith.constant 0 : i32
    %dma_wait3A_47 = arith.constant 0 : i32
    %dma_wait3A_48 = tpu.memref_slice %arg5[%dma_wait3A_45, %dma_wait3A_46, %dma_wait3A_47] : memref<768x200x64xf32, #tpu.memory_space<hbm>> -> memref<1x200x64xf32, #tpu.memory_space<hbm>>
    %dma_wait3A_49 = tpu.memref_squeeze %dma_wait3A_48 : memref<1x200x64xf32, #tpu.memory_space<hbm>> -> memref<200x64xf32, #tpu.memory_space<hbm>>
    %dma_wait3A_50 = arith.constant 0 : i32
    %dma_wait3A_51 = arith.constant 0 : i32
    %dma_wait3A_52 = tpu.memref_slice %arg5[%dma_wait3A_45, %dma_wait3A_50, %dma_wait3A_51] : memref<768x200x64xf32, #tpu.memory_space<hbm>> -> memref<1x200x64xf32, #tpu.memory_space<hbm>>
    %dma_wait3A_53 = tpu.memref_squeeze %dma_wait3A_52 : memref<1x200x64xf32, #tpu.memory_space<hbm>> -> memref<200x64xf32, #tpu.memory_space<hbm>>
    tpu.wait_dma2 semaphore(%arg25 : memref<!tpu.dma_semaphore, #tpu.memory_space<semaphore_mem>>) src(%arg13 : memref<200x64xf32, #tpu.memory_space<vmem>>) dst(%dma_wait3A_53 : memref<200x64xf32, #tpu.memory_space<hbm>>)
    %dma_wait3A_54 = arith.constant 0 : i32
    %dma_wait3A_55 = arith.constant 0 : i32
    %dma_wait3A_56 = arith.constant 0 : i32
    %dma_wait3A_57 = tpu.memref_slice %arg5[%dma_wait3A_54, %dma_wait3A_55, %dma_wait3A_56] : memref<768x200x64xf32, #tpu.memory_space<hbm>> -> memref<1x200x64xf32, #tpu.memory_space<hbm>>
    %dma_wait3A_58 = tpu.memref_squeeze %dma_wait3A_57 : memref<1x200x64xf32, #tpu.memory_space<hbm>> -> memref<200x64xf32, #tpu.memory_space<hbm>>
    %dma_wait3A_59 = arith.constant 0 : i32
    %dma_wait3A_60 = arith.constant 0 : i32
    %dma_wait3A_61 = tpu.memref_slice %arg5[%dma_wait3A_54, %dma_wait3A_59, %dma_wait3A_60] : memref<768x200x64xf32, #tpu.memory_space<hbm>> -> memref<1x200x64xf32, #tpu.memory_space<hbm>>
    %dma_wait3A_62 = tpu.memref_squeeze %dma_wait3A_61 : memref<1x200x64xf32, #tpu.memory_space<hbm>> -> memref<200x64xf32, #tpu.memory_space<hbm>>
    tpu.wait_dma2 semaphore(%arg26 : memref<!tpu.dma_semaphore, #tpu.memory_space<semaphore_mem>>) src(%arg14 : memref<200x64xf32, #tpu.memory_space<vmem>>) dst(%dma_wait3A_62 : memref<200x64xf32, #tpu.memory_space<hbm>>)
    return
  }
}

module attributes {stable_mosaic.version = 14 : i64} {
  func.func @tc_lin_table(%arg0: i32, %arg1: memref<64x6400xf32, #tpu.memory_space<vmem>>, %arg2: memref<64x6400xf32, #tpu.memory_space<vmem>>, %arg3: memref<6400x128xf32, #tpu.memory_space<vmem>>) attributes {dimension_semantics = [#tpu.dimension_semantics<arbitrary>], iteration_bounds = array<i64: 8>, scalar_prefetch = 0 : i64, scratch_operands = 0 : i64, tpu.core_type = #tpu.core_type<tc>, window_params = [{transform_indices = @transform_0, window_bounds = array<i64: 64, 6400>}, {transform_indices = @transform_1, window_bounds = array<i64: 64, 6400>}, {transform_indices = @transform_2, window_bounds = array<i64: 6400, 128>}]} {
    %get3A = arith.constant 0 : index
    %get3A_0 = arith.constant 0 : index
    %get3A_1 = vector.load %arg1[%get3A, %get3A_0] : memref<64x6400xf32, #tpu.memory_space<vmem>>, vector<64x6400xf32>
    %transpose3A = tpu.transpose %get3A_1, [1, 0] : vector<64x6400xf32> -> vector<6400x64xf32>
    %swap3A = arith.constant 0 : index
    %swap3A_2 = arith.constant 0 : index
    %swap3A_3 = vector.load %arg3[%swap3A, %swap3A_2] : memref<6400x128xf32, #tpu.memory_space<vmem>>, vector<6400x64xf32>
    tpu.vector_store %arg3[%swap3A, %swap3A_2], %transpose3A {strides = array<i32>} : memref<6400x128xf32, #tpu.memory_space<vmem>>, vector<6400x64xf32>,
    %get3A_4 = arith.constant 0 : index
    %get3A_5 = arith.constant 0 : index
    %get3A_6 = vector.load %arg2[%get3A_4, %get3A_5] : memref<64x6400xf32, #tpu.memory_space<vmem>>, vector<64x6400xf32>
    %transpose3A_7 = tpu.transpose %get3A_6, [1, 0] : vector<64x6400xf32> -> vector<6400x64xf32>
    %swap3A_8 = arith.constant 0 : index
    %swap3A_9 = arith.constant 64 : index
    %swap3A_10 = vector.load %arg3[%swap3A_8, %swap3A_9] : memref<6400x128xf32, #tpu.memory_space<vmem>>, vector<6400x64xf32>
    tpu.vector_store %arg3[%swap3A_8, %swap3A_9], %transpose3A_7 {strides = array<i32>} : memref<6400x128xf32, #tpu.memory_space<vmem>>, vector<6400x64xf32>,
    return
  }
  func.func @transform_0(%arg0: i32) -> (i32, i32) {
    %c0_i32 = arith.constant 0 : i32
    %c0_i32_0 = arith.constant 0 : i32
    return %c0_i32, %arg0 : i32, i32
  }
  func.func @transform_1(%arg0: i32) -> (i32, i32) {
    %add3A = arith.constant 8 : i32
    %add3A_0 = arith.addi %arg0, %add3A : i32
    %c0_i32 = arith.constant 0 : i32
    %c0_i32_1 = arith.constant 0 : i32
    return %c0_i32, %add3A_0 : i32, i32
  }
  func.func @transform_2(%arg0: i32) -> (i32, i32) {
    %c0_i32 = arith.constant 0 : i32
    %c0_i32_0 = arith.constant 0 : i32
    return %arg0, %c0_i32 : i32, i32
  }
}

module attributes {stable_mosaic.version = 14 : i64} {
  func.func @tc_transpose_0(%arg0: i32, %arg1: memref<12800x128xf32, #tpu.memory_space<vmem>>, %arg2: memref<200x64x128xf32, #tpu.memory_space<vmem>>) attributes {dimension_semantics = [#tpu.dimension_semantics<arbitrary>], iteration_bounds = array<i64: 6>, scalar_prefetch = 0 : i64, scratch_operands = 0 : i64, tpu.core_type = #tpu.core_type<tc>, window_params = [{transform_indices = @transform_0, window_bounds = array<i64: 12800, 128>}, {transform_indices = @transform_1, window_bounds = array<i64: 200, 64, 128>}]} {
    %get3A = arith.constant 0 : index
    %get3A_0 = arith.constant 0 : index
    %get3A_1 = vector.load %arg1[%get3A, %get3A_0] : memref<12800x128xf32, #tpu.memory_space<vmem>>, vector<12800x128xf32>
    %reshape3A = vector.shape_cast %get3A_1 : vector<12800x128xf32> to vector<128x12800xf32>
    %transpose3A = tpu.transpose %reshape3A, [1, 0] : vector<128x12800xf32> -> vector<12800x128xf32>
    %reshape3A_2 = vector.shape_cast %transpose3A : vector<12800x128xf32> to vector<200x64x128xf32>
    %swap3A = arith.constant 0 : index
    %swap3A_3 = arith.constant 0 : index
    %swap3A_4 = arith.constant 0 : index
    %swap3A_5 = vector.load %arg2[%swap3A, %swap3A_3, %swap3A_4] : memref<200x64x128xf32, #tpu.memory_space<vmem>>, vector<200x64x128xf32>
    tpu.vector_store %arg2[%swap3A, %swap3A_3, %swap3A_4], %reshape3A_2 {strides = array<i32>} : memref<200x64x128xf32, #tpu.memory_space<vmem>>, vector<200x64x128xf32>,
    return
  }
  func.func @transform_0(%arg0: i32) -> (i32, i32) {
    %c0_i32 = arith.constant 0 : i32
    %c0_i32_0 = arith.constant 0 : i32
    return %arg0, %c0_i32 : i32, i32
  }
  func.func @transform_1(%arg0: i32) -> (i32, i32, i32) {
    %add3A = arith.constant 0 : i32
    %add3A_0 = arith.addi %add3A, %arg0 : i32
    %c0_i32 = arith.constant 0 : i32
    %c0_i32_1 = arith.constant 0 : i32
    %c0_i32_2 = arith.constant 0 : i32
    return %c0_i32, %c0_i32_1, %add3A_0 : i32, i32, i32
  }
}

module attributes {stable_mosaic.version = 14 : i64} {
  func.func @tc_transpose_1(%arg0: i32, %arg1: memref<200x64x4096xf32, #tpu.memory_space<any>>, %arg2: memref<12800x128xf32, #tpu.memory_space<vmem>>, %arg3: memref<200x64x128xf32, #tpu.memory_space<vmem>>) attributes {dimension_semantics = [#tpu.dimension_semantics<arbitrary>], iteration_bounds = array<i64: 10>, scalar_prefetch = 0 : i64, scratch_operands = 0 : i64, tpu.core_type = #tpu.core_type<tc>, window_params = [{}, {transform_indices = @transform_1, window_bounds = array<i64: 12800, 128>}, {transform_indices = @transform_2, window_bounds = array<i64: 200, 64, 128>}]} {
    %get3A = arith.constant 0 : index
    %get3A_0 = arith.constant 0 : index
    %get3A_1 = vector.load %arg2[%get3A, %get3A_0] : memref<12800x128xf32, #tpu.memory_space<vmem>>, vector<12800x128xf32>
    %reshape3A = vector.shape_cast %get3A_1 : vector<12800x128xf32> to vector<128x12800xf32>
    %transpose3A = tpu.transpose %reshape3A, [1, 0] : vector<128x12800xf32> -> vector<12800x128xf32>
    %reshape3A_2 = vector.shape_cast %transpose3A : vector<12800x128xf32> to vector<200x64x128xf32>
    %swap3A = arith.constant 0 : index
    %swap3A_3 = arith.constant 0 : index
    %swap3A_4 = arith.constant 0 : index
    %swap3A_5 = vector.load %arg3[%swap3A, %swap3A_3, %swap3A_4] : memref<200x64x128xf32, #tpu.memory_space<vmem>>, vector<200x64x128xf32>
    tpu.vector_store %arg3[%swap3A, %swap3A_3, %swap3A_4], %reshape3A_2 {strides = array<i32>} : memref<200x64x128xf32, #tpu.memory_space<vmem>>, vector<200x64x128xf32>,
    return
  }
  func.func @transform_1(%arg0: i32) -> (i32, i32) {
    %c0_i32 = arith.constant 0 : i32
    %c0_i32_0 = arith.constant 0 : i32
    return %arg0, %c0_i32 : i32, i32
  }
  func.func @transform_2(%arg0: i32) -> (i32, i32, i32) {
    %add3A = arith.constant 6 : i32
    %add3A_0 = arith.addi %add3A, %arg0 : i32
    %c0_i32 = arith.constant 0 : i32
    %c0_i32_1 = arith.constant 0 : i32
    %c0_i32_2 = arith.constant 0 : i32
    return %c0_i32, %c0_i32_1, %add3A_0 : i32, i32, i32
  }
}

module attributes {stable_mosaic.version = 14 : i64} {
  func.func @tc_transpose_2(%arg0: i32, %arg1: memref<200x64x4096xf32, #tpu.memory_space<any>>, %arg2: memref<12800x128xf32, #tpu.memory_space<vmem>>, %arg3: memref<200x64x128xf32, #tpu.memory_space<vmem>>) attributes {dimension_semantics = [#tpu.dimension_semantics<arbitrary>], iteration_bounds = array<i64: 10>, scalar_prefetch = 0 : i64, scratch_operands = 0 : i64, tpu.core_type = #tpu.core_type<tc>, window_params = [{}, {transform_indices = @transform_1, window_bounds = array<i64: 12800, 128>}, {transform_indices = @transform_2, window_bounds = array<i64: 200, 64, 128>}]} {
    %get3A = arith.constant 0 : index
    %get3A_0 = arith.constant 0 : index
    %get3A_1 = vector.load %arg2[%get3A, %get3A_0] : memref<12800x128xf32, #tpu.memory_space<vmem>>, vector<12800x128xf32>
    %reshape3A = vector.shape_cast %get3A_1 : vector<12800x128xf32> to vector<128x12800xf32>
    %transpose3A = tpu.transpose %reshape3A, [1, 0] : vector<128x12800xf32> -> vector<12800x128xf32>
    %reshape3A_2 = vector.shape_cast %transpose3A : vector<12800x128xf32> to vector<200x64x128xf32>
    %swap3A = arith.constant 0 : index
    %swap3A_3 = arith.constant 0 : index
    %swap3A_4 = arith.constant 0 : index
    %swap3A_5 = vector.load %arg3[%swap3A, %swap3A_3, %swap3A_4] : memref<200x64x128xf32, #tpu.memory_space<vmem>>, vector<200x64x128xf32>
    tpu.vector_store %arg3[%swap3A, %swap3A_3, %swap3A_4], %reshape3A_2 {strides = array<i32>} : memref<200x64x128xf32, #tpu.memory_space<vmem>>, vector<200x64x128xf32>,
    return
  }
  func.func @transform_1(%arg0: i32) -> (i32, i32) {
    %c0_i32 = arith.constant 0 : i32
    %c0_i32_0 = arith.constant 0 : i32
    return %arg0, %c0_i32 : i32, i32
  }
  func.func @transform_2(%arg0: i32) -> (i32, i32, i32) {
    %add3A = arith.constant 16 : i32
    %add3A_0 = arith.addi %add3A, %arg0 : i32
    %c0_i32 = arith.constant 0 : i32
    %c0_i32_1 = arith.constant 0 : i32
    %c0_i32_2 = arith.constant 0 : i32
    return %c0_i32, %c0_i32_1, %add3A_0 : i32, i32, i32
  }
}

module attributes {stable_mosaic.version = 14 : i64} {
  func.func @tc_transpose_3(%arg0: i32, %arg1: memref<200x64x4096xf32, #tpu.memory_space<any>>, %arg2: memref<12800x128xf32, #tpu.memory_space<vmem>>, %arg3: memref<200x64x128xf32, #tpu.memory_space<vmem>>) attributes {dimension_semantics = [#tpu.dimension_semantics<arbitrary>], iteration_bounds = array<i64: 6>, scalar_prefetch = 0 : i64, scratch_operands = 0 : i64, tpu.core_type = #tpu.core_type<tc>, window_params = [{}, {transform_indices = @transform_1, window_bounds = array<i64: 12800, 128>}, {transform_indices = @transform_2, window_bounds = array<i64: 200, 64, 128>}]} {
    %get3A = arith.constant 0 : index
    %get3A_0 = arith.constant 0 : index
    %get3A_1 = vector.load %arg2[%get3A, %get3A_0] : memref<12800x128xf32, #tpu.memory_space<vmem>>, vector<12800x128xf32>
    %reshape3A = vector.shape_cast %get3A_1 : vector<12800x128xf32> to vector<128x12800xf32>
    %transpose3A = tpu.transpose %reshape3A, [1, 0] : vector<128x12800xf32> -> vector<12800x128xf32>
    %reshape3A_2 = vector.shape_cast %transpose3A : vector<12800x128xf32> to vector<200x64x128xf32>
    %swap3A = arith.constant 0 : index
    %swap3A_3 = arith.constant 0 : index
    %swap3A_4 = arith.constant 0 : index
    %swap3A_5 = vector.load %arg3[%swap3A, %swap3A_3, %swap3A_4] : memref<200x64x128xf32, #tpu.memory_space<vmem>>, vector<200x64x128xf32>
    tpu.vector_store %arg3[%swap3A, %swap3A_3, %swap3A_4], %reshape3A_2 {strides = array<i32>} : memref<200x64x128xf32, #tpu.memory_space<vmem>>, vector<200x64x128xf32>,
    return
  }
  func.func @transform_1(%arg0: i32) -> (i32, i32) {
    %c0_i32 = arith.constant 0 : i32
    %c0_i32_0 = arith.constant 0 : i32
    return %arg0, %c0_i32 : i32, i32
  }
  func.func @transform_2(%arg0: i32) -> (i32, i32, i32) {
    %add3A = arith.constant 26 : i32
    %add3A_0 = arith.addi %add3A, %arg0 : i32
    %c0_i32 = arith.constant 0 : i32
    %c0_i32_1 = arith.constant 0 : i32
    %c0_i32_2 = arith.constant 0 : i32
    return %c0_i32, %c0_i32_1, %add3A_0 : i32, i32, i32
  }
}

</mosaic_0001>

<sc_bundles>
// kernel: sc_gather_0.3.cloned.1.call-start
scs
__scs_entry_jumppad:
0x0: {  	(pc) =	sbr.rel $0x88, $3  }
0x1: {  	(tag) =	ssettag $0x0;
	lr =	simm.s32 $0x1  }
0x2: {  	[smem:$0x3F9E] =	sst lr;
	_ =	strace $0xD0000000  }
0x3: {  	_ = 	snop  }
0x4: {  	_ = 	snop  }
0x5: {  	_ = 	snop  }
0x6: {  	_ = 	snop  }
0x7: {  	_ = 	snop  }
__scs_overlays_trampoline_lowered:
0x8: {  	[smem:$0x3FAD] =	sst s0  }
0x9: {  	[smem:$0x3FAE] =	sst s1  }
0xa: {  	[smem:$0x3FAF] =	sst s2  }
0xb: {  	[smem:$0x3FB0] =	sst s3  }
0xc: {  	[smem:$0x3FB1] =	sst s4  }
0xd: {  	[smem:$0x3FB2] =	sst s5  }
0xe: {  	[smem:$0x3FB3] =	sst s6  }
0xf: {  	[smem:$0x3FB4] =	sst s7  }
0x10: {  	[smem:$0x3FB5] =	sst s8  }
0x11: {  	[smem:$0x3FB6] =	sst s9;
	s0 =	simm.s32 @!p0 $0x0  }
0x12: {  	s1 =	sld [smem:$0x3F9C];
	s0 =	simm.s32 @p0 $0x1  }
0x13: {  	[smem:$0x3FB7] =	sst s0;
	s0 =	simm.s32 @!p1 $0x0  }
0x14: {  	s2 =	sld [smem:$0x3F9B];
	s0 =	simm.s32 @p1 $0x1  }
0x15: {  	[smem:$0x3FB8] =	sst s0;
	s0 =	simm.s32 @!p2 $0x0  }
0x16: {  	s3 =	sld [smem:$0x3FDB];
	s0 =	simm.s32 @p2 $0x1  }
0x17: {  	s4 =	simm.s32 $0x1BF5;
	[smem:$0x3FBA] =	sst s0  }
0x18: {  	s0 =	sld [smem:$0x3F9D];
	_ =	swait.ge [sflag:s4], $0x0  }
0x19: {  	s7 =	sld [smem:$0x3F9E]  }
0x1a: {  	s8 =	sadd.s32 $0xFFFFE003, lr  }
0x1b: {  	s9 =	sadd.s32 $0xFFFFFEF7, lr;
	s5 =	simm.s32 $0xFFFFFFFF;
	p2 =	slt.u32 s8, $0xFFFFF086  }
0x1c: {  	p1 =	slt.u32 s9, $0xF7A;
	s5 =	simm.s32 @!p2 $0x0  }
0x1d: {  	s5 =	simm.s32 @p1 $0x1;
	p0 =	seq.s32 s7, s2  }
0x1e: {  	s7 =	smul.u32 @!p0 $0xF7A, s2;
	p2 =	seq.s32 @!p0 s5, $0x0  }
0x1f: {  	s9 =	smul.u32 $0xF7A, s1;
	s8 =	simm.s32 @!p0 $0x1BF5;
	p2 =	por !p2, p0  }
0x20: {  	[sflag:s8] =	ssyncset.s32 @!p0 $0xFFFFF086;
	s6 =	sadd.s32 @!p0 s3, s7;
	s7 =	simm.s32 @!p0 $0x108  }
0x21: {  	s3 =	sadd.s32 s3, s9;
	s6 =	sadd.s32 @!p0 $0x88, s6;
	s7 =	simm.s32 @p2 $0x1082  }
0x22: {  	[simem:s7], [sflag:s8] =	dma.local @!p0 [hbm:s6], $0xF7A  }
0x23: {  	s9 =	sor.u32 $0xD0000000, s2;
	s6 =	simm.s32 $0x108;
	_ =	swait.ge @!p0 [sflag:s8], $0x0  }
0x24: {  	s3 =	sadd.s32 $0x88, s3;
	s6 =	simm.s32 @!p1 $0x1082;
	[sflag:s4] =	ssyncset.s32 $0xFFFFF086  }
0x25: {  	[simem:s6], [sflag:s4] =	dma.local [hbm:s3], $0xF7A  }
0x26: {  	[smem:$0x3F9E] =	sst s1;
	(tag) =	ssettag s2;
	_ =	strace s9  }
0x27: {  	s1 =	sld [smem:$0x3FAE]  }
0x28: {  	s2 =	sld [smem:$0x3FAF]  }
0x29: {  	s4 =	sld [smem:$0x3FB1]  }
0x2a: {  	p0 =	seq.s32 s5, $0x0;
	s5 =	sld [smem:$0x3FB2]  }
0x2b: {  	s6 =	sld [smem:$0x3FB3]  }
0x2c: {  	s7 =	sld [smem:$0x3FB4]  }
0x2d: {  	s3 =	simm.s32 $0x108;
	s8 =	sld [smem:$0x3FB5]  }
0x2e: {  	s3 =	simm.s32 @!p0 $0x1082;
	s9 =	sld [smem:$0x3FB6]  }
0x2f: {  	lr =	sadd.s32 s0, s3;
	s0 =	sld [smem:$0x3FAD]  }
0x30: {  	s3 =	sld [smem:$0x3FB0]  }
0x31: {  	[smem:$0x3FB9] =	sst s10  }
0x32: {  	s10 =	sld [smem:$0x3FB7];
	_ =	sdelay $0x3  }
0x33: {  	p0 =	seq.s32 s10, $0x1;
	s10 =	sld [smem:$0x3FB9];
	_ =	sdelay $0x3  }
0x34: {  	[smem:$0x3FB9] =	sst s10  }
0x35: {  	s10 =	sld [smem:$0x3FB8];
	_ =	sdelay $0x3  }
0x36: {  	p1 =	seq.s32 s10, $0x1;
	s10 =	sld [smem:$0x3FB9];
	_ =	sdelay $0x3  }
0x37: {  	[smem:$0x3FB9] =	sst s10  }
0x38: {  	s10 =	sld [smem:$0x3FBA]  }
0x39: {  	_ = 	snop;
	(pc) =	sbr.ind lr, $3  }
0x3a: {  	_ = 	snop  }
0x3b: {  	_ = 	snop  }
0x3c: {  	p2 =	seq.s32 s10, $0x1;
	s10 =	sld [smem:$0x3FB9]  }
0x3d: {  	_ =	shalt  }
0x3e: {  	_ =	shalt  }
0x3f: {  	_ =	shalt  }
0x40: {  	_ =	shalt  }
0x41: {  	_ =	shalt  }
0x42: {  	_ =	shalt  }
0x43: {  	_ =	shalt  }
0x44: {  	_ =	shalt  }
0x45: {  	_ =	shalt  }
0x46: {  	_ =	shalt  }
0x47: {  	_ =	shalt  }
0x48: {  	_ =	shalt  }
0x49: {  	_ =	shalt  }
0x4a: {  	_ =	shalt  }
0x4b: {  	_ =	shalt  }
0x4c: {  	_ =	shalt  }
0x4d: {  	_ =	shalt  }
0x4e: {  	_ =	shalt  }
0x4f: {  	_ =	shalt  }
0x50: {  	_ =	shalt  }
0x51: {  	_ =	shalt  }
0x52: {  	_ =	shalt  }
0x53: {  	_ =	shalt  }
0x54: {  	_ =	shalt  }
0x55: {  	_ =	shalt  }
0x56: {  	_ =	shalt  }
0x57: {  	_ =	shalt  }
0x58: {  	_ =	shalt  }
0x59: {  	_ =	shalt  }
0x5a: {  	_ =	shalt  }
0x5b: {  	_ =	shalt  }
0x5c: {  	_ =	shalt  }
0x5d: {  	_ =	shalt  }
0x5e: {  	_ =	shalt  }
0x5f: {  	_ =	shalt  }
0x60: {  	_ =	shalt  }
0x61: {  	_ =	shalt  }
0x62: {  	_ =	shalt  }
0x63: {  	_ =	shalt  }
0x64: {  	_ =	shalt  }
0x65: {  	_ =	shalt  }
0x66: {  	_ =	shalt  }
0x67: {  	_ =	shalt  }
0x68: {  	_ =	shalt  }
0x69: {  	_ =	shalt  }
0x6a: {  	_ =	shalt  }
0x6b: {  	_ =	shalt  }
0x6c: {  	_ =	shalt  }
0x6d: {  	_ =	shalt  }
0x6e: {  	_ =	shalt  }
0x6f: {  	_ =	shalt  }
0x70: {  	_ =	shalt  }
0x71: {  	_ =	shalt  }
0x72: {  	_ =	shalt  }
0x73: {  	_ =	shalt  }
0x74: {  	_ =	shalt  }
0x75: {  	_ =	shalt  }
0x76: {  	_ =	shalt  }
0x77: {  	_ =	shalt  }
0x78: {  	_ =	shalt  }
0x79: {  	_ =	shalt  }
0x7a: {  	_ =	shalt  }
0x7b: {  	_ =	shalt  }
0x7c: {  	_ =	shalt  }
0x7d: {  	_ =	shalt  }
0x7e: {  	_ =	shalt  }
0x7f: {  	_ =	shalt  }
0x80: {  	_ =	shalt  }
0x81: {  	_ =	shalt  }
0x82: {  	_ =	shalt  }
0x83: {  	_ =	shalt  }
0x84: {  	_ =	shalt  }
0x85: {  	_ =	shalt  }
0x86: {  	_ =	shalt  }
0x87: {  	_ =	shalt  }
.Lfunc_end0:
.L_simem_size_0:
called_computation_lowered:
.L_overlay_start_0:
0x88: {  	s2 =	sld [smem:$0x3FD9]  }
0x89: {  	s3 =	sld [smem:$0x3FFE];
	_ =	sdelay $0x1  }
0x8a: {  	s1 =	srdreg.scid  }
0x8b: {  	s0 =	sand.u32 $0x1, s1  }
0x8c: {  	s16 =	sshll.u32 s0, $0xA;
	s2 =	sadd.s32 s3, s2  }
0x8d: {  	s2 =	sadd.s32 s2, s16  }
0x8e: {  	[smem:$0x3FC5] =	sst s2  }
0x8f: {  	_ = 	snop  }
0x90: {  	(tm) =	ssettm $0x1  }
0x91: {  	s17 =	sld [smem:$0x3FFB];
	_ =	sdelay $0x3  }
0x92: {  	_ =	strace s17  }
0x93: {  	s2 =	sld [smem:$0x3FFC];
	_ =	sdelay $0x3  }
0x94: {  	_ =	strace s2  }
0x95: {  	s2 =	sld [smem:$0x3FFD];
	_ =	sdelay $0x3  }
0x96: {  	_ =	strace s2  }
0x97: {  	_ =	strace $0x8FFFFFFF  }
0x98: {  	s18 =	sld [smem:$0x3FDB];
	_ =	sdelay $0x1  }
0x99: {  	s19 =	simm.s32 $_scs_section_size  }
0x9a: {  	s4 =	simm.s32 $_size__tile_overlayer_lowered;
	s5 =	simm.s32 $_tile_overlayer_lowered  }
0x9b: {  	s22 =	simm.s32 $0x1BFF;
	s21 =	sshll.u32 s5, $0x1;
	s2 =	sadd.s32 s19, s18  }
0x9c: {  	s6 =	simm.s32 $0x0;
	s20 =	sshll.u32 s4, $0x1;
	s4 =	sadd.s32 s21, s2  }
0x9d: {  	[timem:s6], [sflag:s22] =	dma.local [hbm:s4], s20  }
0x9e: {  	_ =	swait.ge [sflag:s22], s20  }
0x9f: {  	s3 =	ssub.s32 $0x0, s20;
	[sflag:s22] =	ssyncset.done $0x0  }
0xa0: {  	[sflag:s22] =	ssyncadd.s32 s3;
	_ =	sdelay $0x1  }
0xa1: {  	s23 =	simm.s32 $0x1B8B  }
0xa2: {  	_ =	swait.ge [sflag:s23], $0x1  }
0xa3: {  	[sflag:s23] =	ssyncset.done $0x0  }
0xa4: {  	s25 =	simm.s32 $0x1B8E;
	s24 =	sld [smem:$0x3FFE];
	[sflag:s23] =	ssyncadd.s32 $0xFFFFFFFF  }
0xa5: {  	s26 =	simm.s32 $execute0_lowered;
	[smem:$0x3FD2] =	sst s25  }
0xa6: {  	s4 =	sshll.u32 s26, $0x1;
	_ =	strace $0x80000046;
	[dreg:$0x1] =	wrdreg $0xFFFFFFFF  }
0xa7: {  	s28 =	simm.s32 $_size_execute0_lowered;
	s2 =	sadd.s32 s2, s4;
	[dreg:$0x0] =	wrdreg $0x0  }
0xa8: {  	s4 =	sshll.u32 s28, $0x1;
	[dreg:$0x2] =	wrdreg s2  }
0xa9: {  	[dreg:$0x3] =	wrdreg s4  }
0xaa: {  	[dreg:$0x4] =	wrdreg $0xC0  }
0xab: {  	_ =	task [dreg:s6], $0x5FFFF  }
0xac: {  	[dreg:$0x1] =	wrdreg $0xFFFFFFFF  }
0xad: {  	[dreg:$0x0] =	wrdreg $0x60  }
0xae: {  	[dreg:$0x2] =	wrdreg s24  }
0xaf: {  	[dreg:$0x3] =	wrdreg $0x0  }
0xb0: {  	[dreg:$0x4] =	wrdreg $0x9  }
0xb1: {  	_ =	task.clear_ibuf [dreg:s6], $0x5FFFF;
	_ =	strace $0x90000046  }
0xb2: {  	s29 =	simm.s32 $0x9;
	_ =	strace $0x80000048  }
0xb3: {  	_ =	swait.ge [sflag:s29], $0x1  }
0xb4: {  	[sflag:s29] =	ssyncadd.s32 $0xFFFFFFFF  }
0xb5: {  	_ =	strace $0x90000048  }
0xb6: {  	_ =	sfence  }
0xb7: {  	s30 =	sld [smem:$0x0];
	_ =	sdelay $0x2  }
0xb8: {  	s31 =	sshll.u32 s1, $0xD;
	s1 =	sshrl.u32 s1, $0x2  }
0xb9: {  	s3 =	sand.u32 $0x4000, s31;
	s1 =	sadd.s32 s1, s30  }
0xba: {  	s0 =	sor.u32 s3, s0;
	s1 =	sshll.u32 s1, $0x11  }
0xbb: {  	s0 =	sor.u32 s1, s0  }
0xbc: {  	s0 =	sadd.s32 $0x8F2B, s0  }
0xbd: {  	[sflag:s0] =	ssyncadd.remote.s32 $0x1  }
0xbe: {  	_ =	sfence.sel $0xFFFF  }
0xbf: {  	[dreg:$0x0] =	wrdreg $0xFFFFFFFF;
	(pc) =	sbr.abs _section_cstart, $3  }
0xc0: {  	[dreg:$0x1] =	wrdreg $0xFFFFFFFF  }
0xc1: {  	_ =	task.clear_ibuf [dreg:s6], $0x2FFFF;
	_ =	strace $0x9FFFFFFF  }
0xc2: {  	(tm) =	ssettm $0x7FFFFFFF  }
0xc3: {  	_ =	shalt  }
tec
execute0_lowered:
.L_overlay_start_1:
0x0: {  	(tag) =	ssettag $0x1  }
0x1: {  	s0 =	rddreg [dreg:$0x0]  }
0x2: {  	s1 =	rddreg [dreg:$0x1];
	s2 =	simm.s32 $0x0;
	s4 =	stileid.u32  }
0x3: {  	s3 =	srdreg.scid;
	s12 =	simm.s32 $0x640;
	s13 =	simm.s32 $0x3E8  }
0x4: {  	s14 =	simm.s32 $0x3840;
	s20 =	simm.s32 $0x388;
	s21 =	simm.s32 $0x2040  }
0x5: {  	s22 =	simm.s32 $0x450;
	s23 =	simm.s32 $0x5240;
	s24 =	simm.s32 $0x518  }
0x6: {  	s25 =	simm.s32 $0x8440;
	s26 =	simm.s32 $0x5E0;
	s31 =	simm.s32 $0xB640  }
0x7: {  	s28 =	simm.s32 $0x7;
	s29 =	simm.s32 $0x4;
	s30 =	simm.s32 $0x8  }
0x8: {  	[smem:$0x7FF] =	sst s2;
	s5 =	sand.u32 $0x1, s3;
	s10 =	sadd.s32 $0xE2400, s0  }
0x9: {  	s15 =	sshll.u32 s4, $0x1;
	_ =	strace $0x80000047;
	[dreg:$0xb] =	wrdreg s10  }
0xa: {  	s6 =	smul.u32 $0x12C00, s4;
	s8 =	sadd.s32 $0xC9400, s0;
	[dreg:$0x3] =	wrdreg s20  }
0xb: {  	s3 =	sadd.s32 $0x1400, s0;
	s11 =	smul.u32 $0x4B0, s4;
	[dreg:$0x4] =	wrdreg s21  }
0xc: {  	p0 =	sne.s32 s4, $0x0;
	s7 =	sor.u32 s5, s15;
	[dreg:$0x5] =	wrdreg s22  }
0xd: {  	s16 =	ssub.s32 $0x2, s5;
	s18 =	smul.u32 $0x258, s5;
	[dreg:$0x6] =	wrdreg s23  }
0xe: {  	s5 =	smul.u32 $0x9600, s5;
	s15 =	simm.s32 $0x1;
	[dreg:$0x7] =	wrdreg s24  }
0xf: {  	s20 =	simm.s32 $0x6A40;
	s21 =	simm.s32 $0xD;
	[dreg:$0x8] =	wrdreg s25  }
0x10: {  	s22 =	simm.s32 $0x2;
	s23 =	simm.s32 $0x6;
	[dreg:$0x9] =	wrdreg s26  }
0x11: {  	s24 =	simm.s32 $0x578;
	[dreg:$0xa] =	wrdreg s31;
	s9 =	smul.u32 $0x258, s7  }
0x12: {  	s25 =	simm.s32 $0x9C40;
	s26 =	simm.s32 $0x3;
	s7 =	smul.u32 $0x12C0, s7  }
0x13: {  	s0 =	sadd.s32 s6, s0;
	s17 =	sshrl.u32 s16, $0x1;
	s19 =	sadd.s32 s11, s8  }
0x14: {  	s6 =	ssub.s32 s16, s17;
	s0 =	sadd.s32 s5, s0;
	s16 =	simm.s32 $0x5  }
0x15: {  	s17 =	simm.s32 $0x68;
	s5 =	simm.s32 $0x0;
	s9 =	sadd.s32 s8, s9  }
0x16: {  	s7 =	sadd.s32 $0xC8, s7;
	s6 =	smax.u32 s6, $0x1;
	[dreg:$0xc] =	wrdreg s9  }
0x17: {  	s0 =	sadd.s32 $0xE3880, s0;
	s7 =	sshrl.u32 s7, $0x3;
	[dreg:$0xe] =	wrdreg s6  }
0x18: {  	[dreg:$0xf] =	wrdreg s0;
	s0 =	sshrl.u32 @!p0 s1, $0x3;
	s6 =	simm.s32 $0x320  }
0x19: {  	s7 =	sadd.s32 s8, s7;
	s8 =	sadd.s32 s18, s19;
	[dreg:$0x10] =	wrdreg s0  }
0x1a: {  	s18 =	simm.s32 $0x60;
	s19 =	simm.s32 $0x4B0;
	[dreg:$0xd] =	wrdreg s7  }
.LBB2_1:
0x1b: {  	[dreg:$0x11] =	wrdreg s5  }
0x1c: {  	s4 =	rddreg [dreg:$0xb]  }
0x1d: {  	s0 =	simm.s32 @!p0 $0x1C0E;
	s5 =	rddreg [dreg:$0x10]  }
0x1e: {  	[spmem:s5], [sflag:s0] =	dma.local @!p0 [hbm:s4], $0x640  }
0x1f: {  	s0 =	simm.s32 @!p0 $0xE  }
0x20: {  	_ =	swait.ge @!p0 [sflag:s0], $0x640  }
0x21: {  	[sflag:s0] =	ssyncset.done @!p0 $0x0  }
0x22: {  	[sflag:s0] =	ssyncadd.s32 @!p0 $0xFFFFF9C0  }
0x23: {  	[bflag:$0x0] =	sbarrier.arrive $0xFFFF  }
0x24: {  	s11 =	rddreg [dreg:$0xc]  }
0x25: {  	[tilespmem:s6], [sflag:$0x1] =	stream.linear.gather [hbm4b:s11+s2], $0xC8, $0x38;
	[tilespmem:$0xCE40] =	vst v63  }
0x26: {  	_ = 	snop  }
0x27: {  	[tilespmem:s12], [sflag:$0x5] =	stream.linear.gather [spmem:s1], $0x3200, $0x38;
	[tilespmem:$0xCE40] =	vst v63  }
0x28: {  	s4 =	rddreg [dreg:$0xd]  }
0x29: {  	[tilespmem:s13], [sflag:$0x2] =	stream.linear.gather [hbm4b:s4+s2], $0xC8, $0x38;
	[tilespmem:$0xCE40] =	vst v63  }
0x2a: {  	_ = 	snop  }
0x2b: {  	[tilespmem:s14], [sflag:$0x6] =	stream.linear.gather [spmem:s1], $0x3200, $0x38;
	[tilespmem:$0xCE40] =	vst v63  }
0x2c: {  	_ =	swait.ge [sflag:s15], $0xC8  }
0x2d: {  	[sflag:s15] =	ssyncset.done $0x0  }
0x2e: {  	[sflag:s15] =	ssyncadd.s32 $0xFFFFFF38  }
0x2f: {  	_ =	swait.ge [sflag:s16], $0x3200  }
0x30: {  	[sflag:s16] =	ssyncset.done $0x0  }
0x31: {  	s5 =	rddreg [dreg:$0x4];
	[sflag:s16] =	ssyncadd.s32 $0xFFFFCE00  }
0x32: {  	[tilespmem:s12], [sflag:$0xD] =	stream.indirect.gather.add.f32 [hbm:s3], $0x40, s6, s17, $0xb8;
	[tilespmem:$0xCE40] =	vst v63  }
0x33: {  	s7 =	sadd.s32 $0x0, s8;
	p1 =	por $0x1, $0x1;
	s9 =	rddreg [dreg:$0x3]  }
0x34: {  	[tilespmem:s5], [sflag:$0xD] =	stream.indirect.gather.add.f32 [hbm:s3], $0x40, s9, s18, $0xb8;
	[tilespmem:$0xCE40] =	vst v63  }
0x35: {  	s10 =	sadd.s32 $0x32, s7;
	s0 =	simm.s32 @!p1 $0xB  }
0x36: {  	[tilespmem:s19], [sflag:$0x3] =	stream.linear.gather [hbm4b:s10+s2], $0xC8, $0x38;
	[tilespmem:$0xCE40] =	vst v63  }
0x37: {  	_ =	swait.ge @!p1 [sflag:s0], $0x3200  }
0x38: {  	[sflag:s0] =	ssyncset.done @!p1 $0x0  }
0x39: {  	[sflag:s0] =	ssyncadd.s32 @!p1 $0xFFFFCE00  }
0x3a: {  	[tilespmem:s20], [sflag:$0x7] =	stream.linear.gather [spmem:s1], $0x3200, $0x38;
	[tilespmem:$0xCE40] =	vst v63  }
0x3b: {  	_ =	swait.ge [sflag:s21], $0x1A00  }
0x3c: {  	[sflag:s21] =	ssyncset.done $0x0  }
0x3d: {  	[sflag:s21] =	ssyncadd.s32 $0xFFFFE600  }
0x3e: {  	_ =	swait.ge [sflag:s21], $0x1800  }
0x3f: {  	[sflag:s21] =	ssyncset.done $0x0;
	s5 =	rddreg [dreg:$0xf]  }
0x40: {  	s11 =	sadd.s32 $0xFFFFF380, s5;
	[sflag:s21] =	ssyncadd.s32 $0xFFFFE800  }
0x41: {  	[hbm4b:s11+s2] =	stream.linear.scatter [tilespmem:s12], [sflag:$0x9], $0x3200, $0x38;
	[tilespmem:$0xCE40] =	vst v63  }
0x42: {  	_ =	swait.ge [sflag:s22], $0xC8  }
0x43: {  	[sflag:s22] =	ssyncset.done $0x0  }
0x44: {  	[sflag:s22] =	ssyncadd.s32 $0xFFFFFF38  }
0x45: {  	_ =	swait.ge [sflag:s23], $0x3200  }
0x46: {  	[sflag:s23] =	ssyncset.done $0x0  }
0x47: {  	s4 =	rddreg [dreg:$0x6];
	[sflag:s23] =	ssyncadd.s32 $0xFFFFCE00  }
0x48: {  	[tilespmem:s14], [sflag:$0xD] =	stream.indirect.gather.add.f32 [hbm:s3], $0x40, s13, s17, $0xb8;
	[tilespmem:$0xCE40] =	vst v63  }
0x49: {  	p1 =	por $0x1, $0x1;
	s9 =	rddreg [dreg:$0x5]  }
0x4a: {  	[tilespmem:s4], [sflag:$0xD] =	stream.indirect.gather.add.f32 [hbm:s3], $0x40, s9, s18, $0xb8;
	[tilespmem:$0xCE40] =	vst v63  }
0x4b: {  	s10 =	sadd.s32 $0x4B, s7;
	s4 =	simm.s32 @!p1 $0xC  }
0x4c: {  	[tilespmem:s24], [sflag:$0x4] =	stream.linear.gather [hbm4b:s10+s2], $0xC8, $0x38;
	[tilespmem:$0xCE40] =	vst v63  }
0x4d: {  	_ =	swait.ge @!p1 [sflag:s4], $0x3200  }
0x4e: {  	[sflag:s4] =	ssyncset.done @!p1 $0x0  }
0x4f: {  	[sflag:s4] =	ssyncadd.s32 @!p1 $0xFFFFCE00  }
0x50: {  	[tilespmem:s25], [sflag:$0x8] =	stream.linear.gather [spmem:s1], $0x3200, $0x38;
	[tilespmem:$0xCE40] =	vst v63  }
0x51: {  	_ =	swait.ge [sflag:s21], $0x1A00  }
0x52: {  	[sflag:s21] =	ssyncset.done $0x0  }
0x53: {  	[sflag:s21] =	ssyncadd.s32 $0xFFFFE600  }
0x54: {  	_ =	swait.ge [sflag:s21], $0x1800  }
0x55: {  	[sflag:s21] =	ssyncset.done $0x0  }
0x56: {  	s11 =	sadd.s32 $0xFFFFF9C0, s5;
	[sflag:s21] =	ssyncadd.s32 $0xFFFFE800  }
0x57: {  	[hbm4b:s11+s2] =	stream.linear.scatter [tilespmem:s14], [sflag:$0xA], $0x3200, $0x38;
	[tilespmem:$0xCE40] =	vst v63  }
0x58: {  	_ =	swait.ge [sflag:s26], $0xC8  }
0x59: {  	[sflag:s26] =	ssyncset.done $0x0  }
0x5a: {  	[sflag:s26] =	ssyncadd.s32 $0xFFFFFF38  }
0x5b: {  	_ =	swait.ge [sflag:s28], $0x3200  }
0x5c: {  	[sflag:s28] =	ssyncset.done $0x0  }
0x5d: {  	p1 =	por $0x0, $0x0;
	s4 =	rddreg [dreg:$0x8];
	[sflag:s28] =	ssyncadd.s32 $0xFFFFCE00  }
0x5e: {  	[tilespmem:s20], [sflag:$0xD] =	stream.indirect.gather.add.f32 [hbm:s3], $0x40, s19, s17, $0xb8;
	[tilespmem:$0xCE40] =	vst v63  }
0x5f: {  	s0 =	sadd.s32 @!p1 $0x0, s8;
	s10 =	simm.s32 @!p1 $0x9;
	s7 =	rddreg [dreg:$0x7]  }
0x60: {  	[tilespmem:s4], [sflag:$0xD] =	stream.indirect.gather.add.f32 [hbm:s3], $0x40, s7, s18, $0xb8;
	[tilespmem:$0xCE40] =	vst v63  }
0x61: {  	s0 =	sadd.s32 @!p1 $0x64, s0;
	s4 =	simm.s32 @!p1 $0x0;
	s7 =	simm.s32 @!p1 $0x320  }
0x62: {  	[tilespmem:s7], [sflag:$0x1] =	stream.linear.gather @!p1 [hbm4b:s0+s4], $0xC8, $0x38;
	[tilespmem:$0xCE40] =	vst v63  }
0x63: {  	_ =	swait.ge @!p1 [sflag:s10], $0x3200  }
0x64: {  	[sflag:s10] =	ssyncset.done @!p1 $0x0  }
0x65: {  	s0 =	simm.s32 @!p1 $0x640;
	[sflag:s10] =	ssyncadd.s32 @!p1 $0xFFFFCE00  }
0x66: {  	[tilespmem:s0], [sflag:$0x5] =	stream.linear.gather @!p1 [spmem:s1], $0x3200, $0x38;
	[tilespmem:$0xCE40] =	vst v63  }
0x67: {  	_ =	swait.ge [sflag:s21], $0x1A00  }
0x68: {  	[sflag:s21] =	ssyncset.done $0x0  }
0x69: {  	[sflag:s21] =	ssyncadd.s32 $0xFFFFE600  }
0x6a: {  	_ =	swait.ge [sflag:s21], $0x1800  }
0x6b: {  	[sflag:s21] =	ssyncset.done $0x0  }
0x6c: {  	[sflag:s21] =	ssyncadd.s32 $0xFFFFE800  }
0x6d: {  	[hbm4b:s5+s2] =	stream.linear.scatter [tilespmem:s20], [sflag:$0xB], $0x3200, $0x38;
	[tilespmem:$0xCE40] =	vst v63  }
0x6e: {  	_ =	swait.ge [sflag:s29], $0xC8  }
0x6f: {  	[sflag:s29] =	ssyncset.done $0x0  }
0x70: {  	[sflag:s29] =	ssyncadd.s32 $0xFFFFFF38  }
0x71: {  	_ =	swait.ge [sflag:s30], $0x3200  }
0x72: {  	[sflag:s30] =	ssyncset.done $0x0  }
0x73: {  	p1 =	por $0x0, $0x0;
	s9 =	rddreg [dreg:$0xa];
	[sflag:s30] =	ssyncadd.s32 $0xFFFFCE00  }
0x74: {  	[tilespmem:s25], [sflag:$0xD] =	stream.indirect.gather.add.f32 [hbm:s3], $0x40, s24, s17, $0xb8;
	[tilespmem:$0xCE40] =	vst v63  }
0x75: {  	s7 =	sadd.s32 @!p1 $0x0, s8;
	s10 =	simm.s32 @!p1 $0x0;
	s11 =	rddreg [dreg:$0x9]  }
0x76: {  	[tilespmem:s9], [sflag:$0xD] =	stream.indirect.gather.add.f32 [hbm:s3], $0x40, s11, s18, $0xb8;
	[tilespmem:$0xCE40] =	vst v63  }
0x77: {  	s0 =	simm.s32 @!p1 $0x3E8;
	s4 =	sadd.s32 @!p1 $0x7D, s7;
	s7 =	simm.s32 @!p1 $0xA  }
0x78: {  	[tilespmem:s0], [sflag:$0x2] =	stream.linear.gather @!p1 [hbm4b:s4+s10], $0xC8, $0x38;
	[tilespmem:$0xCE40] =	vst v63  }
0x79: {  	_ =	swait.ge @!p1 [sflag:s7], $0x3200  }
0x7a: {  	[sflag:s7] =	ssyncset.done @!p1 $0x0  }
0x7b: {  	s0 =	simm.s32 @!p1 $0x3840;
	[sflag:s7] =	ssyncadd.s32 @!p1 $0xFFFFCE00  }
0x7c: {  	[tilespmem:s0], [sflag:$0x6] =	stream.linear.gather @!p1 [spmem:s1], $0x3200, $0x38;
	[tilespmem:$0xCE40] =	vst v63  }
0x7d: {  	_ =	swait.ge [sflag:s21], $0x1A00  }
0x7e: {  	[sflag:s21] =	ssyncset.done $0x0  }
0x7f: {  	s31 =	sadd.s32 $0x1900, s5;
	s10 =	simm.s32 $0x64;
	[sflag:s21] =	ssyncadd.s32 $0xFFFFE600  }
0x80: {  	s7 =	sadd.s32 $0x640, s5;
	s0 =	simm.s32 $0x7;
	_ =	swait.ge [sflag:s21], $0x1800  }
.LBB2_2:
0x81: {  	[sflag:s21] =	ssyncset.done $0x0  }
0x82: {  	[sflag:s21] =	ssyncadd.s32 $0xFFFFE800  }
0x83: {  	[hbm4b:s7+s2] =	stream.linear.scatter [tilespmem:s25], [sflag:$0xC], $0x3200, $0x38;
	[tilespmem:$0xCE40] =	vst v63  }
0x84: {  	_ =	swait.ge [sflag:s15], $0xC8  }
0x85: {  	[sflag:s15] =	ssyncset.done $0x0  }
0x86: {  	[sflag:s15] =	ssyncadd.s32 $0xFFFFFF38  }
0x87: {  	s5 =	sadd.s32 $0x640, s31;
	_ =	swait.ge [sflag:s16], $0x3200  }
0x88: {  	s4 =	smov.u32 s10;
	s11 =	sadd.s32 $0xFFFFFFF9, s0;
	[sflag:s16] =	ssyncset.done $0x0  }
0x89: {  	s7 =	smov.u32 s5;
	s5 =	rddreg [dreg:$0x4];
	[sflag:s16] =	ssyncadd.s32 $0xFFFFCE00  }
0x8a: {  	[tilespmem:s12], [sflag:$0xD] =	stream.indirect.gather.add.f32 [hbm:s3], $0x40, s6, s17, $0xb8;
	[tilespmem:$0xCE40] =	vst v63  }
0x8b: {  	p2 =	sgt.u32 s11, $0x13;
	s9 =	rddreg [dreg:$0x3];
	s6 =	sadd.s32 s4, s8  }
0x8c: {  	[tilespmem:s5], [sflag:$0xD] =	stream.indirect.gather.add.f32 [hbm:s3], $0x40, s9, s18, $0xb8;
	[tilespmem:$0xCE40] =	vst v63  }
0x8d: {  	s9 =	sadd.s32 $0x32, s6;
	s5 =	simm.s32 @!p2 $0xB  }
0x8e: {  	[tilespmem:s19], [sflag:$0x3] =	stream.linear.gather [hbm4b:s9+s2], $0xC8, $0x38;
	[tilespmem:$0xCE40] =	vst v63  }
0x8f: {  	_ =	swait.ge @!p2 [sflag:s5], $0x3200  }
0x90: {  	[sflag:s5] =	ssyncset.done @!p2 $0x0  }
0x91: {  	[sflag:s5] =	ssyncadd.s32 @!p2 $0xFFFFCE00  }
0x92: {  	[tilespmem:s20], [sflag:$0x7] =	stream.linear.gather [spmem:s1], $0x3200, $0x38;
	[tilespmem:$0xCE40] =	vst v63  }
0x93: {  	_ =	swait.ge [sflag:s21], $0x1A00  }
0x94: {  	[sflag:s21] =	ssyncset.done $0x0  }
0x95: {  	[sflag:s21] =	ssyncadd.s32 $0xFFFFE600  }
0x96: {  	_ =	swait.ge [sflag:s21], $0x1800  }
0x97: {  	[sflag:s21] =	ssyncset.done $0x0  }
0x98: {  	s11 =	sadd.s32 $0xFFFFF380, s31;
	[sflag:s21] =	ssyncadd.s32 $0xFFFFE800  }
0x99: {  	[hbm4b:s11+s2] =	stream.linear.scatter [tilespmem:s12], [sflag:$0x9], $0x3200, $0x38;
	[tilespmem:$0xCE40] =	vst v63  }
0x9a: {  	_ =	swait.ge [sflag:s22], $0xC8  }
0x9b: {  	[sflag:s22] =	ssyncset.done $0x0  }
0x9c: {  	[sflag:s22] =	ssyncadd.s32 $0xFFFFFF38  }
0x9d: {  	_ =	swait.ge [sflag:s23], $0x3200  }
0x9e: {  	[sflag:s23] =	ssyncset.done $0x0  }
0x9f: {  	s9 =	rddreg [dreg:$0x6];
	[sflag:s23] =	ssyncadd.s32 $0xFFFFCE00  }
0xa0: {  	[tilespmem:s14], [sflag:$0xD] =	stream.indirect.gather.add.f32 [hbm:s3], $0x40, s13, s17, $0xb8;
	[tilespmem:$0xCE40] =	vst v63  }
0xa1: {  	p2 =	seq.s32 s4, $0x0;
	s11 =	rddreg [dreg:$0x5]  }
0xa2: {  	[tilespmem:s9], [sflag:$0xD] =	stream.indirect.gather.add.f32 [hbm:s3], $0x40, s11, s18, $0xb8;
	[tilespmem:$0xCE40] =	vst v63  }
0xa3: {  	s6 =	sadd.s32 $0x4B, s6;
	s5 =	simm.s32 @!p2 $0xC  }
0xa4: {  	[tilespmem:s24], [sflag:$0x4] =	stream.linear.gather [hbm4b:s6+s2], $0xC8, $0x38;
	[tilespmem:$0xCE40] =	vst v63  }
0xa5: {  	_ =	swait.ge @!p2 [sflag:s5], $0x3200  }
0xa6: {  	[sflag:s5] =	ssyncset.done @!p2 $0x0  }
0xa7: {  	[sflag:s5] =	ssyncadd.s32 @!p2 $0xFFFFCE00  }
0xa8: {  	[tilespmem:s25], [sflag:$0x8] =	stream.linear.gather [spmem:s1], $0x3200, $0x38;
	[tilespmem:$0xCE40] =	vst v63  }
0xa9: {  	_ =	swait.ge [sflag:s21], $0x1A00  }
0xaa: {  	[sflag:s21] =	ssyncset.done $0x0  }
0xab: {  	[sflag:s21] =	ssyncadd.s32 $0xFFFFE600  }
0xac: {  	_ =	swait.ge [sflag:s21], $0x1800  }
0xad: {  	[sflag:s21] =	ssyncset.done $0x0  }
0xae: {  	s6 =	sadd.s32 $0xFFFFF9C0, s31;
	[sflag:s21] =	ssyncadd.s32 $0xFFFFE800  }
0xaf: {  	[hbm4b:s6+s2] =	stream.linear.scatter [tilespmem:s14], [sflag:$0xA], $0x3200, $0x38;
	[tilespmem:$0xCE40] =	vst v63  }
0xb0: {  	_ =	swait.ge [sflag:s26], $0xC8  }
0xb1: {  	[sflag:s26] =	ssyncset.done $0x0  }
0xb2: {  	[sflag:s26] =	ssyncadd.s32 $0xFFFFFF38  }
0xb3: {  	_ =	swait.ge [sflag:s28], $0x3200  }
0xb4: {  	[sflag:s28] =	ssyncset.done $0x0  }
0xb5: {  	s9 =	sadd.s32 $0xFFFFFFFF, s0;
	s5 =	rddreg [dreg:$0x8];
	[sflag:s28] =	ssyncadd.s32 $0xFFFFCE00  }
0xb6: {  	[tilespmem:s20], [sflag:$0xD] =	stream.indirect.gather.add.f32 [hbm:s3], $0x40, s19, s17, $0xb8;
	[tilespmem:$0xCE40] =	vst v63  }
0xb7: {  	p2 =	sgt.u32 s9, $0x15;
	s11 =	rddreg [dreg:$0x7]  }
0xb8: {  	[tilespmem:s5], [sflag:$0xD] =	stream.indirect.gather.add.f32 [hbm:s3], $0x40, s11, s18, $0xb8;
	[tilespmem:$0xCE40] =	vst v63  }
0xb9: {  	s9 =	simm.s32 @!p2 $0x320;
	s5 =	sadd.s32 @!p2 s4, s8  }
0xba: {  	s6 =	simm.s32 @!p2 $0x0;
	s11 =	simm.s32 @!p2 $0x9;
	s5 =	sadd.s32 @!p2 $0x64, s5  }
0xbb: {  	[tilespmem:s9], [sflag:$0x1] =	stream.linear.gather @!p2 [hbm4b:s5+s6], $0xC8, $0x38;
	[tilespmem:$0xCE40] =	vst v63  }
0xbc: {  	_ =	swait.ge @!p2 [sflag:s11], $0x3200  }
0xbd: {  	[sflag:s11] =	ssyncset.done @!p2 $0x0  }
0xbe: {  	s5 =	simm.s32 @!p2 $0x640;
	[sflag:s11] =	ssyncadd.s32 @!p2 $0xFFFFCE00  }
0xbf: {  	[tilespmem:s5], [sflag:$0x5] =	stream.linear.gather @!p2 [spmem:s1], $0x3200, $0x38;
	[tilespmem:$0xCE40] =	vst v63  }
0xc0: {  	_ =	swait.ge [sflag:s21], $0x1A00  }
0xc1: {  	[sflag:s21] =	ssyncset.done $0x0  }
0xc2: {  	[sflag:s21] =	ssyncadd.s32 $0xFFFFE600  }
0xc3: {  	_ =	swait.ge [sflag:s21], $0x1800  }
0xc4: {  	[sflag:s21] =	ssyncset.done $0x0  }
0xc5: {  	[sflag:s21] =	ssyncadd.s32 $0xFFFFE800  }
0xc6: {  	[hbm4b:s31+s2] =	stream.linear.scatter [tilespmem:s20], [sflag:$0xB], $0x3200, $0x38;
	[tilespmem:$0xCE40] =	vst v63  }
0xc7: {  	_ =	swait.ge [sflag:s29], $0xC8  }
0xc8: {  	[sflag:s29] =	ssyncset.done $0x0  }
0xc9: {  	[sflag:s29] =	ssyncadd.s32 $0xFFFFFF38  }
0xca: {  	_ =	swait.ge [sflag:s30], $0x3200  }
0xcb: {  	[sflag:s30] =	ssyncset.done $0x0  }
0xcc: {  	p2 =	sgt.u32 s0, $0x15;
	s5 =	rddreg [dreg:$0xa];
	[sflag:s30] =	ssyncadd.s32 $0xFFFFCE00  }
0xcd: {  	[tilespmem:s25], [sflag:$0xD] =	stream.indirect.gather.add.f32 [hbm:s3], $0x40, s24, s17, $0xb8;
	[tilespmem:$0xCE40] =	vst v63  }
0xce: {  	s4 =	sadd.s32 @!p2 s4, s8;
	s9 =	simm.s32 @!p2 $0x0;
	s6 =	rddreg [dreg:$0x9]  }
0xcf: {  	[tilespmem:s5], [sflag:$0xD] =	stream.indirect.gather.add.f32 [hbm:s3], $0x40, s6, s18, $0xb8;
	[tilespmem:$0xCE40] =	vst v63  }
0xd0: {  	s11 =	simm.s32 @!p2 $0x3E8;
	s4 =	sadd.s32 @!p2 $0x7D, s4;
	s5 =	simm.s32 @!p2 $0xA  }
0xd1: {  	[tilespmem:s11], [sflag:$0x2] =	stream.linear.gather @!p2 [hbm4b:s4+s9], $0xC8, $0x38;
	[tilespmem:$0xCE40] =	vst v63  }
0xd2: {  	_ =	swait.ge @!p2 [sflag:s5], $0x3200  }
0xd3: {  	s10 =	sadd.s32 $0x64, s10;
	[sflag:s5] =	ssyncset.done @!p2 $0x0  }
0xd4: {  	p1 =	sne.s32 s10, $0x258;
	s4 =	simm.s32 @!p2 $0x3840;
	[sflag:s5] =	ssyncadd.s32 @!p2 $0xFFFFCE00  }
0xd5: {  	[tilespmem:s4], [sflag:$0x6] =	stream.linear.gather @!p2 [spmem:s1], $0x3200, $0x38;
	[tilespmem:$0xCE40] =	vst v63  }
.Ltmp0:
0xd6: {  	_ = 	snop;
	(pc) =	sbr.rel @p1 .LBB2_2-.Ltmp0, $4  }
0xd7: {  	_ =	swait.ge [sflag:s21], $0x1A00  }
0xd8: {  	[sflag:s21] =	ssyncset.done $0x0  }
0xd9: {  	s0 =	sadd.s32 $0x4, s0;
	[sflag:s21] =	ssyncadd.s32 $0xFFFFE600  }
0xda: {  	s31 =	sadd.s32 $0x1900, s31;
	s6 =	simm.s32 $0x320;
	_ =	swait.ge [sflag:s21], $0x1800  }
0xdb: {  	[sflag:s21] =	ssyncset.done $0x0  }
0xdc: {  	s0 =	simm.s32 $0x9;
	[sflag:s21] =	ssyncadd.s32 $0xFFFFE800  }
0xdd: {  	[hbm4b:s7+s2] =	stream.linear.scatter [tilespmem:s25], [sflag:$0xC], $0x3200, $0x38;
	[tilespmem:$0xCE40] =	vst v63  }
0xde: {  	_ =	swait.ge [sflag:s0], $0x3200  }
0xdf: {  	[sflag:s0] =	ssyncset.done $0x0  }
0xe0: {  	s10 =	simm.s32 $0xA;
	[sflag:s0] =	ssyncadd.s32 $0xFFFFCE00  }
0xe1: {  	_ =	swait.ge [sflag:s10], $0x3200  }
0xe2: {  	[sflag:s10] =	ssyncset.done $0x0  }
0xe3: {  	s11 =	simm.s32 $0xB;
	[sflag:s10] =	ssyncadd.s32 $0xFFFFCE00  }
0xe4: {  	_ =	swait.ge [sflag:s11], $0x3200  }
0xe5: {  	[sflag:s11] =	ssyncset.done $0x0  }
0xe6: {  	s4 =	simm.s32 $0xC;
	[sflag:s11] =	ssyncadd.s32 $0xFFFFCE00  }
0xe7: {  	_ =	swait.ge [sflag:s4], $0x3200  }
0xe8: {  	s5 =	rddreg [dreg:$0x11]  }
0xe9: {  	s31 =	rddreg [dreg:$0xe];
	s5 =	sadd.s32 $0x1, s5  }
0xea: {  	p1 =	sne.s32 s5, s31  }
.Ltmp1:
0xeb: {  	_ = 	snop;
	(pc) =	sbr.rel @p1 .LBB2_1-.Ltmp1, $3  }
0xec: {  	_ =	sdelay $0x1  }
0xed: {  	[sflag:s4] =	ssyncset.done $0x0  }
0xee: {  	[sflag:s4] =	ssyncadd.s32 $0xFFFFCE00  }
0xef: {  	_ =	sfence.sel $0x180000  }
0xf0: {  	[bflag:$0x0] =	sbarrier.arrive $0xFFFF  }
0xf1: {  	_ =	strace $0x90000047  }
0xf2: {  	[bflag:$0x2] =	sbarrier.arrive $0xFFFF  }
0xf3: {  	s0 =	rddreg [dreg:$0x2]  }
0xf4: {  	s0 =	sadd.s32 @!p0 $0x100000, s0  }
0xf5: {  	[sflag:s0] =	ssyncadd.tile.s32 @!p0 $0x1;
	_ =	shalt  }
.Lfunc_end2:
_tile_overlayer_lowered:
.L_overlay_start_2:
0xf6: {  	(tag) =	ssettag $0x2  }
0xf7: {  	s0 =	rddreg [dreg:$0x0];
	s2 =	stileid.u32  }
0xf8: {  	s1 =	rddreg [dreg:$0x1];
	p0 =	sne.s32 s2, $0x0  }
0xf9: {  	s3 =	rddreg [dreg:$0x2];
	[bflag:$0x3] =	sbarrier.arrive $0xFFFF;
	s2 =	simm.s32 @!p0 $0x1C0E  }
0xfa: {  	[timem:s3], [sflag:s2] =	dma.local @!p0 [hbm:s0], s1  }
0xfb: {  	s0 =	simm.s32 @!p0 $0xE  }
0xfc: {  	_ =	swait.ge @!p0 [sflag:s0], s1  }
0xfd: {  	s1 =	ssub.s32 @!p0 $0x0, s1;
	[sflag:s0] =	ssyncset.done @!p0 $0x0  }
0xfe: {  	[sflag:s0] =	ssyncadd.s32 @!p0 s1  }
0xff: {  	[bflag:$0x3] =	sbarrier.arrive $0xFFFF  }
0x100: {  	_ =	shalt  }

// kernel: sc_gather_1.3.cloned.1.call-start
scs
__scs_entry_jumppad:
0x0: {  	(pc) =	sbr.rel $0x88, $3  }
0x1: {  	(tag) =	ssettag $0x0;
	lr =	simm.s32 $0x1  }
0x2: {  	[smem:$0x3F9E] =	sst lr;
	_ =	strace $0xD0000000  }
0x3: {  	_ = 	snop  }
0x4: {  	_ = 	snop  }
0x5: {  	_ = 	snop  }
0x6: {  	_ = 	snop  }
0x7: {  	_ = 	snop  }
__scs_overlays_trampoline_lowered:
0x8: {  	[smem:$0x3FAD] =	sst s0  }
0x9: {  	[smem:$0x3FAE] =	sst s1  }
0xa: {  	[smem:$0x3FAF] =	sst s2  }
0xb: {  	[smem:$0x3FB0] =	sst s3  }
0xc: {  	[smem:$0x3FB1] =	sst s4  }
0xd: {  	[smem:$0x3FB2] =	sst s5  }
0xe: {  	[smem:$0x3FB3] =	sst s6  }
0xf: {  	[smem:$0x3FB4] =	sst s7  }
0x10: {  	[smem:$0x3FB5] =	sst s8  }
0x11: {  	[smem:$0x3FB6] =	sst s9;
	s0 =	simm.s32 @!p0 $0x0  }
0x12: {  	s1 =	sld [smem:$0x3F9C];
	s0 =	simm.s32 @p0 $0x1  }
0x13: {  	[smem:$0x3FB7] =	sst s0;
	s0 =	simm.s32 @!p1 $0x0  }
0x14: {  	s2 =	sld [smem:$0x3F9B];
	s0 =	simm.s32 @p1 $0x1  }
0x15: {  	[smem:$0x3FB8] =	sst s0;
	s0 =	simm.s32 @!p2 $0x0  }
0x16: {  	s3 =	sld [smem:$0x3FDB];
	s0 =	simm.s32 @p2 $0x1  }
0x17: {  	s4 =	simm.s32 $0x1BF5;
	[smem:$0x3FBA] =	sst s0  }
0x18: {  	s0 =	sld [smem:$0x3F9D];
	_ =	swait.ge [sflag:s4], $0x0  }
0x19: {  	s7 =	sld [smem:$0x3F9E]  }
0x1a: {  	s8 =	sadd.s32 $0xFFFFE003, lr  }
0x1b: {  	s9 =	sadd.s32 $0xFFFFFEF7, lr;
	s5 =	simm.s32 $0xFFFFFFFF;
	p2 =	slt.u32 s8, $0xFFFFF086  }
0x1c: {  	p1 =	slt.u32 s9, $0xF7A;
	s5 =	simm.s32 @!p2 $0x0  }
0x1d: {  	s5 =	simm.s32 @p1 $0x1;
	p0 =	seq.s32 s7, s2  }
0x1e: {  	s7 =	smul.u32 @!p0 $0xF7A, s2;
	p2 =	seq.s32 @!p0 s5, $0x0  }
0x1f: {  	s9 =	smul.u32 $0xF7A, s1;
	s8 =	simm.s32 @!p0 $0x1BF5;
	p2 =	por !p2, p0  }
0x20: {  	[sflag:s8] =	ssyncset.s32 @!p0 $0xFFFFF086;
	s6 =	sadd.s32 @!p0 s3, s7;
	s7 =	simm.s32 @!p0 $0x108  }
0x21: {  	s3 =	sadd.s32 s3, s9;
	s6 =	sadd.s32 @!p0 $0x88, s6;
	s7 =	simm.s32 @p2 $0x1082  }
0x22: {  	[simem:s7], [sflag:s8] =	dma.local @!p0 [hbm:s6], $0xF7A  }
0x23: {  	s9 =	sor.u32 $0xD0000000, s2;
	s6 =	simm.s32 $0x108;
	_ =	swait.ge @!p0 [sflag:s8], $0x0  }
0x24: {  	s3 =	sadd.s32 $0x88, s3;
	s6 =	simm.s32 @!p1 $0x1082;
	[sflag:s4] =	ssyncset.s32 $0xFFFFF086  }
0x25: {  	[simem:s6], [sflag:s4] =	dma.local [hbm:s3], $0xF7A  }
0x26: {  	[smem:$0x3F9E] =	sst s1;
	(tag) =	ssettag s2;
	_ =	strace s9  }
0x27: {  	s1 =	sld [smem:$0x3FAE]  }
0x28: {  	s2 =	sld [smem:$0x3FAF]  }
0x29: {  	s4 =	sld [smem:$0x3FB1]  }
0x2a: {  	p0 =	seq.s32 s5, $0x0;
	s5 =	sld [smem:$0x3FB2]  }
0x2b: {  	s6 =	sld [smem:$0x3FB3]  }
0x2c: {  	s7 =	sld [smem:$0x3FB4]  }
0x2d: {  	s3 =	simm.s32 $0x108;
	s8 =	sld [smem:$0x3FB5]  }
0x2e: {  	s3 =	simm.s32 @!p0 $0x1082;
	s9 =	sld [smem:$0x3FB6]  }
0x2f: {  	lr =	sadd.s32 s0, s3;
	s0 =	sld [smem:$0x3FAD]  }
0x30: {  	s3 =	sld [smem:$0x3FB0]  }
0x31: {  	[smem:$0x3FB9] =	sst s10  }
0x32: {  	s10 =	sld [smem:$0x3FB7];
	_ =	sdelay $0x3  }
0x33: {  	p0 =	seq.s32 s10, $0x1;
	s10 =	sld [smem:$0x3FB9];
	_ =	sdelay $0x3  }
0x34: {  	[smem:$0x3FB9] =	sst s10  }
0x35: {  	s10 =	sld [smem:$0x3FB8];
	_ =	sdelay $0x3  }
0x36: {  	p1 =	seq.s32 s10, $0x1;
	s10 =	sld [smem:$0x3FB9];
	_ =	sdelay $0x3  }
0x37: {  	[smem:$0x3FB9] =	sst s10  }
0x38: {  	s10 =	sld [smem:$0x3FBA]  }
0x39: {  	_ = 	snop;
	(pc) =	sbr.ind lr, $3  }
0x3a: {  	_ = 	snop  }
0x3b: {  	_ = 	snop  }
0x3c: {  	p2 =	seq.s32 s10, $0x1;
	s10 =	sld [smem:$0x3FB9]  }
0x3d: {  	_ =	shalt  }
0x3e: {  	_ =	shalt  }
0x3f: {  	_ =	shalt  }
0x40: {  	_ =	shalt  }
0x41: {  	_ =	shalt  }
0x42: {  	_ =	shalt  }
0x43: {  	_ =	shalt  }
0x44: {  	_ =	shalt  }
0x45: {  	_ =	shalt  }
0x46: {  	_ =	shalt  }
0x47: {  	_ =	shalt  }
0x48: {  	_ =	shalt  }
0x49: {  	_ =	shalt  }
0x4a: {  	_ =	shalt  }
0x4b: {  	_ =	shalt  }
0x4c: {  	_ =	shalt  }
0x4d: {  	_ =	shalt  }
0x4e: {  	_ =	shalt  }
0x4f: {  	_ =	shalt  }
0x50: {  	_ =	shalt  }
0x51: {  	_ =	shalt  }
0x52: {  	_ =	shalt  }
0x53: {  	_ =	shalt  }
0x54: {  	_ =	shalt  }
0x55: {  	_ =	shalt  }
0x56: {  	_ =	shalt  }
0x57: {  	_ =	shalt  }
0x58: {  	_ =	shalt  }
0x59: {  	_ =	shalt  }
0x5a: {  	_ =	shalt  }
0x5b: {  	_ =	shalt  }
0x5c: {  	_ =	shalt  }
0x5d: {  	_ =	shalt  }
0x5e: {  	_ =	shalt  }
0x5f: {  	_ =	shalt  }
0x60: {  	_ =	shalt  }
0x61: {  	_ =	shalt  }
0x62: {  	_ =	shalt  }
0x63: {  	_ =	shalt  }
0x64: {  	_ =	shalt  }
0x65: {  	_ =	shalt  }
0x66: {  	_ =	shalt  }
0x67: {  	_ =	shalt  }
0x68: {  	_ =	shalt  }
0x69: {  	_ =	shalt  }
0x6a: {  	_ =	shalt  }
0x6b: {  	_ =	shalt  }
0x6c: {  	_ =	shalt  }
0x6d: {  	_ =	shalt  }
0x6e: {  	_ =	shalt  }
0x6f: {  	_ =	shalt  }
0x70: {  	_ =	shalt  }
0x71: {  	_ =	shalt  }
0x72: {  	_ =	shalt  }
0x73: {  	_ =	shalt  }
0x74: {  	_ =	shalt  }
0x75: {  	_ =	shalt  }
0x76: {  	_ =	shalt  }
0x77: {  	_ =	shalt  }
0x78: {  	_ =	shalt  }
0x79: {  	_ =	shalt  }
0x7a: {  	_ =	shalt  }
0x7b: {  	_ =	shalt  }
0x7c: {  	_ =	shalt  }
0x7d: {  	_ =	shalt  }
0x7e: {  	_ =	shalt  }
0x7f: {  	_ =	shalt  }
0x80: {  	_ =	shalt  }
0x81: {  	_ =	shalt  }
0x82: {  	_ =	shalt  }
0x83: {  	_ =	shalt  }
0x84: {  	_ =	shalt  }
0x85: {  	_ =	shalt  }
0x86: {  	_ =	shalt  }
0x87: {  	_ =	shalt  }
.Lfunc_end0:
.L_simem_size_0:
called_computation.1_lowered:
.L_overlay_start_0:
0x88: {  	s2 =	sld [smem:$0x3FD9]  }
0x89: {  	s3 =	sld [smem:$0x3FFE];
	_ =	sdelay $0x1  }
0x8a: {  	s1 =	srdreg.scid  }
0x8b: {  	s0 =	sand.u32 $0x1, s1  }
0x8c: {  	s17 =	sshll.u32 s0, $0xA;
	s2 =	sadd.s32 s3, s2  }
0x8d: {  	s2 =	sadd.s32 s2, s17  }
0x8e: {  	[smem:$0x3FC5] =	sst s2  }
0x8f: {  	_ = 	snop  }
0x90: {  	(tm) =	ssettm $0x1  }
0x91: {  	s18 =	sld [smem:$0x3FFB];
	_ =	sdelay $0x3  }
0x92: {  	_ =	strace s18  }
0x93: {  	s2 =	sld [smem:$0x3FFC];
	_ =	sdelay $0x3  }
0x94: {  	_ =	strace s2  }
0x95: {  	s2 =	sld [smem:$0x3FFD];
	_ =	sdelay $0x3  }
0x96: {  	_ =	strace s2  }
0x97: {  	_ =	strace $0x8FFFFFFF  }
0x98: {  	s19 =	sld [smem:$0x3FDB];
	_ =	sdelay $0x1  }
0x99: {  	s20 =	simm.s32 $_scs_section_size  }
0x9a: {  	s4 =	simm.s32 $_size__tile_overlayer_lowered;
	s5 =	simm.s32 $_tile_overlayer_lowered  }
0x9b: {  	s6 =	simm.s32 $0x1BFF;
	s21 =	sshll.u32 s5, $0x1;
	s3 =	sadd.s32 s20, s19  }
0x9c: {  	s22 =	simm.s32 $0x0;
	s4 =	sshll.u32 s4, $0x1;
	s5 =	sadd.s32 s21, s3  }
0x9d: {  	[timem:s22], [sflag:s6] =	dma.local [hbm:s5], s4  }
0x9e: {  	_ =	swait.ge [sflag:s6], s4  }
0x9f: {  	s4 =	ssub.s32 $0x0, s4;
	[sflag:s6] =	ssyncset.done $0x0  }
0xa0: {  	[sflag:s6] =	ssyncadd.s32 s4;
	_ =	sdelay $0x1  }
0xa1: {  	s23 =	simm.s32 $0x1B8B  }
0xa2: {  	_ =	swait.ge [sflag:s23], $0x1  }
0xa3: {  	[sflag:s23] =	ssyncset.done $0x0  }
0xa4: {  	[sflag:s23] =	ssyncadd.s32 $0xFFFFFFFF  }
0xa5: {  	s4 =	sld [smem:$0x0]  }
0xa6: {  	s5 =	sand.u32 $0xFFFFFFFE, s1  }
0xa7: {  	p0 =	sne.s32 s1, s5  }
0xa8: {  	s5 =	sshll.u32 @p0 s5, $0xE  }
0xa9: {  	s5 =	sadd.s32 @p0 $0x11B8D, s5;
	s6 =	sshll.u32 @p0 s4, $0x11  }
0xaa: {  	s5 =	sor.u32 @p0 s6, s5  }
0xab: {  	[sflag:s5] =	ssyncadd.remote.s32 @p0 $0x1;
	_ =	sdelay $0x1  }
0xac: {  	s5 =	simm.s32 @p0 $0x1B8D  }
0xad: {  	_ =	swait.eq @p0 [sflag:s5], $0x1  }
0xae: {  	[sflag:s5] =	ssyncadd.s32 @p0 $0xFFFFFFFF  }
0xaf: {  	s6 =	sshll.u32 @!p0 s1, $0xE  }
0xb0: {  	s6 =	sor.u32 @!p0 $0x4000, s6;
	s5 =	simm.s32 @!p0 $0x1B8D  }
0xb1: {  	s4 =	sshll.u32 @!p0 s4, $0x11;
	s6 =	sadd.s32 @!p0 $0x11B8D, s6;
	_ =	swait.eq @!p0 [sflag:s5], $0x1  }
0xb2: {  	s4 =	sor.u32 @!p0 s4, s6;
	[sflag:s5] =	ssyncadd.s32 @!p0 $0xFFFFFFFF  }
0xb3: {  	s25 =	simm.s32 $0x1B8E;
	s24 =	sld [smem:$0x3FFE];
	[sflag:s4] =	ssyncadd.remote.s32 @!p0 $0x1  }
0xb4: {  	s26 =	simm.s32 $execute0_lowered;
	[smem:$0x3FD2] =	sst s25  }
0xb5: {  	s5 =	sshll.u32 s26, $0x1;
	_ =	strace $0x80000049;
	[dreg:$0x1] =	wrdreg $0xFFFFFFFF  }
0xb6: {  	s28 =	simm.s32 $_size_execute0_lowered;
	s3 =	sadd.s32 s3, s5;
	[dreg:$0x0] =	wrdreg $0x0  }
0xb7: {  	s5 =	sshll.u32 s28, $0x1;
	[dreg:$0x2] =	wrdreg s3  }
0xb8: {  	[dreg:$0x3] =	wrdreg s5  }
0xb9: {  	[dreg:$0x4] =	wrdreg $0xC0  }
0xba: {  	_ =	task [dreg:s22], $0x5FFFF  }
0xbb: {  	[dreg:$0x1] =	wrdreg $0xFFFFFFFF  }
0xbc: {  	[dreg:$0x0] =	wrdreg $0x60  }
0xbd: {  	[dreg:$0x2] =	wrdreg s24  }
0xbe: {  	[dreg:$0x3] =	wrdreg $0x0  }
0xbf: {  	[dreg:$0x4] =	wrdreg $0xA  }
0xc0: {  	_ =	task.clear_ibuf [dreg:s22], $0x5FFFF;
	_ =	strace $0x90000049  }
0xc1: {  	s29 =	simm.s32 $0xA;
	_ =	strace $0x8000004B  }
0xc2: {  	_ =	swait.ge [sflag:s29], $0x1  }
0xc3: {  	[sflag:s29] =	ssyncadd.s32 $0xFFFFFFFF  }
0xc4: {  	_ =	strace $0x9000004B  }
0xc5: {  	_ =	sfence  }
0xc6: {  	s30 =	sld [smem:$0x0];
	_ =	sdelay $0x2  }
0xc7: {  	s31 =	sshll.u32 s1, $0xD;
	s1 =	sshrl.u32 s1, $0x2  }
0xc8: {  	s4 =	sand.u32 $0x4000, s31;
	s1 =	sadd.s32 s1, s30  }
0xc9: {  	s0 =	sor.u32 s4, s0;
	s1 =	sshll.u32 s1, $0x11  }
0xca: {  	s0 =	sor.u32 s1, s0  }
0xcb: {  	s0 =	sadd.s32 $0x8F2B, s0  }
0xcc: {  	[sflag:s0] =	ssyncadd.remote.s32 $0x1  }
0xcd: {  	_ =	sfence.sel $0xFFFF  }
0xce: {  	[dreg:$0x0] =	wrdreg $0xFFFFFFFF;
	(pc) =	sbr.abs _section_cstart, $3  }
0xcf: {  	[dreg:$0x1] =	wrdreg $0xFFFFFFFF  }
0xd0: {  	_ =	task.clear_ibuf [dreg:s22], $0x2FFFF;
	_ =	strace $0x9FFFFFFF  }
0xd1: {  	(tm) =	ssettm $0x7FFFFFFF  }
tec
execute0_lowered:
.L_overlay_start_1:
0x0: {  	(tag) =	ssettag $0x1  }
0x1: {  	s0 =	rddreg [dreg:$0x0]  }
0x2: {  	s1 =	rddreg [dreg:$0x1]  }
0x3: {  	s2 =	simm.s32 $0x0;
	s4 =	stileid.u32;
	s3 =	srdreg.scid  }
0x4: {  	s12 =	simm.s32 $0x640;
	s13 =	simm.s32 $0x3E8;
	s14 =	simm.s32 $0x3840  }
0x5: {  	s20 =	simm.s32 $0x388;
	s21 =	simm.s32 $0x2040;
	s22 =	simm.s32 $0x450  }
0x6: {  	s23 =	simm.s32 $0x5240;
	s24 =	simm.s32 $0x518;
	s25 =	simm.s32 $0x8440  }
0x7: {  	s26 =	simm.s32 $0x5E0;
	s31 =	simm.s32 $0xB640;
	s28 =	simm.s32 $0x7  }
0x8: {  	s29 =	simm.s32 $0x4;
	s30 =	simm.s32 $0x8;
	[smem:$0x7FF] =	sst s2  }
0x9: {  	s5 =	sand.u32 $0x1, s3;
	s15 =	sshll.u32 s4, $0x1;
	s11 =	sadd.s32 $0xE2400, s0  }
0xa: {  	s6 =	sadd.s32 $0xC9400, s0;
	_ =	strace $0x8000004A;
	[dreg:$0xb] =	wrdreg s11  }
0xb: {  	s7 =	smul.u32 $0x1F400, s4;
	s3 =	sadd.s32 $0x1400, s0;
	[dreg:$0x3] =	wrdreg s20  }
0xc: {  	s18 =	smul.u32 $0x7D0, s4;
	p0 =	sne.s32 s4, $0x0;
	[dreg:$0x4] =	wrdreg s21  }
0xd: {  	s8 =	sor.u32 s5, s15;
	s19 =	smul.u32 $0x3E8, s5;
	[dreg:$0x5] =	wrdreg s22  }
0xe: {  	s9 =	ssub.s32 $0x2, s5;
	s5 =	smul.u32 $0xFA00, s5;
	[dreg:$0x6] =	wrdreg s23  }
0xf: {  	s15 =	simm.s32 $0x1;
	s20 =	simm.s32 $0x6A40;
	[dreg:$0x7] =	wrdreg s24  }
0x10: {  	s21 =	simm.s32 $0xD;
	s22 =	simm.s32 $0x2;
	[dreg:$0x8] =	wrdreg s25  }
0x11: {  	s23 =	simm.s32 $0x6;
	[dreg:$0x9] =	wrdreg s26;
	s24 =	simm.s32 $0x578  }
0x12: {  	[dreg:$0xa] =	wrdreg s31;
	s25 =	simm.s32 $0x9C40;
	s26 =	simm.s32 $0x3  }
0x13: {  	s10 =	smul.u32 $0x3E8, s8;
	s16 =	sshrl.u32 s9, $0x1;
	s0 =	sadd.s32 s7, s0  }
0x14: {  	s8 =	smul.u32 $0x1F40, s8;
	s17 =	ssub.s32 s9, s16;
	s0 =	sadd.s32 s5, s0  }
0x15: {  	s16 =	simm.s32 $0x5;
	s5 =	simm.s32 $0x0;
	s7 =	smax.u32 s17, $0x1  }
0x16: {  	s10 =	sadd.s32 s6, s10;
	s0 =	sadd.s32 $0x20F880, s0;
	[dreg:$0xe] =	wrdreg s7  }
0x17: {  	s8 =	sadd.s32 $0x258C8, s8;
	s10 =	sadd.s32 $0x4B00, s10;
	[dreg:$0xf] =	wrdreg s0  }
0x18: {  	s8 =	sshrl.u32 s8, $0x3;
	s0 =	sshrl.u32 @!p0 s1, $0x3;
	[dreg:$0xc] =	wrdreg s10  }
0x19: {  	s17 =	simm.s32 $0x68;
	s8 =	sadd.s32 s6, s8;
	[dreg:$0x10] =	wrdreg s0  }
0x1a: {  	s6 =	sadd.s32 s18, s6;
	s18 =	simm.s32 $0x60;
	[dreg:$0xd] =	wrdreg s8  }
0x1b: {  	s8 =	sadd.s32 s19, s6;
	s6 =	simm.s32 $0x320;
	s19 =	simm.s32 $0x4B0  }
.LBB2_1:
0x1c: {  	[dreg:$0x11] =	wrdreg s5  }
0x1d: {  	s4 =	rddreg [dreg:$0xb]  }
0x1e: {  	s0 =	simm.s32 @!p0 $0x1C0E;
	s5 =	rddreg [dreg:$0x10]  }
0x1f: {  	[spmem:s5], [sflag:s0] =	dma.local @!p0 [hbm:s4], $0x640  }
0x20: {  	s0 =	simm.s32 @!p0 $0xE  }
0x21: {  	_ =	swait.ge @!p0 [sflag:s0], $0x640  }
0x22: {  	[sflag:s0] =	ssyncset.done @!p0 $0x0  }
0x23: {  	[sflag:s0] =	ssyncadd.s32 @!p0 $0xFFFFF9C0  }
0x24: {  	[bflag:$0x0] =	sbarrier.arrive $0xFFFF  }
0x25: {  	s11 =	rddreg [dreg:$0xc]  }
0x26: {  	[tilespmem:s6], [sflag:$0x1] =	stream.linear.gather [hbm4b:s11+s2], $0xC8, $0x38;
	[tilespmem:$0xCE40] =	vst v63  }
0x27: {  	_ = 	snop  }
0x28: {  	[tilespmem:s12], [sflag:$0x5] =	stream.linear.gather [spmem:s1], $0x3200, $0x38;
	[tilespmem:$0xCE40] =	vst v63  }
0x29: {  	s4 =	rddreg [dreg:$0xd]  }
0x2a: {  	[tilespmem:s13], [sflag:$0x2] =	stream.linear.gather [hbm4b:s4+s2], $0xC8, $0x38;
	[tilespmem:$0xCE40] =	vst v63  }
0x2b: {  	_ = 	snop  }
0x2c: {  	[tilespmem:s14], [sflag:$0x6] =	stream.linear.gather [spmem:s1], $0x3200, $0x38;
	[tilespmem:$0xCE40] =	vst v63  }
0x2d: {  	_ =	swait.ge [sflag:s15], $0xC8  }
0x2e: {  	[sflag:s15] =	ssyncset.done $0x0  }
0x2f: {  	[sflag:s15] =	ssyncadd.s32 $0xFFFFFF38  }
0x30: {  	_ =	swait.ge [sflag:s16], $0x3200  }
0x31: {  	[sflag:s16] =	ssyncset.done $0x0  }
0x32: {  	s5 =	rddreg [dreg:$0x4];
	[sflag:s16] =	ssyncadd.s32 $0xFFFFCE00  }
0x33: {  	[tilespmem:s12], [sflag:$0xD] =	stream.indirect.gather.add.f32 [hbm:s3], $0x40, s6, s17, $0xb8;
	[tilespmem:$0xCE40] =	vst v63  }
0x34: {  	s7 =	sadd.s32 $0x0, s8;
	p1 =	por $0x1, $0x1;
	s9 =	rddreg [dreg:$0x3]  }
0x35: {  	[tilespmem:s5], [sflag:$0xD] =	stream.indirect.gather.add.f32 [hbm:s3], $0x40, s9, s18, $0xb8;
	[tilespmem:$0xCE40] =	vst v63  }
0x36: {  	s10 =	sadd.s32 $0x4B32, s7;
	s0 =	simm.s32 @!p1 $0xB  }
0x37: {  	[tilespmem:s19], [sflag:$0x3] =	stream.linear.gather [hbm4b:s10+s2], $0xC8, $0x38;
	[tilespmem:$0xCE40] =	vst v63  }
0x38: {  	_ =	swait.ge @!p1 [sflag:s0], $0x3200  }
0x39: {  	[sflag:s0] =	ssyncset.done @!p1 $0x0  }
0x3a: {  	[sflag:s0] =	ssyncadd.s32 @!p1 $0xFFFFCE00  }
0x3b: {  	[tilespmem:s20], [sflag:$0x7] =	stream.linear.gather [spmem:s1], $0x3200, $0x38;
	[tilespmem:$0xCE40] =	vst v63  }
0x3c: {  	_ =	swait.ge [sflag:s21], $0x1A00  }
0x3d: {  	[sflag:s21] =	ssyncset.done $0x0  }
0x3e: {  	[sflag:s21] =	ssyncadd.s32 $0xFFFFE600  }
0x3f: {  	_ =	swait.ge [sflag:s21], $0x1800  }
0x40: {  	[sflag:s21] =	ssyncset.done $0x0;
	s5 =	rddreg [dreg:$0xf]  }
0x41: {  	s11 =	sadd.s32 $0xFFFFF380, s5;
	[sflag:s21] =	ssyncadd.s32 $0xFFFFE800  }
0x42: {  	[hbm4b:s11+s2] =	stream.linear.scatter [tilespmem:s12], [sflag:$0x9], $0x3200, $0x38;
	[tilespmem:$0xCE40] =	vst v63  }
0x43: {  	_ =	swait.ge [sflag:s22], $0xC8  }
0x44: {  	[sflag:s22] =	ssyncset.done $0x0  }
0x45: {  	[sflag:s22] =	ssyncadd.s32 $0xFFFFFF38  }
0x46: {  	_ =	swait.ge [sflag:s23], $0x3200  }
0x47: {  	[sflag:s23] =	ssyncset.done $0x0  }
0x48: {  	s4 =	rddreg [dreg:$0x6];
	[sflag:s23] =	ssyncadd.s32 $0xFFFFCE00  }
0x49: {  	[tilespmem:s14], [sflag:$0xD] =	stream.indirect.gather.add.f32 [hbm:s3], $0x40, s13, s17, $0xb8;
	[tilespmem:$0xCE40] =	vst v63  }
0x4a: {  	p1 =	por $0x1, $0x1;
	s9 =	rddreg [dreg:$0x5]  }
0x4b: {  	[tilespmem:s4], [sflag:$0xD] =	stream.indirect.gather.add.f32 [hbm:s3], $0x40, s9, s18, $0xb8;
	[tilespmem:$0xCE40] =	vst v63  }
0x4c: {  	s10 =	sadd.s32 $0x4B4B, s7;
	s4 =	simm.s32 @!p1 $0xC  }
0x4d: {  	[tilespmem:s24], [sflag:$0x4] =	stream.linear.gather [hbm4b:s10+s2], $0xC8, $0x38;
	[tilespmem:$0xCE40] =	vst v63  }
0x4e: {  	_ =	swait.ge @!p1 [sflag:s4], $0x3200  }
0x4f: {  	[sflag:s4] =	ssyncset.done @!p1 $0x0  }
0x50: {  	[sflag:s4] =	ssyncadd.s32 @!p1 $0xFFFFCE00  }
0x51: {  	[tilespmem:s25], [sflag:$0x8] =	stream.linear.gather [spmem:s1], $0x3200, $0x38;
	[tilespmem:$0xCE40] =	vst v63  }
0x52: {  	_ =	swait.ge [sflag:s21], $0x1A00  }
0x53: {  	[sflag:s21] =	ssyncset.done $0x0  }
0x54: {  	[sflag:s21] =	ssyncadd.s32 $0xFFFFE600  }
0x55: {  	_ =	swait.ge [sflag:s21], $0x1800  }
0x56: {  	[sflag:s21] =	ssyncset.done $0x0  }
0x57: {  	s11 =	sadd.s32 $0xFFFFF9C0, s5;
	[sflag:s21] =	ssyncadd.s32 $0xFFFFE800  }
0x58: {  	[hbm4b:s11+s2] =	stream.linear.scatter [tilespmem:s14], [sflag:$0xA], $0x3200, $0x38;
	[tilespmem:$0xCE40] =	vst v63  }
0x59: {  	_ =	swait.ge [sflag:s26], $0xC8  }
0x5a: {  	[sflag:s26] =	ssyncset.done $0x0  }
0x5b: {  	[sflag:s26] =	ssyncadd.s32 $0xFFFFFF38  }
0x5c: {  	_ =	swait.ge [sflag:s28], $0x3200  }
0x5d: {  	[sflag:s28] =	ssyncset.done $0x0  }
0x5e: {  	p1 =	por $0x0, $0x0;
	s4 =	rddreg [dreg:$0x8];
	[sflag:s28] =	ssyncadd.s32 $0xFFFFCE00  }
0x5f: {  	[tilespmem:s20], [sflag:$0xD] =	stream.indirect.gather.add.f32 [hbm:s3], $0x40, s19, s17, $0xb8;
	[tilespmem:$0xCE40] =	vst v63  }
0x60: {  	s0 =	sadd.s32 @!p1 $0x0, s8;
	s10 =	simm.s32 @!p1 $0x9;
	s7 =	rddreg [dreg:$0x7]  }
0x61: {  	[tilespmem:s4], [sflag:$0xD] =	stream.indirect.gather.add.f32 [hbm:s3], $0x40, s7, s18, $0xb8;
	[tilespmem:$0xCE40] =	vst v63  }
0x62: {  	s0 =	sadd.s32 @!p1 $0x4B64, s0;
	s4 =	simm.s32 @!p1 $0x0;
	s7 =	simm.s32 @!p1 $0x320  }
0x63: {  	[tilespmem:s7], [sflag:$0x1] =	stream.linear.gather @!p1 [hbm4b:s0+s4], $0xC8, $0x38;
	[tilespmem:$0xCE40] =	vst v63  }
0x64: {  	_ =	swait.ge @!p1 [sflag:s10], $0x3200  }
0x65: {  	[sflag:s10] =	ssyncset.done @!p1 $0x0  }
0x66: {  	s0 =	simm.s32 @!p1 $0x640;
	[sflag:s10] =	ssyncadd.s32 @!p1 $0xFFFFCE00  }
0x67: {  	[tilespmem:s0], [sflag:$0x5] =	stream.linear.gather @!p1 [spmem:s1], $0x3200, $0x38;
	[tilespmem:$0xCE40] =	vst v63  }
0x68: {  	_ =	swait.ge [sflag:s21], $0x1A00  }
0x69: {  	[sflag:s21] =	ssyncset.done $0x0  }
0x6a: {  	[sflag:s21] =	ssyncadd.s32 $0xFFFFE600  }
0x6b: {  	_ =	swait.ge [sflag:s21], $0x1800  }
0x6c: {  	[sflag:s21] =	ssyncset.done $0x0  }
0x6d: {  	[sflag:s21] =	ssyncadd.s32 $0xFFFFE800  }
0x6e: {  	[hbm4b:s5+s2] =	stream.linear.scatter [tilespmem:s20], [sflag:$0xB], $0x3200, $0x38;
	[tilespmem:$0xCE40] =	vst v63  }
0x6f: {  	_ =	swait.ge [sflag:s29], $0xC8  }
0x70: {  	[sflag:s29] =	ssyncset.done $0x0  }
0x71: {  	[sflag:s29] =	ssyncadd.s32 $0xFFFFFF38  }
0x72: {  	_ =	swait.ge [sflag:s30], $0x3200  }
0x73: {  	[sflag:s30] =	ssyncset.done $0x0  }
0x74: {  	p1 =	por $0x0, $0x0;
	s9 =	rddreg [dreg:$0xa];
	[sflag:s30] =	ssyncadd.s32 $0xFFFFCE00  }
0x75: {  	[tilespmem:s25], [sflag:$0xD] =	stream.indirect.gather.add.f32 [hbm:s3], $0x40, s24, s17, $0xb8;
	[tilespmem:$0xCE40] =	vst v63  }
0x76: {  	s7 =	sadd.s32 @!p1 $0x0, s8;
	s10 =	simm.s32 @!p1 $0x0;
	s11 =	rddreg [dreg:$0x9]  }
0x77: {  	[tilespmem:s9], [sflag:$0xD] =	stream.indirect.gather.add.f32 [hbm:s3], $0x40, s11, s18, $0xb8;
	[tilespmem:$0xCE40] =	vst v63  }
0x78: {  	s0 =	simm.s32 @!p1 $0x3E8;
	s4 =	sadd.s32 @!p1 $0x4B7D, s7;
	s7 =	simm.s32 @!p1 $0xA  }
0x79: {  	[tilespmem:s0], [sflag:$0x2] =	stream.linear.gather @!p1 [hbm4b:s4+s10], $0xC8, $0x38;
	[tilespmem:$0xCE40] =	vst v63  }
0x7a: {  	_ =	swait.ge @!p1 [sflag:s7], $0x3200  }
0x7b: {  	[sflag:s7] =	ssyncset.done @!p1 $0x0  }
0x7c: {  	s0 =	simm.s32 @!p1 $0x3840;
	[sflag:s7] =	ssyncadd.s32 @!p1 $0xFFFFCE00  }
0x7d: {  	[tilespmem:s0], [sflag:$0x6] =	stream.linear.gather @!p1 [spmem:s1], $0x3200, $0x38;
	[tilespmem:$0xCE40] =	vst v63  }
0x7e: {  	_ =	swait.ge [sflag:s21], $0x1A00  }
0x7f: {  	[sflag:s21] =	ssyncset.done $0x0  }
0x80: {  	s31 =	sadd.s32 $0x1900, s5;
	s10 =	simm.s32 $0x64;
	[sflag:s21] =	ssyncadd.s32 $0xFFFFE600  }
0x81: {  	s7 =	sadd.s32 $0x640, s5;
	s0 =	simm.s32 $0x7;
	_ =	swait.ge [sflag:s21], $0x1800  }
.LBB2_2:
0x82: {  	[sflag:s21] =	ssyncset.done $0x0  }
0x83: {  	[sflag:s21] =	ssyncadd.s32 $0xFFFFE800  }
0x84: {  	[hbm4b:s7+s2] =	stream.linear.scatter [tilespmem:s25], [sflag:$0xC], $0x3200, $0x38;
	[tilespmem:$0xCE40] =	vst v63  }
0x85: {  	_ =	swait.ge [sflag:s15], $0xC8  }
0x86: {  	[sflag:s15] =	ssyncset.done $0x0  }
0x87: {  	[sflag:s15] =	ssyncadd.s32 $0xFFFFFF38  }
0x88: {  	s5 =	sadd.s32 $0x640, s31;
	_ =	swait.ge [sflag:s16], $0x3200  }
0x89: {  	s4 =	smov.u32 s10;
	s11 =	sadd.s32 $0xFFFFFFF9, s0;
	[sflag:s16] =	ssyncset.done $0x0  }
0x8a: {  	s7 =	smov.u32 s5;
	s5 =	rddreg [dreg:$0x4];
	[sflag:s16] =	ssyncadd.s32 $0xFFFFCE00  }
0x8b: {  	[tilespmem:s12], [sflag:$0xD] =	stream.indirect.gather.add.f32 [hbm:s3], $0x40, s6, s17, $0xb8;
	[tilespmem:$0xCE40] =	vst v63  }
0x8c: {  	p2 =	sgt.u32 s11, $0x23;
	s9 =	rddreg [dreg:$0x3];
	s6 =	sadd.s32 s4, s8  }
0x8d: {  	[tilespmem:s5], [sflag:$0xD] =	stream.indirect.gather.add.f32 [hbm:s3], $0x40, s9, s18, $0xb8;
	[tilespmem:$0xCE40] =	vst v63  }
0x8e: {  	s9 =	sadd.s32 $0x4B32, s6;
	s5 =	simm.s32 @!p2 $0xB  }
0x8f: {  	[tilespmem:s19], [sflag:$0x3] =	stream.linear.gather [hbm4b:s9+s2], $0xC8, $0x38;
	[tilespmem:$0xCE40] =	vst v63  }
0x90: {  	_ =	swait.ge @!p2 [sflag:s5], $0x3200  }
0x91: {  	[sflag:s5] =	ssyncset.done @!p2 $0x0  }
0x92: {  	[sflag:s5] =	ssyncadd.s32 @!p2 $0xFFFFCE00  }
0x93: {  	[tilespmem:s20], [sflag:$0x7] =	stream.linear.gather [spmem:s1], $0x3200, $0x38;
	[tilespmem:$0xCE40] =	vst v63  }
0x94: {  	_ =	swait.ge [sflag:s21], $0x1A00  }
0x95: {  	[sflag:s21] =	ssyncset.done $0x0  }
0x96: {  	[sflag:s21] =	ssyncadd.s32 $0xFFFFE600  }
0x97: {  	_ =	swait.ge [sflag:s21], $0x1800  }
0x98: {  	[sflag:s21] =	ssyncset.done $0x0  }
0x99: {  	s11 =	sadd.s32 $0xFFFFF380, s31;
	[sflag:s21] =	ssyncadd.s32 $0xFFFFE800  }
0x9a: {  	[hbm4b:s11+s2] =	stream.linear.scatter [tilespmem:s12], [sflag:$0x9], $0x3200, $0x38;
	[tilespmem:$0xCE40] =	vst v63  }
0x9b: {  	_ =	swait.ge [sflag:s22], $0xC8  }
0x9c: {  	[sflag:s22] =	ssyncset.done $0x0  }
0x9d: {  	[sflag:s22] =	ssyncadd.s32 $0xFFFFFF38  }
0x9e: {  	_ =	swait.ge [sflag:s23], $0x3200  }
0x9f: {  	[sflag:s23] =	ssyncset.done $0x0  }
0xa0: {  	s9 =	rddreg [dreg:$0x6];
	[sflag:s23] =	ssyncadd.s32 $0xFFFFCE00  }
0xa1: {  	[tilespmem:s14], [sflag:$0xD] =	stream.indirect.gather.add.f32 [hbm:s3], $0x40, s13, s17, $0xb8;
	[tilespmem:$0xCE40] =	vst v63  }
0xa2: {  	p2 =	seq.s32 s4, $0x0;
	s11 =	rddreg [dreg:$0x5]  }
0xa3: {  	[tilespmem:s9], [sflag:$0xD] =	stream.indirect.gather.add.f32 [hbm:s3], $0x40, s11, s18, $0xb8;
	[tilespmem:$0xCE40] =	vst v63  }
0xa4: {  	s6 =	sadd.s32 $0x4B4B, s6;
	s5 =	simm.s32 @!p2 $0xC  }
0xa5: {  	[tilespmem:s24], [sflag:$0x4] =	stream.linear.gather [hbm4b:s6+s2], $0xC8, $0x38;
	[tilespmem:$0xCE40] =	vst v63  }
0xa6: {  	_ =	swait.ge @!p2 [sflag:s5], $0x3200  }
0xa7: {  	[sflag:s5] =	ssyncset.done @!p2 $0x0  }
0xa8: {  	[sflag:s5] =	ssyncadd.s32 @!p2 $0xFFFFCE00  }
0xa9: {  	[tilespmem:s25], [sflag:$0x8] =	stream.linear.gather [spmem:s1], $0x3200, $0x38;
	[tilespmem:$0xCE40] =	vst v63  }
0xaa: {  	_ =	swait.ge [sflag:s21], $0x1A00  }
0xab: {  	[sflag:s21] =	ssyncset.done $0x0  }
0xac: {  	[sflag:s21] =	ssyncadd.s32 $0xFFFFE600  }
0xad: {  	_ =	swait.ge [sflag:s21], $0x1800  }
0xae: {  	[sflag:s21] =	ssyncset.done $0x0  }
0xaf: {  	s6 =	sadd.s32 $0xFFFFF9C0, s31;
	[sflag:s21] =	ssyncadd.s32 $0xFFFFE800  }
0xb0: {  	[hbm4b:s6+s2] =	stream.linear.scatter [tilespmem:s14], [sflag:$0xA], $0x3200, $0x38;
	[tilespmem:$0xCE40] =	vst v63  }
0xb1: {  	_ =	swait.ge [sflag:s26], $0xC8  }
0xb2: {  	[sflag:s26] =	ssyncset.done $0x0  }
0xb3: {  	[sflag:s26] =	ssyncadd.s32 $0xFFFFFF38  }
0xb4: {  	_ =	swait.ge [sflag:s28], $0x3200  }
0xb5: {  	[sflag:s28] =	ssyncset.done $0x0  }
0xb6: {  	s9 =	sadd.s32 $0xFFFFFFFF, s0;
	s5 =	rddreg [dreg:$0x8];
	[sflag:s28] =	ssyncadd.s32 $0xFFFFCE00  }
0xb7: {  	[tilespmem:s20], [sflag:$0xD] =	stream.indirect.gather.add.f32 [hbm:s3], $0x40, s19, s17, $0xb8;
	[tilespmem:$0xCE40] =	vst v63  }
0xb8: {  	p2 =	sgt.u32 s9, $0x25;
	s11 =	rddreg [dreg:$0x7]  }
0xb9: {  	[tilespmem:s5], [sflag:$0xD] =	stream.indirect.gather.add.f32 [hbm:s3], $0x40, s11, s18, $0xb8;
	[tilespmem:$0xCE40] =	vst v63  }
0xba: {  	s9 =	simm.s32 @!p2 $0x320;
	s5 =	sadd.s32 @!p2 s4, s8  }
0xbb: {  	s6 =	simm.s32 @!p2 $0x0;
	s11 =	simm.s32 @!p2 $0x9;
	s5 =	sadd.s32 @!p2 $0x4B64, s5  }
0xbc: {  	[tilespmem:s9], [sflag:$0x1] =	stream.linear.gather @!p2 [hbm4b:s5+s6], $0xC8, $0x38;
	[tilespmem:$0xCE40] =	vst v63  }
0xbd: {  	_ =	swait.ge @!p2 [sflag:s11], $0x3200  }
0xbe: {  	[sflag:s11] =	ssyncset.done @!p2 $0x0  }
0xbf: {  	s5 =	simm.s32 @!p2 $0x640;
	[sflag:s11] =	ssyncadd.s32 @!p2 $0xFFFFCE00  }
0xc0: {  	[tilespmem:s5], [sflag:$0x5] =	stream.linear.gather @!p2 [spmem:s1], $0x3200, $0x38;
	[tilespmem:$0xCE40] =	vst v63  }
0xc1: {  	_ =	swait.ge [sflag:s21], $0x1A00  }
0xc2: {  	[sflag:s21] =	ssyncset.done $0x0  }
0xc3: {  	[sflag:s21] =	ssyncadd.s32 $0xFFFFE600  }
0xc4: {  	_ =	swait.ge [sflag:s21], $0x1800  }
0xc5: {  	[sflag:s21] =	ssyncset.done $0x0  }
0xc6: {  	[sflag:s21] =	ssyncadd.s32 $0xFFFFE800  }
0xc7: {  	[hbm4b:s31+s2] =	stream.linear.scatter [tilespmem:s20], [sflag:$0xB], $0x3200, $0x38;
	[tilespmem:$0xCE40] =	vst v63  }
0xc8: {  	_ =	swait.ge [sflag:s29], $0xC8  }
0xc9: {  	[sflag:s29] =	ssyncset.done $0x0  }
0xca: {  	[sflag:s29] =	ssyncadd.s32 $0xFFFFFF38  }
0xcb: {  	_ =	swait.ge [sflag:s30], $0x3200  }
0xcc: {  	[sflag:s30] =	ssyncset.done $0x0  }
0xcd: {  	p2 =	sgt.u32 s0, $0x25;
	s5 =	rddreg [dreg:$0xa];
	[sflag:s30] =	ssyncadd.s32 $0xFFFFCE00  }
0xce: {  	[tilespmem:s25], [sflag:$0xD] =	stream.indirect.gather.add.f32 [hbm:s3], $0x40, s24, s17, $0xb8;
	[tilespmem:$0xCE40] =	vst v63  }
0xcf: {  	s4 =	sadd.s32 @!p2 s4, s8;
	s9 =	simm.s32 @!p2 $0x0;
	s6 =	rddreg [dreg:$0x9]  }
0xd0: {  	[tilespmem:s5], [sflag:$0xD] =	stream.indirect.gather.add.f32 [hbm:s3], $0x40, s6, s18, $0xb8;
	[tilespmem:$0xCE40] =	vst v63  }
0xd1: {  	s11 =	simm.s32 @!p2 $0x3E8;
	s4 =	sadd.s32 @!p2 $0x4B7D, s4;
	s5 =	simm.s32 @!p2 $0xA  }
0xd2: {  	[tilespmem:s11], [sflag:$0x2] =	stream.linear.gather @!p2 [hbm4b:s4+s9], $0xC8, $0x38;
	[tilespmem:$0xCE40] =	vst v63  }
0xd3: {  	_ =	swait.ge @!p2 [sflag:s5], $0x3200  }
0xd4: {  	s10 =	sadd.s32 $0x64, s10;
	[sflag:s5] =	ssyncset.done @!p2 $0x0  }
0xd5: {  	p1 =	sne.s32 s10, $0x3E8;
	s4 =	simm.s32 @!p2 $0x3840;
	[sflag:s5] =	ssyncadd.s32 @!p2 $0xFFFFCE00  }
0xd6: {  	[tilespmem:s4], [sflag:$0x6] =	stream.linear.gather @!p2 [spmem:s1], $0x3200, $0x38;
	[tilespmem:$0xCE40] =	vst v63  }
.Ltmp0:
0xd7: {  	_ = 	snop;
	(pc) =	sbr.rel @p1 .LBB2_2-.Ltmp0, $4  }
0xd8: {  	_ =	swait.ge [sflag:s21], $0x1A00  }
0xd9: {  	[sflag:s21] =	ssyncset.done $0x0  }
0xda: {  	s0 =	sadd.s32 $0x4, s0;
	[sflag:s21] =	ssyncadd.s32 $0xFFFFE600  }
0xdb: {  	s31 =	sadd.s32 $0x1900, s31;
	s6 =	simm.s32 $0x320;
	_ =	swait.ge [sflag:s21], $0x1800  }
0xdc: {  	[sflag:s21] =	ssyncset.done $0x0  }
0xdd: {  	s0 =	simm.s32 $0x9;
	[sflag:s21] =	ssyncadd.s32 $0xFFFFE800  }
0xde: {  	[hbm4b:s7+s2] =	stream.linear.scatter [tilespmem:s25], [sflag:$0xC], $0x3200, $0x38;
	[tilespmem:$0xCE40] =	vst v63  }
0xdf: {  	_ =	swait.ge [sflag:s0], $0x3200  }
0xe0: {  	[sflag:s0] =	ssyncset.done $0x0  }
0xe1: {  	s10 =	simm.s32 $0xA;
	[sflag:s0] =	ssyncadd.s32 $0xFFFFCE00  }
0xe2: {  	_ =	swait.ge [sflag:s10], $0x3200  }
0xe3: {  	[sflag:s10] =	ssyncset.done $0x0  }
0xe4: {  	s11 =	simm.s32 $0xB;
	[sflag:s10] =	ssyncadd.s32 $0xFFFFCE00  }
0xe5: {  	_ =	swait.ge [sflag:s11], $0x3200  }
0xe6: {  	[sflag:s11] =	ssyncset.done $0x0  }
0xe7: {  	s4 =	simm.s32 $0xC;
	[sflag:s11] =	ssyncadd.s32 $0xFFFFCE00  }
0xe8: {  	_ =	swait.ge [sflag:s4], $0x3200  }
0xe9: {  	s5 =	rddreg [dreg:$0x11]  }
0xea: {  	s31 =	rddreg [dreg:$0xe];
	s5 =	sadd.s32 $0x1, s5  }
0xeb: {  	p1 =	sne.s32 s5, s31  }
.Ltmp1:
0xec: {  	_ = 	snop;
	(pc) =	sbr.rel @p1 .LBB2_1-.Ltmp1, $3  }
0xed: {  	_ =	sdelay $0x1  }
0xee: {  	[sflag:s4] =	ssyncset.done $0x0  }
0xef: {  	[sflag:s4] =	ssyncadd.s32 $0xFFFFCE00  }
0xf0: {  	_ =	sfence.sel $0x180000  }
0xf1: {  	[bflag:$0x0] =	sbarrier.arrive $0xFFFF  }
0xf2: {  	_ =	strace $0x9000004A  }
0xf3: {  	[bflag:$0x2] =	sbarrier.arrive $0xFFFF  }
0xf4: {  	s0 =	rddreg [dreg:$0x2]  }
0xf5: {  	s0 =	sadd.s32 @!p0 $0x100000, s0  }
0xf6: {  	[sflag:s0] =	ssyncadd.tile.s32 @!p0 $0x1;
	_ =	shalt  }
.Lfunc_end2:
_tile_overlayer_lowered:
.L_overlay_start_2:
0xf7: {  	(tag) =	ssettag $0x2  }
0xf8: {  	s0 =	rddreg [dreg:$0x0];
	s2 =	stileid.u32  }
0xf9: {  	s1 =	rddreg [dreg:$0x1];
	p0 =	sne.s32 s2, $0x0  }
0xfa: {  	s3 =	rddreg [dreg:$0x2];
	[bflag:$0x3] =	sbarrier.arrive $0xFFFF;
	s2 =	simm.s32 @!p0 $0x1C0E  }
0xfb: {  	[timem:s3], [sflag:s2] =	dma.local @!p0 [hbm:s0], s1  }
0xfc: {  	s0 =	simm.s32 @!p0 $0xE  }
0xfd: {  	_ =	swait.ge @!p0 [sflag:s0], s1  }
0xfe: {  	s1 =	ssub.s32 @!p0 $0x0, s1;
	[sflag:s0] =	ssyncset.done @!p0 $0x0  }
0xff: {  	[sflag:s0] =	ssyncadd.s32 @!p0 s1  }
0x100: {  	[bflag:$0x3] =	sbarrier.arrive $0xFFFF  }
0x101: {  	_ =	shalt  }

// kernel: sc_gather_2.3.cloned.1.call-start
scs
__scs_entry_jumppad:
0x0: {  	(pc) =	sbr.rel $0x88, $3  }
0x1: {  	(tag) =	ssettag $0x0;
	lr =	simm.s32 $0x1  }
0x2: {  	[smem:$0x3F9E] =	sst lr;
	_ =	strace $0xD0000000  }
0x3: {  	_ = 	snop  }
0x4: {  	_ = 	snop  }
0x5: {  	_ = 	snop  }
0x6: {  	_ = 	snop  }
0x7: {  	_ = 	snop  }
__scs_overlays_trampoline_lowered:
0x8: {  	[smem:$0x3FAD] =	sst s0  }
0x9: {  	[smem:$0x3FAE] =	sst s1  }
0xa: {  	[smem:$0x3FAF] =	sst s2  }
0xb: {  	[smem:$0x3FB0] =	sst s3  }
0xc: {  	[smem:$0x3FB1] =	sst s4  }
0xd: {  	[smem:$0x3FB2] =	sst s5  }
0xe: {  	[smem:$0x3FB3] =	sst s6  }
0xf: {  	[smem:$0x3FB4] =	sst s7  }
0x10: {  	[smem:$0x3FB5] =	sst s8  }
0x11: {  	[smem:$0x3FB6] =	sst s9;
	s0 =	simm.s32 @!p0 $0x0  }
0x12: {  	s1 =	sld [smem:$0x3F9C];
	s0 =	simm.s32 @p0 $0x1  }
0x13: {  	[smem:$0x3FB7] =	sst s0;
	s0 =	simm.s32 @!p1 $0x0  }
0x14: {  	s2 =	sld [smem:$0x3F9B];
	s0 =	simm.s32 @p1 $0x1  }
0x15: {  	[smem:$0x3FB8] =	sst s0;
	s0 =	simm.s32 @!p2 $0x0  }
0x16: {  	s3 =	sld [smem:$0x3FDB];
	s0 =	simm.s32 @p2 $0x1  }
0x17: {  	s4 =	simm.s32 $0x1BF5;
	[smem:$0x3FBA] =	sst s0  }
0x18: {  	s0 =	sld [smem:$0x3F9D];
	_ =	swait.ge [sflag:s4], $0x0  }
0x19: {  	s7 =	sld [smem:$0x3F9E]  }
0x1a: {  	s8 =	sadd.s32 $0xFFFFE003, lr  }
0x1b: {  	s9 =	sadd.s32 $0xFFFFFEF7, lr;
	s5 =	simm.s32 $0xFFFFFFFF;
	p2 =	slt.u32 s8, $0xFFFFF086  }
0x1c: {  	p1 =	slt.u32 s9, $0xF7A;
	s5 =	simm.s32 @!p2 $0x0  }
0x1d: {  	s5 =	simm.s32 @p1 $0x1;
	p0 =	seq.s32 s7, s2  }
0x1e: {  	s7 =	smul.u32 @!p0 $0xF7A, s2;
	p2 =	seq.s32 @!p0 s5, $0x0  }
0x1f: {  	s9 =	smul.u32 $0xF7A, s1;
	s8 =	simm.s32 @!p0 $0x1BF5;
	p2 =	por !p2, p0  }
0x20: {  	[sflag:s8] =	ssyncset.s32 @!p0 $0xFFFFF086;
	s6 =	sadd.s32 @!p0 s3, s7;
	s7 =	simm.s32 @!p0 $0x108  }
0x21: {  	s3 =	sadd.s32 s3, s9;
	s6 =	sadd.s32 @!p0 $0x88, s6;
	s7 =	simm.s32 @p2 $0x1082  }
0x22: {  	[simem:s7], [sflag:s8] =	dma.local @!p0 [hbm:s6], $0xF7A  }
0x23: {  	s9 =	sor.u32 $0xD0000000, s2;
	s6 =	simm.s32 $0x108;
	_ =	swait.ge @!p0 [sflag:s8], $0x0  }
0x24: {  	s3 =	sadd.s32 $0x88, s3;
	s6 =	simm.s32 @!p1 $0x1082;
	[sflag:s4] =	ssyncset.s32 $0xFFFFF086  }
0x25: {  	[simem:s6], [sflag:s4] =	dma.local [hbm:s3], $0xF7A  }
0x26: {  	[smem:$0x3F9E] =	sst s1;
	(tag) =	ssettag s2;
	_ =	strace s9  }
0x27: {  	s1 =	sld [smem:$0x3FAE]  }
0x28: {  	s2 =	sld [smem:$0x3FAF]  }
0x29: {  	s4 =	sld [smem:$0x3FB1]  }
0x2a: {  	p0 =	seq.s32 s5, $0x0;
	s5 =	sld [smem:$0x3FB2]  }
0x2b: {  	s6 =	sld [smem:$0x3FB3]  }
0x2c: {  	s7 =	sld [smem:$0x3FB4]  }
0x2d: {  	s3 =	simm.s32 $0x108;
	s8 =	sld [smem:$0x3FB5]  }
0x2e: {  	s3 =	simm.s32 @!p0 $0x1082;
	s9 =	sld [smem:$0x3FB6]  }
0x2f: {  	lr =	sadd.s32 s0, s3;
	s0 =	sld [smem:$0x3FAD]  }
0x30: {  	s3 =	sld [smem:$0x3FB0]  }
0x31: {  	[smem:$0x3FB9] =	sst s10  }
0x32: {  	s10 =	sld [smem:$0x3FB7];
	_ =	sdelay $0x3  }
0x33: {  	p0 =	seq.s32 s10, $0x1;
	s10 =	sld [smem:$0x3FB9];
	_ =	sdelay $0x3  }
0x34: {  	[smem:$0x3FB9] =	sst s10  }
0x35: {  	s10 =	sld [smem:$0x3FB8];
	_ =	sdelay $0x3  }
0x36: {  	p1 =	seq.s32 s10, $0x1;
	s10 =	sld [smem:$0x3FB9];
	_ =	sdelay $0x3  }
0x37: {  	[smem:$0x3FB9] =	sst s10  }
0x38: {  	s10 =	sld [smem:$0x3FBA]  }
0x39: {  	_ = 	snop;
	(pc) =	sbr.ind lr, $3  }
0x3a: {  	_ = 	snop  }
0x3b: {  	_ = 	snop  }
0x3c: {  	p2 =	seq.s32 s10, $0x1;
	s10 =	sld [smem:$0x3FB9]  }
0x3d: {  	_ =	shalt  }
0x3e: {  	_ =	shalt  }
0x3f: {  	_ =	shalt  }
0x40: {  	_ =	shalt  }
0x41: {  	_ =	shalt  }
0x42: {  	_ =	shalt  }
0x43: {  	_ =	shalt  }
0x44: {  	_ =	shalt  }
0x45: {  	_ =	shalt  }
0x46: {  	_ =	shalt  }
0x47: {  	_ =	shalt  }
0x48: {  	_ =	shalt  }
0x49: {  	_ =	shalt  }
0x4a: {  	_ =	shalt  }
0x4b: {  	_ =	shalt  }
0x4c: {  	_ =	shalt  }
0x4d: {  	_ =	shalt  }
0x4e: {  	_ =	shalt  }
0x4f: {  	_ =	shalt  }
0x50: {  	_ =	shalt  }
0x51: {  	_ =	shalt  }
0x52: {  	_ =	shalt  }
0x53: {  	_ =	shalt  }
0x54: {  	_ =	shalt  }
0x55: {  	_ =	shalt  }
0x56: {  	_ =	shalt  }
0x57: {  	_ =	shalt  }
0x58: {  	_ =	shalt  }
0x59: {  	_ =	shalt  }
0x5a: {  	_ =	shalt  }
0x5b: {  	_ =	shalt  }
0x5c: {  	_ =	shalt  }
0x5d: {  	_ =	shalt  }
0x5e: {  	_ =	shalt  }
0x5f: {  	_ =	shalt  }
0x60: {  	_ =	shalt  }
0x61: {  	_ =	shalt  }
0x62: {  	_ =	shalt  }
0x63: {  	_ =	shalt  }
0x64: {  	_ =	shalt  }
0x65: {  	_ =	shalt  }
0x66: {  	_ =	shalt  }
0x67: {  	_ =	shalt  }
0x68: {  	_ =	shalt  }
0x69: {  	_ =	shalt  }
0x6a: {  	_ =	shalt  }
0x6b: {  	_ =	shalt  }
0x6c: {  	_ =	shalt  }
0x6d: {  	_ =	shalt  }
0x6e: {  	_ =	shalt  }
0x6f: {  	_ =	shalt  }
0x70: {  	_ =	shalt  }
0x71: {  	_ =	shalt  }
0x72: {  	_ =	shalt  }
0x73: {  	_ =	shalt  }
0x74: {  	_ =	shalt  }
0x75: {  	_ =	shalt  }
0x76: {  	_ =	shalt  }
0x77: {  	_ =	shalt  }
0x78: {  	_ =	shalt  }
0x79: {  	_ =	shalt  }
0x7a: {  	_ =	shalt  }
0x7b: {  	_ =	shalt  }
0x7c: {  	_ =	shalt  }
0x7d: {  	_ =	shalt  }
0x7e: {  	_ =	shalt  }
0x7f: {  	_ =	shalt  }
0x80: {  	_ =	shalt  }
0x81: {  	_ =	shalt  }
0x82: {  	_ =	shalt  }
0x83: {  	_ =	shalt  }
0x84: {  	_ =	shalt  }
0x85: {  	_ =	shalt  }
0x86: {  	_ =	shalt  }
0x87: {  	_ =	shalt  }
.Lfunc_end0:
.L_simem_size_0:
called_computation.2_lowered:
.L_overlay_start_0:
0x88: {  	s2 =	sld [smem:$0x3FD9]  }
0x89: {  	s3 =	sld [smem:$0x3FFE];
	_ =	sdelay $0x1  }
0x8a: {  	s1 =	srdreg.scid  }
0x8b: {  	s0 =	sand.u32 $0x1, s1  }
0x8c: {  	s17 =	sshll.u32 s0, $0xA;
	s2 =	sadd.s32 s3, s2  }
0x8d: {  	s2 =	sadd.s32 s2, s17  }
0x8e: {  	[smem:$0x3FC5] =	sst s2  }
0x8f: {  	_ = 	snop  }
0x90: {  	(tm) =	ssettm $0x1  }
0x91: {  	s18 =	sld [smem:$0x3FFB];
	_ =	sdelay $0x3  }
0x92: {  	_ =	strace s18  }
0x93: {  	s2 =	sld [smem:$0x3FFC];
	_ =	sdelay $0x3  }
0x94: {  	_ =	strace s2  }
0x95: {  	s2 =	sld [smem:$0x3FFD];
	_ =	sdelay $0x3  }
0x96: {  	_ =	strace s2  }
0x97: {  	_ =	strace $0x8FFFFFFF  }
0x98: {  	s19 =	sld [smem:$0x3FDB];
	_ =	sdelay $0x1  }
0x99: {  	s20 =	simm.s32 $_scs_section_size  }
0x9a: {  	s4 =	simm.s32 $_size__tile_overlayer_lowered;
	s5 =	simm.s32 $_tile_overlayer_lowered  }
0x9b: {  	s6 =	simm.s32 $0x1BFF;
	s21 =	sshll.u32 s5, $0x1;
	s3 =	sadd.s32 s20, s19  }
0x9c: {  	s22 =	simm.s32 $0x0;
	s4 =	sshll.u32 s4, $0x1;
	s5 =	sadd.s32 s21, s3  }
0x9d: {  	[timem:s22], [sflag:s6] =	dma.local [hbm:s5], s4  }
0x9e: {  	_ =	swait.ge [sflag:s6], s4  }
0x9f: {  	s4 =	ssub.s32 $0x0, s4;
	[sflag:s6] =	ssyncset.done $0x0  }
0xa0: {  	[sflag:s6] =	ssyncadd.s32 s4;
	_ =	sdelay $0x1  }
0xa1: {  	s23 =	simm.s32 $0x1B8B  }
0xa2: {  	_ =	swait.ge [sflag:s23], $0x1  }
0xa3: {  	[sflag:s23] =	ssyncset.done $0x0  }
0xa4: {  	[sflag:s23] =	ssyncadd.s32 $0xFFFFFFFF  }
0xa5: {  	s4 =	sld [smem:$0x0]  }
0xa6: {  	s5 =	sand.u32 $0xFFFFFFFE, s1  }
0xa7: {  	p0 =	sne.s32 s1, s5  }
0xa8: {  	s5 =	sshll.u32 @p0 s5, $0xE  }
0xa9: {  	s5 =	sadd.s32 @p0 $0x11B8D, s5;
	s6 =	sshll.u32 @p0 s4, $0x11  }
0xaa: {  	s5 =	sor.u32 @p0 s6, s5  }
0xab: {  	[sflag:s5] =	ssyncadd.remote.s32 @p0 $0x1;
	_ =	sdelay $0x1  }
0xac: {  	s5 =	simm.s32 @p0 $0x1B8D  }
0xad: {  	_ =	swait.eq @p0 [sflag:s5], $0x1  }
0xae: {  	[sflag:s5] =	ssyncadd.s32 @p0 $0xFFFFFFFF  }
0xaf: {  	s6 =	sshll.u32 @!p0 s1, $0xE  }
0xb0: {  	s6 =	sor.u32 @!p0 $0x4000, s6;
	s5 =	simm.s32 @!p0 $0x1B8D  }
0xb1: {  	s4 =	sshll.u32 @!p0 s4, $0x11;
	s6 =	sadd.s32 @!p0 $0x11B8D, s6;
	_ =	swait.eq @!p0 [sflag:s5], $0x1  }
0xb2: {  	s4 =	sor.u32 @!p0 s4, s6;
	[sflag:s5] =	ssyncadd.s32 @!p0 $0xFFFFFFFF  }
0xb3: {  	s25 =	simm.s32 $0x1B8E;
	s24 =	sld [smem:$0x3FFE];
	[sflag:s4] =	ssyncadd.remote.s32 @!p0 $0x1  }
0xb4: {  	s26 =	simm.s32 $execute0_lowered;
	[smem:$0x3FD2] =	sst s25  }
0xb5: {  	s5 =	sshll.u32 s26, $0x1;
	_ =	strace $0x8000004C;
	[dreg:$0x1] =	wrdreg $0xFFFFFFFF  }
0xb6: {  	s28 =	simm.s32 $_size_execute0_lowered;
	s3 =	sadd.s32 s3, s5;
	[dreg:$0x0] =	wrdreg $0x0  }
0xb7: {  	s5 =	sshll.u32 s28, $0x1;
	[dreg:$0x2] =	wrdreg s3  }
0xb8: {  	[dreg:$0x3] =	wrdreg s5  }
0xb9: {  	[dreg:$0x4] =	wrdreg $0xC0  }
0xba: {  	_ =	task [dreg:s22], $0x5FFFF  }
0xbb: {  	[dreg:$0x1] =	wrdreg $0xFFFFFFFF  }
0xbc: {  	[dreg:$0x0] =	wrdreg $0x60  }
0xbd: {  	[dreg:$0x2] =	wrdreg s24  }
0xbe: {  	[dreg:$0x3] =	wrdreg $0x0  }
0xbf: {  	[dreg:$0x4] =	wrdreg $0xB  }
0xc0: {  	_ =	task.clear_ibuf [dreg:s22], $0x5FFFF;
	_ =	strace $0x9000004C  }
0xc1: {  	s29 =	simm.s32 $0xB;
	_ =	strace $0x8000004E  }
0xc2: {  	_ =	swait.ge [sflag:s29], $0x1  }
0xc3: {  	[sflag:s29] =	ssyncadd.s32 $0xFFFFFFFF  }
0xc4: {  	_ =	strace $0x9000004E  }
0xc5: {  	_ =	sfence  }
0xc6: {  	s30 =	sld [smem:$0x0];
	_ =	sdelay $0x2  }
0xc7: {  	s31 =	sshll.u32 s1, $0xD;
	s1 =	sshrl.u32 s1, $0x2  }
0xc8: {  	s4 =	sand.u32 $0x4000, s31;
	s1 =	sadd.s32 s1, s30  }
0xc9: {  	s0 =	sor.u32 s4, s0;
	s1 =	sshll.u32 s1, $0x11  }
0xca: {  	s0 =	sor.u32 s1, s0  }
0xcb: {  	s0 =	sadd.s32 $0x8F2B, s0  }
0xcc: {  	[sflag:s0] =	ssyncadd.remote.s32 $0x1  }
0xcd: {  	_ =	sfence.sel $0xFFFF  }
0xce: {  	[dreg:$0x0] =	wrdreg $0xFFFFFFFF;
	(pc) =	sbr.abs _section_cstart, $3  }
0xcf: {  	[dreg:$0x1] =	wrdreg $0xFFFFFFFF  }
0xd0: {  	_ =	task.clear_ibuf [dreg:s22], $0x2FFFF;
	_ =	strace $0x9FFFFFFF  }
0xd1: {  	(tm) =	ssettm $0x7FFFFFFF  }
tec
execute0_lowered:
.L_overlay_start_1:
0x0: {  	(tag) =	ssettag $0x1  }
0x1: {  	s0 =	stileid.u32  }
0x2: {  	s1 =	srdreg.scid;
	s4 =	rddreg [dreg:$0x0]  }
0x3: {  	s12 =	simm.s32 $0x640;
	s13 =	simm.s32 $0x3E8;
	s20 =	simm.s32 $0x388  }
0x4: {  	s21 =	simm.s32 $0x2040;
	s22 =	simm.s32 $0x450;
	s23 =	simm.s32 $0x5240  }
0x5: {  	s24 =	simm.s32 $0x518;
	s25 =	simm.s32 $0x8440;
	s5 =	sand.u32 $0x1, s1  }
0x6: {  	s2 =	sshll.u32 s0, $0x1;
	s1 =	rddreg [dreg:$0x1];
	s7 =	smul.u32 $0x1F400, s0  }
0x7: {  	s10 =	sadd.s32 $0xE2400, s4;
	s6 =	sor.u32 s5, s2;
	s2 =	simm.s32 $0x0  }
0x8: {  	s11 =	smul.u32 $0x7D0, s0;
	p0 =	sne.s32 s0, $0x0;
	[smem:$0x7FF] =	sst s2  }
0x9: {  	s0 =	sshrl.u32 @!p0 s1, $0x3;
	_ =	strace $0x8000004D;
	[dreg:$0xb] =	wrdreg s10  }
0xa: {  	s26 =	simm.s32 $0x5E0;
	s31 =	simm.s32 $0xB640;
	[dreg:$0x10] =	wrdreg s0  }
0xb: {  	s28 =	simm.s32 $0x7;
	s29 =	simm.s32 $0x4;
	[dreg:$0x3] =	wrdreg s20  }
0xc: {  	s30 =	simm.s32 $0x8;
	s16 =	smul.u32 $0x3E8, s5;
	[dreg:$0x4] =	wrdreg s21  }
0xd: {  	s14 =	ssub.s32 $0x2, s5;
	s5 =	smul.u32 $0xFA00, s5;
	[dreg:$0x5] =	wrdreg s22  }
0xe: {  	s9 =	sadd.s32 $0xC9400, s4;
	s3 =	smul.u32 $0x28, s6;
	[dreg:$0x6] =	wrdreg s23  }
0xf: {  	s6 =	smul.u32 $0x1F40, s6;
	s15 =	sshrl.u32 s14, $0x1;
	[dreg:$0x7] =	wrdreg s24  }
0x10: {  	s18 =	sadd.s32 s11, s9;
	s20 =	simm.s32 $0x6A40;
	[dreg:$0x8] =	wrdreg s25  }
0x11: {  	s21 =	simm.s32 $0xD;
	s22 =	simm.s32 $0x2;
	[dreg:$0x9] =	wrdreg s26  }
0x12: {  	s23 =	simm.s32 $0x6;
	s24 =	simm.s32 $0x578;
	[dreg:$0xa] =	wrdreg s31  }
0x13: {  	s25 =	simm.s32 $0x9C40;
	s26 =	simm.s32 $0x3;
	s8 =	sor.u32 $0x800, s3  }
0x14: {  	s3 =	sadd.s32 $0x1400, s4;
	s4 =	sadd.s32 s7, s4;
	s7 =	ssub.s32 s14, s15  }
0x15: {  	s6 =	sadd.s32 $0x640C8, s6;
	s14 =	simm.s32 $0x3840;
	s15 =	simm.s32 $0x1  }
0x16: {  	s8 =	smul.u32 $0x19, s8;
	s6 =	sshrl.u32 s6, $0x3;
	s17 =	smax.u32 s7, $0x1  }
0x17: {  	s4 =	sadd.s32 s5, s4;
	s6 =	sadd.s32 s9, s6;
	[dreg:$0xe] =	wrdreg s17  }
0x18: {  	s5 =	simm.s32 $0x0;
	s19 =	sadd.s32 $0x403880, s4;
	[dreg:$0xd] =	wrdreg s6  }
0x19: {  	s17 =	simm.s32 $0x68;
	s8 =	sadd.s32 s9, s8;
	[dreg:$0xf] =	wrdreg s19  }
0x1a: {  	s6 =	simm.s32 $0x320;
	s19 =	simm.s32 $0x4B0;
	[dreg:$0xc] =	wrdreg s8  }
0x1b: {  	s8 =	sadd.s32 s16, s18;
	s16 =	simm.s32 $0x5;
	s18 =	simm.s32 $0x60  }
.LBB2_1:
0x1c: {  	[dreg:$0x11] =	wrdreg s5  }
0x1d: {  	s4 =	rddreg [dreg:$0xb]  }
0x1e: {  	s0 =	simm.s32 @!p0 $0x1C0E;
	s5 =	rddreg [dreg:$0x10]  }
0x1f: {  	[spmem:s5], [sflag:s0] =	dma.local @!p0 [hbm:s4], $0x640  }
0x20: {  	s0 =	simm.s32 @!p0 $0xE  }
0x21: {  	_ =	swait.ge @!p0 [sflag:s0], $0x640  }
0x22: {  	[sflag:s0] =	ssyncset.done @!p0 $0x0  }
0x23: {  	[sflag:s0] =	ssyncadd.s32 @!p0 $0xFFFFF9C0  }
0x24: {  	[bflag:$0x0] =	sbarrier.arrive $0xFFFF  }
0x25: {  	s11 =	rddreg [dreg:$0xc]  }
0x26: {  	[tilespmem:s6], [sflag:$0x1] =	stream.linear.gather [hbm4b:s11+s2], $0xC8, $0x38;
	[tilespmem:$0xCE40] =	vst v63  }
0x27: {  	_ = 	snop  }
0x28: {  	[tilespmem:s12], [sflag:$0x5] =	stream.linear.gather [spmem:s1], $0x3200, $0x38;
	[tilespmem:$0xCE40] =	vst v63  }
0x29: {  	s4 =	rddreg [dreg:$0xd]  }
0x2a: {  	[tilespmem:s13], [sflag:$0x2] =	stream.linear.gather [hbm4b:s4+s2], $0xC8, $0x38;
	[tilespmem:$0xCE40] =	vst v63  }
0x2b: {  	_ = 	snop  }
0x2c: {  	[tilespmem:s14], [sflag:$0x6] =	stream.linear.gather [spmem:s1], $0x3200, $0x38;
	[tilespmem:$0xCE40] =	vst v63  }
0x2d: {  	_ =	swait.ge [sflag:s15], $0xC8  }
0x2e: {  	[sflag:s15] =	ssyncset.done $0x0  }
0x2f: {  	[sflag:s15] =	ssyncadd.s32 $0xFFFFFF38  }
0x30: {  	_ =	swait.ge [sflag:s16], $0x3200  }
0x31: {  	[sflag:s16] =	ssyncset.done $0x0  }
0x32: {  	s5 =	rddreg [dreg:$0x4];
	[sflag:s16] =	ssyncadd.s32 $0xFFFFCE00  }
0x33: {  	[tilespmem:s12], [sflag:$0xD] =	stream.indirect.gather.add.f32 [hbm:s3], $0x40, s6, s17, $0xb8;
	[tilespmem:$0xCE40] =	vst v63  }
0x34: {  	s7 =	sadd.s32 $0x0, s8;
	p1 =	por $0x1, $0x1;
	s9 =	rddreg [dreg:$0x3]  }
0x35: {  	[tilespmem:s5], [sflag:$0xD] =	stream.indirect.gather.add.f32 [hbm:s3], $0x40, s9, s18, $0xb8;
	[tilespmem:$0xCE40] =	vst v63  }
0x36: {  	s10 =	sadd.s32 $0xC832, s7;
	s0 =	simm.s32 @!p1 $0xB  }
0x37: {  	[tilespmem:s19], [sflag:$0x3] =	stream.linear.gather [hbm4b:s10+s2], $0xC8, $0x38;
	[tilespmem:$0xCE40] =	vst v63  }
0x38: {  	_ =	swait.ge @!p1 [sflag:s0], $0x3200  }
0x39: {  	[sflag:s0] =	ssyncset.done @!p1 $0x0  }
0x3a: {  	[sflag:s0] =	ssyncadd.s32 @!p1 $0xFFFFCE00  }
0x3b: {  	[tilespmem:s20], [sflag:$0x7] =	stream.linear.gather [spmem:s1], $0x3200, $0x38;
	[tilespmem:$0xCE40] =	vst v63  }
0x3c: {  	_ =	swait.ge [sflag:s21], $0x1A00  }
0x3d: {  	[sflag:s21] =	ssyncset.done $0x0  }
0x3e: {  	[sflag:s21] =	ssyncadd.s32 $0xFFFFE600  }
0x3f: {  	_ =	swait.ge [sflag:s21], $0x1800  }
0x40: {  	[sflag:s21] =	ssyncset.done $0x0;
	s5 =	rddreg [dreg:$0xf]  }
0x41: {  	s11 =	sadd.s32 $0xFFFFF380, s5;
	[sflag:s21] =	ssyncadd.s32 $0xFFFFE800  }
0x42: {  	[hbm4b:s11+s2] =	stream.linear.scatter [tilespmem:s12], [sflag:$0x9], $0x3200, $0x38;
	[tilespmem:$0xCE40] =	vst v63  }
0x43: {  	_ =	swait.ge [sflag:s22], $0xC8  }
0x44: {  	[sflag:s22] =	ssyncset.done $0x0  }
0x45: {  	[sflag:s22] =	ssyncadd.s32 $0xFFFFFF38  }
0x46: {  	_ =	swait.ge [sflag:s23], $0x3200  }
0x47: {  	[sflag:s23] =	ssyncset.done $0x0  }
0x48: {  	s4 =	rddreg [dreg:$0x6];
	[sflag:s23] =	ssyncadd.s32 $0xFFFFCE00  }
0x49: {  	[tilespmem:s14], [sflag:$0xD] =	stream.indirect.gather.add.f32 [hbm:s3], $0x40, s13, s17, $0xb8;
	[tilespmem:$0xCE40] =	vst v63  }
0x4a: {  	p1 =	por $0x1, $0x1;
	s9 =	rddreg [dreg:$0x5]  }
0x4b: {  	[tilespmem:s4], [sflag:$0xD] =	stream.indirect.gather.add.f32 [hbm:s3], $0x40, s9, s18, $0xb8;
	[tilespmem:$0xCE40] =	vst v63  }
0x4c: {  	s10 =	sadd.s32 $0xC84B, s7;
	s4 =	simm.s32 @!p1 $0xC  }
0x4d: {  	[tilespmem:s24], [sflag:$0x4] =	stream.linear.gather [hbm4b:s10+s2], $0xC8, $0x38;
	[tilespmem:$0xCE40] =	vst v63  }
0x4e: {  	_ =	swait.ge @!p1 [sflag:s4], $0x3200  }
0x4f: {  	[sflag:s4] =	ssyncset.done @!p1 $0x0  }
0x50: {  	[sflag:s4] =	ssyncadd.s32 @!p1 $0xFFFFCE00  }
0x51: {  	[tilespmem:s25], [sflag:$0x8] =	stream.linear.gather [spmem:s1], $0x3200, $0x38;
	[tilespmem:$0xCE40] =	vst v63  }
0x52: {  	_ =	swait.ge [sflag:s21], $0x1A00  }
0x53: {  	[sflag:s21] =	ssyncset.done $0x0  }
0x54: {  	[sflag:s21] =	ssyncadd.s32 $0xFFFFE600  }
0x55: {  	_ =	swait.ge [sflag:s21], $0x1800  }
0x56: {  	[sflag:s21] =	ssyncset.done $0x0  }
0x57: {  	s11 =	sadd.s32 $0xFFFFF9C0, s5;
	[sflag:s21] =	ssyncadd.s32 $0xFFFFE800  }
0x58: {  	[hbm4b:s11+s2] =	stream.linear.scatter [tilespmem:s14], [sflag:$0xA], $0x3200, $0x38;
	[tilespmem:$0xCE40] =	vst v63  }
0x59: {  	_ =	swait.ge [sflag:s26], $0xC8  }
0x5a: {  	[sflag:s26] =	ssyncset.done $0x0  }
0x5b: {  	[sflag:s26] =	ssyncadd.s32 $0xFFFFFF38  }
0x5c: {  	_ =	swait.ge [sflag:s28], $0x3200  }
0x5d: {  	[sflag:s28] =	ssyncset.done $0x0  }
0x5e: {  	p1 =	por $0x0, $0x0;
	s4 =	rddreg [dreg:$0x8];
	[sflag:s28] =	ssyncadd.s32 $0xFFFFCE00  }
0x5f: {  	[tilespmem:s20], [sflag:$0xD] =	stream.indirect.gather.add.f32 [hbm:s3], $0x40, s19, s17, $0xb8;
	[tilespmem:$0xCE40] =	vst v63  }
0x60: {  	s0 =	sadd.s32 @!p1 $0x0, s8;
	s10 =	simm.s32 @!p1 $0x9;
	s7 =	rddreg [dreg:$0x7]  }
0x61: {  	[tilespmem:s4], [sflag:$0xD] =	stream.indirect.gather.add.f32 [hbm:s3], $0x40, s7, s18, $0xb8;
	[tilespmem:$0xCE40] =	vst v63  }
0x62: {  	s0 =	sadd.s32 @!p1 $0xC864, s0;
	s4 =	simm.s32 @!p1 $0x0;
	s7 =	simm.s32 @!p1 $0x320  }
0x63: {  	[tilespmem:s7], [sflag:$0x1] =	stream.linear.gather @!p1 [hbm4b:s0+s4], $0xC8, $0x38;
	[tilespmem:$0xCE40] =	vst v63  }
0x64: {  	_ =	swait.ge @!p1 [sflag:s10], $0x3200  }
0x65: {  	[sflag:s10] =	ssyncset.done @!p1 $0x0  }
0x66: {  	s0 =	simm.s32 @!p1 $0x640;
	[sflag:s10] =	ssyncadd.s32 @!p1 $0xFFFFCE00  }
0x67: {  	[tilespmem:s0], [sflag:$0x5] =	stream.linear.gather @!p1 [spmem:s1], $0x3200, $0x38;
	[tilespmem:$0xCE40] =	vst v63  }
0x68: {  	_ =	swait.ge [sflag:s21], $0x1A00  }
0x69: {  	[sflag:s21] =	ssyncset.done $0x0  }
0x6a: {  	[sflag:s21] =	ssyncadd.s32 $0xFFFFE600  }
0x6b: {  	_ =	swait.ge [sflag:s21], $0x1800  }
0x6c: {  	[sflag:s21] =	ssyncset.done $0x0  }
0x6d: {  	[sflag:s21] =	ssyncadd.s32 $0xFFFFE800  }
0x6e: {  	[hbm4b:s5+s2] =	stream.linear.scatter [tilespmem:s20], [sflag:$0xB], $0x3200, $0x38;
	[tilespmem:$0xCE40] =	vst v63  }
0x6f: {  	_ =	swait.ge [sflag:s29], $0xC8  }
0x70: {  	[sflag:s29] =	ssyncset.done $0x0  }
0x71: {  	[sflag:s29] =	ssyncadd.s32 $0xFFFFFF38  }
0x72: {  	_ =	swait.ge [sflag:s30], $0x3200  }
0x73: {  	[sflag:s30] =	ssyncset.done $0x0  }
0x74: {  	p1 =	por $0x0, $0x0;
	s9 =	rddreg [dreg:$0xa];
	[sflag:s30] =	ssyncadd.s32 $0xFFFFCE00  }
0x75: {  	[tilespmem:s25], [sflag:$0xD] =	stream.indirect.gather.add.f32 [hbm:s3], $0x40, s24, s17, $0xb8;
	[tilespmem:$0xCE40] =	vst v63  }
0x76: {  	s7 =	sadd.s32 @!p1 $0x0, s8;
	s10 =	simm.s32 @!p1 $0x0;
	s11 =	rddreg [dreg:$0x9]  }
0x77: {  	[tilespmem:s9], [sflag:$0xD] =	stream.indirect.gather.add.f32 [hbm:s3], $0x40, s11, s18, $0xb8;
	[tilespmem:$0xCE40] =	vst v63  }
0x78: {  	s0 =	simm.s32 @!p1 $0x3E8;
	s4 =	sadd.s32 @!p1 $0xC87D, s7;
	s7 =	simm.s32 @!p1 $0xA  }
0x79: {  	[tilespmem:s0], [sflag:$0x2] =	stream.linear.gather @!p1 [hbm4b:s4+s10], $0xC8, $0x38;
	[tilespmem:$0xCE40] =	vst v63  }
0x7a: {  	_ =	swait.ge @!p1 [sflag:s7], $0x3200  }
0x7b: {  	[sflag:s7] =	ssyncset.done @!p1 $0x0  }
0x7c: {  	s0 =	simm.s32 @!p1 $0x3840;
	[sflag:s7] =	ssyncadd.s32 @!p1 $0xFFFFCE00  }
0x7d: {  	[tilespmem:s0], [sflag:$0x6] =	stream.linear.gather @!p1 [spmem:s1], $0x3200, $0x38;
	[tilespmem:$0xCE40] =	vst v63  }
0x7e: {  	_ =	swait.ge [sflag:s21], $0x1A00  }
0x7f: {  	[sflag:s21] =	ssyncset.done $0x0  }
0x80: {  	s31 =	sadd.s32 $0x1900, s5;
	s10 =	simm.s32 $0x64;
	[sflag:s21] =	ssyncadd.s32 $0xFFFFE600  }
0x81: {  	s7 =	sadd.s32 $0x640, s5;
	s0 =	simm.s32 $0x7;
	_ =	swait.ge [sflag:s21], $0x1800  }
.LBB2_2:
0x82: {  	[sflag:s21] =	ssyncset.done $0x0  }
0x83: {  	[sflag:s21] =	ssyncadd.s32 $0xFFFFE800  }
0x84: {  	[hbm4b:s7+s2] =	stream.linear.scatter [tilespmem:s25], [sflag:$0xC], $0x3200, $0x38;
	[tilespmem:$0xCE40] =	vst v63  }
0x85: {  	_ =	swait.ge [sflag:s15], $0xC8  }
0x86: {  	[sflag:s15] =	ssyncset.done $0x0  }
0x87: {  	[sflag:s15] =	ssyncadd.s32 $0xFFFFFF38  }
0x88: {  	s5 =	sadd.s32 $0x640, s31;
	_ =	swait.ge [sflag:s16], $0x3200  }
0x89: {  	s4 =	smov.u32 s10;
	s11 =	sadd.s32 $0xFFFFFFF9, s0;
	[sflag:s16] =	ssyncset.done $0x0  }
0x8a: {  	s7 =	smov.u32 s5;
	s5 =	rddreg [dreg:$0x4];
	[sflag:s16] =	ssyncadd.s32 $0xFFFFCE00  }
0x8b: {  	[tilespmem:s12], [sflag:$0xD] =	stream.indirect.gather.add.f32 [hbm:s3], $0x40, s6, s17, $0xb8;
	[tilespmem:$0xCE40] =	vst v63  }
0x8c: {  	p2 =	sgt.u32 s11, $0x23;
	s9 =	rddreg [dreg:$0x3];
	s6 =	sadd.s32 s4, s8  }
0x8d: {  	[tilespmem:s5], [sflag:$0xD] =	stream.indirect.gather.add.f32 [hbm:s3], $0x40, s9, s18, $0xb8;
	[tilespmem:$0xCE40] =	vst v63  }
0x8e: {  	s9 =	sadd.s32 $0xC832, s6;
	s5 =	simm.s32 @!p2 $0xB  }
0x8f: {  	[tilespmem:s19], [sflag:$0x3] =	stream.linear.gather [hbm4b:s9+s2], $0xC8, $0x38;
	[tilespmem:$0xCE40] =	vst v63  }
0x90: {  	_ =	swait.ge @!p2 [sflag:s5], $0x3200  }
0x91: {  	[sflag:s5] =	ssyncset.done @!p2 $0x0  }
0x92: {  	[sflag:s5] =	ssyncadd.s32 @!p2 $0xFFFFCE00  }
0x93: {  	[tilespmem:s20], [sflag:$0x7] =	stream.linear.gather [spmem:s1], $0x3200, $0x38;
	[tilespmem:$0xCE40] =	vst v63  }
0x94: {  	_ =	swait.ge [sflag:s21], $0x1A00  }
0x95: {  	[sflag:s21] =	ssyncset.done $0x0  }
0x96: {  	[sflag:s21] =	ssyncadd.s32 $0xFFFFE600  }
0x97: {  	_ =	swait.ge [sflag:s21], $0x1800  }
0x98: {  	[sflag:s21] =	ssyncset.done $0x0  }
0x99: {  	s11 =	sadd.s32 $0xFFFFF380, s31;
	[sflag:s21] =	ssyncadd.s32 $0xFFFFE800  }
0x9a: {  	[hbm4b:s11+s2] =	stream.linear.scatter [tilespmem:s12], [sflag:$0x9], $0x3200, $0x38;
	[tilespmem:$0xCE40] =	vst v63  }
0x9b: {  	_ =	swait.ge [sflag:s22], $0xC8  }
0x9c: {  	[sflag:s22] =	ssyncset.done $0x0  }
0x9d: {  	[sflag:s22] =	ssyncadd.s32 $0xFFFFFF38  }
0x9e: {  	_ =	swait.ge [sflag:s23], $0x3200  }
0x9f: {  	[sflag:s23] =	ssyncset.done $0x0  }
0xa0: {  	s9 =	rddreg [dreg:$0x6];
	[sflag:s23] =	ssyncadd.s32 $0xFFFFCE00  }
0xa1: {  	[tilespmem:s14], [sflag:$0xD] =	stream.indirect.gather.add.f32 [hbm:s3], $0x40, s13, s17, $0xb8;
	[tilespmem:$0xCE40] =	vst v63  }
0xa2: {  	p2 =	seq.s32 s4, $0x0;
	s11 =	rddreg [dreg:$0x5]  }
0xa3: {  	[tilespmem:s9], [sflag:$0xD] =	stream.indirect.gather.add.f32 [hbm:s3], $0x40, s11, s18, $0xb8;
	[tilespmem:$0xCE40] =	vst v63  }
0xa4: {  	s6 =	sadd.s32 $0xC84B, s6;
	s5 =	simm.s32 @!p2 $0xC  }
0xa5: {  	[tilespmem:s24], [sflag:$0x4] =	stream.linear.gather [hbm4b:s6+s2], $0xC8, $0x38;
	[tilespmem:$0xCE40] =	vst v63  }
0xa6: {  	_ =	swait.ge @!p2 [sflag:s5], $0x3200  }
0xa7: {  	[sflag:s5] =	ssyncset.done @!p2 $0x0  }
0xa8: {  	[sflag:s5] =	ssyncadd.s32 @!p2 $0xFFFFCE00  }
0xa9: {  	[tilespmem:s25], [sflag:$0x8] =	stream.linear.gather [spmem:s1], $0x3200, $0x38;
	[tilespmem:$0xCE40] =	vst v63  }
0xaa: {  	_ =	swait.ge [sflag:s21], $0x1A00  }
0xab: {  	[sflag:s21] =	ssyncset.done $0x0  }
0xac: {  	[sflag:s21] =	ssyncadd.s32 $0xFFFFE600  }
0xad: {  	_ =	swait.ge [sflag:s21], $0x1800  }
0xae: {  	[sflag:s21] =	ssyncset.done $0x0  }
0xaf: {  	s6 =	sadd.s32 $0xFFFFF9C0, s31;
	[sflag:s21] =	ssyncadd.s32 $0xFFFFE800  }
0xb0: {  	[hbm4b:s6+s2] =	stream.linear.scatter [tilespmem:s14], [sflag:$0xA], $0x3200, $0x38;
	[tilespmem:$0xCE40] =	vst v63  }
0xb1: {  	_ =	swait.ge [sflag:s26], $0xC8  }
0xb2: {  	[sflag:s26] =	ssyncset.done $0x0  }
0xb3: {  	[sflag:s26] =	ssyncadd.s32 $0xFFFFFF38  }
0xb4: {  	_ =	swait.ge [sflag:s28], $0x3200  }
0xb5: {  	[sflag:s28] =	ssyncset.done $0x0  }
0xb6: {  	s9 =	sadd.s32 $0xFFFFFFFF, s0;
	s5 =	rddreg [dreg:$0x8];
	[sflag:s28] =	ssyncadd.s32 $0xFFFFCE00  }
0xb7: {  	[tilespmem:s20], [sflag:$0xD] =	stream.indirect.gather.add.f32 [hbm:s3], $0x40, s19, s17, $0xb8;
	[tilespmem:$0xCE40] =	vst v63  }
0xb8: {  	p2 =	sgt.u32 s9, $0x25;
	s11 =	rddreg [dreg:$0x7]  }
0xb9: {  	[tilespmem:s5], [sflag:$0xD] =	stream.indirect.gather.add.f32 [hbm:s3], $0x40, s11, s18, $0xb8;
	[tilespmem:$0xCE40] =	vst v63  }
0xba: {  	s9 =	simm.s32 @!p2 $0x320;
	s5 =	sadd.s32 @!p2 s4, s8  }
0xbb: {  	s6 =	simm.s32 @!p2 $0x0;
	s11 =	simm.s32 @!p2 $0x9;
	s5 =	sadd.s32 @!p2 $0xC864, s5  }
0xbc: {  	[tilespmem:s9], [sflag:$0x1] =	stream.linear.gather @!p2 [hbm4b:s5+s6], $0xC8, $0x38;
	[tilespmem:$0xCE40] =	vst v63  }
0xbd: {  	_ =	swait.ge @!p2 [sflag:s11], $0x3200  }
0xbe: {  	[sflag:s11] =	ssyncset.done @!p2 $0x0  }
0xbf: {  	s5 =	simm.s32 @!p2 $0x640;
	[sflag:s11] =	ssyncadd.s32 @!p2 $0xFFFFCE00  }
0xc0: {  	[tilespmem:s5], [sflag:$0x5] =	stream.linear.gather @!p2 [spmem:s1], $0x3200, $0x38;
	[tilespmem:$0xCE40] =	vst v63  }
0xc1: {  	_ =	swait.ge [sflag:s21], $0x1A00  }
0xc2: {  	[sflag:s21] =	ssyncset.done $0x0  }
0xc3: {  	[sflag:s21] =	ssyncadd.s32 $0xFFFFE600  }
0xc4: {  	_ =	swait.ge [sflag:s21], $0x1800  }
0xc5: {  	[sflag:s21] =	ssyncset.done $0x0  }
0xc6: {  	[sflag:s21] =	ssyncadd.s32 $0xFFFFE800  }
0xc7: {  	[hbm4b:s31+s2] =	stream.linear.scatter [tilespmem:s20], [sflag:$0xB], $0x3200, $0x38;
	[tilespmem:$0xCE40] =	vst v63  }
0xc8: {  	_ =	swait.ge [sflag:s29], $0xC8  }
0xc9: {  	[sflag:s29] =	ssyncset.done $0x0  }
0xca: {  	[sflag:s29] =	ssyncadd.s32 $0xFFFFFF38  }
0xcb: {  	_ =	swait.ge [sflag:s30], $0x3200  }
0xcc: {  	[sflag:s30] =	ssyncset.done $0x0  }
0xcd: {  	p2 =	sgt.u32 s0, $0x25;
	s5 =	rddreg [dreg:$0xa];
	[sflag:s30] =	ssyncadd.s32 $0xFFFFCE00  }
0xce: {  	[tilespmem:s25], [sflag:$0xD] =	stream.indirect.gather.add.f32 [hbm:s3], $0x40, s24, s17, $0xb8;
	[tilespmem:$0xCE40] =	vst v63  }
0xcf: {  	s4 =	sadd.s32 @!p2 s4, s8;
	s9 =	simm.s32 @!p2 $0x0;
	s6 =	rddreg [dreg:$0x9]  }
0xd0: {  	[tilespmem:s5], [sflag:$0xD] =	stream.indirect.gather.add.f32 [hbm:s3], $0x40, s6, s18, $0xb8;
	[tilespmem:$0xCE40] =	vst v63  }
0xd1: {  	s11 =	simm.s32 @!p2 $0x3E8;
	s4 =	sadd.s32 @!p2 $0xC87D, s4;
	s5 =	simm.s32 @!p2 $0xA  }
0xd2: {  	[tilespmem:s11], [sflag:$0x2] =	stream.linear.gather @!p2 [hbm4b:s4+s9], $0xC8, $0x38;
	[tilespmem:$0xCE40] =	vst v63  }
0xd3: {  	_ =	swait.ge @!p2 [sflag:s5], $0x3200  }
0xd4: {  	s10 =	sadd.s32 $0x64, s10;
	[sflag:s5] =	ssyncset.done @!p2 $0x0  }
0xd5: {  	p1 =	sne.s32 s10, $0x3E8;
	s4 =	simm.s32 @!p2 $0x3840;
	[sflag:s5] =	ssyncadd.s32 @!p2 $0xFFFFCE00  }
0xd6: {  	[tilespmem:s4], [sflag:$0x6] =	stream.linear.gather @!p2 [spmem:s1], $0x3200, $0x38;
	[tilespmem:$0xCE40] =	vst v63  }
.Ltmp0:
0xd7: {  	_ = 	snop;
	(pc) =	sbr.rel @p1 .LBB2_2-.Ltmp0, $4  }
0xd8: {  	_ =	swait.ge [sflag:s21], $0x1A00  }
0xd9: {  	[sflag:s21] =	ssyncset.done $0x0  }
0xda: {  	s0 =	sadd.s32 $0x4, s0;
	[sflag:s21] =	ssyncadd.s32 $0xFFFFE600  }
0xdb: {  	s31 =	sadd.s32 $0x1900, s31;
	s6 =	simm.s32 $0x320;
	_ =	swait.ge [sflag:s21], $0x1800  }
0xdc: {  	[sflag:s21] =	ssyncset.done $0x0  }
0xdd: {  	s0 =	simm.s32 $0x9;
	[sflag:s21] =	ssyncadd.s32 $0xFFFFE800  }
0xde: {  	[hbm4b:s7+s2] =	stream.linear.scatter [tilespmem:s25], [sflag:$0xC], $0x3200, $0x38;
	[tilespmem:$0xCE40] =	vst v63  }
0xdf: {  	_ =	swait.ge [sflag:s0], $0x3200  }
0xe0: {  	[sflag:s0] =	ssyncset.done $0x0  }
0xe1: {  	s10 =	simm.s32 $0xA;
	[sflag:s0] =	ssyncadd.s32 $0xFFFFCE00  }
0xe2: {  	_ =	swait.ge [sflag:s10], $0x3200  }
0xe3: {  	[sflag:s10] =	ssyncset.done $0x0  }
0xe4: {  	s11 =	simm.s32 $0xB;
	[sflag:s10] =	ssyncadd.s32 $0xFFFFCE00  }
0xe5: {  	_ =	swait.ge [sflag:s11], $0x3200  }
0xe6: {  	[sflag:s11] =	ssyncset.done $0x0  }
0xe7: {  	s4 =	simm.s32 $0xC;
	[sflag:s11] =	ssyncadd.s32 $0xFFFFCE00  }
0xe8: {  	_ =	swait.ge [sflag:s4], $0x3200  }
0xe9: {  	s5 =	rddreg [dreg:$0x11]  }
0xea: {  	s31 =	rddreg [dreg:$0xe];
	s5 =	sadd.s32 $0x1, s5  }
0xeb: {  	p1 =	sne.s32 s5, s31  }
.Ltmp1:
0xec: {  	_ = 	snop;
	(pc) =	sbr.rel @p1 .LBB2_1-.Ltmp1, $3  }
0xed: {  	_ =	sdelay $0x1  }
0xee: {  	[sflag:s4] =	ssyncset.done $0x0  }
0xef: {  	[sflag:s4] =	ssyncadd.s32 $0xFFFFCE00  }
0xf0: {  	_ =	sfence.sel $0x180000  }
0xf1: {  	[bflag:$0x0] =	sbarrier.arrive $0xFFFF  }
0xf2: {  	_ =	strace $0x9000004D  }
0xf3: {  	[bflag:$0x2] =	sbarrier.arrive $0xFFFF  }
0xf4: {  	s0 =	rddreg [dreg:$0x2]  }
0xf5: {  	s0 =	sadd.s32 @!p0 $0x100000, s0  }
0xf6: {  	[sflag:s0] =	ssyncadd.tile.s32 @!p0 $0x1;
	_ =	shalt  }
.Lfunc_end2:
_tile_overlayer_lowered:
.L_overlay_start_2:
0xf7: {  	(tag) =	ssettag $0x2  }
0xf8: {  	s0 =	rddreg [dreg:$0x0];
	s2 =	stileid.u32  }
0xf9: {  	s1 =	rddreg [dreg:$0x1];
	p0 =	sne.s32 s2, $0x0  }
0xfa: {  	s3 =	rddreg [dreg:$0x2];
	[bflag:$0x3] =	sbarrier.arrive $0xFFFF;
	s2 =	simm.s32 @!p0 $0x1C0E  }
0xfb: {  	[timem:s3], [sflag:s2] =	dma.local @!p0 [hbm:s0], s1  }
0xfc: {  	s0 =	simm.s32 @!p0 $0xE  }
0xfd: {  	_ =	swait.ge @!p0 [sflag:s0], s1  }
0xfe: {  	s1 =	ssub.s32 @!p0 $0x0, s1;
	[sflag:s0] =	ssyncset.done @!p0 $0x0  }
0xff: {  	[sflag:s0] =	ssyncadd.s32 @!p0 s1  }
0x100: {  	[bflag:$0x3] =	sbarrier.arrive $0xFFFF  }
0x101: {  	_ =	shalt  }

// kernel: sc_gather_3.3.cloned.1.call-start
scs
__scs_entry_jumppad:
0x0: {  	(pc) =	sbr.rel $0x88, $3  }
0x1: {  	(tag) =	ssettag $0x0;
	lr =	simm.s32 $0x1  }
0x2: {  	[smem:$0x3F9E] =	sst lr;
	_ =	strace $0xD0000000  }
0x3: {  	_ = 	snop  }
0x4: {  	_ = 	snop  }
0x5: {  	_ = 	snop  }
0x6: {  	_ = 	snop  }
0x7: {  	_ = 	snop  }
__scs_overlays_trampoline_lowered:
0x8: {  	[smem:$0x3FAD] =	sst s0  }
0x9: {  	[smem:$0x3FAE] =	sst s1  }
0xa: {  	[smem:$0x3FAF] =	sst s2  }
0xb: {  	[smem:$0x3FB0] =	sst s3  }
0xc: {  	[smem:$0x3FB1] =	sst s4  }
0xd: {  	[smem:$0x3FB2] =	sst s5  }
0xe: {  	[smem:$0x3FB3] =	sst s6  }
0xf: {  	[smem:$0x3FB4] =	sst s7  }
0x10: {  	[smem:$0x3FB5] =	sst s8  }
0x11: {  	[smem:$0x3FB6] =	sst s9;
	s0 =	simm.s32 @!p0 $0x0  }
0x12: {  	s1 =	sld [smem:$0x3F9C];
	s0 =	simm.s32 @p0 $0x1  }
0x13: {  	[smem:$0x3FB7] =	sst s0;
	s0 =	simm.s32 @!p1 $0x0  }
0x14: {  	s2 =	sld [smem:$0x3F9B];
	s0 =	simm.s32 @p1 $0x1  }
0x15: {  	[smem:$0x3FB8] =	sst s0;
	s0 =	simm.s32 @!p2 $0x0  }
0x16: {  	s3 =	sld [smem:$0x3FDB];
	s0 =	simm.s32 @p2 $0x1  }
0x17: {  	s4 =	simm.s32 $0x1BF5;
	[smem:$0x3FBA] =	sst s0  }
0x18: {  	s0 =	sld [smem:$0x3F9D];
	_ =	swait.ge [sflag:s4], $0x0  }
0x19: {  	s7 =	sld [smem:$0x3F9E]  }
0x1a: {  	s8 =	sadd.s32 $0xFFFFE003, lr  }
0x1b: {  	s9 =	sadd.s32 $0xFFFFFEF7, lr;
	s5 =	simm.s32 $0xFFFFFFFF;
	p2 =	slt.u32 s8, $0xFFFFF086  }
0x1c: {  	p1 =	slt.u32 s9, $0xF7A;
	s5 =	simm.s32 @!p2 $0x0  }
0x1d: {  	s5 =	simm.s32 @p1 $0x1;
	p0 =	seq.s32 s7, s2  }
0x1e: {  	s7 =	smul.u32 @!p0 $0xF7A, s2;
	p2 =	seq.s32 @!p0 s5, $0x0  }
0x1f: {  	s9 =	smul.u32 $0xF7A, s1;
	s8 =	simm.s32 @!p0 $0x1BF5;
	p2 =	por !p2, p0  }
0x20: {  	[sflag:s8] =	ssyncset.s32 @!p0 $0xFFFFF086;
	s6 =	sadd.s32 @!p0 s3, s7;
	s7 =	simm.s32 @!p0 $0x108  }
0x21: {  	s3 =	sadd.s32 s3, s9;
	s6 =	sadd.s32 @!p0 $0x88, s6;
	s7 =	simm.s32 @p2 $0x1082  }
0x22: {  	[simem:s7], [sflag:s8] =	dma.local @!p0 [hbm:s6], $0xF7A  }
0x23: {  	s9 =	sor.u32 $0xD0000000, s2;
	s6 =	simm.s32 $0x108;
	_ =	swait.ge @!p0 [sflag:s8], $0x0  }
0x24: {  	s3 =	sadd.s32 $0x88, s3;
	s6 =	simm.s32 @!p1 $0x1082;
	[sflag:s4] =	ssyncset.s32 $0xFFFFF086  }
0x25: {  	[simem:s6], [sflag:s4] =	dma.local [hbm:s3], $0xF7A  }
0x26: {  	[smem:$0x3F9E] =	sst s1;
	(tag) =	ssettag s2;
	_ =	strace s9  }
0x27: {  	s1 =	sld [smem:$0x3FAE]  }
0x28: {  	s2 =	sld [smem:$0x3FAF]  }
0x29: {  	s4 =	sld [smem:$0x3FB1]  }
0x2a: {  	p0 =	seq.s32 s5, $0x0;
	s5 =	sld [smem:$0x3FB2]  }
0x2b: {  	s6 =	sld [smem:$0x3FB3]  }
0x2c: {  	s7 =	sld [smem:$0x3FB4]  }
0x2d: {  	s3 =	simm.s32 $0x108;
	s8 =	sld [smem:$0x3FB5]  }
0x2e: {  	s3 =	simm.s32 @!p0 $0x1082;
	s9 =	sld [smem:$0x3FB6]  }
0x2f: {  	lr =	sadd.s32 s0, s3;
	s0 =	sld [smem:$0x3FAD]  }
0x30: {  	s3 =	sld [smem:$0x3FB0]  }
0x31: {  	[smem:$0x3FB9] =	sst s10  }
0x32: {  	s10 =	sld [smem:$0x3FB7];
	_ =	sdelay $0x3  }
0x33: {  	p0 =	seq.s32 s10, $0x1;
	s10 =	sld [smem:$0x3FB9];
	_ =	sdelay $0x3  }
0x34: {  	[smem:$0x3FB9] =	sst s10  }
0x35: {  	s10 =	sld [smem:$0x3FB8];
	_ =	sdelay $0x3  }
0x36: {  	p1 =	seq.s32 s10, $0x1;
	s10 =	sld [smem:$0x3FB9];
	_ =	sdelay $0x3  }
0x37: {  	[smem:$0x3FB9] =	sst s10  }
0x38: {  	s10 =	sld [smem:$0x3FBA]  }
0x39: {  	_ = 	snop;
	(pc) =	sbr.ind lr, $3  }
0x3a: {  	_ = 	snop  }
0x3b: {  	_ = 	snop  }
0x3c: {  	p2 =	seq.s32 s10, $0x1;
	s10 =	sld [smem:$0x3FB9]  }
0x3d: {  	_ =	shalt  }
0x3e: {  	_ =	shalt  }
0x3f: {  	_ =	shalt  }
0x40: {  	_ =	shalt  }
0x41: {  	_ =	shalt  }
0x42: {  	_ =	shalt  }
0x43: {  	_ =	shalt  }
0x44: {  	_ =	shalt  }
0x45: {  	_ =	shalt  }
0x46: {  	_ =	shalt  }
0x47: {  	_ =	shalt  }
0x48: {  	_ =	shalt  }
0x49: {  	_ =	shalt  }
0x4a: {  	_ =	shalt  }
0x4b: {  	_ =	shalt  }
0x4c: {  	_ =	shalt  }
0x4d: {  	_ =	shalt  }
0x4e: {  	_ =	shalt  }
0x4f: {  	_ =	shalt  }
0x50: {  	_ =	shalt  }
0x51: {  	_ =	shalt  }
0x52: {  	_ =	shalt  }
0x53: {  	_ =	shalt  }
0x54: {  	_ =	shalt  }
0x55: {  	_ =	shalt  }
0x56: {  	_ =	shalt  }
0x57: {  	_ =	shalt  }
0x58: {  	_ =	shalt  }
0x59: {  	_ =	shalt  }
0x5a: {  	_ =	shalt  }
0x5b: {  	_ =	shalt  }
0x5c: {  	_ =	shalt  }
0x5d: {  	_ =	shalt  }
0x5e: {  	_ =	shalt  }
0x5f: {  	_ =	shalt  }
0x60: {  	_ =	shalt  }
0x61: {  	_ =	shalt  }
0x62: {  	_ =	shalt  }
0x63: {  	_ =	shalt  }
0x64: {  	_ =	shalt  }
0x65: {  	_ =	shalt  }
0x66: {  	_ =	shalt  }
0x67: {  	_ =	shalt  }
0x68: {  	_ =	shalt  }
0x69: {  	_ =	shalt  }
0x6a: {  	_ =	shalt  }
0x6b: {  	_ =	shalt  }
0x6c: {  	_ =	shalt  }
0x6d: {  	_ =	shalt  }
0x6e: {  	_ =	shalt  }
0x6f: {  	_ =	shalt  }
0x70: {  	_ =	shalt  }
0x71: {  	_ =	shalt  }
0x72: {  	_ =	shalt  }
0x73: {  	_ =	shalt  }
0x74: {  	_ =	shalt  }
0x75: {  	_ =	shalt  }
0x76: {  	_ =	shalt  }
0x77: {  	_ =	shalt  }
0x78: {  	_ =	shalt  }
0x79: {  	_ =	shalt  }
0x7a: {  	_ =	shalt  }
0x7b: {  	_ =	shalt  }
0x7c: {  	_ =	shalt  }
0x7d: {  	_ =	shalt  }
0x7e: {  	_ =	shalt  }
0x7f: {  	_ =	shalt  }
0x80: {  	_ =	shalt  }
0x81: {  	_ =	shalt  }
0x82: {  	_ =	shalt  }
0x83: {  	_ =	shalt  }
0x84: {  	_ =	shalt  }
0x85: {  	_ =	shalt  }
0x86: {  	_ =	shalt  }
0x87: {  	_ =	shalt  }
.Lfunc_end0:
.L_simem_size_0:
called_computation.3_lowered:
.L_overlay_start_0:
0x88: {  	s2 =	sld [smem:$0x3FD9]  }
0x89: {  	s3 =	sld [smem:$0x3FFE];
	_ =	sdelay $0x1  }
0x8a: {  	s1 =	srdreg.scid  }
0x8b: {  	s0 =	sand.u32 $0x1, s1  }
0x8c: {  	s17 =	sshll.u32 s0, $0xA;
	s2 =	sadd.s32 s3, s2  }
0x8d: {  	s2 =	sadd.s32 s2, s17  }
0x8e: {  	[smem:$0x3FC5] =	sst s2  }
0x8f: {  	_ = 	snop  }
0x90: {  	(tm) =	ssettm $0x1  }
0x91: {  	s18 =	sld [smem:$0x3FFB];
	_ =	sdelay $0x3  }
0x92: {  	_ =	strace s18  }
0x93: {  	s2 =	sld [smem:$0x3FFC];
	_ =	sdelay $0x3  }
0x94: {  	_ =	strace s2  }
0x95: {  	s2 =	sld [smem:$0x3FFD];
	_ =	sdelay $0x3  }
0x96: {  	_ =	strace s2  }
0x97: {  	_ =	strace $0x8FFFFFFF  }
0x98: {  	s19 =	sld [smem:$0x3FDB];
	_ =	sdelay $0x1  }
0x99: {  	s20 =	simm.s32 $_scs_section_size  }
0x9a: {  	s4 =	simm.s32 $_size__tile_overlayer_lowered;
	s5 =	simm.s32 $_tile_overlayer_lowered  }
0x9b: {  	s6 =	simm.s32 $0x1BFF;
	s21 =	sshll.u32 s5, $0x1;
	s3 =	sadd.s32 s20, s19  }
0x9c: {  	s22 =	simm.s32 $0x0;
	s4 =	sshll.u32 s4, $0x1;
	s5 =	sadd.s32 s21, s3  }
0x9d: {  	[timem:s22], [sflag:s6] =	dma.local [hbm:s5], s4  }
0x9e: {  	_ =	swait.ge [sflag:s6], s4  }
0x9f: {  	s4 =	ssub.s32 $0x0, s4;
	[sflag:s6] =	ssyncset.done $0x0  }
0xa0: {  	[sflag:s6] =	ssyncadd.s32 s4;
	_ =	sdelay $0x1  }
0xa1: {  	s23 =	simm.s32 $0x1B8B  }
0xa2: {  	_ =	swait.ge [sflag:s23], $0x1  }
0xa3: {  	[sflag:s23] =	ssyncset.done $0x0  }
0xa4: {  	[sflag:s23] =	ssyncadd.s32 $0xFFFFFFFF  }
0xa5: {  	s4 =	sld [smem:$0x0]  }
0xa6: {  	s5 =	sand.u32 $0xFFFFFFFE, s1  }
0xa7: {  	p0 =	sne.s32 s1, s5  }
0xa8: {  	s5 =	sshll.u32 @p0 s5, $0xE  }
0xa9: {  	s5 =	sadd.s32 @p0 $0x11B8D, s5;
	s6 =	sshll.u32 @p0 s4, $0x11  }
0xaa: {  	s5 =	sor.u32 @p0 s6, s5  }
0xab: {  	[sflag:s5] =	ssyncadd.remote.s32 @p0 $0x1;
	_ =	sdelay $0x1  }
0xac: {  	s5 =	simm.s32 @p0 $0x1B8D  }
0xad: {  	_ =	swait.eq @p0 [sflag:s5], $0x1  }
0xae: {  	[sflag:s5] =	ssyncadd.s32 @p0 $0xFFFFFFFF  }
0xaf: {  	s6 =	sshll.u32 @!p0 s1, $0xE  }
0xb0: {  	s6 =	sor.u32 @!p0 $0x4000, s6;
	s5 =	simm.s32 @!p0 $0x1B8D  }
0xb1: {  	s4 =	sshll.u32 @!p0 s4, $0x11;
	s6 =	sadd.s32 @!p0 $0x11B8D, s6;
	_ =	swait.eq @!p0 [sflag:s5], $0x1  }
0xb2: {  	s4 =	sor.u32 @!p0 s4, s6;
	[sflag:s5] =	ssyncadd.s32 @!p0 $0xFFFFFFFF  }
0xb3: {  	s25 =	simm.s32 $0x1B8E;
	s24 =	sld [smem:$0x3FFE];
	[sflag:s4] =	ssyncadd.remote.s32 @!p0 $0x1  }
0xb4: {  	s26 =	simm.s32 $execute0_lowered;
	[smem:$0x3FD2] =	sst s25  }
0xb5: {  	s5 =	sshll.u32 s26, $0x1;
	_ =	strace $0x8000004F;
	[dreg:$0x1] =	wrdreg $0xFFFFFFFF  }
0xb6: {  	s28 =	simm.s32 $_size_execute0_lowered;
	s3 =	sadd.s32 s3, s5;
	[dreg:$0x0] =	wrdreg $0x0  }
0xb7: {  	s5 =	sshll.u32 s28, $0x1;
	[dreg:$0x2] =	wrdreg s3  }
0xb8: {  	[dreg:$0x3] =	wrdreg s5  }
0xb9: {  	[dreg:$0x4] =	wrdreg $0xC0  }
0xba: {  	_ =	task [dreg:s22], $0x5FFFF  }
0xbb: {  	[dreg:$0x1] =	wrdreg $0xFFFFFFFF  }
0xbc: {  	[dreg:$0x0] =	wrdreg $0x60  }
0xbd: {  	[dreg:$0x2] =	wrdreg s24  }
0xbe: {  	[dreg:$0x3] =	wrdreg $0x0  }
0xbf: {  	[dreg:$0x4] =	wrdreg $0xC  }
0xc0: {  	_ =	task.clear_ibuf [dreg:s22], $0x5FFFF;
	_ =	strace $0x9000004F  }
0xc1: {  	s29 =	simm.s32 $0xC;
	_ =	strace $0x80000051  }
0xc2: {  	_ =	swait.ge [sflag:s29], $0x1  }
0xc3: {  	[sflag:s29] =	ssyncadd.s32 $0xFFFFFFFF  }
0xc4: {  	_ =	strace $0x90000051  }
0xc5: {  	_ =	sfence  }
0xc6: {  	s30 =	sld [smem:$0x0];
	_ =	sdelay $0x2  }
0xc7: {  	s31 =	sshll.u32 s1, $0xD;
	s1 =	sshrl.u32 s1, $0x2  }
0xc8: {  	s4 =	sand.u32 $0x4000, s31;
	s1 =	sadd.s32 s1, s30  }
0xc9: {  	s0 =	sor.u32 s4, s0;
	s1 =	sshll.u32 s1, $0x11  }
0xca: {  	s0 =	sor.u32 s1, s0  }
0xcb: {  	s0 =	sadd.s32 $0x8F2B, s0  }
0xcc: {  	[sflag:s0] =	ssyncadd.remote.s32 $0x1  }
0xcd: {  	_ =	sfence.sel $0xFFFF  }
0xce: {  	[dreg:$0x0] =	wrdreg $0xFFFFFFFF;
	(pc) =	sbr.abs _section_cstart, $3  }
0xcf: {  	[dreg:$0x1] =	wrdreg $0xFFFFFFFF  }
0xd0: {  	_ =	task.clear_ibuf [dreg:s22], $0x2FFFF;
	_ =	strace $0x9FFFFFFF  }
0xd1: {  	(tm) =	ssettm $0x7FFFFFFF  }
tec
execute0_lowered:
.L_overlay_start_1:
0x0: {  	(tag) =	ssettag $0x1  }
0x1: {  	s0 =	rddreg [dreg:$0x0]  }
0x2: {  	s1 =	rddreg [dreg:$0x1]  }
0x3: {  	s2 =	simm.s32 $0x0;
	s4 =	stileid.u32;
	s3 =	srdreg.scid  }
0x4: {  	s12 =	simm.s32 $0x640;
	s13 =	simm.s32 $0x3E8;
	s14 =	simm.s32 $0x3840  }
0x5: {  	s20 =	simm.s32 $0x388;
	s21 =	simm.s32 $0x2040;
	s22 =	simm.s32 $0x450  }
0x6: {  	s23 =	simm.s32 $0x5240;
	s24 =	simm.s32 $0x518;
	s25 =	simm.s32 $0x8440  }
0x7: {  	s26 =	simm.s32 $0x5E0;
	s31 =	simm.s32 $0xB640;
	s28 =	simm.s32 $0x7  }
0x8: {  	s29 =	simm.s32 $0x4;
	s30 =	simm.s32 $0x8;
	[smem:$0x7FF] =	sst s2  }
0x9: {  	s5 =	sand.u32 $0x1, s3;
	s15 =	sshll.u32 s4, $0x1;
	s11 =	sadd.s32 $0xE2400, s0  }
0xa: {  	s6 =	sadd.s32 $0xC9400, s0;
	_ =	strace $0x80000050;
	[dreg:$0xb] =	wrdreg s11  }
0xb: {  	s7 =	smul.u32 $0x12C00, s4;
	s3 =	sadd.s32 $0x1400, s0;
	[dreg:$0x3] =	wrdreg s20  }
0xc: {  	s18 =	smul.u32 $0x4B0, s4;
	p0 =	sne.s32 s4, $0x0;
	[dreg:$0x4] =	wrdreg s21  }
0xd: {  	s8 =	sor.u32 s5, s15;
	s19 =	smul.u32 $0x258, s5;
	[dreg:$0x5] =	wrdreg s22  }
0xe: {  	s9 =	ssub.s32 $0x2, s5;
	s5 =	smul.u32 $0x9600, s5;
	[dreg:$0x6] =	wrdreg s23  }
0xf: {  	s15 =	simm.s32 $0x1;
	s20 =	simm.s32 $0x6A40;
	[dreg:$0x7] =	wrdreg s24  }
0x10: {  	s21 =	simm.s32 $0xD;
	s22 =	simm.s32 $0x2;
	[dreg:$0x8] =	wrdreg s25  }
0x11: {  	s23 =	simm.s32 $0x6;
	[dreg:$0x9] =	wrdreg s26;
	s24 =	simm.s32 $0x578  }
0x12: {  	[dreg:$0xa] =	wrdreg s31;
	s25 =	simm.s32 $0x9C40;
	s26 =	simm.s32 $0x3  }
0x13: {  	s10 =	smul.u32 $0x258, s8;
	s16 =	sshrl.u32 s9, $0x1;
	s0 =	sadd.s32 s7, s0  }
0x14: {  	s8 =	smul.u32 $0x12C0, s8;
	s17 =	ssub.s32 s9, s16;
	s0 =	sadd.s32 s5, s0  }
0x15: {  	s16 =	simm.s32 $0x5;
	s5 =	simm.s32 $0x0;
	s7 =	smax.u32 s17, $0x1  }
0x16: {  	s10 =	sadd.s32 s6, s10;
	s0 =	sadd.s32 $0x5F7880, s0;
	[dreg:$0xe] =	wrdreg s7  }
0x17: {  	s8 =	sadd.s32 $0xA28C8, s8;
	s10 =	sadd.s32 $0x14500, s10;
	[dreg:$0xf] =	wrdreg s0  }
0x18: {  	s8 =	sshrl.u32 s8, $0x3;
	s0 =	sshrl.u32 @!p0 s1, $0x3;
	[dreg:$0xc] =	wrdreg s10  }
0x19: {  	s17 =	simm.s32 $0x68;
	s8 =	sadd.s32 s6, s8;
	[dreg:$0x10] =	wrdreg s0  }
0x1a: {  	s6 =	sadd.s32 s18, s6;
	s18 =	simm.s32 $0x60;
	[dreg:$0xd] =	wrdreg s8  }
0x1b: {  	s8 =	sadd.s32 s19, s6;
	s6 =	simm.s32 $0x320;
	s19 =	simm.s32 $0x4B0  }
.LBB2_1:
0x1c: {  	[dreg:$0x11] =	wrdreg s5  }
0x1d: {  	s4 =	rddreg [dreg:$0xb]  }
0x1e: {  	s0 =	simm.s32 @!p0 $0x1C0E;
	s5 =	rddreg [dreg:$0x10]  }
0x1f: {  	[spmem:s5], [sflag:s0] =	dma.local @!p0 [hbm:s4], $0x640  }
0x20: {  	s0 =	simm.s32 @!p0 $0xE  }
0x21: {  	_ =	swait.ge @!p0 [sflag:s0], $0x640  }
0x22: {  	[sflag:s0] =	ssyncset.done @!p0 $0x0  }
0x23: {  	[sflag:s0] =	ssyncadd.s32 @!p0 $0xFFFFF9C0  }
0x24: {  	[bflag:$0x0] =	sbarrier.arrive $0xFFFF  }
0x25: {  	s11 =	rddreg [dreg:$0xc]  }
0x26: {  	[tilespmem:s6], [sflag:$0x1] =	stream.linear.gather [hbm4b:s11+s2], $0xC8, $0x38;
	[tilespmem:$0xCE40] =	vst v63  }
0x27: {  	_ = 	snop  }
0x28: {  	[tilespmem:s12], [sflag:$0x5] =	stream.linear.gather [spmem:s1], $0x3200, $0x38;
	[tilespmem:$0xCE40] =	vst v63  }
0x29: {  	s4 =	rddreg [dreg:$0xd]  }
0x2a: {  	[tilespmem:s13], [sflag:$0x2] =	stream.linear.gather [hbm4b:s4+s2], $0xC8, $0x38;
	[tilespmem:$0xCE40] =	vst v63  }
0x2b: {  	_ = 	snop  }
0x2c: {  	[tilespmem:s14], [sflag:$0x6] =	stream.linear.gather [spmem:s1], $0x3200, $0x38;
	[tilespmem:$0xCE40] =	vst v63  }
0x2d: {  	_ =	swait.ge [sflag:s15], $0xC8  }
0x2e: {  	[sflag:s15] =	ssyncset.done $0x0  }
0x2f: {  	[sflag:s15] =	ssyncadd.s32 $0xFFFFFF38  }
0x30: {  	_ =	swait.ge [sflag:s16], $0x3200  }
0x31: {  	[sflag:s16] =	ssyncset.done $0x0  }
0x32: {  	s5 =	rddreg [dreg:$0x4];
	[sflag:s16] =	ssyncadd.s32 $0xFFFFCE00  }
0x33: {  	[tilespmem:s12], [sflag:$0xD] =	stream.indirect.gather.add.f32 [hbm:s3], $0x40, s6, s17, $0xb8;
	[tilespmem:$0xCE40] =	vst v63  }
0x34: {  	s7 =	sadd.s32 $0x0, s8;
	p1 =	por $0x1, $0x1;
	s9 =	rddreg [dreg:$0x3]  }
0x35: {  	[tilespmem:s5], [sflag:$0xD] =	stream.indirect.gather.add.f32 [hbm:s3], $0x40, s9, s18, $0xb8;
	[tilespmem:$0xCE40] =	vst v63  }
0x36: {  	s10 =	sadd.s32 $0x14532, s7;
	s0 =	simm.s32 @!p1 $0xB  }
0x37: {  	[tilespmem:s19], [sflag:$0x3] =	stream.linear.gather [hbm4b:s10+s2], $0xC8, $0x38;
	[tilespmem:$0xCE40] =	vst v63  }
0x38: {  	_ =	swait.ge @!p1 [sflag:s0], $0x3200  }
0x39: {  	[sflag:s0] =	ssyncset.done @!p1 $0x0  }
0x3a: {  	[sflag:s0] =	ssyncadd.s32 @!p1 $0xFFFFCE00  }
0x3b: {  	[tilespmem:s20], [sflag:$0x7] =	stream.linear.gather [spmem:s1], $0x3200, $0x38;
	[tilespmem:$0xCE40] =	vst v63  }
0x3c: {  	_ =	swait.ge [sflag:s21], $0x1A00  }
0x3d: {  	[sflag:s21] =	ssyncset.done $0x0  }
0x3e: {  	[sflag:s21] =	ssyncadd.s32 $0xFFFFE600  }
0x3f: {  	_ =	swait.ge [sflag:s21], $0x1800  }
0x40: {  	[sflag:s21] =	ssyncset.done $0x0;
	s5 =	rddreg [dreg:$0xf]  }
0x41: {  	s11 =	sadd.s32 $0xFFFFF380, s5;
	[sflag:s21] =	ssyncadd.s32 $0xFFFFE800  }
0x42: {  	[hbm4b:s11+s2] =	stream.linear.scatter [tilespmem:s12], [sflag:$0x9], $0x3200, $0x38;
	[tilespmem:$0xCE40] =	vst v63  }
0x43: {  	_ =	swait.ge [sflag:s22], $0xC8  }
0x44: {  	[sflag:s22] =	ssyncset.done $0x0  }
0x45: {  	[sflag:s22] =	ssyncadd.s32 $0xFFFFFF38  }
0x46: {  	_ =	swait.ge [sflag:s23], $0x3200  }
0x47: {  	[sflag:s23] =	ssyncset.done $0x0  }
0x48: {  	s4 =	rddreg [dreg:$0x6];
	[sflag:s23] =	ssyncadd.s32 $0xFFFFCE00  }
0x49: {  	[tilespmem:s14], [sflag:$0xD] =	stream.indirect.gather.add.f32 [hbm:s3], $0x40, s13, s17, $0xb8;
	[tilespmem:$0xCE40] =	vst v63  }
0x4a: {  	p1 =	por $0x1, $0x1;
	s9 =	rddreg [dreg:$0x5]  }
0x4b: {  	[tilespmem:s4], [sflag:$0xD] =	stream.indirect.gather.add.f32 [hbm:s3], $0x40, s9, s18, $0xb8;
	[tilespmem:$0xCE40] =	vst v63  }
0x4c: {  	s10 =	sadd.s32 $0x1454B, s7;
	s4 =	simm.s32 @!p1 $0xC  }
0x4d: {  	[tilespmem:s24], [sflag:$0x4] =	stream.linear.gather [hbm4b:s10+s2], $0xC8, $0x38;
	[tilespmem:$0xCE40] =	vst v63  }
0x4e: {  	_ =	swait.ge @!p1 [sflag:s4], $0x3200  }
0x4f: {  	[sflag:s4] =	ssyncset.done @!p1 $0x0  }
0x50: {  	[sflag:s4] =	ssyncadd.s32 @!p1 $0xFFFFCE00  }
0x51: {  	[tilespmem:s25], [sflag:$0x8] =	stream.linear.gather [spmem:s1], $0x3200, $0x38;
	[tilespmem:$0xCE40] =	vst v63  }
0x52: {  	_ =	swait.ge [sflag:s21], $0x1A00  }
0x53: {  	[sflag:s21] =	ssyncset.done $0x0  }
0x54: {  	[sflag:s21] =	ssyncadd.s32 $0xFFFFE600  }
0x55: {  	_ =	swait.ge [sflag:s21], $0x1800  }
0x56: {  	[sflag:s21] =	ssyncset.done $0x0  }
0x57: {  	s11 =	sadd.s32 $0xFFFFF9C0, s5;
	[sflag:s21] =	ssyncadd.s32 $0xFFFFE800  }
0x58: {  	[hbm4b:s11+s2] =	stream.linear.scatter [tilespmem:s14], [sflag:$0xA], $0x3200, $0x38;
	[tilespmem:$0xCE40] =	vst v63  }
0x59: {  	_ =	swait.ge [sflag:s26], $0xC8  }
0x5a: {  	[sflag:s26] =	ssyncset.done $0x0  }
0x5b: {  	[sflag:s26] =	ssyncadd.s32 $0xFFFFFF38  }
0x5c: {  	_ =	swait.ge [sflag:s28], $0x3200  }
0x5d: {  	[sflag:s28] =	ssyncset.done $0x0  }
0x5e: {  	p1 =	por $0x0, $0x0;
	s4 =	rddreg [dreg:$0x8];
	[sflag:s28] =	ssyncadd.s32 $0xFFFFCE00  }
0x5f: {  	[tilespmem:s20], [sflag:$0xD] =	stream.indirect.gather.add.f32 [hbm:s3], $0x40, s19, s17, $0xb8;
	[tilespmem:$0xCE40] =	vst v63  }
0x60: {  	s0 =	sadd.s32 @!p1 $0x0, s8;
	s10 =	simm.s32 @!p1 $0x9;
	s7 =	rddreg [dreg:$0x7]  }
0x61: {  	[tilespmem:s4], [sflag:$0xD] =	stream.indirect.gather.add.f32 [hbm:s3], $0x40, s7, s18, $0xb8;
	[tilespmem:$0xCE40] =	vst v63  }
0x62: {  	s0 =	sadd.s32 @!p1 $0x14564, s0;
	s4 =	simm.s32 @!p1 $0x0;
	s7 =	simm.s32 @!p1 $0x320  }
0x63: {  	[tilespmem:s7], [sflag:$0x1] =	stream.linear.gather @!p1 [hbm4b:s0+s4], $0xC8, $0x38;
	[tilespmem:$0xCE40] =	vst v63  }
0x64: {  	_ =	swait.ge @!p1 [sflag:s10], $0x3200  }
0x65: {  	[sflag:s10] =	ssyncset.done @!p1 $0x0  }
0x66: {  	s0 =	simm.s32 @!p1 $0x640;
	[sflag:s10] =	ssyncadd.s32 @!p1 $0xFFFFCE00  }
0x67: {  	[tilespmem:s0], [sflag:$0x5] =	stream.linear.gather @!p1 [spmem:s1], $0x3200, $0x38;
	[tilespmem:$0xCE40] =	vst v63  }
0x68: {  	_ =	swait.ge [sflag:s21], $0x1A00  }
0x69: {  	[sflag:s21] =	ssyncset.done $0x0  }
0x6a: {  	[sflag:s21] =	ssyncadd.s32 $0xFFFFE600  }
0x6b: {  	_ =	swait.ge [sflag:s21], $0x1800  }
0x6c: {  	[sflag:s21] =	ssyncset.done $0x0  }
0x6d: {  	[sflag:s21] =	ssyncadd.s32 $0xFFFFE800  }
0x6e: {  	[hbm4b:s5+s2] =	stream.linear.scatter [tilespmem:s20], [sflag:$0xB], $0x3200, $0x38;
	[tilespmem:$0xCE40] =	vst v63  }
0x6f: {  	_ =	swait.ge [sflag:s29], $0xC8  }
0x70: {  	[sflag:s29] =	ssyncset.done $0x0  }
0x71: {  	[sflag:s29] =	ssyncadd.s32 $0xFFFFFF38  }
0x72: {  	_ =	swait.ge [sflag:s30], $0x3200  }
0x73: {  	[sflag:s30] =	ssyncset.done $0x0  }
0x74: {  	p1 =	por $0x0, $0x0;
	s9 =	rddreg [dreg:$0xa];
	[sflag:s30] =	ssyncadd.s32 $0xFFFFCE00  }
0x75: {  	[tilespmem:s25], [sflag:$0xD] =	stream.indirect.gather.add.f32 [hbm:s3], $0x40, s24, s17, $0xb8;
	[tilespmem:$0xCE40] =	vst v63  }
0x76: {  	s7 =	sadd.s32 @!p1 $0x0, s8;
	s10 =	simm.s32 @!p1 $0x0;
	s11 =	rddreg [dreg:$0x9]  }
0x77: {  	[tilespmem:s9], [sflag:$0xD] =	stream.indirect.gather.add.f32 [hbm:s3], $0x40, s11, s18, $0xb8;
	[tilespmem:$0xCE40] =	vst v63  }
0x78: {  	s0 =	simm.s32 @!p1 $0x3E8;
	s4 =	sadd.s32 @!p1 $0x1457D, s7;
	s7 =	simm.s32 @!p1 $0xA  }
0x79: {  	[tilespmem:s0], [sflag:$0x2] =	stream.linear.gather @!p1 [hbm4b:s4+s10], $0xC8, $0x38;
	[tilespmem:$0xCE40] =	vst v63  }
0x7a: {  	_ =	swait.ge @!p1 [sflag:s7], $0x3200  }
0x7b: {  	[sflag:s7] =	ssyncset.done @!p1 $0x0  }
0x7c: {  	s0 =	simm.s32 @!p1 $0x3840;
	[sflag:s7] =	ssyncadd.s32 @!p1 $0xFFFFCE00  }
0x7d: {  	[tilespmem:s0], [sflag:$0x6] =	stream.linear.gather @!p1 [spmem:s1], $0x3200, $0x38;
	[tilespmem:$0xCE40] =	vst v63  }
0x7e: {  	_ =	swait.ge [sflag:s21], $0x1A00  }
0x7f: {  	[sflag:s21] =	ssyncset.done $0x0  }
0x80: {  	s31 =	sadd.s32 $0x1900, s5;
	s10 =	simm.s32 $0x64;
	[sflag:s21] =	ssyncadd.s32 $0xFFFFE600  }
0x81: {  	s7 =	sadd.s32 $0x640, s5;
	s0 =	simm.s32 $0x7;
	_ =	swait.ge [sflag:s21], $0x1800  }
.LBB2_2:
0x82: {  	[sflag:s21] =	ssyncset.done $0x0  }
0x83: {  	[sflag:s21] =	ssyncadd.s32 $0xFFFFE800  }
0x84: {  	[hbm4b:s7+s2] =	stream.linear.scatter [tilespmem:s25], [sflag:$0xC], $0x3200, $0x38;
	[tilespmem:$0xCE40] =	vst v63  }
0x85: {  	_ =	swait.ge [sflag:s15], $0xC8  }
0x86: {  	[sflag:s15] =	ssyncset.done $0x0  }
0x87: {  	[sflag:s15] =	ssyncadd.s32 $0xFFFFFF38  }
0x88: {  	s5 =	sadd.s32 $0x640, s31;
	_ =	swait.ge [sflag:s16], $0x3200  }
0x89: {  	s4 =	smov.u32 s10;
	s11 =	sadd.s32 $0xFFFFFFF9, s0;
	[sflag:s16] =	ssyncset.done $0x0  }
0x8a: {  	s7 =	smov.u32 s5;
	s5 =	rddreg [dreg:$0x4];
	[sflag:s16] =	ssyncadd.s32 $0xFFFFCE00  }
0x8b: {  	[tilespmem:s12], [sflag:$0xD] =	stream.indirect.gather.add.f32 [hbm:s3], $0x40, s6, s17, $0xb8;
	[tilespmem:$0xCE40] =	vst v63  }
0x8c: {  	p2 =	sgt.u32 s11, $0x13;
	s9 =	rddreg [dreg:$0x3];
	s6 =	sadd.s32 s4, s8  }
0x8d: {  	[tilespmem:s5], [sflag:$0xD] =	stream.indirect.gather.add.f32 [hbm:s3], $0x40, s9, s18, $0xb8;
	[tilespmem:$0xCE40] =	vst v63  }
0x8e: {  	s9 =	sadd.s32 $0x14532, s6;
	s5 =	simm.s32 @!p2 $0xB  }
0x8f: {  	[tilespmem:s19], [sflag:$0x3] =	stream.linear.gather [hbm4b:s9+s2], $0xC8, $0x38;
	[tilespmem:$0xCE40] =	vst v63  }
0x90: {  	_ =	swait.ge @!p2 [sflag:s5], $0x3200  }
0x91: {  	[sflag:s5] =	ssyncset.done @!p2 $0x0  }
0x92: {  	[sflag:s5] =	ssyncadd.s32 @!p2 $0xFFFFCE00  }
0x93: {  	[tilespmem:s20], [sflag:$0x7] =	stream.linear.gather [spmem:s1], $0x3200, $0x38;
	[tilespmem:$0xCE40] =	vst v63  }
0x94: {  	_ =	swait.ge [sflag:s21], $0x1A00  }
0x95: {  	[sflag:s21] =	ssyncset.done $0x0  }
0x96: {  	[sflag:s21] =	ssyncadd.s32 $0xFFFFE600  }
0x97: {  	_ =	swait.ge [sflag:s21], $0x1800  }
0x98: {  	[sflag:s21] =	ssyncset.done $0x0  }
0x99: {  	s11 =	sadd.s32 $0xFFFFF380, s31;
	[sflag:s21] =	ssyncadd.s32 $0xFFFFE800  }
0x9a: {  	[hbm4b:s11+s2] =	stream.linear.scatter [tilespmem:s12], [sflag:$0x9], $0x3200, $0x38;
	[tilespmem:$0xCE40] =	vst v63  }
0x9b: {  	_ =	swait.ge [sflag:s22], $0xC8  }
0x9c: {  	[sflag:s22] =	ssyncset.done $0x0  }
0x9d: {  	[sflag:s22] =	ssyncadd.s32 $0xFFFFFF38  }
0x9e: {  	_ =	swait.ge [sflag:s23], $0x3200  }
0x9f: {  	[sflag:s23] =	ssyncset.done $0x0  }
0xa0: {  	s9 =	rddreg [dreg:$0x6];
	[sflag:s23] =	ssyncadd.s32 $0xFFFFCE00  }
0xa1: {  	[tilespmem:s14], [sflag:$0xD] =	stream.indirect.gather.add.f32 [hbm:s3], $0x40, s13, s17, $0xb8;
	[tilespmem:$0xCE40] =	vst v63  }
0xa2: {  	p2 =	seq.s32 s4, $0x0;
	s11 =	rddreg [dreg:$0x5]  }
0xa3: {  	[tilespmem:s9], [sflag:$0xD] =	stream.indirect.gather.add.f32 [hbm:s3], $0x40, s11, s18, $0xb8;
	[tilespmem:$0xCE40] =	vst v63  }
0xa4: {  	s6 =	sadd.s32 $0x1454B, s6;
	s5 =	simm.s32 @!p2 $0xC  }
0xa5: {  	[tilespmem:s24], [sflag:$0x4] =	stream.linear.gather [hbm4b:s6+s2], $0xC8, $0x38;
	[tilespmem:$0xCE40] =	vst v63  }
0xa6: {  	_ =	swait.ge @!p2 [sflag:s5], $0x3200  }
0xa7: {  	[sflag:s5] =	ssyncset.done @!p2 $0x0  }
0xa8: {  	[sflag:s5] =	ssyncadd.s32 @!p2 $0xFFFFCE00  }
0xa9: {  	[tilespmem:s25], [sflag:$0x8] =	stream.linear.gather [spmem:s1], $0x3200, $0x38;
	[tilespmem:$0xCE40] =	vst v63  }
0xaa: {  	_ =	swait.ge [sflag:s21], $0x1A00  }
0xab: {  	[sflag:s21] =	ssyncset.done $0x0  }
0xac: {  	[sflag:s21] =	ssyncadd.s32 $0xFFFFE600  }
0xad: {  	_ =	swait.ge [sflag:s21], $0x1800  }
0xae: {  	[sflag:s21] =	ssyncset.done $0x0  }
0xaf: {  	s6 =	sadd.s32 $0xFFFFF9C0, s31;
	[sflag:s21] =	ssyncadd.s32 $0xFFFFE800  }
0xb0: {  	[hbm4b:s6+s2] =	stream.linear.scatter [tilespmem:s14], [sflag:$0xA], $0x3200, $0x38;
	[tilespmem:$0xCE40] =	vst v63  }
0xb1: {  	_ =	swait.ge [sflag:s26], $0xC8  }
0xb2: {  	[sflag:s26] =	ssyncset.done $0x0  }
0xb3: {  	[sflag:s26] =	ssyncadd.s32 $0xFFFFFF38  }
0xb4: {  	_ =	swait.ge [sflag:s28], $0x3200  }
0xb5: {  	[sflag:s28] =	ssyncset.done $0x0  }
0xb6: {  	s9 =	sadd.s32 $0xFFFFFFFF, s0;
	s5 =	rddreg [dreg:$0x8];
	[sflag:s28] =	ssyncadd.s32 $0xFFFFCE00  }
0xb7: {  	[tilespmem:s20], [sflag:$0xD] =	stream.indirect.gather.add.f32 [hbm:s3], $0x40, s19, s17, $0xb8;
	[tilespmem:$0xCE40] =	vst v63  }
0xb8: {  	p2 =	sgt.u32 s9, $0x15;
	s11 =	rddreg [dreg:$0x7]  }
0xb9: {  	[tilespmem:s5], [sflag:$0xD] =	stream.indirect.gather.add.f32 [hbm:s3], $0x40, s11, s18, $0xb8;
	[tilespmem:$0xCE40] =	vst v63  }
0xba: {  	s9 =	simm.s32 @!p2 $0x320;
	s5 =	sadd.s32 @!p2 s4, s8  }
0xbb: {  	s6 =	simm.s32 @!p2 $0x0;
	s11 =	simm.s32 @!p2 $0x9;
	s5 =	sadd.s32 @!p2 $0x14564, s5  }
0xbc: {  	[tilespmem:s9], [sflag:$0x1] =	stream.linear.gather @!p2 [hbm4b:s5+s6], $0xC8, $0x38;
	[tilespmem:$0xCE40] =	vst v63  }
0xbd: {  	_ =	swait.ge @!p2 [sflag:s11], $0x3200  }
0xbe: {  	[sflag:s11] =	ssyncset.done @!p2 $0x0  }
0xbf: {  	s5 =	simm.s32 @!p2 $0x640;
	[sflag:s11] =	ssyncadd.s32 @!p2 $0xFFFFCE00  }
0xc0: {  	[tilespmem:s5], [sflag:$0x5] =	stream.linear.gather @!p2 [spmem:s1], $0x3200, $0x38;
	[tilespmem:$0xCE40] =	vst v63  }
0xc1: {  	_ =	swait.ge [sflag:s21], $0x1A00  }
0xc2: {  	[sflag:s21] =	ssyncset.done $0x0  }
0xc3: {  	[sflag:s21] =	ssyncadd.s32 $0xFFFFE600  }
0xc4: {  	_ =	swait.ge [sflag:s21], $0x1800  }
0xc5: {  	[sflag:s21] =	ssyncset.done $0x0  }
0xc6: {  	[sflag:s21] =	ssyncadd.s32 $0xFFFFE800  }
0xc7: {  	[hbm4b:s31+s2] =	stream.linear.scatter [tilespmem:s20], [sflag:$0xB], $0x3200, $0x38;
	[tilespmem:$0xCE40] =	vst v63  }
0xc8: {  	_ =	swait.ge [sflag:s29], $0xC8  }
0xc9: {  	[sflag:s29] =	ssyncset.done $0x0  }
0xca: {  	[sflag:s29] =	ssyncadd.s32 $0xFFFFFF38  }
0xcb: {  	_ =	swait.ge [sflag:s30], $0x3200  }
0xcc: {  	[sflag:s30] =	ssyncset.done $0x0  }
0xcd: {  	p2 =	sgt.u32 s0, $0x15;
	s5 =	rddreg [dreg:$0xa];
	[sflag:s30] =	ssyncadd.s32 $0xFFFFCE00  }
0xce: {  	[tilespmem:s25], [sflag:$0xD] =	stream.indirect.gather.add.f32 [hbm:s3], $0x40, s24, s17, $0xb8;
	[tilespmem:$0xCE40] =	vst v63  }
0xcf: {  	s4 =	sadd.s32 @!p2 s4, s8;
	s9 =	simm.s32 @!p2 $0x0;
	s6 =	rddreg [dreg:$0x9]  }
0xd0: {  	[tilespmem:s5], [sflag:$0xD] =	stream.indirect.gather.add.f32 [hbm:s3], $0x40, s6, s18, $0xb8;
	[tilespmem:$0xCE40] =	vst v63  }
0xd1: {  	s11 =	simm.s32 @!p2 $0x3E8;
	s4 =	sadd.s32 @!p2 $0x1457D, s4;
	s5 =	simm.s32 @!p2 $0xA  }
0xd2: {  	[tilespmem:s11], [sflag:$0x2] =	stream.linear.gather @!p2 [hbm4b:s4+s9], $0xC8, $0x38;
	[tilespmem:$0xCE40] =	vst v63  }
0xd3: {  	_ =	swait.ge @!p2 [sflag:s5], $0x3200  }
0xd4: {  	s10 =	sadd.s32 $0x64, s10;
	[sflag:s5] =	ssyncset.done @!p2 $0x0  }
0xd5: {  	p1 =	sne.s32 s10, $0x258;
	s4 =	simm.s32 @!p2 $0x3840;
	[sflag:s5] =	ssyncadd.s32 @!p2 $0xFFFFCE00  }
0xd6: {  	[tilespmem:s4], [sflag:$0x6] =	stream.linear.gather @!p2 [spmem:s1], $0x3200, $0x38;
	[tilespmem:$0xCE40] =	vst v63  }
.Ltmp0:
0xd7: {  	_ = 	snop;
	(pc) =	sbr.rel @p1 .LBB2_2-.Ltmp0, $4  }
0xd8: {  	_ =	swait.ge [sflag:s21], $0x1A00  }
0xd9: {  	[sflag:s21] =	ssyncset.done $0x0  }
0xda: {  	s0 =	sadd.s32 $0x4, s0;
	[sflag:s21] =	ssyncadd.s32 $0xFFFFE600  }
0xdb: {  	s31 =	sadd.s32 $0x1900, s31;
	s6 =	simm.s32 $0x320;
	_ =	swait.ge [sflag:s21], $0x1800  }
0xdc: {  	[sflag:s21] =	ssyncset.done $0x0  }
0xdd: {  	s0 =	simm.s32 $0x9;
	[sflag:s21] =	ssyncadd.s32 $0xFFFFE800  }
0xde: {  	[hbm4b:s7+s2] =	stream.linear.scatter [tilespmem:s25], [sflag:$0xC], $0x3200, $0x38;
	[tilespmem:$0xCE40] =	vst v63  }
0xdf: {  	_ =	swait.ge [sflag:s0], $0x3200  }
0xe0: {  	[sflag:s0] =	ssyncset.done $0x0  }
0xe1: {  	s10 =	simm.s32 $0xA;
	[sflag:s0] =	ssyncadd.s32 $0xFFFFCE00  }
0xe2: {  	_ =	swait.ge [sflag:s10], $0x3200  }
0xe3: {  	[sflag:s10] =	ssyncset.done $0x0  }
0xe4: {  	s11 =	simm.s32 $0xB;
	[sflag:s10] =	ssyncadd.s32 $0xFFFFCE00  }
0xe5: {  	_ =	swait.ge [sflag:s11], $0x3200  }
0xe6: {  	[sflag:s11] =	ssyncset.done $0x0  }
0xe7: {  	s4 =	simm.s32 $0xC;
	[sflag:s11] =	ssyncadd.s32 $0xFFFFCE00  }
0xe8: {  	_ =	swait.ge [sflag:s4], $0x3200  }
0xe9: {  	s5 =	rddreg [dreg:$0x11]  }
0xea: {  	s31 =	rddreg [dreg:$0xe];
	s5 =	sadd.s32 $0x1, s5  }
0xeb: {  	p1 =	sne.s32 s5, s31  }
.Ltmp1:
0xec: {  	_ = 	snop;
	(pc) =	sbr.rel @p1 .LBB2_1-.Ltmp1, $3  }
0xed: {  	_ =	sdelay $0x1  }
0xee: {  	[sflag:s4] =	ssyncset.done $0x0  }
0xef: {  	[sflag:s4] =	ssyncadd.s32 $0xFFFFCE00  }
0xf0: {  	_ =	sfence.sel $0x180000  }
0xf1: {  	[bflag:$0x0] =	sbarrier.arrive $0xFFFF  }
0xf2: {  	_ =	strace $0x90000050  }
0xf3: {  	[bflag:$0x2] =	sbarrier.arrive $0xFFFF  }
0xf4: {  	s0 =	rddreg [dreg:$0x2]  }
0xf5: {  	s0 =	sadd.s32 @!p0 $0x100000, s0  }
0xf6: {  	[sflag:s0] =	ssyncadd.tile.s32 @!p0 $0x1;
	_ =	shalt  }
.Lfunc_end2:
_tile_overlayer_lowered:
.L_overlay_start_2:
0xf7: {  	(tag) =	ssettag $0x2  }
0xf8: {  	s0 =	rddreg [dreg:$0x0];
	s2 =	stileid.u32  }
0xf9: {  	s1 =	rddreg [dreg:$0x1];
	p0 =	sne.s32 s2, $0x0  }
0xfa: {  	s3 =	rddreg [dreg:$0x2];
	[bflag:$0x3] =	sbarrier.arrive $0xFFFF;
	s2 =	simm.s32 @!p0 $0x1C0E  }
0xfb: {  	[timem:s3], [sflag:s2] =	dma.local @!p0 [hbm:s0], s1  }
0xfc: {  	s0 =	simm.s32 @!p0 $0xE  }
0xfd: {  	_ =	swait.ge @!p0 [sflag:s0], s1  }
0xfe: {  	s1 =	ssub.s32 @!p0 $0x0, s1;
	[sflag:s0] =	ssyncset.done @!p0 $0x0  }
0xff: {  	[sflag:s0] =	ssyncadd.s32 @!p0 s1  }
0x100: {  	[bflag:$0x3] =	sbarrier.arrive $0xFFFF  }
0x101: {  	_ =	shalt  }

</sc_bundles>
